<compile_context>
chip_gen: v7x
topology: tpu7x:2x2x1
jax: 0.10.2.dev20260603
libtpu: 0.0.44.dev20260713+nightly
codegen_flags: <defaults>
</compile_context>

<pallas_src>
import functools

import jax
import jax.numpy as jnp
from jax import lax
from jax.experimental import pallas as pl
from jax.experimental.pallas import tpu as pltpu
from jax.experimental.pallas import tpu_sc as plsc

H = 4
DH = 32
D = 128
N = 10000
NPAD = 10240
E = 320000
NF = NPAD * H

NC = 2
NS = 16
L = 16
NW = NC * NS

CHUNK = 128
WROWS = CHUNK * L // D
NCHUNKS = E // CHUNK
KMAX_A = (NCHUNKS + NW - 1) // NW

CHUNK_B = 128
WROWS_B = CHUNK_B * L // D
NCHUNKS_B = E // CHUNK_B
KMAX_B = (NCHUNKS_B + NS - 1) // NS

_mesh_a = plsc.VectorSubcoreMesh(core_axis_name="c", subcore_axis_name="s")
_mesh_b = plsc.VectorSubcoreMesh(core_axis_name="c", subcore_axis_name="s",
                                 num_cores=1)


def _proj_body(x_ref, w_ref, as_ref, ad_ref, h_ref, s_ref, d_ref, m_ref):
  x = x_ref[...]
  w = w_ref[...]
  h = lax.dot_general(x, w, (((1,), (1,)), ((), ())),
                      preferred_element_type=jnp.float32)
  h_ref[...] = h
  s = lax.dot_general(h, as_ref[...], (((1,), (0,)), ((), ())),
                      preferred_element_type=jnp.float32)
  d = lax.dot_general(h, ad_ref[...], (((1,), (0,)), ((), ())),
                      preferred_element_type=jnp.float32)
  s_ref[...] = s
  d_ref[...] = d
  smax = jnp.max(s, axis=0, keepdims=True)
  m_ref[...] = jnp.concatenate(
      [smax, jnp.full((1, L - H), 1e30, jnp.float32)], axis=1)


def _project(x_pad, w, amat_s, amat_d):
  return pl.pallas_call(
      _proj_body,
      out_shape=(
          jax.ShapeDtypeStruct((NPAD, D), jnp.float32),
          jax.ShapeDtypeStruct((NPAD, H), jnp.float32),
          jax.ShapeDtypeStruct((NPAD, H), jnp.float32),
          jax.ShapeDtypeStruct((1, L), jnp.float32),
      ),
  )(x_pad, w, amat_s, amat_d)


def _wz_body(src_hbm, dst_hbm, s_hbm, d_hbm, smax_hbm,
             w_hbm, zout_hbm,
             s_tab, d_tab, z_tab, esrc, edst, esrc1, edst1, wbuf, smaxv,
             semi0, semi1):
  cid_c = lax.axis_index("c")
  sid = lax.axis_index("s")
  wid = cid_c * NS + sid

  pltpu.sync_copy(s_hbm, s_tab)
  pltpu.sync_copy(d_hbm, d_tab)
  pltpu.sync_copy(smax_hbm, smaxv)

  def _zinit(i, _):
    z_tab[pl.ds(i * L, L)] = jnp.zeros((L,), jnp.float32)
    return 0
  lax.fori_loop(0, NF // L, _zinit, 0)

  smax_vec = smaxv[pl.ds(0, L)]
  lane_lt4 = lax.iota(jnp.int32, L) < H

  esrc_ = (esrc, esrc1)
  edst_ = (edst, edst1)
  semi_ = (semi0, semi1)

  def _fetch(k, b):
    cid = wid + k * NW

    @pl.when(cid < NCHUNKS)
    def _():
      base = cid * CHUNK
      pltpu.async_copy(src_hbm.at[pl.ds(base, CHUNK)],
                       esrc_[b].at[pl.ds(0, CHUNK)], semi_[b])
      pltpu.async_copy(dst_hbm.at[pl.ds(base, CHUNK)],
                       edst_[b].at[pl.ds(0, CHUNK)], semi_[b])

  def _consume(k, b):
    cid = wid + k * NW
    es = esrc_[b]
    ed = edst_[b]

    @pl.when(cid < NCHUNKS)
    def _():
      base = cid * CHUNK
      pltpu.make_async_copy(src_hbm.at[pl.ds(base, CHUNK)],
                            es.at[pl.ds(0, CHUNK)], semi_[b]).wait()
      pltpu.make_async_copy(dst_hbm.at[pl.ds(base, CHUNK)],
                            ed.at[pl.ds(0, CHUNK)], semi_[b]).wait()

      def _edge(r, _):
        ssc = es[pl.ds(r, L)][0]
        dsc = ed[pl.ds(r, L)][0]
        s4 = s_tab[pl.ds(ssc * H, L)]
        d4 = d_tab[pl.ds(dsc * H, L)]
        e4 = s4 + d4
        e4 = jnp.where(e4 > 0, e4, 0.2 * e4)
        c4 = smax_vec + d4
        c4 = jnp.where(c4 > 0, c4, 0.2 * c4)
        w4 = jnp.exp(e4 - c4)
        w4 = jnp.where(lane_lt4, w4, 0.0)
        zsl = pl.ds(dsc * H, L)
        z_tab[zsl] = z_tab[zsl] + w4
        wbuf[r >> 3, pl.ds((r & 7) * L, L)] = w4
        return 0
      lax.fori_loop(0, CHUNK, _edge, 0, unroll=4)

      pltpu.sync_copy(wbuf, w_hbm.at[pl.ds(cid * WROWS, WROWS)])

  _fetch(0, 0)

  def _pair(kk, _):
    for b in range(2):
      k = kk * 2 + b
      _fetch(k + 1, 1 - b)
      _consume(k, b)
    return 0

  lax.fori_loop(0, (KMAX_A + 1) // 2, _pair, 0)

  pltpu.sync_copy(z_tab, zout_hbm.at[pl.ds(wid * NF, NF)])


@functools.partial(
    pl.kernel,
    out_type=(
        jax.ShapeDtypeStruct((E * L // D, D), jnp.float32),
        jax.ShapeDtypeStruct((NW * NF,), jnp.float32),
    ),
    mesh=_mesh_a,
    scratch_types=dict(
        s_tab=pltpu.VMEM((NF,), jnp.float32),
        d_tab=pltpu.VMEM((NF,), jnp.float32),
        z_tab=pltpu.VMEM((NF,), jnp.float32),
        esrc=pltpu.VMEM((CHUNK + L,), jnp.int32),
        edst=pltpu.VMEM((CHUNK + L,), jnp.int32),
        esrc1=pltpu.VMEM((CHUNK + L,), jnp.int32),
        edst1=pltpu.VMEM((CHUNK + L,), jnp.int32),
        wbuf=pltpu.VMEM((WROWS, D), jnp.float32),
        smaxv=pltpu.VMEM((L,), jnp.float32),
        semi0=pltpu.SemaphoreType.DMA,
        semi1=pltpu.SemaphoreType.DMA,
    ),
)
def _sc_wz_pass(src_hbm, dst_hbm, s_hbm, d_hbm, smax_hbm, w_hbm, zout_hbm,
                *, s_tab, d_tab, z_tab, esrc, edst, esrc1, edst1, wbuf,
                smaxv, semi0, semi1):
  _wz_body(src_hbm, dst_hbm, s_hbm, d_hbm, smax_hbm, w_hbm, zout_hbm,
           s_tab, d_tab, z_tab, esrc, edst, esrc1, edst1, wbuf, smaxv,
           semi0, semi1)


def _acc_body(src_hbm, dst_hbm, w_hbm, h_hbm, zeros_hbm,
              acc_hbm,
              acc_sp, esrc0, esrc1, edst2, hbuf0, hbuf1, wbuf0, wbuf1,
              semh0, semh1, semw0, semw1):
  sid = lax.axis_index("s")
  esrc_ = (esrc0, esrc1)
  hbuf_ = (hbuf0, hbuf1)
  wbuf_ = (wbuf0, wbuf1)
  semh_ = (semh0, semh1)
  semw_ = (semw0, semw1)

  r0 = sid * (NPAD // NS)
  pltpu.sync_copy(zeros_hbm.at[pl.ds(r0, NPAD // NS)],
                  acc_sp.at[pl.ds(r0, NPAD // NS)])
  plsc.subcore_barrier()

  def _fetch(k, b):
    cid = sid + k * NS

    @pl.when(cid < NCHUNKS_B)
    def _():
      base = cid * CHUNK_B
      pltpu.sync_copy(src_hbm.at[pl.ds(base, CHUNK_B)], esrc_[b])
      pltpu.sync_copy(dst_hbm.at[pl.ds(base, CHUNK_B)], edst2.at[b])
      pltpu.async_copy(w_hbm.at[pl.ds(cid * WROWS_B, WROWS_B)],
                       wbuf_[b], semw_[b])
      pltpu.async_copy(h_hbm.at[esrc_[b]], hbuf_[b], semh_[b])

  def _consume(k, b):
    cid = sid + k * NS
    hb = hbuf_[b]
    wb = wbuf_[b]

    @pl.when(cid < NCHUNKS_B)
    def _():
      pltpu.make_async_copy(w_hbm.at[pl.ds(cid * WROWS_B, WROWS_B)],
                            wb, semw_[b]).wait()
      pltpu.make_async_copy(h_hbm.at[esrc_[b]], hb, semh_[b]).wait()

      def _edge(r, _):
        w4 = wb[r >> 3, pl.ds((r & 7) * L, L)]
        for q in range(D // L):
          sl = pl.ds(q * L, L)
          hb[r, sl] = hb[r, sl] * w4[q >> 1]
        return 0
      lax.fori_loop(0, CHUNK_B, _edge, 0, unroll=8)

      pltpu.sync_copy(hb, acc_sp.at[edst2.at[b]], add=True)

  _fetch(0, 0)

  def _pair(kk, _):
    for b in range(2):
      k = kk * 2 + b
      _fetch(k + 1, 1 - b)
      _consume(k, b)
    return 0

  lax.fori_loop(0, (KMAX_B + 1) // 2, _pair, 0)
  plsc.subcore_barrier()

  pltpu.sync_copy(acc_sp.at[pl.ds(r0, NPAD // NS)],
                  acc_hbm.at[pl.ds(r0, NPAD // NS)])


@functools.partial(
    pl.kernel,
    out_type=jax.ShapeDtypeStruct((NPAD, D), jnp.float32),
    mesh=_mesh_b,
    scratch_types=dict(
        acc_sp=pltpu.VMEM_SHARED((NPAD, D), jnp.float32),
        esrc0=pltpu.VMEM((CHUNK_B,), jnp.int32),
        esrc1=pltpu.VMEM((CHUNK_B,), jnp.int32),
        edst2=pltpu.VMEM((2, CHUNK_B), jnp.int32),
        hbuf0=pltpu.VMEM((CHUNK_B, D), jnp.float32),
        hbuf1=pltpu.VMEM((CHUNK_B, D), jnp.float32),
        wbuf0=pltpu.VMEM((WROWS_B, D), jnp.float32),
        wbuf1=pltpu.VMEM((WROWS_B, D), jnp.float32),
        semh0=pltpu.SemaphoreType.DMA,
        semh1=pltpu.SemaphoreType.DMA,
        semw0=pltpu.SemaphoreType.DMA,
        semw1=pltpu.SemaphoreType.DMA,
    ),
)
def _sc_acc_pass(src_hbm, dst_hbm, w_hbm, h_hbm, zeros_hbm, acc_hbm,
                 *, acc_sp, esrc0, esrc1, edst2, hbuf0, hbuf1, wbuf0, wbuf1,
                 semh0, semh1, semw0, semw1):
  _acc_body(src_hbm, dst_hbm, w_hbm, h_hbm, zeros_hbm, acc_hbm,
            acc_sp, esrc0, esrc1, edst2, hbuf0, hbuf1, wbuf0, wbuf1,
            semh0, semh1, semw0, semw1)


def _zsum_body(z_ref, out_ref):
  out_ref[...] = jnp.sum(z_ref[...], axis=0)


def _zsum(zp2):
  return pl.pallas_call(
      _zsum_body,
      out_shape=jax.ShapeDtypeStruct((NF,), jnp.float32),
  )(zp2)


def _norm_body(acc_ref, z_ref, b_ref, out_ref):
  zinv = 1.0 / (z_ref[...] + 1e-12)
  z128 = lax.dot_general(zinv, b_ref[...], (((1,), (0,)), ((), ())),
                         preferred_element_type=jnp.float32)
  out_ref[...] = acc_ref[...] * z128


def _normalize(acc, z4, bmat):
  return pl.pallas_call(
      _norm_body,
      out_shape=jax.ShapeDtypeStruct((NPAD, D), jnp.float32),
  )(acc, z4, bmat)


def kernel(x, edge_index, num_nodes, W, a_src, a_dst):
  src = edge_index[0].astype(jnp.int32)
  dst = edge_index[1].astype(jnp.int32)
  x_pad = jnp.pad(x, ((0, NPAD - N), (0, 0)))
  eye = jnp.eye(H, dtype=jnp.float32)
  amat_s = (a_src[:, :, None] * eye[:, None, :]).reshape(H * DH, H)
  amat_d = (a_dst[:, :, None] * eye[:, None, :]).reshape(H * DH, H)

  h, s2, d2, smax = _project(x_pad, W, amat_s, amat_d)
  s_f = s2.reshape(NF)
  d_f = d2.reshape(NF)
  smax_f = smax.reshape(L)

  wpack, zout = _sc_wz_pass(src, dst, s_f, d_f, smax_f)
  zeros = jnp.zeros((NPAD, D), jnp.float32)
  acc = _sc_acc_pass(src, dst, wpack, h, zeros)
  z4 = _zsum(zout.reshape(NW, NF)).reshape(NPAD, H)
  bmat = jnp.repeat(eye, DH, axis=1)
  out = _normalize(acc, z4, bmat)
  return out[:N]

# --- scband reference (transcript-rebuilt; emitter-appended) ---
"""Pipeline reference for scband-gatlayer-76690936037556 (READ-ONLY COPY).

The authoritative reference and input builder live on the scoring server;
editing this copy changes nothing except your own understanding.
"""

import jax, jax.numpy as jnp
import numpy as np

NUM_HEADS = 4
HEAD_DIM = 32
IN_DIM = 128
OUT_DIM = 128
N_NODES = 10000
N_EDGES = 320000


def setup_inputs(seed: int = 0) -> dict:
    key = jax.random.key(seed)
    k_x, k_e, k_w, k_as, k_ad = jax.random.split(key, 5)
    x = jax.random.normal(k_x, (N_NODES, IN_DIM), dtype=jnp.float32)
    edge_index = jax.random.randint(k_e, (2, N_EDGES), 0, N_NODES, dtype=jnp.int64)
    # nn.Linear(in_dim, out_dim, bias=False) weight: [out_features, in_features]
    bound = 1.0 / np.sqrt(IN_DIM)
    W = jax.random.uniform(k_w, (NUM_HEADS * HEAD_DIM, IN_DIM), dtype=jnp.float32, minval=-bound, maxval=bound)
    a_src = jax.random.normal(k_as, (NUM_HEADS, HEAD_DIM), dtype=jnp.float32) * 0.02
    a_dst = jax.random.normal(k_ad, (NUM_HEADS, HEAD_DIM), dtype=jnp.float32) * 0.02
    return {"x": x, "edge_index": edge_index, "num_nodes": N_NODES, "W": W, "a_src": a_src, "a_dst": a_dst}


def reference(x, edge_index, num_nodes, W, a_src, a_dst):
    n = x.shape[0]
    # h = W(x).view(-1, H, Dh)
    h = (x @ W.T).reshape(-1, NUM_HEADS, HEAD_DIM)
    src = edge_index[0]
    dst = edge_index[1]
    # per-edge attention logits
    e_src = (h[src] * a_src[None, :, :]).sum(-1)  # [E, H]
    e_dst = (h[dst] * a_dst[None, :, :]).sum(-1)  # [E, H]
    e = jnp.where(e_src + e_dst > 0, e_src + e_dst, 0.2 * (e_src + e_dst))  # LeakyReLU(0.2)
    # scatter-amax over dst (empty segments get -1e9, matching torch fill)
    e_max = jax.ops.segment_max(e, dst, num_segments=n)  # [N, H]
    e_max = jnp.maximum(e_max, -1000000000.0)
    e = jnp.exp(e - e_max[dst])
    # scatter-add normalizer
    e_sum = jax.ops.segment_sum(e, dst, num_segments=n)  # [N, H]
    alpha = e / (e_sum[dst] + 1e-12)  # [E, H]
    # weighted messages, scatter-add to dst
    msg = h[src] * alpha[:, :, None]  # [E, H, Dh]
    out = jax.ops.segment_sum(msg, dst, num_segments=n)  # [N, H, Dh]
    out = out + (jnp.asarray(num_nodes) * 0).astype(out.dtype)
    return out.reshape(n, -1)

if __name__ == "__main__":
    import jax
    _d = setup_inputs()
    print(jax.jit(kernel)(*tuple(_d.values())))

</pallas_src>

<mosaic_0001>
#map = affine_map<(d0, d1) -> (0)>
#map1 = affine_map<(d0, d1) -> (0, 0)>
module attributes {stable_mosaic.version = 14 : i64} {
  func.func @_sc_wz_pass(%arg0: i32, %arg1: i32, %arg2: memref<320000xi32, #tpu.memory_space<hbm>>, %arg3: memref<320000xi32, #tpu.memory_space<hbm>>, %arg4: memref<40960xf32, #tpu.memory_space<hbm>>, %arg5: memref<40960xf32, #tpu.memory_space<hbm>>, %arg6: memref<16xf32, #tpu.memory_space<hbm>>, %arg7: memref<40000x128xf32, #tpu.memory_space<hbm>>, %arg8: memref<1310720xf32, #tpu.memory_space<hbm>>, %arg9: memref<40960xf32, #tpu.memory_space<vmem>>, %arg10: memref<144xi32, #tpu.memory_space<vmem>>, %arg11: memref<144xi32, #tpu.memory_space<vmem>>, %arg12: memref<144xi32, #tpu.memory_space<vmem>>, %arg13: memref<144xi32, #tpu.memory_space<vmem>>, %arg14: memref<40960xf32, #tpu.memory_space<vmem>>, %arg15: memref<!tpu.dma_semaphore, #tpu.memory_space<semaphore_mem>>, %arg16: memref<!tpu.dma_semaphore, #tpu.memory_space<semaphore_mem>>, %arg17: memref<16xf32, #tpu.memory_space<vmem>>, %arg18: memref<16x128xf32, #tpu.memory_space<vmem>>, %arg19: memref<40960xf32, #tpu.memory_space<vmem>>) attributes {dimension_semantics = [#tpu.dimension_semantics<core_parallel>, #tpu.dimension_semantics<subcore_parallel>], iteration_bounds = array<i64: 2, 16>, scalar_prefetch = 0 : i64, scratch_operands = 11 : i64, tpu.core_type = #tpu.core_type<sc_vector_subcore>, window_params = [{transform_indices = #map}, {transform_indices = #map}, {transform_indices = #map}, {transform_indices = #map}, {transform_indices = #map}, {transform_indices = #map1}, {transform_indices = #map}]} {
    %mul3A = arith.constant 16 : i32
    %mul3A_0 = arith.muli %arg0, %mul3A : i32
    %add3A = arith.addi %mul3A_0, %arg1 : i32
    "tpu.region"() ({
      %run_scoped3A = tpu.sem_alloc : memref<!tpu.dma_semaphore, #tpu.memory_space<semaphore_mem>>
      tpu.enqueue_dma source(%arg4 : memref<40960xf32, #tpu.memory_space<hbm>>) target(%arg14 : memref<40960xf32, #tpu.memory_space<vmem>>) target_semaphore(%run_scoped3A : memref<!tpu.dma_semaphore, #tpu.memory_space<semaphore_mem>>)
      tpu.wait_dma2 semaphore(%run_scoped3A : memref<!tpu.dma_semaphore, #tpu.memory_space<semaphore_mem>>) src(%arg4 : memref<40960xf32, #tpu.memory_space<hbm>>) dst(%arg14 : memref<40960xf32, #tpu.memory_space<vmem>>)
      tpu.yield
    }) : () -> ()
    "tpu.region"() ({
      %run_scoped3A = tpu.sem_alloc : memref<!tpu.dma_semaphore, #tpu.memory_space<semaphore_mem>>
      tpu.enqueue_dma source(%arg5 : memref<40960xf32, #tpu.memory_space<hbm>>) target(%arg9 : memref<40960xf32, #tpu.memory_space<vmem>>) target_semaphore(%run_scoped3A : memref<!tpu.dma_semaphore, #tpu.memory_space<semaphore_mem>>)
      tpu.wait_dma2 semaphore(%run_scoped3A : memref<!tpu.dma_semaphore, #tpu.memory_space<semaphore_mem>>) src(%arg5 : memref<40960xf32, #tpu.memory_space<hbm>>) dst(%arg9 : memref<40960xf32, #tpu.memory_space<vmem>>)
      tpu.yield
    }) : () -> ()
    "tpu.region"() ({
      %run_scoped3A = tpu.sem_alloc : memref<!tpu.dma_semaphore, #tpu.memory_space<semaphore_mem>>
      tpu.enqueue_dma source(%arg6 : memref<16xf32, #tpu.memory_space<hbm>>) target(%arg17 : memref<16xf32, #tpu.memory_space<vmem>>) target_semaphore(%run_scoped3A : memref<!tpu.dma_semaphore, #tpu.memory_space<semaphore_mem>>)
      tpu.wait_dma2 semaphore(%run_scoped3A : memref<!tpu.dma_semaphore, #tpu.memory_space<semaphore_mem>>) src(%arg6 : memref<16xf32, #tpu.memory_space<hbm>>) dst(%arg17 : memref<16xf32, #tpu.memory_space<vmem>>)
      tpu.yield
    }) : () -> ()
    %scan3A = arith.constant 0 : i32
    %scan3A_1 = arith.constant 0 : i32
    %scan3A_2 = arith.constant 2560 : i32
    %scan3A_3 = arith.addi %scan3A_1, %scan3A_2 : i32
    %scan3A_4 = arith.constant 1 : i32
    %scan3A_5 = scf.for %scan3A_25 = %scan3A_1 to %scan3A_3 step %scan3A_4 iter_args(%scan3A_26 = %scan3A) -> (i32)  : i32 {
      %broadcast_in_dim3A = arith.constant 0.000000e+00 : f32
      %broadcast_in_dim3A_27 = vector.broadcast %broadcast_in_dim3A : f32 to vector<16xf32>
      %mul3A_28 = arith.constant 16 : i32
      %mul3A_29 = arith.muli %scan3A_25, %mul3A_28 : i32
      %swap3A = arith.index_cast %mul3A_29 : i32 to index
      %swap3A_30 = tpu.vector_load %arg19[%swap3A] {strides = array<i32>} : memref<40960xf32, #tpu.memory_space<vmem>>, vector<16xf32>,
      %swap3A_31 = vector.shape_cast %swap3A_30 : vector<16xf32> to vector<16xf32>
      %swap3A_32 = vector.shape_cast %broadcast_in_dim3A_27 : vector<16xf32> to vector<16xf32>
      tpu.vector_store %arg19[%swap3A], %swap3A_32 {strides = array<i32>} : memref<40960xf32, #tpu.memory_space<vmem>>, vector<16xf32>,
      %scan3A_33 = arith.constant 0 : i32
      scf.yield %scan3A_33 : i32
    }
    %scan3A_6 = arith.constant 2560 : i32
    %get3A = arith.constant 0 : index
    %get3A_7 = tpu.vector_load %arg17[%get3A] {strides = array<i32>} : memref<16xf32, #tpu.memory_space<vmem>>, vector<16xf32>,
    %get3A_8 = vector.shape_cast %get3A_7 : vector<16xf32> to vector<16xf32>
    %iota3A = tpu.iota {dimensions = array<i32: 0>} : vector<16xi32>
    %lt3A = arith.constant 4 : i32
    %lt3A_9 = vector.broadcast %lt3A : i32 to vector<16xi32>
    %lt3A_10 = arith.cmpi slt, %iota3A, %lt3A_9 : vector<16xi32>
    %add3A_11 = arith.constant 0 : i32
    %add3A_12 = arith.addi %add3A, %add3A_11 : i32
    %lt3A_13 = arith.constant 2500 : i32
    %lt3A_14 = arith.cmpi slt, %add3A_12, %lt3A_13 : i32
    %convert_element_type3A = arith.extui %lt3A_14 : i1 to i32
    %cond3A = arith.constant 0 : i32
    %cond3A_15 = arith.cmpi ne, %convert_element_type3A, %cond3A : i32
    scf.if %cond3A_15 {
      %mul3A_25 = arith.constant 128 : i32
      %mul3A_26 = arith.muli %add3A_12, %mul3A_25 : i32
      %dma_start3A = arith.constant 0 : i32
      %dma_start3A_27 = tpu.memref_slice %arg12[%dma_start3A] : memref<144xi32, #tpu.memory_space<vmem>> -> memref<128xi32, #tpu.memory_space<vmem>>
      %dma_start3A_28 = tpu.memref_slice %arg2[%mul3A_26] : memref<320000xi32, #tpu.memory_space<hbm>> -> memref<128xi32, #tpu.memory_space<hbm>>
      %dma_start3A_29 = arith.constant 0 : i32
      %dma_start3A_30 = tpu.memref_slice %arg12[%dma_start3A_29] : memref<144xi32, #tpu.memory_space<vmem>> -> memref<128xi32, #tpu.memory_space<vmem>>
      %dma_start3A_31 = tpu.memref_slice %arg2[%mul3A_26] : memref<320000xi32, #tpu.memory_space<hbm>> -> memref<128xi32, #tpu.memory_space<hbm>>
      tpu.enqueue_dma source(%dma_start3A_31 : memref<128xi32, #tpu.memory_space<hbm>>) target(%dma_start3A_30 : memref<128xi32, #tpu.memory_space<vmem>>) target_semaphore(%arg15 : memref<!tpu.dma_semaphore, #tpu.memory_space<semaphore_mem>>)
      %dma_start3A_32 = arith.constant 0 : i32
      %dma_start3A_33 = tpu.memref_slice %arg10[%dma_start3A_32] : memref<144xi32, #tpu.memory_space<vmem>> -> memref<128xi32, #tpu.memory_space<vmem>>
      %dma_start3A_34 = tpu.memref_slice %arg3[%mul3A_26] : memref<320000xi32, #tpu.memory_space<hbm>> -> memref<128xi32, #tpu.memory_space<hbm>>
      %dma_start3A_35 = arith.constant 0 : i32
      %dma_start3A_36 = tpu.memref_slice %arg10[%dma_start3A_35] : memref<144xi32, #tpu.memory_space<vmem>> -> memref<128xi32, #tpu.memory_space<vmem>>
      %dma_start3A_37 = tpu.memref_slice %arg3[%mul3A_26] : memref<320000xi32, #tpu.memory_space<hbm>> -> memref<128xi32, #tpu.memory_space<hbm>>
      tpu.enqueue_dma source(%dma_start3A_37 : memref<128xi32, #tpu.memory_space<hbm>>) target(%dma_start3A_36 : memref<128xi32, #tpu.memory_space<vmem>>) target_semaphore(%arg15 : memref<!tpu.dma_semaphore, #tpu.memory_space<semaphore_mem>>)
    } else {
    }
    %scan3A_16 = arith.constant 0 : i32
    %scan3A_17 = arith.constant 0 : i32
    %scan3A_18 = arith.constant 40 : i32
    %scan3A_19 = arith.addi %scan3A_17, %scan3A_18 : i32
    %scan3A_20 = arith.constant 1 : i32
    %scan3A_21 = scf.for %scan3A_25 = %scan3A_17 to %scan3A_19 step %scan3A_20 iter_args(%scan3A_26 = %scan3A_16) -> (i32)  : i32 {
      %mul3A_27 = arith.constant 2 : i32
      %mul3A_28 = arith.muli %scan3A_25, %mul3A_27 : i32
      %add3A_29 = arith.constant 0 : i32
      %add3A_30 = arith.addi %mul3A_28, %add3A_29 : i32
      %add3A_31 = arith.constant 1 : i32
      %add3A_32 = arith.addi %add3A_30, %add3A_31 : i32
      %mul3A_33 = arith.constant 32 : i32
      %mul3A_34 = arith.muli %add3A_32, %mul3A_33 : i32
      %add3A_35 = arith.addi %add3A, %mul3A_34 : i32
      %lt3A_36 = arith.constant 2500 : i32
      %lt3A_37 = arith.cmpi slt, %add3A_35, %lt3A_36 : i32
      %convert_element_type3A_38 = arith.extui %lt3A_37 : i1 to i32
      %cond3A_39 = arith.constant 0 : i32
      %cond3A_40 = arith.cmpi ne, %convert_element_type3A_38, %cond3A_39 : i32
      scf.if %cond3A_40 {
        %mul3A_72 = arith.constant 128 : i32
        %mul3A_73 = arith.muli %add3A_35, %mul3A_72 : i32
        %dma_start3A = arith.constant 0 : i32
        %dma_start3A_74 = tpu.memref_slice %arg13[%dma_start3A] : memref<144xi32, #tpu.memory_space<vmem>> -> memref<128xi32, #tpu.memory_space<vmem>>
        %dma_start3A_75 = tpu.memref_slice %arg2[%mul3A_73] : memref<320000xi32, #tpu.memory_space<hbm>> -> memref<128xi32, #tpu.memory_space<hbm>>
        %dma_start3A_76 = arith.constant 0 : i32
        %dma_start3A_77 = tpu.memref_slice %arg13[%dma_start3A_76] : memref<144xi32, #tpu.memory_space<vmem>> -> memref<128xi32, #tpu.memory_space<vmem>>
        %dma_start3A_78 = tpu.memref_slice %arg2[%mul3A_73] : memref<320000xi32, #tpu.memory_space<hbm>> -> memref<128xi32, #tpu.memory_space<hbm>>
        tpu.enqueue_dma source(%dma_start3A_78 : memref<128xi32, #tpu.memory_space<hbm>>) target(%dma_start3A_77 : memref<128xi32, #tpu.memory_space<vmem>>) target_semaphore(%arg16 : memref<!tpu.dma_semaphore, #tpu.memory_space<semaphore_mem>>)
        %dma_start3A_79 = arith.constant 0 : i32
        %dma_start3A_80 = tpu.memref_slice %arg11[%dma_start3A_79] : memref<144xi32, #tpu.memory_space<vmem>> -> memref<128xi32, #tpu.memory_space<vmem>>
        %dma_start3A_81 = tpu.memref_slice %arg3[%mul3A_73] : memref<320000xi32, #tpu.memory_space<hbm>> -> memref<128xi32, #tpu.memory_space<hbm>>
        %dma_start3A_82 = arith.constant 0 : i32
        %dma_start3A_83 = tpu.memref_slice %arg11[%dma_start3A_82] : memref<144xi32, #tpu.memory_space<vmem>> -> memref<128xi32, #tpu.memory_space<vmem>>
        %dma_start3A_84 = tpu.memref_slice %arg3[%mul3A_73] : memref<320000xi32, #tpu.memory_space<hbm>> -> memref<128xi32, #tpu.memory_space<hbm>>
        tpu.enqueue_dma source(%dma_start3A_84 : memref<128xi32, #tpu.memory_space<hbm>>) target(%dma_start3A_83 : memref<128xi32, #tpu.memory_space<vmem>>) target_semaphore(%arg16 : memref<!tpu.dma_semaphore, #tpu.memory_space<semaphore_mem>>)
      } else {
      }
      %mul3A_41 = arith.constant 32 : i32
      %mul3A_42 = arith.muli %add3A_30, %mul3A_41 : i32
      %add3A_43 = arith.addi %add3A, %mul3A_42 : i32
      %lt3A_44 = arith.constant 2500 : i32
      %lt3A_45 = arith.cmpi slt, %add3A_43, %lt3A_44 : i32
      %convert_element_type3A_46 = arith.extui %lt3A_45 : i1 to i32
      %cond3A_47 = arith.constant 0 : i32
      %cond3A_48 = arith.cmpi ne, %convert_element_type3A_46, %cond3A_47 : i32
      scf.if %cond3A_48 {
        %mul3A_72 = arith.constant 128 : i32
        %mul3A_73 = arith.muli %add3A_43, %mul3A_72 : i32
        %dma_wait3A = arith.constant 0 : i32
        %dma_wait3A_74 = tpu.memref_slice %arg12[%dma_wait3A] : memref<144xi32, #tpu.memory_space<vmem>> -> memref<128xi32, #tpu.memory_space<vmem>>
        %dma_wait3A_75 = tpu.memref_slice %arg2[%mul3A_73] : memref<320000xi32, #tpu.memory_space<hbm>> -> memref<128xi32, #tpu.memory_space<hbm>>
        %dma_wait3A_76 = arith.constant 0 : i32
        %dma_wait3A_77 = tpu.memref_slice %arg12[%dma_wait3A_76] : memref<144xi32, #tpu.memory_space<vmem>> -> memref<128xi32, #tpu.memory_space<vmem>>
        %dma_wait3A_78 = tpu.memref_slice %arg2[%mul3A_73] : memref<320000xi32, #tpu.memory_space<hbm>> -> memref<128xi32, #tpu.memory_space<hbm>>
        tpu.wait_dma2 semaphore(%arg15 : memref<!tpu.dma_semaphore, #tpu.memory_space<semaphore_mem>>) src(%dma_wait3A_78 : memref<128xi32, #tpu.memory_space<hbm>>) dst(%dma_wait3A_77 : memref<128xi32, #tpu.memory_space<vmem>>)
        %dma_wait3A_79 = arith.constant 0 : i32
        %dma_wait3A_80 = tpu.memref_slice %arg10[%dma_wait3A_79] : memref<144xi32, #tpu.memory_space<vmem>> -> memref<128xi32, #tpu.memory_space<vmem>>
        %dma_wait3A_81 = tpu.memref_slice %arg3[%mul3A_73] : memref<320000xi32, #tpu.memory_space<hbm>> -> memref<128xi32, #tpu.memory_space<hbm>>
        %dma_wait3A_82 = arith.constant 0 : i32
        %dma_wait3A_83 = tpu.memref_slice %arg10[%dma_wait3A_82] : memref<144xi32, #tpu.memory_space<vmem>> -> memref<128xi32, #tpu.memory_space<vmem>>
        %dma_wait3A_84 = tpu.memref_slice %arg3[%mul3A_73] : memref<320000xi32, #tpu.memory_space<hbm>> -> memref<128xi32, #tpu.memory_space<hbm>>
        tpu.wait_dma2 semaphore(%arg15 : memref<!tpu.dma_semaphore, #tpu.memory_space<semaphore_mem>>) src(%dma_wait3A_84 : memref<128xi32, #tpu.memory_space<hbm>>) dst(%dma_wait3A_83 : memref<128xi32, #tpu.memory_space<vmem>>)
        %scan3A_85 = arith.constant 0 : i32
        %scan3A_86 = arith.constant 0 : i32
        %scan3A_87 = arith.constant 128 : i32
        %scan3A_88 = arith.addi %scan3A_86, %scan3A_87 : i32
        %scan3A_89 = arith.constant 4 : i32
        %scan3A_90 = scf.for %scan3A_94 = %scan3A_86 to %scan3A_88 step %scan3A_89 iter_args(%scan3A_95 = %scan3A_85) -> (i32)  : i32 {
          %get3A_96 = arith.index_cast %scan3A_94 : i32 to index
          %get3A_97 = tpu.vector_load %arg12[%get3A_96] {strides = array<i32>} : memref<144xi32, #tpu.memory_space<vmem>>, vector<16xi32>,
          %get3A_98 = vector.shape_cast %get3A_97 : vector<16xi32> to vector<16xi32>
          %slice3A = vector.extract_strided_slice %get3A_98 {offsets = [0], sizes = [1], strides = [1]} : vector<16xi32> to vector<1xi32>
          %squeeze3A = vector.extract %slice3A[0] : i32 from vector<1xi32>
          %get3A_99 = arith.index_cast %scan3A_94 : i32 to index
          %get3A_100 = tpu.vector_load %arg10[%get3A_99] {strides = array<i32>} : memref<144xi32, #tpu.memory_space<vmem>>, vector<16xi32>,
          %get3A_101 = vector.shape_cast %get3A_100 : vector<16xi32> to vector<16xi32>
          %slice3A_102 = vector.extract_strided_slice %get3A_101 {offsets = [0], sizes = [1], strides = [1]} : vector<16xi32> to vector<1xi32>
          %squeeze3A_103 = vector.extract %slice3A_102[0] : i32 from vector<1xi32>
          %mul3A_104 = arith.constant 4 : i32
          %mul3A_105 = arith.muli %squeeze3A, %mul3A_104 : i32
          %get3A_106 = arith.index_cast %mul3A_105 : i32 to index
          %get3A_107 = tpu.vector_load %arg14[%get3A_106] {strides = array<i32>} : memref<40960xf32, #tpu.memory_space<vmem>>, vector<16xf32>,
          %get3A_108 = vector.shape_cast %get3A_107 : vector<16xf32> to vector<16xf32>
          %mul3A_109 = arith.constant 4 : i32
          %mul3A_110 = arith.muli %squeeze3A_103, %mul3A_109 : i32
          %get3A_111 = arith.index_cast %mul3A_110 : i32 to index
          %get3A_112 = tpu.vector_load %arg9[%get3A_111] {strides = array<i32>} : memref<40960xf32, #tpu.memory_space<vmem>>, vector<16xf32>,
          %get3A_113 = vector.shape_cast %get3A_112 : vector<16xf32> to vector<16xf32>
          %add3A_114 = arith.addf %get3A_108, %get3A_113 : vector<16xf32>
          %gt3A = arith.constant 0.000000e+00 : f32
          %gt3A_115 = vector.broadcast %gt3A : f32 to vector<16xf32>
          %gt3A_116 = arith.cmpf ogt, %add3A_114, %gt3A_115 : vector<16xf32>
          %mul3A_117 = arith.constant 2.000000e-01 : f32
          %mul3A_118 = vector.broadcast %mul3A_117 : f32 to vector<16xf32>
          %mul3A_119 = arith.mulf %mul3A_118, %add3A_114 : vector<16xf32>
          %select_n3A = arith.select %gt3A_116, %add3A_114, %mul3A_119 : vector<16xi1>, vector<16xf32>
          %add3A_120 = arith.addf %get3A_8, %get3A_113 : vector<16xf32>
          %gt3A_121 = arith.constant 0.000000e+00 : f32
          %gt3A_122 = vector.broadcast %gt3A_121 : f32 to vector<16xf32>
          %gt3A_123 = arith.cmpf ogt, %add3A_120, %gt3A_122 : vector<16xf32>
          %mul3A_124 = arith.constant 2.000000e-01 : f32
          %mul3A_125 = vector.broadcast %mul3A_124 : f32 to vector<16xf32>
          %mul3A_126 = arith.mulf %mul3A_125, %add3A_120 : vector<16xf32>
          %select_n3A_127 = arith.select %gt3A_123, %add3A_120, %mul3A_126 : vector<16xi1>, vector<16xf32>
          %sub3A = arith.subf %select_n3A, %select_n3A_127 : vector<16xf32>
          %exp3A = math.exp %sub3A : vector<16xf32>
          %jit3A = arith.constant 0.000000e+00 : f32
          %broadcast_in_dim3A = vector.broadcast %jit3A : f32 to vector<16xf32>
          %select_n3A_128 = arith.select %lt3A_10, %exp3A, %broadcast_in_dim3A : vector<16xi1>, vector<16xf32>
          %mul3A_129 = arith.constant 4 : i32
          %mul3A_130 = arith.muli %squeeze3A_103, %mul3A_129 : i32
          %get3A_131 = arith.index_cast %mul3A_130 : i32 to index
          %get3A_132 = tpu.vector_load %arg19[%get3A_131] {strides = array<i32>} : memref<40960xf32, #tpu.memory_space<vmem>>, vector<16xf32>,
          %get3A_133 = vector.shape_cast %get3A_132 : vector<16xf32> to vector<16xf32>
          %add3A_134 = arith.addf %get3A_133, %select_n3A_128 : vector<16xf32>
          %swap3A = arith.index_cast %mul3A_130 : i32 to index
          %swap3A_135 = tpu.vector_load %arg19[%swap3A] {strides = array<i32>} : memref<40960xf32, #tpu.memory_space<vmem>>, vector<16xf32>,
          %swap3A_136 = vector.shape_cast %swap3A_135 : vector<16xf32> to vector<16xf32>
          %swap3A_137 = vector.shape_cast %add3A_134 : vector<16xf32> to vector<16xf32>
          tpu.vector_store %arg19[%swap3A], %swap3A_137 {strides = array<i32>} : memref<40960xf32, #tpu.memory_space<vmem>>, vector<16xf32>,
          %shift_right_arithmetic3A = arith.constant 3 : i32
          %shift_right_arithmetic3A_138 = arith.shrsi %scan3A_94, %shift_right_arithmetic3A : i32
          %and3A = arith.constant 7 : i32
          %and3A_139 = arith.andi %scan3A_94, %and3A : i32
          %mul3A_140 = arith.constant 16 : i32
          %mul3A_141 = arith.muli %and3A_139, %mul3A_140 : i32
          %swap3A_142 = arith.index_cast %shift_right_arithmetic3A_138 : i32 to index
          %swap3A_143 = arith.index_cast %mul3A_141 : i32 to index
          %swap3A_144 = tpu.vector_load %arg18[%swap3A_142, %swap3A_143] {strides = array<i32>} : memref<16x128xf32, #tpu.memory_space<vmem>>, vector<1x16xf32>,
          %swap3A_145 = vector.shape_cast %swap3A_144 : vector<1x16xf32> to vector<16xf32>
          %swap3A_146 = vector.shape_cast %select_n3A_128 : vector<16xf32> to vector<1x16xf32>
          tpu.vector_store %arg18[%swap3A_142, %swap3A_143], %swap3A_146 {strides = array<i32>} : memref<16x128xf32, #tpu.memory_space<vmem>>, vector<1x16xf32>,
          %scan3A_147 = arith.constant 0 : i32
          %scan3A_148 = arith.constant 1 : i32
          %scan3A_149 = arith.addi %scan3A_94, %scan3A_148 : i32
          %get3A_150 = arith.index_cast %scan3A_149 : i32 to index
          %get3A_151 = tpu.vector_load %arg12[%get3A_150] {strides = array<i32>} : memref<144xi32, #tpu.memory_space<vmem>>, vector<16xi32>,
          %get3A_152 = vector.shape_cast %get3A_151 : vector<16xi32> to vector<16xi32>
          %slice3A_153 = vector.extract_strided_slice %get3A_152 {offsets = [0], sizes = [1], strides = [1]} : vector<16xi32> to vector<1xi32>
          %squeeze3A_154 = vector.extract %slice3A_153[0] : i32 from vector<1xi32>
          %get3A_155 = arith.index_cast %scan3A_149 : i32 to index
          %get3A_156 = tpu.vector_load %arg10[%get3A_155] {strides = array<i32>} : memref<144xi32, #tpu.memory_space<vmem>>, vector<16xi32>,
          %get3A_157 = vector.shape_cast %get3A_156 : vector<16xi32> to vector<16xi32>
          %slice3A_158 = vector.extract_strided_slice %get3A_157 {offsets = [0], sizes = [1], strides = [1]} : vector<16xi32> to vector<1xi32>
          %squeeze3A_159 = vector.extract %slice3A_158[0] : i32 from vector<1xi32>
          %mul3A_160 = arith.constant 4 : i32
          %mul3A_161 = arith.muli %squeeze3A_154, %mul3A_160 : i32
          %get3A_162 = arith.index_cast %mul3A_161 : i32 to index
          %get3A_163 = tpu.vector_load %arg14[%get3A_162] {strides = array<i32>} : memref<40960xf32, #tpu.memory_space<vmem>>, vector<16xf32>,
          %get3A_164 = vector.shape_cast %get3A_163 : vector<16xf32> to vector<16xf32>
          %mul3A_165 = arith.constant 4 : i32
          %mul3A_166 = arith.muli %squeeze3A_159, %mul3A_165 : i32
          %get3A_167 = arith.index_cast %mul3A_166 : i32 to index
          %get3A_168 = tpu.vector_load %arg9[%get3A_167] {strides = array<i32>} : memref<40960xf32, #tpu.memory_space<vmem>>, vector<16xf32>,
          %get3A_169 = vector.shape_cast %get3A_168 : vector<16xf32> to vector<16xf32>
          %add3A_170 = arith.addf %get3A_164, %get3A_169 : vector<16xf32>
          %gt3A_171 = arith.constant 0.000000e+00 : f32
          %gt3A_172 = vector.broadcast %gt3A_171 : f32 to vector<16xf32>
          %gt3A_173 = arith.cmpf ogt, %add3A_170, %gt3A_172 : vector<16xf32>
          %mul3A_174 = arith.constant 2.000000e-01 : f32
          %mul3A_175 = vector.broadcast %mul3A_174 : f32 to vector<16xf32>
          %mul3A_176 = arith.mulf %mul3A_175, %add3A_170 : vector<16xf32>
          %select_n3A_177 = arith.select %gt3A_173, %add3A_170, %mul3A_176 : vector<16xi1>, vector<16xf32>
          %add3A_178 = arith.addf %get3A_8, %get3A_169 : vector<16xf32>
          %gt3A_179 = arith.constant 0.000000e+00 : f32
          %gt3A_180 = vector.broadcast %gt3A_179 : f32 to vector<16xf32>
          %gt3A_181 = arith.cmpf ogt, %add3A_178, %gt3A_180 : vector<16xf32>
          %mul3A_182 = arith.constant 2.000000e-01 : f32
          %mul3A_183 = vector.broadcast %mul3A_182 : f32 to vector<16xf32>
          %mul3A_184 = arith.mulf %mul3A_183, %add3A_178 : vector<16xf32>
          %select_n3A_185 = arith.select %gt3A_181, %add3A_178, %mul3A_184 : vector<16xi1>, vector<16xf32>
          %sub3A_186 = arith.subf %select_n3A_177, %select_n3A_185 : vector<16xf32>
          %exp3A_187 = math.exp %sub3A_186 : vector<16xf32>
          %jit3A_188 = arith.constant 0.000000e+00 : f32
          %broadcast_in_dim3A_189 = vector.broadcast %jit3A_188 : f32 to vector<16xf32>
          %select_n3A_190 = arith.select %lt3A_10, %exp3A_187, %broadcast_in_dim3A_189 : vector<16xi1>, vector<16xf32>
          %mul3A_191 = arith.constant 4 : i32
          %mul3A_192 = arith.muli %squeeze3A_159, %mul3A_191 : i32
          %get3A_193 = arith.index_cast %mul3A_192 : i32 to index
          %get3A_194 = tpu.vector_load %arg19[%get3A_193] {strides = array<i32>} : memref<40960xf32, #tpu.memory_space<vmem>>, vector<16xf32>,
          %get3A_195 = vector.shape_cast %get3A_194 : vector<16xf32> to vector<16xf32>
          %add3A_196 = arith.addf %get3A_195, %select_n3A_190 : vector<16xf32>
          %swap3A_197 = arith.index_cast %mul3A_192 : i32 to index
          %swap3A_198 = tpu.vector_load %arg19[%swap3A_197] {strides = array<i32>} : memref<40960xf32, #tpu.memory_space<vmem>>, vector<16xf32>,
          %swap3A_199 = vector.shape_cast %swap3A_198 : vector<16xf32> to vector<16xf32>
          %swap3A_200 = vector.shape_cast %add3A_196 : vector<16xf32> to vector<16xf32>
          tpu.vector_store %arg19[%swap3A_197], %swap3A_200 {strides = array<i32>} : memref<40960xf32, #tpu.memory_space<vmem>>, vector<16xf32>,
          %shift_right_arithmetic3A_201 = arith.constant 3 : i32
          %shift_right_arithmetic3A_202 = arith.shrsi %scan3A_149, %shift_right_arithmetic3A_201 : i32
          %and3A_203 = arith.constant 7 : i32
          %and3A_204 = arith.andi %scan3A_149, %and3A_203 : i32
          %mul3A_205 = arith.constant 16 : i32
          %mul3A_206 = arith.muli %and3A_204, %mul3A_205 : i32
          %swap3A_207 = arith.index_cast %shift_right_arithmetic3A_202 : i32 to index
          %swap3A_208 = arith.index_cast %mul3A_206 : i32 to index
          %swap3A_209 = tpu.vector_load %arg18[%swap3A_207, %swap3A_208] {strides = array<i32>} : memref<16x128xf32, #tpu.memory_space<vmem>>, vector<1x16xf32>,
          %swap3A_210 = vector.shape_cast %swap3A_209 : vector<1x16xf32> to vector<16xf32>
          %swap3A_211 = vector.shape_cast %select_n3A_190 : vector<16xf32> to vector<1x16xf32>
          tpu.vector_store %arg18[%swap3A_207, %swap3A_208], %swap3A_211 {strides = array<i32>} : memref<16x128xf32, #tpu.memory_space<vmem>>, vector<1x16xf32>,
          %scan3A_212 = arith.constant 0 : i32
          %scan3A_213 = arith.constant 2 : i32
          %scan3A_214 = arith.addi %scan3A_94, %scan3A_213 : i32
          %get3A_215 = arith.index_cast %scan3A_214 : i32 to index
          %get3A_216 = tpu.vector_load %arg12[%get3A_215] {strides = array<i32>} : memref<144xi32, #tpu.memory_space<vmem>>, vector<16xi32>,
          %get3A_217 = vector.shape_cast %get3A_216 : vector<16xi32> to vector<16xi32>
          %slice3A_218 = vector.extract_strided_slice %get3A_217 {offsets = [0], sizes = [1], strides = [1]} : vector<16xi32> to vector<1xi32>
          %squeeze3A_219 = vector.extract %slice3A_218[0] : i32 from vector<1xi32>
          %get3A_220 = arith.index_cast %scan3A_214 : i32 to index
          %get3A_221 = tpu.vector_load %arg10[%get3A_220] {strides = array<i32>} : memref<144xi32, #tpu.memory_space<vmem>>, vector<16xi32>,
          %get3A_222 = vector.shape_cast %get3A_221 : vector<16xi32> to vector<16xi32>
          %slice3A_223 = vector.extract_strided_slice %get3A_222 {offsets = [0], sizes = [1], strides = [1]} : vector<16xi32> to vector<1xi32>
          %squeeze3A_224 = vector.extract %slice3A_223[0] : i32 from vector<1xi32>
          %mul3A_225 = arith.constant 4 : i32
          %mul3A_226 = arith.muli %squeeze3A_219, %mul3A_225 : i32
          %get3A_227 = arith.index_cast %mul3A_226 : i32 to index
          %get3A_228 = tpu.vector_load %arg14[%get3A_227] {strides = array<i32>} : memref<40960xf32, #tpu.memory_space<vmem>>, vector<16xf32>,
          %get3A_229 = vector.shape_cast %get3A_228 : vector<16xf32> to vector<16xf32>
          %mul3A_230 = arith.constant 4 : i32
          %mul3A_231 = arith.muli %squeeze3A_224, %mul3A_230 : i32
          %get3A_232 = arith.index_cast %mul3A_231 : i32 to index
          %get3A_233 = tpu.vector_load %arg9[%get3A_232] {strides = array<i32>} : memref<40960xf32, #tpu.memory_space<vmem>>, vector<16xf32>,
          %get3A_234 = vector.shape_cast %get3A_233 : vector<16xf32> to vector<16xf32>
          %add3A_235 = arith.addf %get3A_229, %get3A_234 : vector<16xf32>
          %gt3A_236 = arith.constant 0.000000e+00 : f32
          %gt3A_237 = vector.broadcast %gt3A_236 : f32 to vector<16xf32>
          %gt3A_238 = arith.cmpf ogt, %add3A_235, %gt3A_237 : vector<16xf32>
          %mul3A_239 = arith.constant 2.000000e-01 : f32
          %mul3A_240 = vector.broadcast %mul3A_239 : f32 to vector<16xf32>
          %mul3A_241 = arith.mulf %mul3A_240, %add3A_235 : vector<16xf32>
          %select_n3A_242 = arith.select %gt3A_238, %add3A_235, %mul3A_241 : vector<16xi1>, vector<16xf32>
          %add3A_243 = arith.addf %get3A_8, %get3A_234 : vector<16xf32>
          %gt3A_244 = arith.constant 0.000000e+00 : f32
          %gt3A_245 = vector.broadcast %gt3A_244 : f32 to vector<16xf32>
          %gt3A_246 = arith.cmpf ogt, %add3A_243, %gt3A_245 : vector<16xf32>
          %mul3A_247 = arith.constant 2.000000e-01 : f32
          %mul3A_248 = vector.broadcast %mul3A_247 : f32 to vector<16xf32>
          %mul3A_249 = arith.mulf %mul3A_248, %add3A_243 : vector<16xf32>
          %select_n3A_250 = arith.select %gt3A_246, %add3A_243, %mul3A_249 : vector<16xi1>, vector<16xf32>
          %sub3A_251 = arith.subf %select_n3A_242, %select_n3A_250 : vector<16xf32>
          %exp3A_252 = math.exp %sub3A_251 : vector<16xf32>
          %jit3A_253 = arith.constant 0.000000e+00 : f32
          %broadcast_in_dim3A_254 = vector.broadcast %jit3A_253 : f32 to vector<16xf32>
          %select_n3A_255 = arith.select %lt3A_10, %exp3A_252, %broadcast_in_dim3A_254 : vector<16xi1>, vector<16xf32>
          %mul3A_256 = arith.constant 4 : i32
          %mul3A_257 = arith.muli %squeeze3A_224, %mul3A_256 : i32
          %get3A_258 = arith.index_cast %mul3A_257 : i32 to index
          %get3A_259 = tpu.vector_load %arg19[%get3A_258] {strides = array<i32>} : memref<40960xf32, #tpu.memory_space<vmem>>, vector<16xf32>,
          %get3A_260 = vector.shape_cast %get3A_259 : vector<16xf32> to vector<16xf32>
          %add3A_261 = arith.addf %get3A_260, %select_n3A_255 : vector<16xf32>
          %swap3A_262 = arith.index_cast %mul3A_257 : i32 to index
          %swap3A_263 = tpu.vector_load %arg19[%swap3A_262] {strides = array<i32>} : memref<40960xf32, #tpu.memory_space<vmem>>, vector<16xf32>,
          %swap3A_264 = vector.shape_cast %swap3A_263 : vector<16xf32> to vector<16xf32>
          %swap3A_265 = vector.shape_cast %add3A_261 : vector<16xf32> to vector<16xf32>
          tpu.vector_store %arg19[%swap3A_262], %swap3A_265 {strides = array<i32>} : memref<40960xf32, #tpu.memory_space<vmem>>, vector<16xf32>,
          %shift_right_arithmetic3A_266 = arith.constant 3 : i32
          %shift_right_arithmetic3A_267 = arith.shrsi %scan3A_214, %shift_right_arithmetic3A_266 : i32
          %and3A_268 = arith.constant 7 : i32
          %and3A_269 = arith.andi %scan3A_214, %and3A_268 : i32
          %mul3A_270 = arith.constant 16 : i32
          %mul3A_271 = arith.muli %and3A_269, %mul3A_270 : i32
          %swap3A_272 = arith.index_cast %shift_right_arithmetic3A_267 : i32 to index
          %swap3A_273 = arith.index_cast %mul3A_271 : i32 to index
          %swap3A_274 = tpu.vector_load %arg18[%swap3A_272, %swap3A_273] {strides = array<i32>} : memref<16x128xf32, #tpu.memory_space<vmem>>, vector<1x16xf32>,
          %swap3A_275 = vector.shape_cast %swap3A_274 : vector<1x16xf32> to vector<16xf32>
          %swap3A_276 = vector.shape_cast %select_n3A_255 : vector<16xf32> to vector<1x16xf32>
          tpu.vector_store %arg18[%swap3A_272, %swap3A_273], %swap3A_276 {strides = array<i32>} : memref<16x128xf32, #tpu.memory_space<vmem>>, vector<1x16xf32>,
          %scan3A_277 = arith.constant 0 : i32
          %scan3A_278 = arith.constant 3 : i32
          %scan3A_279 = arith.addi %scan3A_94, %scan3A_278 : i32
          %get3A_280 = arith.index_cast %scan3A_279 : i32 to index
          %get3A_281 = tpu.vector_load %arg12[%get3A_280] {strides = array<i32>} : memref<144xi32, #tpu.memory_space<vmem>>, vector<16xi32>,
          %get3A_282 = vector.shape_cast %get3A_281 : vector<16xi32> to vector<16xi32>
          %slice3A_283 = vector.extract_strided_slice %get3A_282 {offsets = [0], sizes = [1], strides = [1]} : vector<16xi32> to vector<1xi32>
          %squeeze3A_284 = vector.extract %slice3A_283[0] : i32 from vector<1xi32>
          %get3A_285 = arith.index_cast %scan3A_279 : i32 to index
          %get3A_286 = tpu.vector_load %arg10[%get3A_285] {strides = array<i32>} : memref<144xi32, #tpu.memory_space<vmem>>, vector<16xi32>,
          %get3A_287 = vector.shape_cast %get3A_286 : vector<16xi32> to vector<16xi32>
          %slice3A_288 = vector.extract_strided_slice %get3A_287 {offsets = [0], sizes = [1], strides = [1]} : vector<16xi32> to vector<1xi32>
          %squeeze3A_289 = vector.extract %slice3A_288[0] : i32 from vector<1xi32>
          %mul3A_290 = arith.constant 4 : i32
          %mul3A_291 = arith.muli %squeeze3A_284, %mul3A_290 : i32
          %get3A_292 = arith.index_cast %mul3A_291 : i32 to index
          %get3A_293 = tpu.vector_load %arg14[%get3A_292] {strides = array<i32>} : memref<40960xf32, #tpu.memory_space<vmem>>, vector<16xf32>,
          %get3A_294 = vector.shape_cast %get3A_293 : vector<16xf32> to vector<16xf32>
          %mul3A_295 = arith.constant 4 : i32
          %mul3A_296 = arith.muli %squeeze3A_289, %mul3A_295 : i32
          %get3A_297 = arith.index_cast %mul3A_296 : i32 to index
          %get3A_298 = tpu.vector_load %arg9[%get3A_297] {strides = array<i32>} : memref<40960xf32, #tpu.memory_space<vmem>>, vector<16xf32>,
          %get3A_299 = vector.shape_cast %get3A_298 : vector<16xf32> to vector<16xf32>
          %add3A_300 = arith.addf %get3A_294, %get3A_299 : vector<16xf32>
          %gt3A_301 = arith.constant 0.000000e+00 : f32
          %gt3A_302 = vector.broadcast %gt3A_301 : f32 to vector<16xf32>
          %gt3A_303 = arith.cmpf ogt, %add3A_300, %gt3A_302 : vector<16xf32>
          %mul3A_304 = arith.constant 2.000000e-01 : f32
          %mul3A_305 = vector.broadcast %mul3A_304 : f32 to vector<16xf32>
          %mul3A_306 = arith.mulf %mul3A_305, %add3A_300 : vector<16xf32>
          %select_n3A_307 = arith.select %gt3A_303, %add3A_300, %mul3A_306 : vector<16xi1>, vector<16xf32>
          %add3A_308 = arith.addf %get3A_8, %get3A_299 : vector<16xf32>
          %gt3A_309 = arith.constant 0.000000e+00 : f32
          %gt3A_310 = vector.broadcast %gt3A_309 : f32 to vector<16xf32>
          %gt3A_311 = arith.cmpf ogt, %add3A_308, %gt3A_310 : vector<16xf32>
          %mul3A_312 = arith.constant 2.000000e-01 : f32
          %mul3A_313 = vector.broadcast %mul3A_312 : f32 to vector<16xf32>
          %mul3A_314 = arith.mulf %mul3A_313, %add3A_308 : vector<16xf32>
          %select_n3A_315 = arith.select %gt3A_311, %add3A_308, %mul3A_314 : vector<16xi1>, vector<16xf32>
          %sub3A_316 = arith.subf %select_n3A_307, %select_n3A_315 : vector<16xf32>
          %exp3A_317 = math.exp %sub3A_316 : vector<16xf32>
          %jit3A_318 = arith.constant 0.000000e+00 : f32
          %broadcast_in_dim3A_319 = vector.broadcast %jit3A_318 : f32 to vector<16xf32>
          %select_n3A_320 = arith.select %lt3A_10, %exp3A_317, %broadcast_in_dim3A_319 : vector<16xi1>, vector<16xf32>
          %mul3A_321 = arith.constant 4 : i32
          %mul3A_322 = arith.muli %squeeze3A_289, %mul3A_321 : i32
          %get3A_323 = arith.index_cast %mul3A_322 : i32 to index
          %get3A_324 = tpu.vector_load %arg19[%get3A_323] {strides = array<i32>} : memref<40960xf32, #tpu.memory_space<vmem>>, vector<16xf32>,
          %get3A_325 = vector.shape_cast %get3A_324 : vector<16xf32> to vector<16xf32>
          %add3A_326 = arith.addf %get3A_325, %select_n3A_320 : vector<16xf32>
          %swap3A_327 = arith.index_cast %mul3A_322 : i32 to index
          %swap3A_328 = tpu.vector_load %arg19[%swap3A_327] {strides = array<i32>} : memref<40960xf32, #tpu.memory_space<vmem>>, vector<16xf32>,
          %swap3A_329 = vector.shape_cast %swap3A_328 : vector<16xf32> to vector<16xf32>
          %swap3A_330 = vector.shape_cast %add3A_326 : vector<16xf32> to vector<16xf32>
          tpu.vector_store %arg19[%swap3A_327], %swap3A_330 {strides = array<i32>} : memref<40960xf32, #tpu.memory_space<vmem>>, vector<16xf32>,
          %shift_right_arithmetic3A_331 = arith.constant 3 : i32
          %shift_right_arithmetic3A_332 = arith.shrsi %scan3A_279, %shift_right_arithmetic3A_331 : i32
          %and3A_333 = arith.constant 7 : i32
          %and3A_334 = arith.andi %scan3A_279, %and3A_333 : i32
          %mul3A_335 = arith.constant 16 : i32
          %mul3A_336 = arith.muli %and3A_334, %mul3A_335 : i32
          %swap3A_337 = arith.index_cast %shift_right_arithmetic3A_332 : i32 to index
          %swap3A_338 = arith.index_cast %mul3A_336 : i32 to index
          %swap3A_339 = tpu.vector_load %arg18[%swap3A_337, %swap3A_338] {strides = array<i32>} : memref<16x128xf32, #tpu.memory_space<vmem>>, vector<1x16xf32>,
          %swap3A_340 = vector.shape_cast %swap3A_339 : vector<1x16xf32> to vector<16xf32>
          %swap3A_341 = vector.shape_cast %select_n3A_320 : vector<16xf32> to vector<1x16xf32>
          tpu.vector_store %arg18[%swap3A_337, %swap3A_338], %swap3A_341 {strides = array<i32>} : memref<16x128xf32, #tpu.memory_space<vmem>>, vector<1x16xf32>,
          %scan3A_342 = arith.constant 0 : i32
          scf.yield %scan3A_342 : i32
        }
        %scan3A_91 = arith.constant 128 : i32
        %mul3A_92 = arith.constant 16 : i32
        %mul3A_93 = arith.muli %add3A_43, %mul3A_92 : i32
        "tpu.region"() ({
          %run_scoped3A = tpu.sem_alloc : memref<!tpu.dma_semaphore, #tpu.memory_space<semaphore_mem>>
          %dma_start3A = arith.constant 0 : i32
          %dma_start3A_94 = tpu.memref_slice %arg7[%mul3A_93, %dma_start3A] : memref<40000x128xf32, #tpu.memory_space<hbm>> -> memref<16x128xf32, #tpu.memory_space<hbm>>
          %dma_start3A_95 = arith.constant 0 : i32
          %dma_start3A_96 = tpu.memref_slice %arg7[%mul3A_93, %dma_start3A_95] : memref<40000x128xf32, #tpu.memory_space<hbm>> -> memref<16x128xf32, #tpu.memory_space<hbm>>
          tpu.enqueue_dma source(%arg18 : memref<16x128xf32, #tpu.memory_space<vmem>>) target(%dma_start3A_96 : memref<16x128xf32, #tpu.memory_space<hbm>>) target_semaphore(%run_scoped3A : memref<!tpu.dma_semaphore, #tpu.memory_space<semaphore_mem>>)
          %dma_wait3A_97 = arith.constant 0 : i32
          %dma_wait3A_98 = tpu.memref_slice %arg7[%mul3A_93, %dma_wait3A_97] : memref<40000x128xf32, #tpu.memory_space<hbm>> -> memref<16x128xf32, #tpu.memory_space<hbm>>
          %dma_wait3A_99 = arith.constant 0 : i32
          %dma_wait3A_100 = tpu.memref_slice %arg7[%mul3A_93, %dma_wait3A_99] : memref<40000x128xf32, #tpu.memory_space<hbm>> -> memref<16x128xf32, #tpu.memory_space<hbm>>
          tpu.wait_dma2 semaphore(%run_scoped3A : memref<!tpu.dma_semaphore, #tpu.memory_space<semaphore_mem>>) src(%arg18 : memref<16x128xf32, #tpu.memory_space<vmem>>) dst(%dma_wait3A_100 : memref<16x128xf32, #tpu.memory_space<hbm>>)
          tpu.yield
        }) : () -> ()
      } else {
      }
      %mul3A_49 = arith.constant 2 : i32
      %mul3A_50 = arith.muli %scan3A_25, %mul3A_49 : i32
      %add3A_51 = arith.constant 1 : i32
      %add3A_52 = arith.addi %mul3A_50, %add3A_51 : i32
      %add3A_53 = arith.constant 1 : i32
      %add3A_54 = arith.addi %add3A_52, %add3A_53 : i32
      %mul3A_55 = arith.constant 32 : i32
      %mul3A_56 = arith.muli %add3A_54, %mul3A_55 : i32
      %add3A_57 = arith.addi %add3A, %mul3A_56 : i32
      %lt3A_58 = arith.constant 2500 : i32
      %lt3A_59 = arith.cmpi slt, %add3A_57, %lt3A_58 : i32
      %convert_element_type3A_60 = arith.extui %lt3A_59 : i1 to i32
      %cond3A_61 = arith.constant 0 : i32
      %cond3A_62 = arith.cmpi ne, %convert_element_type3A_60, %cond3A_61 : i32
      scf.if %cond3A_62 {
        %mul3A_72 = arith.constant 128 : i32
        %mul3A_73 = arith.muli %add3A_57, %mul3A_72 : i32
        %dma_start3A = arith.constant 0 : i32
        %dma_start3A_74 = tpu.memref_slice %arg12[%dma_start3A] : memref<144xi32, #tpu.memory_space<vmem>> -> memref<128xi32, #tpu.memory_space<vmem>>
        %dma_start3A_75 = tpu.memref_slice %arg2[%mul3A_73] : memref<320000xi32, #tpu.memory_space<hbm>> -> memref<128xi32, #tpu.memory_space<hbm>>
        %dma_start3A_76 = arith.constant 0 : i32
        %dma_start3A_77 = tpu.memref_slice %arg12[%dma_start3A_76] : memref<144xi32, #tpu.memory_space<vmem>> -> memref<128xi32, #tpu.memory_space<vmem>>
        %dma_start3A_78 = tpu.memref_slice %arg2[%mul3A_73] : memref<320000xi32, #tpu.memory_space<hbm>> -> memref<128xi32, #tpu.memory_space<hbm>>
        tpu.enqueue_dma source(%dma_start3A_78 : memref<128xi32, #tpu.memory_space<hbm>>) target(%dma_start3A_77 : memref<128xi32, #tpu.memory_space<vmem>>) target_semaphore(%arg15 : memref<!tpu.dma_semaphore, #tpu.memory_space<semaphore_mem>>)
        %dma_start3A_79 = arith.constant 0 : i32
        %dma_start3A_80 = tpu.memref_slice %arg10[%dma_start3A_79] : memref<144xi32, #tpu.memory_space<vmem>> -> memref<128xi32, #tpu.memory_space<vmem>>
        %dma_start3A_81 = tpu.memref_slice %arg3[%mul3A_73] : memref<320000xi32, #tpu.memory_space<hbm>> -> memref<128xi32, #tpu.memory_space<hbm>>
        %dma_start3A_82 = arith.constant 0 : i32
        %dma_start3A_83 = tpu.memref_slice %arg10[%dma_start3A_82] : memref<144xi32, #tpu.memory_space<vmem>> -> memref<128xi32, #tpu.memory_space<vmem>>
        %dma_start3A_84 = tpu.memref_slice %arg3[%mul3A_73] : memref<320000xi32, #tpu.memory_space<hbm>> -> memref<128xi32, #tpu.memory_space<hbm>>
        tpu.enqueue_dma source(%dma_start3A_84 : memref<128xi32, #tpu.memory_space<hbm>>) target(%dma_start3A_83 : memref<128xi32, #tpu.memory_space<vmem>>) target_semaphore(%arg15 : memref<!tpu.dma_semaphore, #tpu.memory_space<semaphore_mem>>)
      } else {
      }
      %mul3A_63 = arith.constant 32 : i32
      %mul3A_64 = arith.muli %add3A_52, %mul3A_63 : i32
      %add3A_65 = arith.addi %add3A, %mul3A_64 : i32
      %lt3A_66 = arith.constant 2500 : i32
      %lt3A_67 = arith.cmpi slt, %add3A_65, %lt3A_66 : i32
      %convert_element_type3A_68 = arith.extui %lt3A_67 : i1 to i32
      %cond3A_69 = arith.constant 0 : i32
      %cond3A_70 = arith.cmpi ne, %convert_element_type3A_68, %cond3A_69 : i32
      scf.if %cond3A_70 {
        %mul3A_72 = arith.constant 128 : i32
        %mul3A_73 = arith.muli %add3A_65, %mul3A_72 : i32
        %dma_wait3A = arith.constant 0 : i32
        %dma_wait3A_74 = tpu.memref_slice %arg13[%dma_wait3A] : memref<144xi32, #tpu.memory_space<vmem>> -> memref<128xi32, #tpu.memory_space<vmem>>
        %dma_wait3A_75 = tpu.memref_slice %arg2[%mul3A_73] : memref<320000xi32, #tpu.memory_space<hbm>> -> memref<128xi32, #tpu.memory_space<hbm>>
        %dma_wait3A_76 = arith.constant 0 : i32
        %dma_wait3A_77 = tpu.memref_slice %arg13[%dma_wait3A_76] : memref<144xi32, #tpu.memory_space<vmem>> -> memref<128xi32, #tpu.memory_space<vmem>>
        %dma_wait3A_78 = tpu.memref_slice %arg2[%mul3A_73] : memref<320000xi32, #tpu.memory_space<hbm>> -> memref<128xi32, #tpu.memory_space<hbm>>
        tpu.wait_dma2 semaphore(%arg16 : memref<!tpu.dma_semaphore, #tpu.memory_space<semaphore_mem>>) src(%dma_wait3A_78 : memref<128xi32, #tpu.memory_space<hbm>>) dst(%dma_wait3A_77 : memref<128xi32, #tpu.memory_space<vmem>>)
        %dma_wait3A_79 = arith.constant 0 : i32
        %dma_wait3A_80 = tpu.memref_slice %arg11[%dma_wait3A_79] : memref<144xi32, #tpu.memory_space<vmem>> -> memref<128xi32, #tpu.memory_space<vmem>>
        %dma_wait3A_81 = tpu.memref_slice %arg3[%mul3A_73] : memref<320000xi32, #tpu.memory_space<hbm>> -> memref<128xi32, #tpu.memory_space<hbm>>
        %dma_wait3A_82 = arith.constant 0 : i32
        %dma_wait3A_83 = tpu.memref_slice %arg11[%dma_wait3A_82] : memref<144xi32, #tpu.memory_space<vmem>> -> memref<128xi32, #tpu.memory_space<vmem>>
        %dma_wait3A_84 = tpu.memref_slice %arg3[%mul3A_73] : memref<320000xi32, #tpu.memory_space<hbm>> -> memref<128xi32, #tpu.memory_space<hbm>>
        tpu.wait_dma2 semaphore(%arg16 : memref<!tpu.dma_semaphore, #tpu.memory_space<semaphore_mem>>) src(%dma_wait3A_84 : memref<128xi32, #tpu.memory_space<hbm>>) dst(%dma_wait3A_83 : memref<128xi32, #tpu.memory_space<vmem>>)
        %scan3A_85 = arith.constant 0 : i32
        %scan3A_86 = arith.constant 0 : i32
        %scan3A_87 = arith.constant 128 : i32
        %scan3A_88 = arith.addi %scan3A_86, %scan3A_87 : i32
        %scan3A_89 = arith.constant 4 : i32
        %scan3A_90 = scf.for %scan3A_94 = %scan3A_86 to %scan3A_88 step %scan3A_89 iter_args(%scan3A_95 = %scan3A_85) -> (i32)  : i32 {
          %get3A_96 = arith.index_cast %scan3A_94 : i32 to index
          %get3A_97 = tpu.vector_load %arg13[%get3A_96] {strides = array<i32>} : memref<144xi32, #tpu.memory_space<vmem>>, vector<16xi32>,
          %get3A_98 = vector.shape_cast %get3A_97 : vector<16xi32> to vector<16xi32>
          %slice3A = vector.extract_strided_slice %get3A_98 {offsets = [0], sizes = [1], strides = [1]} : vector<16xi32> to vector<1xi32>
          %squeeze3A = vector.extract %slice3A[0] : i32 from vector<1xi32>
          %get3A_99 = arith.index_cast %scan3A_94 : i32 to index
          %get3A_100 = tpu.vector_load %arg11[%get3A_99] {strides = array<i32>} : memref<144xi32, #tpu.memory_space<vmem>>, vector<16xi32>,
          %get3A_101 = vector.shape_cast %get3A_100 : vector<16xi32> to vector<16xi32>
          %slice3A_102 = vector.extract_strided_slice %get3A_101 {offsets = [0], sizes = [1], strides = [1]} : vector<16xi32> to vector<1xi32>
          %squeeze3A_103 = vector.extract %slice3A_102[0] : i32 from vector<1xi32>
          %mul3A_104 = arith.constant 4 : i32
          %mul3A_105 = arith.muli %squeeze3A, %mul3A_104 : i32
          %get3A_106 = arith.index_cast %mul3A_105 : i32 to index
          %get3A_107 = tpu.vector_load %arg14[%get3A_106] {strides = array<i32>} : memref<40960xf32, #tpu.memory_space<vmem>>, vector<16xf32>,
          %get3A_108 = vector.shape_cast %get3A_107 : vector<16xf32> to vector<16xf32>
          %mul3A_109 = arith.constant 4 : i32
          %mul3A_110 = arith.muli %squeeze3A_103, %mul3A_109 : i32
          %get3A_111 = arith.index_cast %mul3A_110 : i32 to index
          %get3A_112 = tpu.vector_load %arg9[%get3A_111] {strides = array<i32>} : memref<40960xf32, #tpu.memory_space<vmem>>, vector<16xf32>,
          %get3A_113 = vector.shape_cast %get3A_112 : vector<16xf32> to vector<16xf32>
          %add3A_114 = arith.addf %get3A_108, %get3A_113 : vector<16xf32>
          %gt3A = arith.constant 0.000000e+00 : f32
          %gt3A_115 = vector.broadcast %gt3A : f32 to vector<16xf32>
          %gt3A_116 = arith.cmpf ogt, %add3A_114, %gt3A_115 : vector<16xf32>
          %mul3A_117 = arith.constant 2.000000e-01 : f32
          %mul3A_118 = vector.broadcast %mul3A_117 : f32 to vector<16xf32>
          %mul3A_119 = arith.mulf %mul3A_118, %add3A_114 : vector<16xf32>
          %select_n3A = arith.select %gt3A_116, %add3A_114, %mul3A_119 : vector<16xi1>, vector<16xf32>
          %add3A_120 = arith.addf %get3A_8, %get3A_113 : vector<16xf32>
          %gt3A_121 = arith.constant 0.000000e+00 : f32
          %gt3A_122 = vector.broadcast %gt3A_121 : f32 to vector<16xf32>
          %gt3A_123 = arith.cmpf ogt, %add3A_120, %gt3A_122 : vector<16xf32>
          %mul3A_124 = arith.constant 2.000000e-01 : f32
          %mul3A_125 = vector.broadcast %mul3A_124 : f32 to vector<16xf32>
          %mul3A_126 = arith.mulf %mul3A_125, %add3A_120 : vector<16xf32>
          %select_n3A_127 = arith.select %gt3A_123, %add3A_120, %mul3A_126 : vector<16xi1>, vector<16xf32>
          %sub3A = arith.subf %select_n3A, %select_n3A_127 : vector<16xf32>
          %exp3A = math.exp %sub3A : vector<16xf32>
          %jit3A = arith.constant 0.000000e+00 : f32
          %broadcast_in_dim3A = vector.broadcast %jit3A : f32 to vector<16xf32>
          %select_n3A_128 = arith.select %lt3A_10, %exp3A, %broadcast_in_dim3A : vector<16xi1>, vector<16xf32>
          %mul3A_129 = arith.constant 4 : i32
          %mul3A_130 = arith.muli %squeeze3A_103, %mul3A_129 : i32
          %get3A_131 = arith.index_cast %mul3A_130 : i32 to index
          %get3A_132 = tpu.vector_load %arg19[%get3A_131] {strides = array<i32>} : memref<40960xf32, #tpu.memory_space<vmem>>, vector<16xf32>,
          %get3A_133 = vector.shape_cast %get3A_132 : vector<16xf32> to vector<16xf32>
          %add3A_134 = arith.addf %get3A_133, %select_n3A_128 : vector<16xf32>
          %swap3A = arith.index_cast %mul3A_130 : i32 to index
          %swap3A_135 = tpu.vector_load %arg19[%swap3A] {strides = array<i32>} : memref<40960xf32, #tpu.memory_space<vmem>>, vector<16xf32>,
          %swap3A_136 = vector.shape_cast %swap3A_135 : vector<16xf32> to vector<16xf32>
          %swap3A_137 = vector.shape_cast %add3A_134 : vector<16xf32> to vector<16xf32>
          tpu.vector_store %arg19[%swap3A], %swap3A_137 {strides = array<i32>} : memref<40960xf32, #tpu.memory_space<vmem>>, vector<16xf32>,
          %shift_right_arithmetic3A = arith.constant 3 : i32
          %shift_right_arithmetic3A_138 = arith.shrsi %scan3A_94, %shift_right_arithmetic3A : i32
          %and3A = arith.constant 7 : i32
          %and3A_139 = arith.andi %scan3A_94, %and3A : i32
          %mul3A_140 = arith.constant 16 : i32
          %mul3A_141 = arith.muli %and3A_139, %mul3A_140 : i32
          %swap3A_142 = arith.index_cast %shift_right_arithmetic3A_138 : i32 to index
          %swap3A_143 = arith.index_cast %mul3A_141 : i32 to index
          %swap3A_144 = tpu.vector_load %arg18[%swap3A_142, %swap3A_143] {strides = array<i32>} : memref<16x128xf32, #tpu.memory_space<vmem>>, vector<1x16xf32>,
          %swap3A_145 = vector.shape_cast %swap3A_144 : vector<1x16xf32> to vector<16xf32>
          %swap3A_146 = vector.shape_cast %select_n3A_128 : vector<16xf32> to vector<1x16xf32>
          tpu.vector_store %arg18[%swap3A_142, %swap3A_143], %swap3A_146 {strides = array<i32>} : memref<16x128xf32, #tpu.memory_space<vmem>>, vector<1x16xf32>,
          %scan3A_147 = arith.constant 0 : i32
          %scan3A_148 = arith.constant 1 : i32
          %scan3A_149 = arith.addi %scan3A_94, %scan3A_148 : i32
          %get3A_150 = arith.index_cast %scan3A_149 : i32 to index
          %get3A_151 = tpu.vector_load %arg13[%get3A_150] {strides = array<i32>} : memref<144xi32, #tpu.memory_space<vmem>>, vector<16xi32>,
          %get3A_152 = vector.shape_cast %get3A_151 : vector<16xi32> to vector<16xi32>
          %slice3A_153 = vector.extract_strided_slice %get3A_152 {offsets = [0], sizes = [1], strides = [1]} : vector<16xi32> to vector<1xi32>
          %squeeze3A_154 = vector.extract %slice3A_153[0] : i32 from vector<1xi32>
          %get3A_155 = arith.index_cast %scan3A_149 : i32 to index
          %get3A_156 = tpu.vector_load %arg11[%get3A_155] {strides = array<i32>} : memref<144xi32, #tpu.memory_space<vmem>>, vector<16xi32>,
          %get3A_157 = vector.shape_cast %get3A_156 : vector<16xi32> to vector<16xi32>
          %slice3A_158 = vector.extract_strided_slice %get3A_157 {offsets = [0], sizes = [1], strides = [1]} : vector<16xi32> to vector<1xi32>
          %squeeze3A_159 = vector.extract %slice3A_158[0] : i32 from vector<1xi32>
          %mul3A_160 = arith.constant 4 : i32
          %mul3A_161 = arith.muli %squeeze3A_154, %mul3A_160 : i32
          %get3A_162 = arith.index_cast %mul3A_161 : i32 to index
          %get3A_163 = tpu.vector_load %arg14[%get3A_162] {strides = array<i32>} : memref<40960xf32, #tpu.memory_space<vmem>>, vector<16xf32>,
          %get3A_164 = vector.shape_cast %get3A_163 : vector<16xf32> to vector<16xf32>
          %mul3A_165 = arith.constant 4 : i32
          %mul3A_166 = arith.muli %squeeze3A_159, %mul3A_165 : i32
          %get3A_167 = arith.index_cast %mul3A_166 : i32 to index
          %get3A_168 = tpu.vector_load %arg9[%get3A_167] {strides = array<i32>} : memref<40960xf32, #tpu.memory_space<vmem>>, vector<16xf32>,
          %get3A_169 = vector.shape_cast %get3A_168 : vector<16xf32> to vector<16xf32>
          %add3A_170 = arith.addf %get3A_164, %get3A_169 : vector<16xf32>
          %gt3A_171 = arith.constant 0.000000e+00 : f32
          %gt3A_172 = vector.broadcast %gt3A_171 : f32 to vector<16xf32>
          %gt3A_173 = arith.cmpf ogt, %add3A_170, %gt3A_172 : vector<16xf32>
          %mul3A_174 = arith.constant 2.000000e-01 : f32
          %mul3A_175 = vector.broadcast %mul3A_174 : f32 to vector<16xf32>
          %mul3A_176 = arith.mulf %mul3A_175, %add3A_170 : vector<16xf32>
          %select_n3A_177 = arith.select %gt3A_173, %add3A_170, %mul3A_176 : vector<16xi1>, vector<16xf32>
          %add3A_178 = arith.addf %get3A_8, %get3A_169 : vector<16xf32>
          %gt3A_179 = arith.constant 0.000000e+00 : f32
          %gt3A_180 = vector.broadcast %gt3A_179 : f32 to vector<16xf32>
          %gt3A_181 = arith.cmpf ogt, %add3A_178, %gt3A_180 : vector<16xf32>
          %mul3A_182 = arith.constant 2.000000e-01 : f32
          %mul3A_183 = vector.broadcast %mul3A_182 : f32 to vector<16xf32>
          %mul3A_184 = arith.mulf %mul3A_183, %add3A_178 : vector<16xf32>
          %select_n3A_185 = arith.select %gt3A_181, %add3A_178, %mul3A_184 : vector<16xi1>, vector<16xf32>
          %sub3A_186 = arith.subf %select_n3A_177, %select_n3A_185 : vector<16xf32>
          %exp3A_187 = math.exp %sub3A_186 : vector<16xf32>
          %jit3A_188 = arith.constant 0.000000e+00 : f32
          %broadcast_in_dim3A_189 = vector.broadcast %jit3A_188 : f32 to vector<16xf32>
          %select_n3A_190 = arith.select %lt3A_10, %exp3A_187, %broadcast_in_dim3A_189 : vector<16xi1>, vector<16xf32>
          %mul3A_191 = arith.constant 4 : i32
          %mul3A_192 = arith.muli %squeeze3A_159, %mul3A_191 : i32
          %get3A_193 = arith.index_cast %mul3A_192 : i32 to index
          %get3A_194 = tpu.vector_load %arg19[%get3A_193] {strides = array<i32>} : memref<40960xf32, #tpu.memory_space<vmem>>, vector<16xf32>,
          %get3A_195 = vector.shape_cast %get3A_194 : vector<16xf32> to vector<16xf32>
          %add3A_196 = arith.addf %get3A_195, %select_n3A_190 : vector<16xf32>
          %swap3A_197 = arith.index_cast %mul3A_192 : i32 to index
          %swap3A_198 = tpu.vector_load %arg19[%swap3A_197] {strides = array<i32>} : memref<40960xf32, #tpu.memory_space<vmem>>, vector<16xf32>,
          %swap3A_199 = vector.shape_cast %swap3A_198 : vector<16xf32> to vector<16xf32>
          %swap3A_200 = vector.shape_cast %add3A_196 : vector<16xf32> to vector<16xf32>
          tpu.vector_store %arg19[%swap3A_197], %swap3A_200 {strides = array<i32>} : memref<40960xf32, #tpu.memory_space<vmem>>, vector<16xf32>,
          %shift_right_arithmetic3A_201 = arith.constant 3 : i32
          %shift_right_arithmetic3A_202 = arith.shrsi %scan3A_149, %shift_right_arithmetic3A_201 : i32
          %and3A_203 = arith.constant 7 : i32
          %and3A_204 = arith.andi %scan3A_149, %and3A_203 : i32
          %mul3A_205 = arith.constant 16 : i32
          %mul3A_206 = arith.muli %and3A_204, %mul3A_205 : i32
          %swap3A_207 = arith.index_cast %shift_right_arithmetic3A_202 : i32 to index
          %swap3A_208 = arith.index_cast %mul3A_206 : i32 to index
          %swap3A_209 = tpu.vector_load %arg18[%swap3A_207, %swap3A_208] {strides = array<i32>} : memref<16x128xf32, #tpu.memory_space<vmem>>, vector<1x16xf32>,
          %swap3A_210 = vector.shape_cast %swap3A_209 : vector<1x16xf32> to vector<16xf32>
          %swap3A_211 = vector.shape_cast %select_n3A_190 : vector<16xf32> to vector<1x16xf32>
          tpu.vector_store %arg18[%swap3A_207, %swap3A_208], %swap3A_211 {strides = array<i32>} : memref<16x128xf32, #tpu.memory_space<vmem>>, vector<1x16xf32>,
          %scan3A_212 = arith.constant 0 : i32
          %scan3A_213 = arith.constant 2 : i32
          %scan3A_214 = arith.addi %scan3A_94, %scan3A_213 : i32
          %get3A_215 = arith.index_cast %scan3A_214 : i32 to index
          %get3A_216 = tpu.vector_load %arg13[%get3A_215] {strides = array<i32>} : memref<144xi32, #tpu.memory_space<vmem>>, vector<16xi32>,
          %get3A_217 = vector.shape_cast %get3A_216 : vector<16xi32> to vector<16xi32>
          %slice3A_218 = vector.extract_strided_slice %get3A_217 {offsets = [0], sizes = [1], strides = [1]} : vector<16xi32> to vector<1xi32>
          %squeeze3A_219 = vector.extract %slice3A_218[0] : i32 from vector<1xi32>
          %get3A_220 = arith.index_cast %scan3A_214 : i32 to index
          %get3A_221 = tpu.vector_load %arg11[%get3A_220] {strides = array<i32>} : memref<144xi32, #tpu.memory_space<vmem>>, vector<16xi32>,
          %get3A_222 = vector.shape_cast %get3A_221 : vector<16xi32> to vector<16xi32>
          %slice3A_223 = vector.extract_strided_slice %get3A_222 {offsets = [0], sizes = [1], strides = [1]} : vector<16xi32> to vector<1xi32>
          %squeeze3A_224 = vector.extract %slice3A_223[0] : i32 from vector<1xi32>
          %mul3A_225 = arith.constant 4 : i32
          %mul3A_226 = arith.muli %squeeze3A_219, %mul3A_225 : i32
          %get3A_227 = arith.index_cast %mul3A_226 : i32 to index
          %get3A_228 = tpu.vector_load %arg14[%get3A_227] {strides = array<i32>} : memref<40960xf32, #tpu.memory_space<vmem>>, vector<16xf32>,
          %get3A_229 = vector.shape_cast %get3A_228 : vector<16xf32> to vector<16xf32>
          %mul3A_230 = arith.constant 4 : i32
          %mul3A_231 = arith.muli %squeeze3A_224, %mul3A_230 : i32
          %get3A_232 = arith.index_cast %mul3A_231 : i32 to index
          %get3A_233 = tpu.vector_load %arg9[%get3A_232] {strides = array<i32>} : memref<40960xf32, #tpu.memory_space<vmem>>, vector<16xf32>,
          %get3A_234 = vector.shape_cast %get3A_233 : vector<16xf32> to vector<16xf32>
          %add3A_235 = arith.addf %get3A_229, %get3A_234 : vector<16xf32>
          %gt3A_236 = arith.constant 0.000000e+00 : f32
          %gt3A_237 = vector.broadcast %gt3A_236 : f32 to vector<16xf32>
          %gt3A_238 = arith.cmpf ogt, %add3A_235, %gt3A_237 : vector<16xf32>
          %mul3A_239 = arith.constant 2.000000e-01 : f32
          %mul3A_240 = vector.broadcast %mul3A_239 : f32 to vector<16xf32>
          %mul3A_241 = arith.mulf %mul3A_240, %add3A_235 : vector<16xf32>
          %select_n3A_242 = arith.select %gt3A_238, %add3A_235, %mul3A_241 : vector<16xi1>, vector<16xf32>
          %add3A_243 = arith.addf %get3A_8, %get3A_234 : vector<16xf32>
          %gt3A_244 = arith.constant 0.000000e+00 : f32
          %gt3A_245 = vector.broadcast %gt3A_244 : f32 to vector<16xf32>
          %gt3A_246 = arith.cmpf ogt, %add3A_243, %gt3A_245 : vector<16xf32>
          %mul3A_247 = arith.constant 2.000000e-01 : f32
          %mul3A_248 = vector.broadcast %mul3A_247 : f32 to vector<16xf32>
          %mul3A_249 = arith.mulf %mul3A_248, %add3A_243 : vector<16xf32>
          %select_n3A_250 = arith.select %gt3A_246, %add3A_243, %mul3A_249 : vector<16xi1>, vector<16xf32>
          %sub3A_251 = arith.subf %select_n3A_242, %select_n3A_250 : vector<16xf32>
          %exp3A_252 = math.exp %sub3A_251 : vector<16xf32>
          %jit3A_253 = arith.constant 0.000000e+00 : f32
          %broadcast_in_dim3A_254 = vector.broadcast %jit3A_253 : f32 to vector<16xf32>
          %select_n3A_255 = arith.select %lt3A_10, %exp3A_252, %broadcast_in_dim3A_254 : vector<16xi1>, vector<16xf32>
          %mul3A_256 = arith.constant 4 : i32
          %mul3A_257 = arith.muli %squeeze3A_224, %mul3A_256 : i32
          %get3A_258 = arith.index_cast %mul3A_257 : i32 to index
          %get3A_259 = tpu.vector_load %arg19[%get3A_258] {strides = array<i32>} : memref<40960xf32, #tpu.memory_space<vmem>>, vector<16xf32>,
          %get3A_260 = vector.shape_cast %get3A_259 : vector<16xf32> to vector<16xf32>
          %add3A_261 = arith.addf %get3A_260, %select_n3A_255 : vector<16xf32>
          %swap3A_262 = arith.index_cast %mul3A_257 : i32 to index
          %swap3A_263 = tpu.vector_load %arg19[%swap3A_262] {strides = array<i32>} : memref<40960xf32, #tpu.memory_space<vmem>>, vector<16xf32>,
          %swap3A_264 = vector.shape_cast %swap3A_263 : vector<16xf32> to vector<16xf32>
          %swap3A_265 = vector.shape_cast %add3A_261 : vector<16xf32> to vector<16xf32>
          tpu.vector_store %arg19[%swap3A_262], %swap3A_265 {strides = array<i32>} : memref<40960xf32, #tpu.memory_space<vmem>>, vector<16xf32>,
          %shift_right_arithmetic3A_266 = arith.constant 3 : i32
          %shift_right_arithmetic3A_267 = arith.shrsi %scan3A_214, %shift_right_arithmetic3A_266 : i32
          %and3A_268 = arith.constant 7 : i32
          %and3A_269 = arith.andi %scan3A_214, %and3A_268 : i32
          %mul3A_270 = arith.constant 16 : i32
          %mul3A_271 = arith.muli %and3A_269, %mul3A_270 : i32
          %swap3A_272 = arith.index_cast %shift_right_arithmetic3A_267 : i32 to index
          %swap3A_273 = arith.index_cast %mul3A_271 : i32 to index
          %swap3A_274 = tpu.vector_load %arg18[%swap3A_272, %swap3A_273] {strides = array<i32>} : memref<16x128xf32, #tpu.memory_space<vmem>>, vector<1x16xf32>,
          %swap3A_275 = vector.shape_cast %swap3A_274 : vector<1x16xf32> to vector<16xf32>
          %swap3A_276 = vector.shape_cast %select_n3A_255 : vector<16xf32> to vector<1x16xf32>
          tpu.vector_store %arg18[%swap3A_272, %swap3A_273], %swap3A_276 {strides = array<i32>} : memref<16x128xf32, #tpu.memory_space<vmem>>, vector<1x16xf32>,
          %scan3A_277 = arith.constant 0 : i32
          %scan3A_278 = arith.constant 3 : i32
          %scan3A_279 = arith.addi %scan3A_94, %scan3A_278 : i32
          %get3A_280 = arith.index_cast %scan3A_279 : i32 to index
          %get3A_281 = tpu.vector_load %arg13[%get3A_280] {strides = array<i32>} : memref<144xi32, #tpu.memory_space<vmem>>, vector<16xi32>,
          %get3A_282 = vector.shape_cast %get3A_281 : vector<16xi32> to vector<16xi32>
          %slice3A_283 = vector.extract_strided_slice %get3A_282 {offsets = [0], sizes = [1], strides = [1]} : vector<16xi32> to vector<1xi32>
          %squeeze3A_284 = vector.extract %slice3A_283[0] : i32 from vector<1xi32>
          %get3A_285 = arith.index_cast %scan3A_279 : i32 to index
          %get3A_286 = tpu.vector_load %arg11[%get3A_285] {strides = array<i32>} : memref<144xi32, #tpu.memory_space<vmem>>, vector<16xi32>,
          %get3A_287 = vector.shape_cast %get3A_286 : vector<16xi32> to vector<16xi32>
          %slice3A_288 = vector.extract_strided_slice %get3A_287 {offsets = [0], sizes = [1], strides = [1]} : vector<16xi32> to vector<1xi32>
          %squeeze3A_289 = vector.extract %slice3A_288[0] : i32 from vector<1xi32>
          %mul3A_290 = arith.constant 4 : i32
          %mul3A_291 = arith.muli %squeeze3A_284, %mul3A_290 : i32
          %get3A_292 = arith.index_cast %mul3A_291 : i32 to index
          %get3A_293 = tpu.vector_load %arg14[%get3A_292] {strides = array<i32>} : memref<40960xf32, #tpu.memory_space<vmem>>, vector<16xf32>,
          %get3A_294 = vector.shape_cast %get3A_293 : vector<16xf32> to vector<16xf32>
          %mul3A_295 = arith.constant 4 : i32
          %mul3A_296 = arith.muli %squeeze3A_289, %mul3A_295 : i32
          %get3A_297 = arith.index_cast %mul3A_296 : i32 to index
          %get3A_298 = tpu.vector_load %arg9[%get3A_297] {strides = array<i32>} : memref<40960xf32, #tpu.memory_space<vmem>>, vector<16xf32>,
          %get3A_299 = vector.shape_cast %get3A_298 : vector<16xf32> to vector<16xf32>
          %add3A_300 = arith.addf %get3A_294, %get3A_299 : vector<16xf32>
          %gt3A_301 = arith.constant 0.000000e+00 : f32
          %gt3A_302 = vector.broadcast %gt3A_301 : f32 to vector<16xf32>
          %gt3A_303 = arith.cmpf ogt, %add3A_300, %gt3A_302 : vector<16xf32>
          %mul3A_304 = arith.constant 2.000000e-01 : f32
          %mul3A_305 = vector.broadcast %mul3A_304 : f32 to vector<16xf32>
          %mul3A_306 = arith.mulf %mul3A_305, %add3A_300 : vector<16xf32>
          %select_n3A_307 = arith.select %gt3A_303, %add3A_300, %mul3A_306 : vector<16xi1>, vector<16xf32>
          %add3A_308 = arith.addf %get3A_8, %get3A_299 : vector<16xf32>
          %gt3A_309 = arith.constant 0.000000e+00 : f32
          %gt3A_310 = vector.broadcast %gt3A_309 : f32 to vector<16xf32>
          %gt3A_311 = arith.cmpf ogt, %add3A_308, %gt3A_310 : vector<16xf32>
          %mul3A_312 = arith.constant 2.000000e-01 : f32
          %mul3A_313 = vector.broadcast %mul3A_312 : f32 to vector<16xf32>
          %mul3A_314 = arith.mulf %mul3A_313, %add3A_308 : vector<16xf32>
          %select_n3A_315 = arith.select %gt3A_311, %add3A_308, %mul3A_314 : vector<16xi1>, vector<16xf32>
          %sub3A_316 = arith.subf %select_n3A_307, %select_n3A_315 : vector<16xf32>
          %exp3A_317 = math.exp %sub3A_316 : vector<16xf32>
          %jit3A_318 = arith.constant 0.000000e+00 : f32
          %broadcast_in_dim3A_319 = vector.broadcast %jit3A_318 : f32 to vector<16xf32>
          %select_n3A_320 = arith.select %lt3A_10, %exp3A_317, %broadcast_in_dim3A_319 : vector<16xi1>, vector<16xf32>
          %mul3A_321 = arith.constant 4 : i32
          %mul3A_322 = arith.muli %squeeze3A_289, %mul3A_321 : i32
          %get3A_323 = arith.index_cast %mul3A_322 : i32 to index
          %get3A_324 = tpu.vector_load %arg19[%get3A_323] {strides = array<i32>} : memref<40960xf32, #tpu.memory_space<vmem>>, vector<16xf32>,
          %get3A_325 = vector.shape_cast %get3A_324 : vector<16xf32> to vector<16xf32>
          %add3A_326 = arith.addf %get3A_325, %select_n3A_320 : vector<16xf32>
          %swap3A_327 = arith.index_cast %mul3A_322 : i32 to index
          %swap3A_328 = tpu.vector_load %arg19[%swap3A_327] {strides = array<i32>} : memref<40960xf32, #tpu.memory_space<vmem>>, vector<16xf32>,
          %swap3A_329 = vector.shape_cast %swap3A_328 : vector<16xf32> to vector<16xf32>
          %swap3A_330 = vector.shape_cast %add3A_326 : vector<16xf32> to vector<16xf32>
          tpu.vector_store %arg19[%swap3A_327], %swap3A_330 {strides = array<i32>} : memref<40960xf32, #tpu.memory_space<vmem>>, vector<16xf32>,
          %shift_right_arithmetic3A_331 = arith.constant 3 : i32
          %shift_right_arithmetic3A_332 = arith.shrsi %scan3A_279, %shift_right_arithmetic3A_331 : i32
          %and3A_333 = arith.constant 7 : i32
          %and3A_334 = arith.andi %scan3A_279, %and3A_333 : i32
          %mul3A_335 = arith.constant 16 : i32
          %mul3A_336 = arith.muli %and3A_334, %mul3A_335 : i32
          %swap3A_337 = arith.index_cast %shift_right_arithmetic3A_332 : i32 to index
          %swap3A_338 = arith.index_cast %mul3A_336 : i32 to index
          %swap3A_339 = tpu.vector_load %arg18[%swap3A_337, %swap3A_338] {strides = array<i32>} : memref<16x128xf32, #tpu.memory_space<vmem>>, vector<1x16xf32>,
          %swap3A_340 = vector.shape_cast %swap3A_339 : vector<1x16xf32> to vector<16xf32>
          %swap3A_341 = vector.shape_cast %select_n3A_320 : vector<16xf32> to vector<1x16xf32>
          tpu.vector_store %arg18[%swap3A_337, %swap3A_338], %swap3A_341 {strides = array<i32>} : memref<16x128xf32, #tpu.memory_space<vmem>>, vector<1x16xf32>,
          %scan3A_342 = arith.constant 0 : i32
          scf.yield %scan3A_342 : i32
        }
        %scan3A_91 = arith.constant 128 : i32
        %mul3A_92 = arith.constant 16 : i32
        %mul3A_93 = arith.muli %add3A_65, %mul3A_92 : i32
        "tpu.region"() ({
          %run_scoped3A = tpu.sem_alloc : memref<!tpu.dma_semaphore, #tpu.memory_space<semaphore_mem>>
          %dma_start3A = arith.constant 0 : i32
          %dma_start3A_94 = tpu.memref_slice %arg7[%mul3A_93, %dma_start3A] : memref<40000x128xf32, #tpu.memory_space<hbm>> -> memref<16x128xf32, #tpu.memory_space<hbm>>
          %dma_start3A_95 = arith.constant 0 : i32
          %dma_start3A_96 = tpu.memref_slice %arg7[%mul3A_93, %dma_start3A_95] : memref<40000x128xf32, #tpu.memory_space<hbm>> -> memref<16x128xf32, #tpu.memory_space<hbm>>
          tpu.enqueue_dma source(%arg18 : memref<16x128xf32, #tpu.memory_space<vmem>>) target(%dma_start3A_96 : memref<16x128xf32, #tpu.memory_space<hbm>>) target_semaphore(%run_scoped3A : memref<!tpu.dma_semaphore, #tpu.memory_space<semaphore_mem>>)
          %dma_wait3A_97 = arith.constant 0 : i32
          %dma_wait3A_98 = tpu.memref_slice %arg7[%mul3A_93, %dma_wait3A_97] : memref<40000x128xf32, #tpu.memory_space<hbm>> -> memref<16x128xf32, #tpu.memory_space<hbm>>
          %dma_wait3A_99 = arith.constant 0 : i32
          %dma_wait3A_100 = tpu.memref_slice %arg7[%mul3A_93, %dma_wait3A_99] : memref<40000x128xf32, #tpu.memory_space<hbm>> -> memref<16x128xf32, #tpu.memory_space<hbm>>
          tpu.wait_dma2 semaphore(%run_scoped3A : memref<!tpu.dma_semaphore, #tpu.memory_space<semaphore_mem>>) src(%arg18 : memref<16x128xf32, #tpu.memory_space<vmem>>) dst(%dma_wait3A_100 : memref<16x128xf32, #tpu.memory_space<hbm>>)
          tpu.yield
        }) : () -> ()
      } else {
      }
      %scan3A_71 = arith.constant 0 : i32
      scf.yield %scan3A_71 : i32
    }
    %scan3A_22 = arith.constant 40 : i32
    %mul3A_23 = arith.constant 40960 : i32
    %mul3A_24 = arith.muli %add3A, %mul3A_23 : i32
    "tpu.region"() ({
      %run_scoped3A = tpu.sem_alloc : memref<!tpu.dma_semaphore, #tpu.memory_space<semaphore_mem>>
      %dma_start3A = tpu.memref_slice %arg8[%mul3A_24] : memref<1310720xf32, #tpu.memory_space<hbm>> -> memref<40960xf32, #tpu.memory_space<hbm>>
      %dma_start3A_25 = tpu.memref_slice %arg8[%mul3A_24] : memref<1310720xf32, #tpu.memory_space<hbm>> -> memref<40960xf32, #tpu.memory_space<hbm>>
      tpu.enqueue_dma source(%arg19 : memref<40960xf32, #tpu.memory_space<vmem>>) target(%dma_start3A_25 : memref<40960xf32, #tpu.memory_space<hbm>>) target_semaphore(%run_scoped3A : memref<!tpu.dma_semaphore, #tpu.memory_space<semaphore_mem>>)
      %dma_wait3A = tpu.memref_slice %arg8[%mul3A_24] : memref<1310720xf32, #tpu.memory_space<hbm>> -> memref<40960xf32, #tpu.memory_space<hbm>>
      %dma_wait3A_26 = tpu.memref_slice %arg8[%mul3A_24] : memref<1310720xf32, #tpu.memory_space<hbm>> -> memref<40960xf32, #tpu.memory_space<hbm>>
      tpu.wait_dma2 semaphore(%run_scoped3A : memref<!tpu.dma_semaphore, #tpu.memory_space<semaphore_mem>>) src(%arg19 : memref<40960xf32, #tpu.memory_space<vmem>>) dst(%dma_wait3A_26 : memref<40960xf32, #tpu.memory_space<hbm>>)
      tpu.yield
    }) : () -> ()
    return
  }
}

#map = affine_map<(d0, d1) -> (0)>
#map1 = affine_map<(d0, d1) -> (0, 0)>
module attributes {stable_mosaic.version = 14 : i64} {
  func.func @_sc_acc_pass(%arg0: i32, %arg1: i32, %arg2: memref<320000xi32, #tpu.memory_space<hbm>>, %arg3: memref<320000xi32, #tpu.memory_space<hbm>>, %arg4: memref<40000x128xf32, #tpu.memory_space<hbm>>, %arg5: memref<10240x128xf32, #tpu.memory_space<hbm>>, %arg6: memref<10240x128xf32, #tpu.memory_space<hbm>>, %arg7: memref<10240x128xf32, #tpu.memory_space<hbm>>, %arg8: memref<10240x128xf32, #tpu.memory_space<vmem_shared>>, %arg9: memref<2x128xi32, #tpu.memory_space<vmem>>, %arg10: memref<128xi32, #tpu.memory_space<vmem>>, %arg11: memref<128xi32, #tpu.memory_space<vmem>>, %arg12: memref<128x128xf32, #tpu.memory_space<vmem>>, %arg13: memref<128x128xf32, #tpu.memory_space<vmem>>, %arg14: memref<!tpu.dma_semaphore, #tpu.memory_space<semaphore_mem>>, %arg15: memref<!tpu.dma_semaphore, #tpu.memory_space<semaphore_mem>>, %arg16: memref<!tpu.dma_semaphore, #tpu.memory_space<semaphore_mem>>, %arg17: memref<!tpu.dma_semaphore, #tpu.memory_space<semaphore_mem>>, %arg18: memref<16x128xf32, #tpu.memory_space<vmem>>, %arg19: memref<16x128xf32, #tpu.memory_space<vmem>>) attributes {dimension_semantics = [#tpu.dimension_semantics<core_parallel>, #tpu.dimension_semantics<subcore_parallel>], iteration_bounds = array<i64: 1, 16>, scalar_prefetch = 0 : i64, scratch_operands = 12 : i64, tpu.core_type = #tpu.core_type<sc_vector_subcore>, window_params = [{transform_indices = #map}, {transform_indices = #map}, {transform_indices = #map1}, {transform_indices = #map1}, {transform_indices = #map1}, {transform_indices = #map1}]} {
    %mul3A = arith.constant 640 : i32
    %mul3A_0 = arith.muli %arg1, %mul3A : i32
    "tpu.region"() ({
      %run_scoped3A = tpu.sem_alloc : memref<!tpu.dma_semaphore, #tpu.memory_space<semaphore_mem>>
      %dma_start3A = arith.constant 0 : i32
      %dma_start3A_11 = tpu.memref_slice %arg8[%mul3A_0, %dma_start3A] : memref<10240x128xf32, #tpu.memory_space<vmem_shared>> -> memref<640x128xf32, #tpu.memory_space<vmem_shared>>
      %dma_start3A_12 = arith.constant 0 : i32
      %dma_start3A_13 = tpu.memref_slice %arg6[%mul3A_0, %dma_start3A_12] : memref<10240x128xf32, #tpu.memory_space<hbm>> -> memref<640x128xf32, #tpu.memory_space<hbm>>
      tpu.enqueue_dma source(%dma_start3A_13 : memref<640x128xf32, #tpu.memory_space<hbm>>) target(%dma_start3A_11 : memref<640x128xf32, #tpu.memory_space<vmem_shared>>) target_semaphore(%run_scoped3A : memref<!tpu.dma_semaphore, #tpu.memory_space<semaphore_mem>>)
      %dma_wait3A = arith.constant 0 : i32
      %dma_wait3A_14 = tpu.memref_slice %arg8[%mul3A_0, %dma_wait3A] : memref<10240x128xf32, #tpu.memory_space<vmem_shared>> -> memref<640x128xf32, #tpu.memory_space<vmem_shared>>
      %dma_wait3A_15 = arith.constant 0 : i32
      %dma_wait3A_16 = tpu.memref_slice %arg6[%mul3A_0, %dma_wait3A_15] : memref<10240x128xf32, #tpu.memory_space<hbm>> -> memref<640x128xf32, #tpu.memory_space<hbm>>
      tpu.wait_dma2 semaphore(%run_scoped3A : memref<!tpu.dma_semaphore, #tpu.memory_space<semaphore_mem>>) src(%dma_wait3A_16 : memref<640x128xf32, #tpu.memory_space<hbm>>) dst(%dma_wait3A_14 : memref<640x128xf32, #tpu.memory_space<vmem_shared>>)
      tpu.yield
    }) : () -> ()
    %barrier3A = arith.constant 0 : index
    tpu.barrier barrier_id(%barrier3A)
    %add3A = arith.constant 0 : i32
    %add3A_1 = arith.addi %arg1, %add3A : i32
    %lt3A = arith.constant 2500 : i32
    %lt3A_2 = arith.cmpi slt, %add3A_1, %lt3A : i32
    %convert_element_type3A = arith.extui %lt3A_2 : i1 to i32
    %cond3A = arith.constant 0 : i32
    %cond3A_3 = arith.cmpi ne, %convert_element_type3A, %cond3A : i32
    scf.if %cond3A_3 {
      %mul3A_11 = arith.constant 128 : i32
      %mul3A_12 = arith.muli %add3A_1, %mul3A_11 : i32
      "tpu.region"() ({
        %run_scoped3A_21 = tpu.sem_alloc : memref<!tpu.dma_semaphore, #tpu.memory_space<semaphore_mem>>
        %dma_start3A_22 = tpu.memref_slice %arg2[%mul3A_12] : memref<320000xi32, #tpu.memory_space<hbm>> -> memref<128xi32, #tpu.memory_space<hbm>>
        %dma_start3A_23 = tpu.memref_slice %arg2[%mul3A_12] : memref<320000xi32, #tpu.memory_space<hbm>> -> memref<128xi32, #tpu.memory_space<hbm>>
        tpu.enqueue_dma source(%dma_start3A_23 : memref<128xi32, #tpu.memory_space<hbm>>) target(%arg10 : memref<128xi32, #tpu.memory_space<vmem>>) target_semaphore(%run_scoped3A_21 : memref<!tpu.dma_semaphore, #tpu.memory_space<semaphore_mem>>)
        %dma_wait3A = tpu.memref_slice %arg2[%mul3A_12] : memref<320000xi32, #tpu.memory_space<hbm>> -> memref<128xi32, #tpu.memory_space<hbm>>
        %dma_wait3A_24 = tpu.memref_slice %arg2[%mul3A_12] : memref<320000xi32, #tpu.memory_space<hbm>> -> memref<128xi32, #tpu.memory_space<hbm>>
        tpu.wait_dma2 semaphore(%run_scoped3A_21 : memref<!tpu.dma_semaphore, #tpu.memory_space<semaphore_mem>>) src(%dma_wait3A_24 : memref<128xi32, #tpu.memory_space<hbm>>) dst(%arg10 : memref<128xi32, #tpu.memory_space<vmem>>)
        tpu.yield
      }) : () -> ()
      %run_scoped3A = arith.constant 0 : i32
      "tpu.region"() ({
        %run_scoped3A_21 = tpu.sem_alloc : memref<!tpu.dma_semaphore, #tpu.memory_space<semaphore_mem>>
        %dma_start3A_22 = arith.constant 0 : i32
        %dma_start3A_23 = tpu.memref_slice %arg9[%run_scoped3A, %dma_start3A_22] : memref<2x128xi32, #tpu.memory_space<vmem>> -> memref<1x128xi32, #tpu.memory_space<vmem>>
        %dma_start3A_24 = tpu.memref_squeeze %dma_start3A_23 : memref<1x128xi32, #tpu.memory_space<vmem>> -> memref<128xi32, #tpu.memory_space<vmem>>
        %dma_start3A_25 = tpu.memref_slice %arg3[%mul3A_12] : memref<320000xi32, #tpu.memory_space<hbm>> -> memref<128xi32, #tpu.memory_space<hbm>>
        %dma_start3A_26 = arith.constant 0 : i32
        %dma_start3A_27 = tpu.memref_slice %arg9[%run_scoped3A, %dma_start3A_26] : memref<2x128xi32, #tpu.memory_space<vmem>> -> memref<1x128xi32, #tpu.memory_space<vmem>>
        %dma_start3A_28 = tpu.memref_squeeze %dma_start3A_27 : memref<1x128xi32, #tpu.memory_space<vmem>> -> memref<128xi32, #tpu.memory_space<vmem>>
        %dma_start3A_29 = tpu.memref_slice %arg3[%mul3A_12] : memref<320000xi32, #tpu.memory_space<hbm>> -> memref<128xi32, #tpu.memory_space<hbm>>
        tpu.enqueue_dma source(%dma_start3A_29 : memref<128xi32, #tpu.memory_space<hbm>>) target(%dma_start3A_28 : memref<128xi32, #tpu.memory_space<vmem>>) target_semaphore(%run_scoped3A_21 : memref<!tpu.dma_semaphore, #tpu.memory_space<semaphore_mem>>)
        %dma_wait3A = arith.constant 0 : i32
        %dma_wait3A_30 = tpu.memref_slice %arg9[%run_scoped3A, %dma_wait3A] : memref<2x128xi32, #tpu.memory_space<vmem>> -> memref<1x128xi32, #tpu.memory_space<vmem>>
        %dma_wait3A_31 = tpu.memref_squeeze %dma_wait3A_30 : memref<1x128xi32, #tpu.memory_space<vmem>> -> memref<128xi32, #tpu.memory_space<vmem>>
        %dma_wait3A_32 = tpu.memref_slice %arg3[%mul3A_12] : memref<320000xi32, #tpu.memory_space<hbm>> -> memref<128xi32, #tpu.memory_space<hbm>>
        %dma_wait3A_33 = arith.constant 0 : i32
        %dma_wait3A_34 = tpu.memref_slice %arg9[%run_scoped3A, %dma_wait3A_33] : memref<2x128xi32, #tpu.memory_space<vmem>> -> memref<1x128xi32, #tpu.memory_space<vmem>>
        %dma_wait3A_35 = tpu.memref_squeeze %dma_wait3A_34 : memref<1x128xi32, #tpu.memory_space<vmem>> -> memref<128xi32, #tpu.memory_space<vmem>>
        %dma_wait3A_36 = tpu.memref_slice %arg3[%mul3A_12] : memref<320000xi32, #tpu.memory_space<hbm>> -> memref<128xi32, #tpu.memory_space<hbm>>
        tpu.wait_dma2 semaphore(%run_scoped3A_21 : memref<!tpu.dma_semaphore, #tpu.memory_space<semaphore_mem>>) src(%dma_wait3A_36 : memref<128xi32, #tpu.memory_space<hbm>>) dst(%dma_wait3A_35 : memref<128xi32, #tpu.memory_space<vmem>>)
        tpu.yield
      }) : () -> ()
      %mul3A_13 = arith.constant 16 : i32
      %mul3A_14 = arith.muli %add3A_1, %mul3A_13 : i32
      %dma_start3A = arith.constant 0 : i32
      %dma_start3A_15 = tpu.memref_slice %arg4[%mul3A_14, %dma_start3A] : memref<40000x128xf32, #tpu.memory_space<hbm>> -> memref<16x128xf32, #tpu.memory_space<hbm>>
      %dma_start3A_16 = arith.constant 0 : i32
      %dma_start3A_17 = tpu.memref_slice %arg4[%mul3A_14, %dma_start3A_16] : memref<40000x128xf32, #tpu.memory_space<hbm>> -> memref<16x128xf32, #tpu.memory_space<hbm>>
      tpu.enqueue_dma source(%dma_start3A_17 : memref<16x128xf32, #tpu.memory_space<hbm>>) target(%arg18 : memref<16x128xf32, #tpu.memory_space<vmem>>) target_semaphore(%arg16 : memref<!tpu.dma_semaphore, #tpu.memory_space<semaphore_mem>>)
      %dma_start3A_18 = arith.constant 0 : i32
      %dma_start3A_19 = arith.constant 0 : i32
      %dma_start3A_20 = tpu.memref_slice %arg5[%dma_start3A_18, %dma_start3A_19] : memref<10240x128xf32, #tpu.memory_space<hbm>> -> memref<10240x128xf32, #tpu.memory_space<hbm>>
      tpu.enqueue_indirect_dma source(%dma_start3A_20 : memref<10240x128xf32, #tpu.memory_space<hbm>>) target(%arg12 : memref<128x128xf32, #tpu.memory_space<vmem>>) offsets(%arg10 : memref<128xi32, #tpu.memory_space<vmem>>) semaphore(%arg14 : memref<!tpu.dma_semaphore, #tpu.memory_space<semaphore_mem>>)
    } else {
    }
    %scan3A = arith.constant 0 : i32
    %scan3A_4 = arith.constant 0 : i32
    %scan3A_5 = arith.constant 79 : i32
    %scan3A_6 = arith.addi %scan3A_4, %scan3A_5 : i32
    %scan3A_7 = arith.constant 1 : i32
    %scan3A_8 = scf.for %scan3A_11 = %scan3A_4 to %scan3A_6 step %scan3A_7 iter_args(%scan3A_12 = %scan3A) -> (i32)  : i32 {
      %mul3A_13 = arith.constant 2 : i32
      %mul3A_14 = arith.muli %scan3A_11, %mul3A_13 : i32
      %add3A_15 = arith.constant 0 : i32
      %add3A_16 = arith.addi %mul3A_14, %add3A_15 : i32
      %add3A_17 = arith.constant 1 : i32
      %add3A_18 = arith.addi %add3A_16, %add3A_17 : i32
      %mul3A_19 = arith.constant 16 : i32
      %mul3A_20 = arith.muli %add3A_18, %mul3A_19 : i32
      %add3A_21 = arith.addi %arg1, %mul3A_20 : i32
      %lt3A_22 = arith.constant 2500 : i32
      %lt3A_23 = arith.cmpi slt, %add3A_21, %lt3A_22 : i32
      %convert_element_type3A_24 = arith.extui %lt3A_23 : i1 to i32
      %cond3A_25 = arith.constant 0 : i32
      %cond3A_26 = arith.cmpi ne, %convert_element_type3A_24, %cond3A_25 : i32
      scf.if %cond3A_26 {
        %mul3A_58 = arith.constant 128 : i32
        %mul3A_59 = arith.muli %add3A_21, %mul3A_58 : i32
        "tpu.region"() ({
          %run_scoped3A_68 = tpu.sem_alloc : memref<!tpu.dma_semaphore, #tpu.memory_space<semaphore_mem>>
          %dma_start3A_69 = tpu.memref_slice %arg2[%mul3A_59] : memref<320000xi32, #tpu.memory_space<hbm>> -> memref<128xi32, #tpu.memory_space<hbm>>
          %dma_start3A_70 = tpu.memref_slice %arg2[%mul3A_59] : memref<320000xi32, #tpu.memory_space<hbm>> -> memref<128xi32, #tpu.memory_space<hbm>>
          tpu.enqueue_dma source(%dma_start3A_70 : memref<128xi32, #tpu.memory_space<hbm>>) target(%arg11 : memref<128xi32, #tpu.memory_space<vmem>>) target_semaphore(%run_scoped3A_68 : memref<!tpu.dma_semaphore, #tpu.memory_space<semaphore_mem>>)
          %dma_wait3A = tpu.memref_slice %arg2[%mul3A_59] : memref<320000xi32, #tpu.memory_space<hbm>> -> memref<128xi32, #tpu.memory_space<hbm>>
          %dma_wait3A_71 = tpu.memref_slice %arg2[%mul3A_59] : memref<320000xi32, #tpu.memory_space<hbm>> -> memref<128xi32, #tpu.memory_space<hbm>>
          tpu.wait_dma2 semaphore(%run_scoped3A_68 : memref<!tpu.dma_semaphore, #tpu.memory_space<semaphore_mem>>) src(%dma_wait3A_71 : memref<128xi32, #tpu.memory_space<hbm>>) dst(%arg11 : memref<128xi32, #tpu.memory_space<vmem>>)
          tpu.yield
        }) : () -> ()
        %run_scoped3A = arith.constant 1 : i32
        "tpu.region"() ({
          %run_scoped3A_68 = tpu.sem_alloc : memref<!tpu.dma_semaphore, #tpu.memory_space<semaphore_mem>>
          %dma_start3A_69 = arith.constant 0 : i32
          %dma_start3A_70 = tpu.memref_slice %arg9[%run_scoped3A, %dma_start3A_69] : memref<2x128xi32, #tpu.memory_space<vmem>> -> memref<1x128xi32, #tpu.memory_space<vmem>>
          %dma_start3A_71 = tpu.memref_squeeze %dma_start3A_70 : memref<1x128xi32, #tpu.memory_space<vmem>> -> memref<128xi32, #tpu.memory_space<vmem>>
          %dma_start3A_72 = tpu.memref_slice %arg3[%mul3A_59] : memref<320000xi32, #tpu.memory_space<hbm>> -> memref<128xi32, #tpu.memory_space<hbm>>
          %dma_start3A_73 = arith.constant 0 : i32
          %dma_start3A_74 = tpu.memref_slice %arg9[%run_scoped3A, %dma_start3A_73] : memref<2x128xi32, #tpu.memory_space<vmem>> -> memref<1x128xi32, #tpu.memory_space<vmem>>
          %dma_start3A_75 = tpu.memref_squeeze %dma_start3A_74 : memref<1x128xi32, #tpu.memory_space<vmem>> -> memref<128xi32, #tpu.memory_space<vmem>>
          %dma_start3A_76 = tpu.memref_slice %arg3[%mul3A_59] : memref<320000xi32, #tpu.memory_space<hbm>> -> memref<128xi32, #tpu.memory_space<hbm>>
          tpu.enqueue_dma source(%dma_start3A_76 : memref<128xi32, #tpu.memory_space<hbm>>) target(%dma_start3A_75 : memref<128xi32, #tpu.memory_space<vmem>>) target_semaphore(%run_scoped3A_68 : memref<!tpu.dma_semaphore, #tpu.memory_space<semaphore_mem>>)
          %dma_wait3A = arith.constant 0 : i32
          %dma_wait3A_77 = tpu.memref_slice %arg9[%run_scoped3A, %dma_wait3A] : memref<2x128xi32, #tpu.memory_space<vmem>> -> memref<1x128xi32, #tpu.memory_space<vmem>>
          %dma_wait3A_78 = tpu.memref_squeeze %dma_wait3A_77 : memref<1x128xi32, #tpu.memory_space<vmem>> -> memref<128xi32, #tpu.memory_space<vmem>>
          %dma_wait3A_79 = tpu.memref_slice %arg3[%mul3A_59] : memref<320000xi32, #tpu.memory_space<hbm>> -> memref<128xi32, #tpu.memory_space<hbm>>
          %dma_wait3A_80 = arith.constant 0 : i32
          %dma_wait3A_81 = tpu.memref_slice %arg9[%run_scoped3A, %dma_wait3A_80] : memref<2x128xi32, #tpu.memory_space<vmem>> -> memref<1x128xi32, #tpu.memory_space<vmem>>
          %dma_wait3A_82 = tpu.memref_squeeze %dma_wait3A_81 : memref<1x128xi32, #tpu.memory_space<vmem>> -> memref<128xi32, #tpu.memory_space<vmem>>
          %dma_wait3A_83 = tpu.memref_slice %arg3[%mul3A_59] : memref<320000xi32, #tpu.memory_space<hbm>> -> memref<128xi32, #tpu.memory_space<hbm>>
          tpu.wait_dma2 semaphore(%run_scoped3A_68 : memref<!tpu.dma_semaphore, #tpu.memory_space<semaphore_mem>>) src(%dma_wait3A_83 : memref<128xi32, #tpu.memory_space<hbm>>) dst(%dma_wait3A_82 : memref<128xi32, #tpu.memory_space<vmem>>)
          tpu.yield
        }) : () -> ()
        %mul3A_60 = arith.constant 16 : i32
        %mul3A_61 = arith.muli %add3A_21, %mul3A_60 : i32
        %dma_start3A = arith.constant 0 : i32
        %dma_start3A_62 = tpu.memref_slice %arg4[%mul3A_61, %dma_start3A] : memref<40000x128xf32, #tpu.memory_space<hbm>> -> memref<16x128xf32, #tpu.memory_space<hbm>>
        %dma_start3A_63 = arith.constant 0 : i32
        %dma_start3A_64 = tpu.memref_slice %arg4[%mul3A_61, %dma_start3A_63] : memref<40000x128xf32, #tpu.memory_space<hbm>> -> memref<16x128xf32, #tpu.memory_space<hbm>>
        tpu.enqueue_dma source(%dma_start3A_64 : memref<16x128xf32, #tpu.memory_space<hbm>>) target(%arg19 : memref<16x128xf32, #tpu.memory_space<vmem>>) target_semaphore(%arg17 : memref<!tpu.dma_semaphore, #tpu.memory_space<semaphore_mem>>)
        %dma_start3A_65 = arith.constant 0 : i32
        %dma_start3A_66 = arith.constant 0 : i32
        %dma_start3A_67 = tpu.memref_slice %arg5[%dma_start3A_65, %dma_start3A_66] : memref<10240x128xf32, #tpu.memory_space<hbm>> -> memref<10240x128xf32, #tpu.memory_space<hbm>>
        tpu.enqueue_indirect_dma source(%dma_start3A_67 : memref<10240x128xf32, #tpu.memory_space<hbm>>) target(%arg13 : memref<128x128xf32, #tpu.memory_space<vmem>>) offsets(%arg11 : memref<128xi32, #tpu.memory_space<vmem>>) semaphore(%arg15 : memref<!tpu.dma_semaphore, #tpu.memory_space<semaphore_mem>>)
      } else {
      }
      %mul3A_27 = arith.constant 16 : i32
      %mul3A_28 = arith.muli %add3A_16, %mul3A_27 : i32
      %add3A_29 = arith.addi %arg1, %mul3A_28 : i32
      %lt3A_30 = arith.constant 2500 : i32
      %lt3A_31 = arith.cmpi slt, %add3A_29, %lt3A_30 : i32
      %convert_element_type3A_32 = arith.extui %lt3A_31 : i1 to i32
      %cond3A_33 = arith.constant 0 : i32
      %cond3A_34 = arith.cmpi ne, %convert_element_type3A_32, %cond3A_33 : i32
      scf.if %cond3A_34 {
        %mul3A_58 = arith.constant 16 : i32
        %mul3A_59 = arith.muli %add3A_29, %mul3A_58 : i32
        %dma_wait3A = arith.constant 0 : i32
        %dma_wait3A_60 = tpu.memref_slice %arg4[%mul3A_59, %dma_wait3A] : memref<40000x128xf32, #tpu.memory_space<hbm>> -> memref<16x128xf32, #tpu.memory_space<hbm>>
        %dma_wait3A_61 = arith.constant 0 : i32
        %dma_wait3A_62 = tpu.memref_slice %arg4[%mul3A_59, %dma_wait3A_61] : memref<40000x128xf32, #tpu.memory_space<hbm>> -> memref<16x128xf32, #tpu.memory_space<hbm>>
        tpu.wait_dma2 semaphore(%arg16 : memref<!tpu.dma_semaphore, #tpu.memory_space<semaphore_mem>>) src(%dma_wait3A_62 : memref<16x128xf32, #tpu.memory_space<hbm>>) dst(%arg18 : memref<16x128xf32, #tpu.memory_space<vmem>>)
        %dma_wait3A_63 = arith.constant 0 : i32
        %dma_wait3A_64 = arith.constant 0 : i32
        %dma_wait3A_65 = tpu.memref_slice %arg5[%dma_wait3A_63, %dma_wait3A_64] : memref<10240x128xf32, #tpu.memory_space<hbm>> -> memref<10240x128xf32, #tpu.memory_space<hbm>>
        tpu.wait_indirect_dma semaphore(%arg14 : memref<!tpu.dma_semaphore, #tpu.memory_space<semaphore_mem>>) src(%dma_wait3A_65 : memref<10240x128xf32, #tpu.memory_space<hbm>>) dst(%arg12 : memref<128x128xf32, #tpu.memory_space<vmem>>)
        %scan3A_66 = arith.constant 0 : i32
        %scan3A_67 = arith.constant 0 : i32
        %scan3A_68 = arith.constant 128 : i32
        %scan3A_69 = arith.addi %scan3A_67, %scan3A_68 : i32
        %scan3A_70 = arith.constant 8 : i32
        %scan3A_71 = scf.for %scan3A_73 = %scan3A_67 to %scan3A_69 step %scan3A_70 iter_args(%scan3A_74 = %scan3A_66) -> (i32)  : i32 {
          %shift_right_arithmetic3A = arith.constant 3 : i32
          %shift_right_arithmetic3A_75 = arith.shrsi %scan3A_73, %shift_right_arithmetic3A : i32
          %and3A = arith.constant 7 : i32
          %and3A_76 = arith.andi %scan3A_73, %and3A : i32
          %mul3A_77 = arith.constant 16 : i32
          %mul3A_78 = arith.muli %and3A_76, %mul3A_77 : i32
          %get3A = arith.index_cast %shift_right_arithmetic3A_75 : i32 to index
          %get3A_79 = arith.index_cast %mul3A_78 : i32 to index
          %get3A_80 = tpu.vector_load %arg18[%get3A, %get3A_79] {strides = array<i32>} : memref<16x128xf32, #tpu.memory_space<vmem>>, vector<1x16xf32>,
          %get3A_81 = vector.shape_cast %get3A_80 : vector<1x16xf32> to vector<16xf32>
          %get3A_82 = arith.index_cast %scan3A_73 : i32 to index
          %get3A_83 = arith.constant 0 : index
          %get3A_84 = tpu.vector_load %arg12[%get3A_82, %get3A_83] {strides = array<i32>} : memref<128x128xf32, #tpu.memory_space<vmem>>, vector<1x16xf32>,
          %get3A_85 = vector.shape_cast %get3A_84 : vector<1x16xf32> to vector<16xf32>
          %slice3A = vector.extract_strided_slice %get3A_81 {offsets = [0], sizes = [1], strides = [1]} : vector<16xf32> to vector<1xf32>
          %squeeze3A = vector.extract %slice3A[0] : f32 from vector<1xf32>
          %mul3A_86 = vector.broadcast %squeeze3A : f32 to vector<16xf32>
          %mul3A_87 = arith.mulf %get3A_85, %mul3A_86 : vector<16xf32>
          %swap3A = arith.index_cast %scan3A_73 : i32 to index
          %swap3A_88 = arith.constant 0 : index
          %swap3A_89 = tpu.vector_load %arg12[%swap3A, %swap3A_88] {strides = array<i32>} : memref<128x128xf32, #tpu.memory_space<vmem>>, vector<1x16xf32>,
          %swap3A_90 = vector.shape_cast %swap3A_89 : vector<1x16xf32> to vector<16xf32>
          %swap3A_91 = vector.shape_cast %mul3A_87 : vector<16xf32> to vector<1x16xf32>
          tpu.vector_store %arg12[%swap3A, %swap3A_88], %swap3A_91 {strides = array<i32>} : memref<128x128xf32, #tpu.memory_space<vmem>>, vector<1x16xf32>,
          %get3A_92 = arith.index_cast %scan3A_73 : i32 to index
          %get3A_93 = arith.constant 16 : index
          %get3A_94 = tpu.vector_load %arg12[%get3A_92, %get3A_93] {strides = array<i32>} : memref<128x128xf32, #tpu.memory_space<vmem>>, vector<1x16xf32>,
          %get3A_95 = vector.shape_cast %get3A_94 : vector<1x16xf32> to vector<16xf32>
          %slice3A_96 = vector.extract_strided_slice %get3A_81 {offsets = [0], sizes = [1], strides = [1]} : vector<16xf32> to vector<1xf32>
          %squeeze3A_97 = vector.extract %slice3A_96[0] : f32 from vector<1xf32>
          %mul3A_98 = vector.broadcast %squeeze3A_97 : f32 to vector<16xf32>
          %mul3A_99 = arith.mulf %get3A_95, %mul3A_98 : vector<16xf32>
          %swap3A_100 = arith.index_cast %scan3A_73 : i32 to index
          %swap3A_101 = arith.constant 16 : index
          %swap3A_102 = tpu.vector_load %arg12[%swap3A_100, %swap3A_101] {strides = array<i32>} : memref<128x128xf32, #tpu.memory_space<vmem>>, vector<1x16xf32>,
          %swap3A_103 = vector.shape_cast %swap3A_102 : vector<1x16xf32> to vector<16xf32>
          %swap3A_104 = vector.shape_cast %mul3A_99 : vector<16xf32> to vector<1x16xf32>
          tpu.vector_store %arg12[%swap3A_100, %swap3A_101], %swap3A_104 {strides = array<i32>} : memref<128x128xf32, #tpu.memory_space<vmem>>, vector<1x16xf32>,
          %get3A_105 = arith.index_cast %scan3A_73 : i32 to index
          %get3A_106 = arith.constant 32 : index
          %get3A_107 = tpu.vector_load %arg12[%get3A_105, %get3A_106] {strides = array<i32>} : memref<128x128xf32, #tpu.memory_space<vmem>>, vector<1x16xf32>,
          %get3A_108 = vector.shape_cast %get3A_107 : vector<1x16xf32> to vector<16xf32>
          %slice3A_109 = vector.extract_strided_slice %get3A_81 {offsets = [1], sizes = [1], strides = [1]} : vector<16xf32> to vector<1xf32>
          %squeeze3A_110 = vector.extract %slice3A_109[0] : f32 from vector<1xf32>
          %mul3A_111 = vector.broadcast %squeeze3A_110 : f32 to vector<16xf32>
          %mul3A_112 = arith.mulf %get3A_108, %mul3A_111 : vector<16xf32>
          %swap3A_113 = arith.index_cast %scan3A_73 : i32 to index
          %swap3A_114 = arith.constant 32 : index
          %swap3A_115 = tpu.vector_load %arg12[%swap3A_113, %swap3A_114] {strides = array<i32>} : memref<128x128xf32, #tpu.memory_space<vmem>>, vector<1x16xf32>,
          %swap3A_116 = vector.shape_cast %swap3A_115 : vector<1x16xf32> to vector<16xf32>
          %swap3A_117 = vector.shape_cast %mul3A_112 : vector<16xf32> to vector<1x16xf32>
          tpu.vector_store %arg12[%swap3A_113, %swap3A_114], %swap3A_117 {strides = array<i32>} : memref<128x128xf32, #tpu.memory_space<vmem>>, vector<1x16xf32>,
          %get3A_118 = arith.index_cast %scan3A_73 : i32 to index
          %get3A_119 = arith.constant 48 : index
          %get3A_120 = tpu.vector_load %arg12[%get3A_118, %get3A_119] {strides = array<i32>} : memref<128x128xf32, #tpu.memory_space<vmem>>, vector<1x16xf32>,
          %get3A_121 = vector.shape_cast %get3A_120 : vector<1x16xf32> to vector<16xf32>
          %slice3A_122 = vector.extract_strided_slice %get3A_81 {offsets = [1], sizes = [1], strides = [1]} : vector<16xf32> to vector<1xf32>
          %squeeze3A_123 = vector.extract %slice3A_122[0] : f32 from vector<1xf32>
          %mul3A_124 = vector.broadcast %squeeze3A_123 : f32 to vector<16xf32>
          %mul3A_125 = arith.mulf %get3A_121, %mul3A_124 : vector<16xf32>
          %swap3A_126 = arith.index_cast %scan3A_73 : i32 to index
          %swap3A_127 = arith.constant 48 : index
          %swap3A_128 = tpu.vector_load %arg12[%swap3A_126, %swap3A_127] {strides = array<i32>} : memref<128x128xf32, #tpu.memory_space<vmem>>, vector<1x16xf32>,
          %swap3A_129 = vector.shape_cast %swap3A_128 : vector<1x16xf32> to vector<16xf32>
          %swap3A_130 = vector.shape_cast %mul3A_125 : vector<16xf32> to vector<1x16xf32>
          tpu.vector_store %arg12[%swap3A_126, %swap3A_127], %swap3A_130 {strides = array<i32>} : memref<128x128xf32, #tpu.memory_space<vmem>>, vector<1x16xf32>,
          %get3A_131 = arith.index_cast %scan3A_73 : i32 to index
          %get3A_132 = arith.constant 64 : index
          %get3A_133 = tpu.vector_load %arg12[%get3A_131, %get3A_132] {strides = array<i32>} : memref<128x128xf32, #tpu.memory_space<vmem>>, vector<1x16xf32>,
          %get3A_134 = vector.shape_cast %get3A_133 : vector<1x16xf32> to vector<16xf32>
          %slice3A_135 = vector.extract_strided_slice %get3A_81 {offsets = [2], sizes = [1], strides = [1]} : vector<16xf32> to vector<1xf32>
          %squeeze3A_136 = vector.extract %slice3A_135[0] : f32 from vector<1xf32>
          %mul3A_137 = vector.broadcast %squeeze3A_136 : f32 to vector<16xf32>
          %mul3A_138 = arith.mulf %get3A_134, %mul3A_137 : vector<16xf32>
          %swap3A_139 = arith.index_cast %scan3A_73 : i32 to index
          %swap3A_140 = arith.constant 64 : index
          %swap3A_141 = tpu.vector_load %arg12[%swap3A_139, %swap3A_140] {strides = array<i32>} : memref<128x128xf32, #tpu.memory_space<vmem>>, vector<1x16xf32>,
          %swap3A_142 = vector.shape_cast %swap3A_141 : vector<1x16xf32> to vector<16xf32>
          %swap3A_143 = vector.shape_cast %mul3A_138 : vector<16xf32> to vector<1x16xf32>
          tpu.vector_store %arg12[%swap3A_139, %swap3A_140], %swap3A_143 {strides = array<i32>} : memref<128x128xf32, #tpu.memory_space<vmem>>, vector<1x16xf32>,
          %get3A_144 = arith.index_cast %scan3A_73 : i32 to index
          %get3A_145 = arith.constant 80 : index
          %get3A_146 = tpu.vector_load %arg12[%get3A_144, %get3A_145] {strides = array<i32>} : memref<128x128xf32, #tpu.memory_space<vmem>>, vector<1x16xf32>,
          %get3A_147 = vector.shape_cast %get3A_146 : vector<1x16xf32> to vector<16xf32>
          %slice3A_148 = vector.extract_strided_slice %get3A_81 {offsets = [2], sizes = [1], strides = [1]} : vector<16xf32> to vector<1xf32>
          %squeeze3A_149 = vector.extract %slice3A_148[0] : f32 from vector<1xf32>
          %mul3A_150 = vector.broadcast %squeeze3A_149 : f32 to vector<16xf32>
          %mul3A_151 = arith.mulf %get3A_147, %mul3A_150 : vector<16xf32>
          %swap3A_152 = arith.index_cast %scan3A_73 : i32 to index
          %swap3A_153 = arith.constant 80 : index
          %swap3A_154 = tpu.vector_load %arg12[%swap3A_152, %swap3A_153] {strides = array<i32>} : memref<128x128xf32, #tpu.memory_space<vmem>>, vector<1x16xf32>,
          %swap3A_155 = vector.shape_cast %swap3A_154 : vector<1x16xf32> to vector<16xf32>
          %swap3A_156 = vector.shape_cast %mul3A_151 : vector<16xf32> to vector<1x16xf32>
          tpu.vector_store %arg12[%swap3A_152, %swap3A_153], %swap3A_156 {strides = array<i32>} : memref<128x128xf32, #tpu.memory_space<vmem>>, vector<1x16xf32>,
          %get3A_157 = arith.index_cast %scan3A_73 : i32 to index
          %get3A_158 = arith.constant 96 : index
          %get3A_159 = tpu.vector_load %arg12[%get3A_157, %get3A_158] {strides = array<i32>} : memref<128x128xf32, #tpu.memory_space<vmem>>, vector<1x16xf32>,
          %get3A_160 = vector.shape_cast %get3A_159 : vector<1x16xf32> to vector<16xf32>
          %slice3A_161 = vector.extract_strided_slice %get3A_81 {offsets = [3], sizes = [1], strides = [1]} : vector<16xf32> to vector<1xf32>
          %squeeze3A_162 = vector.extract %slice3A_161[0] : f32 from vector<1xf32>
          %mul3A_163 = vector.broadcast %squeeze3A_162 : f32 to vector<16xf32>
          %mul3A_164 = arith.mulf %get3A_160, %mul3A_163 : vector<16xf32>
          %swap3A_165 = arith.index_cast %scan3A_73 : i32 to index
          %swap3A_166 = arith.constant 96 : index
          %swap3A_167 = tpu.vector_load %arg12[%swap3A_165, %swap3A_166] {strides = array<i32>} : memref<128x128xf32, #tpu.memory_space<vmem>>, vector<1x16xf32>,
          %swap3A_168 = vector.shape_cast %swap3A_167 : vector<1x16xf32> to vector<16xf32>
          %swap3A_169 = vector.shape_cast %mul3A_164 : vector<16xf32> to vector<1x16xf32>
          tpu.vector_store %arg12[%swap3A_165, %swap3A_166], %swap3A_169 {strides = array<i32>} : memref<128x128xf32, #tpu.memory_space<vmem>>, vector<1x16xf32>,
          %get3A_170 = arith.index_cast %scan3A_73 : i32 to index
          %get3A_171 = arith.constant 112 : index
          %get3A_172 = tpu.vector_load %arg12[%get3A_170, %get3A_171] {strides = array<i32>} : memref<128x128xf32, #tpu.memory_space<vmem>>, vector<1x16xf32>,
          %get3A_173 = vector.shape_cast %get3A_172 : vector<1x16xf32> to vector<16xf32>
          %slice3A_174 = vector.extract_strided_slice %get3A_81 {offsets = [3], sizes = [1], strides = [1]} : vector<16xf32> to vector<1xf32>
          %squeeze3A_175 = vector.extract %slice3A_174[0] : f32 from vector<1xf32>
          %mul3A_176 = vector.broadcast %squeeze3A_175 : f32 to vector<16xf32>
          %mul3A_177 = arith.mulf %get3A_173, %mul3A_176 : vector<16xf32>
          %swap3A_178 = arith.index_cast %scan3A_73 : i32 to index
          %swap3A_179 = arith.constant 112 : index
          %swap3A_180 = tpu.vector_load %arg12[%swap3A_178, %swap3A_179] {strides = array<i32>} : memref<128x128xf32, #tpu.memory_space<vmem>>, vector<1x16xf32>,
          %swap3A_181 = vector.shape_cast %swap3A_180 : vector<1x16xf32> to vector<16xf32>
          %swap3A_182 = vector.shape_cast %mul3A_177 : vector<16xf32> to vector<1x16xf32>
          tpu.vector_store %arg12[%swap3A_178, %swap3A_179], %swap3A_182 {strides = array<i32>} : memref<128x128xf32, #tpu.memory_space<vmem>>, vector<1x16xf32>,
          %scan3A_183 = arith.constant 0 : i32
          %scan3A_184 = arith.constant 1 : i32
          %scan3A_185 = arith.addi %scan3A_73, %scan3A_184 : i32
          %shift_right_arithmetic3A_186 = arith.constant 3 : i32
          %shift_right_arithmetic3A_187 = arith.shrsi %scan3A_185, %shift_right_arithmetic3A_186 : i32
          %and3A_188 = arith.constant 7 : i32
          %and3A_189 = arith.andi %scan3A_185, %and3A_188 : i32
          %mul3A_190 = arith.constant 16 : i32
          %mul3A_191 = arith.muli %and3A_189, %mul3A_190 : i32
          %get3A_192 = arith.index_cast %shift_right_arithmetic3A_187 : i32 to index
          %get3A_193 = arith.index_cast %mul3A_191 : i32 to index
          %get3A_194 = tpu.vector_load %arg18[%get3A_192, %get3A_193] {strides = array<i32>} : memref<16x128xf32, #tpu.memory_space<vmem>>, vector<1x16xf32>,
          %get3A_195 = vector.shape_cast %get3A_194 : vector<1x16xf32> to vector<16xf32>
          %get3A_196 = arith.index_cast %scan3A_185 : i32 to index
          %get3A_197 = arith.constant 0 : index
          %get3A_198 = tpu.vector_load %arg12[%get3A_196, %get3A_197] {strides = array<i32>} : memref<128x128xf32, #tpu.memory_space<vmem>>, vector<1x16xf32>,
          %get3A_199 = vector.shape_cast %get3A_198 : vector<1x16xf32> to vector<16xf32>
          %slice3A_200 = vector.extract_strided_slice %get3A_195 {offsets = [0], sizes = [1], strides = [1]} : vector<16xf32> to vector<1xf32>
          %squeeze3A_201 = vector.extract %slice3A_200[0] : f32 from vector<1xf32>
          %mul3A_202 = vector.broadcast %squeeze3A_201 : f32 to vector<16xf32>
          %mul3A_203 = arith.mulf %get3A_199, %mul3A_202 : vector<16xf32>
          %swap3A_204 = arith.index_cast %scan3A_185 : i32 to index
          %swap3A_205 = arith.constant 0 : index
          %swap3A_206 = tpu.vector_load %arg12[%swap3A_204, %swap3A_205] {strides = array<i32>} : memref<128x128xf32, #tpu.memory_space<vmem>>, vector<1x16xf32>,
          %swap3A_207 = vector.shape_cast %swap3A_206 : vector<1x16xf32> to vector<16xf32>
          %swap3A_208 = vector.shape_cast %mul3A_203 : vector<16xf32> to vector<1x16xf32>
          tpu.vector_store %arg12[%swap3A_204, %swap3A_205], %swap3A_208 {strides = array<i32>} : memref<128x128xf32, #tpu.memory_space<vmem>>, vector<1x16xf32>,
          %get3A_209 = arith.index_cast %scan3A_185 : i32 to index
          %get3A_210 = arith.constant 16 : index
          %get3A_211 = tpu.vector_load %arg12[%get3A_209, %get3A_210] {strides = array<i32>} : memref<128x128xf32, #tpu.memory_space<vmem>>, vector<1x16xf32>,
          %get3A_212 = vector.shape_cast %get3A_211 : vector<1x16xf32> to vector<16xf32>
          %slice3A_213 = vector.extract_strided_slice %get3A_195 {offsets = [0], sizes = [1], strides = [1]} : vector<16xf32> to vector<1xf32>
          %squeeze3A_214 = vector.extract %slice3A_213[0] : f32 from vector<1xf32>
          %mul3A_215 = vector.broadcast %squeeze3A_214 : f32 to vector<16xf32>
          %mul3A_216 = arith.mulf %get3A_212, %mul3A_215 : vector<16xf32>
          %swap3A_217 = arith.index_cast %scan3A_185 : i32 to index
          %swap3A_218 = arith.constant 16 : index
          %swap3A_219 = tpu.vector_load %arg12[%swap3A_217, %swap3A_218] {strides = array<i32>} : memref<128x128xf32, #tpu.memory_space<vmem>>, vector<1x16xf32>,
          %swap3A_220 = vector.shape_cast %swap3A_219 : vector<1x16xf32> to vector<16xf32>
          %swap3A_221 = vector.shape_cast %mul3A_216 : vector<16xf32> to vector<1x16xf32>
          tpu.vector_store %arg12[%swap3A_217, %swap3A_218], %swap3A_221 {strides = array<i32>} : memref<128x128xf32, #tpu.memory_space<vmem>>, vector<1x16xf32>,
          %get3A_222 = arith.index_cast %scan3A_185 : i32 to index
          %get3A_223 = arith.constant 32 : index
          %get3A_224 = tpu.vector_load %arg12[%get3A_222, %get3A_223] {strides = array<i32>} : memref<128x128xf32, #tpu.memory_space<vmem>>, vector<1x16xf32>,
          %get3A_225 = vector.shape_cast %get3A_224 : vector<1x16xf32> to vector<16xf32>
          %slice3A_226 = vector.extract_strided_slice %get3A_195 {offsets = [1], sizes = [1], strides = [1]} : vector<16xf32> to vector<1xf32>
          %squeeze3A_227 = vector.extract %slice3A_226[0] : f32 from vector<1xf32>
          %mul3A_228 = vector.broadcast %squeeze3A_227 : f32 to vector<16xf32>
          %mul3A_229 = arith.mulf %get3A_225, %mul3A_228 : vector<16xf32>
          %swap3A_230 = arith.index_cast %scan3A_185 : i32 to index
          %swap3A_231 = arith.constant 32 : index
          %swap3A_232 = tpu.vector_load %arg12[%swap3A_230, %swap3A_231] {strides = array<i32>} : memref<128x128xf32, #tpu.memory_space<vmem>>, vector<1x16xf32>,
          %swap3A_233 = vector.shape_cast %swap3A_232 : vector<1x16xf32> to vector<16xf32>
          %swap3A_234 = vector.shape_cast %mul3A_229 : vector<16xf32> to vector<1x16xf32>
          tpu.vector_store %arg12[%swap3A_230, %swap3A_231], %swap3A_234 {strides = array<i32>} : memref<128x128xf32, #tpu.memory_space<vmem>>, vector<1x16xf32>,
          %get3A_235 = arith.index_cast %scan3A_185 : i32 to index
          %get3A_236 = arith.constant 48 : index
          %get3A_237 = tpu.vector_load %arg12[%get3A_235, %get3A_236] {strides = array<i32>} : memref<128x128xf32, #tpu.memory_space<vmem>>, vector<1x16xf32>,
          %get3A_238 = vector.shape_cast %get3A_237 : vector<1x16xf32> to vector<16xf32>
          %slice3A_239 = vector.extract_strided_slice %get3A_195 {offsets = [1], sizes = [1], strides = [1]} : vector<16xf32> to vector<1xf32>
          %squeeze3A_240 = vector.extract %slice3A_239[0] : f32 from vector<1xf32>
          %mul3A_241 = vector.broadcast %squeeze3A_240 : f32 to vector<16xf32>
          %mul3A_242 = arith.mulf %get3A_238, %mul3A_241 : vector<16xf32>
          %swap3A_243 = arith.index_cast %scan3A_185 : i32 to index
          %swap3A_244 = arith.constant 48 : index
          %swap3A_245 = tpu.vector_load %arg12[%swap3A_243, %swap3A_244] {strides = array<i32>} : memref<128x128xf32, #tpu.memory_space<vmem>>, vector<1x16xf32>,
          %swap3A_246 = vector.shape_cast %swap3A_245 : vector<1x16xf32> to vector<16xf32>
          %swap3A_247 = vector.shape_cast %mul3A_242 : vector<16xf32> to vector<1x16xf32>
          tpu.vector_store %arg12[%swap3A_243, %swap3A_244], %swap3A_247 {strides = array<i32>} : memref<128x128xf32, #tpu.memory_space<vmem>>, vector<1x16xf32>,
          %get3A_248 = arith.index_cast %scan3A_185 : i32 to index
          %get3A_249 = arith.constant 64 : index
          %get3A_250 = tpu.vector_load %arg12[%get3A_248, %get3A_249] {strides = array<i32>} : memref<128x128xf32, #tpu.memory_space<vmem>>, vector<1x16xf32>,
          %get3A_251 = vector.shape_cast %get3A_250 : vector<1x16xf32> to vector<16xf32>
          %slice3A_252 = vector.extract_strided_slice %get3A_195 {offsets = [2], sizes = [1], strides = [1]} : vector<16xf32> to vector<1xf32>
          %squeeze3A_253 = vector.extract %slice3A_252[0] : f32 from vector<1xf32>
          %mul3A_254 = vector.broadcast %squeeze3A_253 : f32 to vector<16xf32>
          %mul3A_255 = arith.mulf %get3A_251, %mul3A_254 : vector<16xf32>
          %swap3A_256 = arith.index_cast %scan3A_185 : i32 to index
          %swap3A_257 = arith.constant 64 : index
          %swap3A_258 = tpu.vector_load %arg12[%swap3A_256, %swap3A_257] {strides = array<i32>} : memref<128x128xf32, #tpu.memory_space<vmem>>, vector<1x16xf32>,
          %swap3A_259 = vector.shape_cast %swap3A_258 : vector<1x16xf32> to vector<16xf32>
          %swap3A_260 = vector.shape_cast %mul3A_255 : vector<16xf32> to vector<1x16xf32>
          tpu.vector_store %arg12[%swap3A_256, %swap3A_257], %swap3A_260 {strides = array<i32>} : memref<128x128xf32, #tpu.memory_space<vmem>>, vector<1x16xf32>,
          %get3A_261 = arith.index_cast %scan3A_185 : i32 to index
          %get3A_262 = arith.constant 80 : index
          %get3A_263 = tpu.vector_load %arg12[%get3A_261, %get3A_262] {strides = array<i32>} : memref<128x128xf32, #tpu.memory_space<vmem>>, vector<1x16xf32>,
          %get3A_264 = vector.shape_cast %get3A_263 : vector<1x16xf32> to vector<16xf32>
          %slice3A_265 = vector.extract_strided_slice %get3A_195 {offsets = [2], sizes = [1], strides = [1]} : vector<16xf32> to vector<1xf32>
          %squeeze3A_266 = vector.extract %slice3A_265[0] : f32 from vector<1xf32>
          %mul3A_267 = vector.broadcast %squeeze3A_266 : f32 to vector<16xf32>
          %mul3A_268 = arith.mulf %get3A_264, %mul3A_267 : vector<16xf32>
          %swap3A_269 = arith.index_cast %scan3A_185 : i32 to index
          %swap3A_270 = arith.constant 80 : index
          %swap3A_271 = tpu.vector_load %arg12[%swap3A_269, %swap3A_270] {strides = array<i32>} : memref<128x128xf32, #tpu.memory_space<vmem>>, vector<1x16xf32>,
          %swap3A_272 = vector.shape_cast %swap3A_271 : vector<1x16xf32> to vector<16xf32>
          %swap3A_273 = vector.shape_cast %mul3A_268 : vector<16xf32> to vector<1x16xf32>
          tpu.vector_store %arg12[%swap3A_269, %swap3A_270], %swap3A_273 {strides = array<i32>} : memref<128x128xf32, #tpu.memory_space<vmem>>, vector<1x16xf32>,
          %get3A_274 = arith.index_cast %scan3A_185 : i32 to index
          %get3A_275 = arith.constant 96 : index
          %get3A_276 = tpu.vector_load %arg12[%get3A_274, %get3A_275] {strides = array<i32>} : memref<128x128xf32, #tpu.memory_space<vmem>>, vector<1x16xf32>,
          %get3A_277 = vector.shape_cast %get3A_276 : vector<1x16xf32> to vector<16xf32>
          %slice3A_278 = vector.extract_strided_slice %get3A_195 {offsets = [3], sizes = [1], strides = [1]} : vector<16xf32> to vector<1xf32>
          %squeeze3A_279 = vector.extract %slice3A_278[0] : f32 from vector<1xf32>
          %mul3A_280 = vector.broadcast %squeeze3A_279 : f32 to vector<16xf32>
          %mul3A_281 = arith.mulf %get3A_277, %mul3A_280 : vector<16xf32>
          %swap3A_282 = arith.index_cast %scan3A_185 : i32 to index
          %swap3A_283 = arith.constant 96 : index
          %swap3A_284 = tpu.vector_load %arg12[%swap3A_282, %swap3A_283] {strides = array<i32>} : memref<128x128xf32, #tpu.memory_space<vmem>>, vector<1x16xf32>,
          %swap3A_285 = vector.shape_cast %swap3A_284 : vector<1x16xf32> to vector<16xf32>
          %swap3A_286 = vector.shape_cast %mul3A_281 : vector<16xf32> to vector<1x16xf32>
          tpu.vector_store %arg12[%swap3A_282, %swap3A_283], %swap3A_286 {strides = array<i32>} : memref<128x128xf32, #tpu.memory_space<vmem>>, vector<1x16xf32>,
          %get3A_287 = arith.index_cast %scan3A_185 : i32 to index
          %get3A_288 = arith.constant 112 : index
          %get3A_289 = tpu.vector_load %arg12[%get3A_287, %get3A_288] {strides = array<i32>} : memref<128x128xf32, #tpu.memory_space<vmem>>, vector<1x16xf32>,
          %get3A_290 = vector.shape_cast %get3A_289 : vector<1x16xf32> to vector<16xf32>
          %slice3A_291 = vector.extract_strided_slice %get3A_195 {offsets = [3], sizes = [1], strides = [1]} : vector<16xf32> to vector<1xf32>
          %squeeze3A_292 = vector.extract %slice3A_291[0] : f32 from vector<1xf32>
          %mul3A_293 = vector.broadcast %squeeze3A_292 : f32 to vector<16xf32>
          %mul3A_294 = arith.mulf %get3A_290, %mul3A_293 : vector<16xf32>
          %swap3A_295 = arith.index_cast %scan3A_185 : i32 to index
          %swap3A_296 = arith.constant 112 : index
          %swap3A_297 = tpu.vector_load %arg12[%swap3A_295, %swap3A_296] {strides = array<i32>} : memref<128x128xf32, #tpu.memory_space<vmem>>, vector<1x16xf32>,
          %swap3A_298 = vector.shape_cast %swap3A_297 : vector<1x16xf32> to vector<16xf32>
          %swap3A_299 = vector.shape_cast %mul3A_294 : vector<16xf32> to vector<1x16xf32>
          tpu.vector_store %arg12[%swap3A_295, %swap3A_296], %swap3A_299 {strides = array<i32>} : memref<128x128xf32, #tpu.memory_space<vmem>>, vector<1x16xf32>,
          %scan3A_300 = arith.constant 0 : i32
          %scan3A_301 = arith.constant 2 : i32
          %scan3A_302 = arith.addi %scan3A_73, %scan3A_301 : i32
          %shift_right_arithmetic3A_303 = arith.constant 3 : i32
          %shift_right_arithmetic3A_304 = arith.shrsi %scan3A_302, %shift_right_arithmetic3A_303 : i32
          %and3A_305 = arith.constant 7 : i32
          %and3A_306 = arith.andi %scan3A_302, %and3A_305 : i32
          %mul3A_307 = arith.constant 16 : i32
          %mul3A_308 = arith.muli %and3A_306, %mul3A_307 : i32
          %get3A_309 = arith.index_cast %shift_right_arithmetic3A_304 : i32 to index
          %get3A_310 = arith.index_cast %mul3A_308 : i32 to index
          %get3A_311 = tpu.vector_load %arg18[%get3A_309, %get3A_310] {strides = array<i32>} : memref<16x128xf32, #tpu.memory_space<vmem>>, vector<1x16xf32>,
          %get3A_312 = vector.shape_cast %get3A_311 : vector<1x16xf32> to vector<16xf32>
          %get3A_313 = arith.index_cast %scan3A_302 : i32 to index
          %get3A_314 = arith.constant 0 : index
          %get3A_315 = tpu.vector_load %arg12[%get3A_313, %get3A_314] {strides = array<i32>} : memref<128x128xf32, #tpu.memory_space<vmem>>, vector<1x16xf32>,
          %get3A_316 = vector.shape_cast %get3A_315 : vector<1x16xf32> to vector<16xf32>
          %slice3A_317 = vector.extract_strided_slice %get3A_312 {offsets = [0], sizes = [1], strides = [1]} : vector<16xf32> to vector<1xf32>
          %squeeze3A_318 = vector.extract %slice3A_317[0] : f32 from vector<1xf32>
          %mul3A_319 = vector.broadcast %squeeze3A_318 : f32 to vector<16xf32>
          %mul3A_320 = arith.mulf %get3A_316, %mul3A_319 : vector<16xf32>
          %swap3A_321 = arith.index_cast %scan3A_302 : i32 to index
          %swap3A_322 = arith.constant 0 : index
          %swap3A_323 = tpu.vector_load %arg12[%swap3A_321, %swap3A_322] {strides = array<i32>} : memref<128x128xf32, #tpu.memory_space<vmem>>, vector<1x16xf32>,
          %swap3A_324 = vector.shape_cast %swap3A_323 : vector<1x16xf32> to vector<16xf32>
          %swap3A_325 = vector.shape_cast %mul3A_320 : vector<16xf32> to vector<1x16xf32>
          tpu.vector_store %arg12[%swap3A_321, %swap3A_322], %swap3A_325 {strides = array<i32>} : memref<128x128xf32, #tpu.memory_space<vmem>>, vector<1x16xf32>,
          %get3A_326 = arith.index_cast %scan3A_302 : i32 to index
          %get3A_327 = arith.constant 16 : index
          %get3A_328 = tpu.vector_load %arg12[%get3A_326, %get3A_327] {strides = array<i32>} : memref<128x128xf32, #tpu.memory_space<vmem>>, vector<1x16xf32>,
          %get3A_329 = vector.shape_cast %get3A_328 : vector<1x16xf32> to vector<16xf32>
          %slice3A_330 = vector.extract_strided_slice %get3A_312 {offsets = [0], sizes = [1], strides = [1]} : vector<16xf32> to vector<1xf32>
          %squeeze3A_331 = vector.extract %slice3A_330[0] : f32 from vector<1xf32>
          %mul3A_332 = vector.broadcast %squeeze3A_331 : f32 to vector<16xf32>
          %mul3A_333 = arith.mulf %get3A_329, %mul3A_332 : vector<16xf32>
          %swap3A_334 = arith.index_cast %scan3A_302 : i32 to index
          %swap3A_335 = arith.constant 16 : index
          %swap3A_336 = tpu.vector_load %arg12[%swap3A_334, %swap3A_335] {strides = array<i32>} : memref<128x128xf32, #tpu.memory_space<vmem>>, vector<1x16xf32>,
          %swap3A_337 = vector.shape_cast %swap3A_336 : vector<1x16xf32> to vector<16xf32>
          %swap3A_338 = vector.shape_cast %mul3A_333 : vector<16xf32> to vector<1x16xf32>
          tpu.vector_store %arg12[%swap3A_334, %swap3A_335], %swap3A_338 {strides = array<i32>} : memref<128x128xf32, #tpu.memory_space<vmem>>, vector<1x16xf32>,
          %get3A_339 = arith.index_cast %scan3A_302 : i32 to index
          %get3A_340 = arith.constant 32 : index
          %get3A_341 = tpu.vector_load %arg12[%get3A_339, %get3A_340] {strides = array<i32>} : memref<128x128xf32, #tpu.memory_space<vmem>>, vector<1x16xf32>,
          %get3A_342 = vector.shape_cast %get3A_341 : vector<1x16xf32> to vector<16xf32>
          %slice3A_343 = vector.extract_strided_slice %get3A_312 {offsets = [1], sizes = [1], strides = [1]} : vector<16xf32> to vector<1xf32>
          %squeeze3A_344 = vector.extract %slice3A_343[0] : f32 from vector<1xf32>
          %mul3A_345 = vector.broadcast %squeeze3A_344 : f32 to vector<16xf32>
          %mul3A_346 = arith.mulf %get3A_342, %mul3A_345 : vector<16xf32>
          %swap3A_347 = arith.index_cast %scan3A_302 : i32 to index
          %swap3A_348 = arith.constant 32 : index
          %swap3A_349 = tpu.vector_load %arg12[%swap3A_347, %swap3A_348] {strides = array<i32>} : memref<128x128xf32, #tpu.memory_space<vmem>>, vector<1x16xf32>,
          %swap3A_350 = vector.shape_cast %swap3A_349 : vector<1x16xf32> to vector<16xf32>
          %swap3A_351 = vector.shape_cast %mul3A_346 : vector<16xf32> to vector<1x16xf32>
          tpu.vector_store %arg12[%swap3A_347, %swap3A_348], %swap3A_351 {strides = array<i32>} : memref<128x128xf32, #tpu.memory_space<vmem>>, vector<1x16xf32>,
          %get3A_352 = arith.index_cast %scan3A_302 : i32 to index
          %get3A_353 = arith.constant 48 : index
          %get3A_354 = tpu.vector_load %arg12[%get3A_352, %get3A_353] {strides = array<i32>} : memref<128x128xf32, #tpu.memory_space<vmem>>, vector<1x16xf32>,
          %get3A_355 = vector.shape_cast %get3A_354 : vector<1x16xf32> to vector<16xf32>
          %slice3A_356 = vector.extract_strided_slice %get3A_312 {offsets = [1], sizes = [1], strides = [1]} : vector<16xf32> to vector<1xf32>
          %squeeze3A_357 = vector.extract %slice3A_356[0] : f32 from vector<1xf32>
          %mul3A_358 = vector.broadcast %squeeze3A_357 : f32 to vector<16xf32>
          %mul3A_359 = arith.mulf %get3A_355, %mul3A_358 : vector<16xf32>
          %swap3A_360 = arith.index_cast %scan3A_302 : i32 to index
          %swap3A_361 = arith.constant 48 : index
          %swap3A_362 = tpu.vector_load %arg12[%swap3A_360, %swap3A_361] {strides = array<i32>} : memref<128x128xf32, #tpu.memory_space<vmem>>, vector<1x16xf32>,
          %swap3A_363 = vector.shape_cast %swap3A_362 : vector<1x16xf32> to vector<16xf32>
          %swap3A_364 = vector.shape_cast %mul3A_359 : vector<16xf32> to vector<1x16xf32>
          tpu.vector_store %arg12[%swap3A_360, %swap3A_361], %swap3A_364 {strides = array<i32>} : memref<128x128xf32, #tpu.memory_space<vmem>>, vector<1x16xf32>,
          %get3A_365 = arith.index_cast %scan3A_302 : i32 to index
          %get3A_366 = arith.constant 64 : index
          %get3A_367 = tpu.vector_load %arg12[%get3A_365, %get3A_366] {strides = array<i32>} : memref<128x128xf32, #tpu.memory_space<vmem>>, vector<1x16xf32>,
          %get3A_368 = vector.shape_cast %get3A_367 : vector<1x16xf32> to vector<16xf32>
          %slice3A_369 = vector.extract_strided_slice %get3A_312 {offsets = [2], sizes = [1], strides = [1]} : vector<16xf32> to vector<1xf32>
          %squeeze3A_370 = vector.extract %slice3A_369[0] : f32 from vector<1xf32>
          %mul3A_371 = vector.broadcast %squeeze3A_370 : f32 to vector<16xf32>
          %mul3A_372 = arith.mulf %get3A_368, %mul3A_371 : vector<16xf32>
          %swap3A_373 = arith.index_cast %scan3A_302 : i32 to index
          %swap3A_374 = arith.constant 64 : index
          %swap3A_375 = tpu.vector_load %arg12[%swap3A_373, %swap3A_374] {strides = array<i32>} : memref<128x128xf32, #tpu.memory_space<vmem>>, vector<1x16xf32>,
          %swap3A_376 = vector.shape_cast %swap3A_375 : vector<1x16xf32> to vector<16xf32>
          %swap3A_377 = vector.shape_cast %mul3A_372 : vector<16xf32> to vector<1x16xf32>
          tpu.vector_store %arg12[%swap3A_373, %swap3A_374], %swap3A_377 {strides = array<i32>} : memref<128x128xf32, #tpu.memory_space<vmem>>, vector<1x16xf32>,
          %get3A_378 = arith.index_cast %scan3A_302 : i32 to index
          %get3A_379 = arith.constant 80 : index
          %get3A_380 = tpu.vector_load %arg12[%get3A_378, %get3A_379] {strides = array<i32>} : memref<128x128xf32, #tpu.memory_space<vmem>>, vector<1x16xf32>,
          %get3A_381 = vector.shape_cast %get3A_380 : vector<1x16xf32> to vector<16xf32>
          %slice3A_382 = vector.extract_strided_slice %get3A_312 {offsets = [2], sizes = [1], strides = [1]} : vector<16xf32> to vector<1xf32>
          %squeeze3A_383 = vector.extract %slice3A_382[0] : f32 from vector<1xf32>
          %mul3A_384 = vector.broadcast %squeeze3A_383 : f32 to vector<16xf32>
          %mul3A_385 = arith.mulf %get3A_381, %mul3A_384 : vector<16xf32>
          %swap3A_386 = arith.index_cast %scan3A_302 : i32 to index
          %swap3A_387 = arith.constant 80 : index
          %swap3A_388 = tpu.vector_load %arg12[%swap3A_386, %swap3A_387] {strides = array<i32>} : memref<128x128xf32, #tpu.memory_space<vmem>>, vector<1x16xf32>,
          %swap3A_389 = vector.shape_cast %swap3A_388 : vector<1x16xf32> to vector<16xf32>
          %swap3A_390 = vector.shape_cast %mul3A_385 : vector<16xf32> to vector<1x16xf32>
          tpu.vector_store %arg12[%swap3A_386, %swap3A_387], %swap3A_390 {strides = array<i32>} : memref<128x128xf32, #tpu.memory_space<vmem>>, vector<1x16xf32>,
          %get3A_391 = arith.index_cast %scan3A_302 : i32 to index
          %get3A_392 = arith.constant 96 : index
          %get3A_393 = tpu.vector_load %arg12[%get3A_391, %get3A_392] {strides = array<i32>} : memref<128x128xf32, #tpu.memory_space<vmem>>, vector<1x16xf32>,
          %get3A_394 = vector.shape_cast %get3A_393 : vector<1x16xf32> to vector<16xf32>
          %slice3A_395 = vector.extract_strided_slice %get3A_312 {offsets = [3], sizes = [1], strides = [1]} : vector<16xf32> to vector<1xf32>
          %squeeze3A_396 = vector.extract %slice3A_395[0] : f32 from vector<1xf32>
          %mul3A_397 = vector.broadcast %squeeze3A_396 : f32 to vector<16xf32>
          %mul3A_398 = arith.mulf %get3A_394, %mul3A_397 : vector<16xf32>
          %swap3A_399 = arith.index_cast %scan3A_302 : i32 to index
          %swap3A_400 = arith.constant 96 : index
          %swap3A_401 = tpu.vector_load %arg12[%swap3A_399, %swap3A_400] {strides = array<i32>} : memref<128x128xf32, #tpu.memory_space<vmem>>, vector<1x16xf32>,
          %swap3A_402 = vector.shape_cast %swap3A_401 : vector<1x16xf32> to vector<16xf32>
          %swap3A_403 = vector.shape_cast %mul3A_398 : vector<16xf32> to vector<1x16xf32>
          tpu.vector_store %arg12[%swap3A_399, %swap3A_400], %swap3A_403 {strides = array<i32>} : memref<128x128xf32, #tpu.memory_space<vmem>>, vector<1x16xf32>,
          %get3A_404 = arith.index_cast %scan3A_302 : i32 to index
          %get3A_405 = arith.constant 112 : index
          %get3A_406 = tpu.vector_load %arg12[%get3A_404, %get3A_405] {strides = array<i32>} : memref<128x128xf32, #tpu.memory_space<vmem>>, vector<1x16xf32>,
          %get3A_407 = vector.shape_cast %get3A_406 : vector<1x16xf32> to vector<16xf32>
          %slice3A_408 = vector.extract_strided_slice %get3A_312 {offsets = [3], sizes = [1], strides = [1]} : vector<16xf32> to vector<1xf32>
          %squeeze3A_409 = vector.extract %slice3A_408[0] : f32 from vector<1xf32>
          %mul3A_410 = vector.broadcast %squeeze3A_409 : f32 to vector<16xf32>
          %mul3A_411 = arith.mulf %get3A_407, %mul3A_410 : vector<16xf32>
          %swap3A_412 = arith.index_cast %scan3A_302 : i32 to index
          %swap3A_413 = arith.constant 112 : index
          %swap3A_414 = tpu.vector_load %arg12[%swap3A_412, %swap3A_413] {strides = array<i32>} : memref<128x128xf32, #tpu.memory_space<vmem>>, vector<1x16xf32>,
          %swap3A_415 = vector.shape_cast %swap3A_414 : vector<1x16xf32> to vector<16xf32>
          %swap3A_416 = vector.shape_cast %mul3A_411 : vector<16xf32> to vector<1x16xf32>
          tpu.vector_store %arg12[%swap3A_412, %swap3A_413], %swap3A_416 {strides = array<i32>} : memref<128x128xf32, #tpu.memory_space<vmem>>, vector<1x16xf32>,
          %scan3A_417 = arith.constant 0 : i32
          %scan3A_418 = arith.constant 3 : i32
          %scan3A_419 = arith.addi %scan3A_73, %scan3A_418 : i32
          %shift_right_arithmetic3A_420 = arith.constant 3 : i32
          %shift_right_arithmetic3A_421 = arith.shrsi %scan3A_419, %shift_right_arithmetic3A_420 : i32
          %and3A_422 = arith.constant 7 : i32
          %and3A_423 = arith.andi %scan3A_419, %and3A_422 : i32
          %mul3A_424 = arith.constant 16 : i32
          %mul3A_425 = arith.muli %and3A_423, %mul3A_424 : i32
          %get3A_426 = arith.index_cast %shift_right_arithmetic3A_421 : i32 to index
          %get3A_427 = arith.index_cast %mul3A_425 : i32 to index
          %get3A_428 = tpu.vector_load %arg18[%get3A_426, %get3A_427] {strides = array<i32>} : memref<16x128xf32, #tpu.memory_space<vmem>>, vector<1x16xf32>,
          %get3A_429 = vector.shape_cast %get3A_428 : vector<1x16xf32> to vector<16xf32>
          %get3A_430 = arith.index_cast %scan3A_419 : i32 to index
          %get3A_431 = arith.constant 0 : index
          %get3A_432 = tpu.vector_load %arg12[%get3A_430, %get3A_431] {strides = array<i32>} : memref<128x128xf32, #tpu.memory_space<vmem>>, vector<1x16xf32>,
          %get3A_433 = vector.shape_cast %get3A_432 : vector<1x16xf32> to vector<16xf32>
          %slice3A_434 = vector.extract_strided_slice %get3A_429 {offsets = [0], sizes = [1], strides = [1]} : vector<16xf32> to vector<1xf32>
          %squeeze3A_435 = vector.extract %slice3A_434[0] : f32 from vector<1xf32>
          %mul3A_436 = vector.broadcast %squeeze3A_435 : f32 to vector<16xf32>
          %mul3A_437 = arith.mulf %get3A_433, %mul3A_436 : vector<16xf32>
          %swap3A_438 = arith.index_cast %scan3A_419 : i32 to index
          %swap3A_439 = arith.constant 0 : index
          %swap3A_440 = tpu.vector_load %arg12[%swap3A_438, %swap3A_439] {strides = array<i32>} : memref<128x128xf32, #tpu.memory_space<vmem>>, vector<1x16xf32>,
          %swap3A_441 = vector.shape_cast %swap3A_440 : vector<1x16xf32> to vector<16xf32>
          %swap3A_442 = vector.shape_cast %mul3A_437 : vector<16xf32> to vector<1x16xf32>
          tpu.vector_store %arg12[%swap3A_438, %swap3A_439], %swap3A_442 {strides = array<i32>} : memref<128x128xf32, #tpu.memory_space<vmem>>, vector<1x16xf32>,
          %get3A_443 = arith.index_cast %scan3A_419 : i32 to index
          %get3A_444 = arith.constant 16 : index
          %get3A_445 = tpu.vector_load %arg12[%get3A_443, %get3A_444] {strides = array<i32>} : memref<128x128xf32, #tpu.memory_space<vmem>>, vector<1x16xf32>,
          %get3A_446 = vector.shape_cast %get3A_445 : vector<1x16xf32> to vector<16xf32>
          %slice3A_447 = vector.extract_strided_slice %get3A_429 {offsets = [0], sizes = [1], strides = [1]} : vector<16xf32> to vector<1xf32>
          %squeeze3A_448 = vector.extract %slice3A_447[0] : f32 from vector<1xf32>
          %mul3A_449 = vector.broadcast %squeeze3A_448 : f32 to vector<16xf32>
          %mul3A_450 = arith.mulf %get3A_446, %mul3A_449 : vector<16xf32>
          %swap3A_451 = arith.index_cast %scan3A_419 : i32 to index
          %swap3A_452 = arith.constant 16 : index
          %swap3A_453 = tpu.vector_load %arg12[%swap3A_451, %swap3A_452] {strides = array<i32>} : memref<128x128xf32, #tpu.memory_space<vmem>>, vector<1x16xf32>,
          %swap3A_454 = vector.shape_cast %swap3A_453 : vector<1x16xf32> to vector<16xf32>
          %swap3A_455 = vector.shape_cast %mul3A_450 : vector<16xf32> to vector<1x16xf32>
          tpu.vector_store %arg12[%swap3A_451, %swap3A_452], %swap3A_455 {strides = array<i32>} : memref<128x128xf32, #tpu.memory_space<vmem>>, vector<1x16xf32>,
          %get3A_456 = arith.index_cast %scan3A_419 : i32 to index
          %get3A_457 = arith.constant 32 : index
          %get3A_458 = tpu.vector_load %arg12[%get3A_456, %get3A_457] {strides = array<i32>} : memref<128x128xf32, #tpu.memory_space<vmem>>, vector<1x16xf32>,
          %get3A_459 = vector.shape_cast %get3A_458 : vector<1x16xf32> to vector<16xf32>
          %slice3A_460 = vector.extract_strided_slice %get3A_429 {offsets = [1], sizes = [1], strides = [1]} : vector<16xf32> to vector<1xf32>
          %squeeze3A_461 = vector.extract %slice3A_460[0] : f32 from vector<1xf32>
          %mul3A_462 = vector.broadcast %squeeze3A_461 : f32 to vector<16xf32>
          %mul3A_463 = arith.mulf %get3A_459, %mul3A_462 : vector<16xf32>
          %swap3A_464 = arith.index_cast %scan3A_419 : i32 to index
          %swap3A_465 = arith.constant 32 : index
          %swap3A_466 = tpu.vector_load %arg12[%swap3A_464, %swap3A_465] {strides = array<i32>} : memref<128x128xf32, #tpu.memory_space<vmem>>, vector<1x16xf32>,
          %swap3A_467 = vector.shape_cast %swap3A_466 : vector<1x16xf32> to vector<16xf32>
          %swap3A_468 = vector.shape_cast %mul3A_463 : vector<16xf32> to vector<1x16xf32>
          tpu.vector_store %arg12[%swap3A_464, %swap3A_465], %swap3A_468 {strides = array<i32>} : memref<128x128xf32, #tpu.memory_space<vmem>>, vector<1x16xf32>,
          %get3A_469 = arith.index_cast %scan3A_419 : i32 to index
          %get3A_470 = arith.constant 48 : index
          %get3A_471 = tpu.vector_load %arg12[%get3A_469, %get3A_470] {strides = array<i32>} : memref<128x128xf32, #tpu.memory_space<vmem>>, vector<1x16xf32>,
          %get3A_472 = vector.shape_cast %get3A_471 : vector<1x16xf32> to vector<16xf32>
          %slice3A_473 = vector.extract_strided_slice %get3A_429 {offsets = [1], sizes = [1], strides = [1]} : vector<16xf32> to vector<1xf32>
          %squeeze3A_474 = vector.extract %slice3A_473[0] : f32 from vector<1xf32>
          %mul3A_475 = vector.broadcast %squeeze3A_474 : f32 to vector<16xf32>
          %mul3A_476 = arith.mulf %get3A_472, %mul3A_475 : vector<16xf32>
          %swap3A_477 = arith.index_cast %scan3A_419 : i32 to index
          %swap3A_478 = arith.constant 48 : index
          %swap3A_479 = tpu.vector_load %arg12[%swap3A_477, %swap3A_478] {strides = array<i32>} : memref<128x128xf32, #tpu.memory_space<vmem>>, vector<1x16xf32>,
          %swap3A_480 = vector.shape_cast %swap3A_479 : vector<1x16xf32> to vector<16xf32>
          %swap3A_481 = vector.shape_cast %mul3A_476 : vector<16xf32> to vector<1x16xf32>
          tpu.vector_store %arg12[%swap3A_477, %swap3A_478], %swap3A_481 {strides = array<i32>} : memref<128x128xf32, #tpu.memory_space<vmem>>, vector<1x16xf32>,
          %get3A_482 = arith.index_cast %scan3A_419 : i32 to index
          %get3A_483 = arith.constant 64 : index
          %get3A_484 = tpu.vector_load %arg12[%get3A_482, %get3A_483] {strides = array<i32>} : memref<128x128xf32, #tpu.memory_space<vmem>>, vector<1x16xf32>,
          %get3A_485 = vector.shape_cast %get3A_484 : vector<1x16xf32> to vector<16xf32>
          %slice3A_486 = vector.extract_strided_slice %get3A_429 {offsets = [2], sizes = [1], strides = [1]} : vector<16xf32> to vector<1xf32>
          %squeeze3A_487 = vector.extract %slice3A_486[0] : f32 from vector<1xf32>
          %mul3A_488 = vector.broadcast %squeeze3A_487 : f32 to vector<16xf32>
          %mul3A_489 = arith.mulf %get3A_485, %mul3A_488 : vector<16xf32>
          %swap3A_490 = arith.index_cast %scan3A_419 : i32 to index
          %swap3A_491 = arith.constant 64 : index
          %swap3A_492 = tpu.vector_load %arg12[%swap3A_490, %swap3A_491] {strides = array<i32>} : memref<128x128xf32, #tpu.memory_space<vmem>>, vector<1x16xf32>,
          %swap3A_493 = vector.shape_cast %swap3A_492 : vector<1x16xf32> to vector<16xf32>
          %swap3A_494 = vector.shape_cast %mul3A_489 : vector<16xf32> to vector<1x16xf32>
          tpu.vector_store %arg12[%swap3A_490, %swap3A_491], %swap3A_494 {strides = array<i32>} : memref<128x128xf32, #tpu.memory_space<vmem>>, vector<1x16xf32>,
          %get3A_495 = arith.index_cast %scan3A_419 : i32 to index
          %get3A_496 = arith.constant 80 : index
          %get3A_497 = tpu.vector_load %arg12[%get3A_495, %get3A_496] {strides = array<i32>} : memref<128x128xf32, #tpu.memory_space<vmem>>, vector<1x16xf32>,
          %get3A_498 = vector.shape_cast %get3A_497 : vector<1x16xf32> to vector<16xf32>
          %slice3A_499 = vector.extract_strided_slice %get3A_429 {offsets = [2], sizes = [1], strides = [1]} : vector<16xf32> to vector<1xf32>
          %squeeze3A_500 = vector.extract %slice3A_499[0] : f32 from vector<1xf32>
          %mul3A_501 = vector.broadcast %squeeze3A_500 : f32 to vector<16xf32>
          %mul3A_502 = arith.mulf %get3A_498, %mul3A_501 : vector<16xf32>
          %swap3A_503 = arith.index_cast %scan3A_419 : i32 to index
          %swap3A_504 = arith.constant 80 : index
          %swap3A_505 = tpu.vector_load %arg12[%swap3A_503, %swap3A_504] {strides = array<i32>} : memref<128x128xf32, #tpu.memory_space<vmem>>, vector<1x16xf32>,
          %swap3A_506 = vector.shape_cast %swap3A_505 : vector<1x16xf32> to vector<16xf32>
          %swap3A_507 = vector.shape_cast %mul3A_502 : vector<16xf32> to vector<1x16xf32>
          tpu.vector_store %arg12[%swap3A_503, %swap3A_504], %swap3A_507 {strides = array<i32>} : memref<128x128xf32, #tpu.memory_space<vmem>>, vector<1x16xf32>,
          %get3A_508 = arith.index_cast %scan3A_419 : i32 to index
          %get3A_509 = arith.constant 96 : index
          %get3A_510 = tpu.vector_load %arg12[%get3A_508, %get3A_509] {strides = array<i32>} : memref<128x128xf32, #tpu.memory_space<vmem>>, vector<1x16xf32>,
          %get3A_511 = vector.shape_cast %get3A_510 : vector<1x16xf32> to vector<16xf32>
          %slice3A_512 = vector.extract_strided_slice %get3A_429 {offsets = [3], sizes = [1], strides = [1]} : vector<16xf32> to vector<1xf32>
          %squeeze3A_513 = vector.extract %slice3A_512[0] : f32 from vector<1xf32>
          %mul3A_514 = vector.broadcast %squeeze3A_513 : f32 to vector<16xf32>
          %mul3A_515 = arith.mulf %get3A_511, %mul3A_514 : vector<16xf32>
          %swap3A_516 = arith.index_cast %scan3A_419 : i32 to index
          %swap3A_517 = arith.constant 96 : index
          %swap3A_518 = tpu.vector_load %arg12[%swap3A_516, %swap3A_517] {strides = array<i32>} : memref<128x128xf32, #tpu.memory_space<vmem>>, vector<1x16xf32>,
          %swap3A_519 = vector.shape_cast %swap3A_518 : vector<1x16xf32> to vector<16xf32>
          %swap3A_520 = vector.shape_cast %mul3A_515 : vector<16xf32> to vector<1x16xf32>
          tpu.vector_store %arg12[%swap3A_516, %swap3A_517], %swap3A_520 {strides = array<i32>} : memref<128x128xf32, #tpu.memory_space<vmem>>, vector<1x16xf32>,
          %get3A_521 = arith.index_cast %scan3A_419 : i32 to index
          %get3A_522 = arith.constant 112 : index
          %get3A_523 = tpu.vector_load %arg12[%get3A_521, %get3A_522] {strides = array<i32>} : memref<128x128xf32, #tpu.memory_space<vmem>>, vector<1x16xf32>,
          %get3A_524 = vector.shape_cast %get3A_523 : vector<1x16xf32> to vector<16xf32>
          %slice3A_525 = vector.extract_strided_slice %get3A_429 {offsets = [3], sizes = [1], strides = [1]} : vector<16xf32> to vector<1xf32>
          %squeeze3A_526 = vector.extract %slice3A_525[0] : f32 from vector<1xf32>
          %mul3A_527 = vector.broadcast %squeeze3A_526 : f32 to vector<16xf32>
          %mul3A_528 = arith.mulf %get3A_524, %mul3A_527 : vector<16xf32>
          %swap3A_529 = arith.index_cast %scan3A_419 : i32 to index
          %swap3A_530 = arith.constant 112 : index
          %swap3A_531 = tpu.vector_load %arg12[%swap3A_529, %swap3A_530] {strides = array<i32>} : memref<128x128xf32, #tpu.memory_space<vmem>>, vector<1x16xf32>,
          %swap3A_532 = vector.shape_cast %swap3A_531 : vector<1x16xf32> to vector<16xf32>
          %swap3A_533 = vector.shape_cast %mul3A_528 : vector<16xf32> to vector<1x16xf32>
          tpu.vector_store %arg12[%swap3A_529, %swap3A_530], %swap3A_533 {strides = array<i32>} : memref<128x128xf32, #tpu.memory_space<vmem>>, vector<1x16xf32>,
          %scan3A_534 = arith.constant 0 : i32
          %scan3A_535 = arith.constant 4 : i32
          %scan3A_536 = arith.addi %scan3A_73, %scan3A_535 : i32
          %shift_right_arithmetic3A_537 = arith.constant 3 : i32
          %shift_right_arithmetic3A_538 = arith.shrsi %scan3A_536, %shift_right_arithmetic3A_537 : i32
          %and3A_539 = arith.constant 7 : i32
          %and3A_540 = arith.andi %scan3A_536, %and3A_539 : i32
          %mul3A_541 = arith.constant 16 : i32
          %mul3A_542 = arith.muli %and3A_540, %mul3A_541 : i32
          %get3A_543 = arith.index_cast %shift_right_arithmetic3A_538 : i32 to index
          %get3A_544 = arith.index_cast %mul3A_542 : i32 to index
          %get3A_545 = tpu.vector_load %arg18[%get3A_543, %get3A_544] {strides = array<i32>} : memref<16x128xf32, #tpu.memory_space<vmem>>, vector<1x16xf32>,
          %get3A_546 = vector.shape_cast %get3A_545 : vector<1x16xf32> to vector<16xf32>
          %get3A_547 = arith.index_cast %scan3A_536 : i32 to index
          %get3A_548 = arith.constant 0 : index
          %get3A_549 = tpu.vector_load %arg12[%get3A_547, %get3A_548] {strides = array<i32>} : memref<128x128xf32, #tpu.memory_space<vmem>>, vector<1x16xf32>,
          %get3A_550 = vector.shape_cast %get3A_549 : vector<1x16xf32> to vector<16xf32>
          %slice3A_551 = vector.extract_strided_slice %get3A_546 {offsets = [0], sizes = [1], strides = [1]} : vector<16xf32> to vector<1xf32>
          %squeeze3A_552 = vector.extract %slice3A_551[0] : f32 from vector<1xf32>
          %mul3A_553 = vector.broadcast %squeeze3A_552 : f32 to vector<16xf32>
          %mul3A_554 = arith.mulf %get3A_550, %mul3A_553 : vector<16xf32>
          %swap3A_555 = arith.index_cast %scan3A_536 : i32 to index
          %swap3A_556 = arith.constant 0 : index
          %swap3A_557 = tpu.vector_load %arg12[%swap3A_555, %swap3A_556] {strides = array<i32>} : memref<128x128xf32, #tpu.memory_space<vmem>>, vector<1x16xf32>,
          %swap3A_558 = vector.shape_cast %swap3A_557 : vector<1x16xf32> to vector<16xf32>
          %swap3A_559 = vector.shape_cast %mul3A_554 : vector<16xf32> to vector<1x16xf32>
          tpu.vector_store %arg12[%swap3A_555, %swap3A_556], %swap3A_559 {strides = array<i32>} : memref<128x128xf32, #tpu.memory_space<vmem>>, vector<1x16xf32>,
          %get3A_560 = arith.index_cast %scan3A_536 : i32 to index
          %get3A_561 = arith.constant 16 : index
          %get3A_562 = tpu.vector_load %arg12[%get3A_560, %get3A_561] {strides = array<i32>} : memref<128x128xf32, #tpu.memory_space<vmem>>, vector<1x16xf32>,
          %get3A_563 = vector.shape_cast %get3A_562 : vector<1x16xf32> to vector<16xf32>
          %slice3A_564 = vector.extract_strided_slice %get3A_546 {offsets = [0], sizes = [1], strides = [1]} : vector<16xf32> to vector<1xf32>
          %squeeze3A_565 = vector.extract %slice3A_564[0] : f32 from vector<1xf32>
          %mul3A_566 = vector.broadcast %squeeze3A_565 : f32 to vector<16xf32>
          %mul3A_567 = arith.mulf %get3A_563, %mul3A_566 : vector<16xf32>
          %swap3A_568 = arith.index_cast %scan3A_536 : i32 to index
          %swap3A_569 = arith.constant 16 : index
          %swap3A_570 = tpu.vector_load %arg12[%swap3A_568, %swap3A_569] {strides = array<i32>} : memref<128x128xf32, #tpu.memory_space<vmem>>, vector<1x16xf32>,
          %swap3A_571 = vector.shape_cast %swap3A_570 : vector<1x16xf32> to vector<16xf32>
          %swap3A_572 = vector.shape_cast %mul3A_567 : vector<16xf32> to vector<1x16xf32>
          tpu.vector_store %arg12[%swap3A_568, %swap3A_569], %swap3A_572 {strides = array<i32>} : memref<128x128xf32, #tpu.memory_space<vmem>>, vector<1x16xf32>,
          %get3A_573 = arith.index_cast %scan3A_536 : i32 to index
          %get3A_574 = arith.constant 32 : index
          %get3A_575 = tpu.vector_load %arg12[%get3A_573, %get3A_574] {strides = array<i32>} : memref<128x128xf32, #tpu.memory_space<vmem>>, vector<1x16xf32>,
          %get3A_576 = vector.shape_cast %get3A_575 : vector<1x16xf32> to vector<16xf32>
          %slice3A_577 = vector.extract_strided_slice %get3A_546 {offsets = [1], sizes = [1], strides = [1]} : vector<16xf32> to vector<1xf32>
          %squeeze3A_578 = vector.extract %slice3A_577[0] : f32 from vector<1xf32>
          %mul3A_579 = vector.broadcast %squeeze3A_578 : f32 to vector<16xf32>
          %mul3A_580 = arith.mulf %get3A_576, %mul3A_579 : vector<16xf32>
          %swap3A_581 = arith.index_cast %scan3A_536 : i32 to index
          %swap3A_582 = arith.constant 32 : index
          %swap3A_583 = tpu.vector_load %arg12[%swap3A_581, %swap3A_582] {strides = array<i32>} : memref<128x128xf32, #tpu.memory_space<vmem>>, vector<1x16xf32>,
          %swap3A_584 = vector.shape_cast %swap3A_583 : vector<1x16xf32> to vector<16xf32>
          %swap3A_585 = vector.shape_cast %mul3A_580 : vector<16xf32> to vector<1x16xf32>
          tpu.vector_store %arg12[%swap3A_581, %swap3A_582], %swap3A_585 {strides = array<i32>} : memref<128x128xf32, #tpu.memory_space<vmem>>, vector<1x16xf32>,
          %get3A_586 = arith.index_cast %scan3A_536 : i32 to index
          %get3A_587 = arith.constant 48 : index
          %get3A_588 = tpu.vector_load %arg12[%get3A_586, %get3A_587] {strides = array<i32>} : memref<128x128xf32, #tpu.memory_space<vmem>>, vector<1x16xf32>,
          %get3A_589 = vector.shape_cast %get3A_588 : vector<1x16xf32> to vector<16xf32>
          %slice3A_590 = vector.extract_strided_slice %get3A_546 {offsets = [1], sizes = [1], strides = [1]} : vector<16xf32> to vector<1xf32>
          %squeeze3A_591 = vector.extract %slice3A_590[0] : f32 from vector<1xf32>
          %mul3A_592 = vector.broadcast %squeeze3A_591 : f32 to vector<16xf32>
          %mul3A_593 = arith.mulf %get3A_589, %mul3A_592 : vector<16xf32>
          %swap3A_594 = arith.index_cast %scan3A_536 : i32 to index
          %swap3A_595 = arith.constant 48 : index
          %swap3A_596 = tpu.vector_load %arg12[%swap3A_594, %swap3A_595] {strides = array<i32>} : memref<128x128xf32, #tpu.memory_space<vmem>>, vector<1x16xf32>,
          %swap3A_597 = vector.shape_cast %swap3A_596 : vector<1x16xf32> to vector<16xf32>
          %swap3A_598 = vector.shape_cast %mul3A_593 : vector<16xf32> to vector<1x16xf32>
          tpu.vector_store %arg12[%swap3A_594, %swap3A_595], %swap3A_598 {strides = array<i32>} : memref<128x128xf32, #tpu.memory_space<vmem>>, vector<1x16xf32>,
          %get3A_599 = arith.index_cast %scan3A_536 : i32 to index
          %get3A_600 = arith.constant 64 : index
          %get3A_601 = tpu.vector_load %arg12[%get3A_599, %get3A_600] {strides = array<i32>} : memref<128x128xf32, #tpu.memory_space<vmem>>, vector<1x16xf32>,
          %get3A_602 = vector.shape_cast %get3A_601 : vector<1x16xf32> to vector<16xf32>
          %slice3A_603 = vector.extract_strided_slice %get3A_546 {offsets = [2], sizes = [1], strides = [1]} : vector<16xf32> to vector<1xf32>
          %squeeze3A_604 = vector.extract %slice3A_603[0] : f32 from vector<1xf32>
          %mul3A_605 = vector.broadcast %squeeze3A_604 : f32 to vector<16xf32>
          %mul3A_606 = arith.mulf %get3A_602, %mul3A_605 : vector<16xf32>
          %swap3A_607 = arith.index_cast %scan3A_536 : i32 to index
          %swap3A_608 = arith.constant 64 : index
          %swap3A_609 = tpu.vector_load %arg12[%swap3A_607, %swap3A_608] {strides = array<i32>} : memref<128x128xf32, #tpu.memory_space<vmem>>, vector<1x16xf32>,
          %swap3A_610 = vector.shape_cast %swap3A_609 : vector<1x16xf32> to vector<16xf32>
          %swap3A_611 = vector.shape_cast %mul3A_606 : vector<16xf32> to vector<1x16xf32>
          tpu.vector_store %arg12[%swap3A_607, %swap3A_608], %swap3A_611 {strides = array<i32>} : memref<128x128xf32, #tpu.memory_space<vmem>>, vector<1x16xf32>,
          %get3A_612 = arith.index_cast %scan3A_536 : i32 to index
          %get3A_613 = arith.constant 80 : index
          %get3A_614 = tpu.vector_load %arg12[%get3A_612, %get3A_613] {strides = array<i32>} : memref<128x128xf32, #tpu.memory_space<vmem>>, vector<1x16xf32>,
          %get3A_615 = vector.shape_cast %get3A_614 : vector<1x16xf32> to vector<16xf32>
          %slice3A_616 = vector.extract_strided_slice %get3A_546 {offsets = [2], sizes = [1], strides = [1]} : vector<16xf32> to vector<1xf32>
          %squeeze3A_617 = vector.extract %slice3A_616[0] : f32 from vector<1xf32>
          %mul3A_618 = vector.broadcast %squeeze3A_617 : f32 to vector<16xf32>
          %mul3A_619 = arith.mulf %get3A_615, %mul3A_618 : vector<16xf32>
          %swap3A_620 = arith.index_cast %scan3A_536 : i32 to index
          %swap3A_621 = arith.constant 80 : index
          %swap3A_622 = tpu.vector_load %arg12[%swap3A_620, %swap3A_621] {strides = array<i32>} : memref<128x128xf32, #tpu.memory_space<vmem>>, vector<1x16xf32>,
          %swap3A_623 = vector.shape_cast %swap3A_622 : vector<1x16xf32> to vector<16xf32>
          %swap3A_624 = vector.shape_cast %mul3A_619 : vector<16xf32> to vector<1x16xf32>
          tpu.vector_store %arg12[%swap3A_620, %swap3A_621], %swap3A_624 {strides = array<i32>} : memref<128x128xf32, #tpu.memory_space<vmem>>, vector<1x16xf32>,
          %get3A_625 = arith.index_cast %scan3A_536 : i32 to index
          %get3A_626 = arith.constant 96 : index
          %get3A_627 = tpu.vector_load %arg12[%get3A_625, %get3A_626] {strides = array<i32>} : memref<128x128xf32, #tpu.memory_space<vmem>>, vector<1x16xf32>,
          %get3A_628 = vector.shape_cast %get3A_627 : vector<1x16xf32> to vector<16xf32>
          %slice3A_629 = vector.extract_strided_slice %get3A_546 {offsets = [3], sizes = [1], strides = [1]} : vector<16xf32> to vector<1xf32>
          %squeeze3A_630 = vector.extract %slice3A_629[0] : f32 from vector<1xf32>
          %mul3A_631 = vector.broadcast %squeeze3A_630 : f32 to vector<16xf32>
          %mul3A_632 = arith.mulf %get3A_628, %mul3A_631 : vector<16xf32>
          %swap3A_633 = arith.index_cast %scan3A_536 : i32 to index
          %swap3A_634 = arith.constant 96 : index
          %swap3A_635 = tpu.vector_load %arg12[%swap3A_633, %swap3A_634] {strides = array<i32>} : memref<128x128xf32, #tpu.memory_space<vmem>>, vector<1x16xf32>,
          %swap3A_636 = vector.shape_cast %swap3A_635 : vector<1x16xf32> to vector<16xf32>
          %swap3A_637 = vector.shape_cast %mul3A_632 : vector<16xf32> to vector<1x16xf32>
          tpu.vector_store %arg12[%swap3A_633, %swap3A_634], %swap3A_637 {strides = array<i32>} : memref<128x128xf32, #tpu.memory_space<vmem>>, vector<1x16xf32>,
          %get3A_638 = arith.index_cast %scan3A_536 : i32 to index
          %get3A_639 = arith.constant 112 : index
          %get3A_640 = tpu.vector_load %arg12[%get3A_638, %get3A_639] {strides = array<i32>} : memref<128x128xf32, #tpu.memory_space<vmem>>, vector<1x16xf32>,
          %get3A_641 = vector.shape_cast %get3A_640 : vector<1x16xf32> to vector<16xf32>
          %slice3A_642 = vector.extract_strided_slice %get3A_546 {offsets = [3], sizes = [1], strides = [1]} : vector<16xf32> to vector<1xf32>
          %squeeze3A_643 = vector.extract %slice3A_642[0] : f32 from vector<1xf32>
          %mul3A_644 = vector.broadcast %squeeze3A_643 : f32 to vector<16xf32>
          %mul3A_645 = arith.mulf %get3A_641, %mul3A_644 : vector<16xf32>
          %swap3A_646 = arith.index_cast %scan3A_536 : i32 to index
          %swap3A_647 = arith.constant 112 : index
          %swap3A_648 = tpu.vector_load %arg12[%swap3A_646, %swap3A_647] {strides = array<i32>} : memref<128x128xf32, #tpu.memory_space<vmem>>, vector<1x16xf32>,
          %swap3A_649 = vector.shape_cast %swap3A_648 : vector<1x16xf32> to vector<16xf32>
          %swap3A_650 = vector.shape_cast %mul3A_645 : vector<16xf32> to vector<1x16xf32>
          tpu.vector_store %arg12[%swap3A_646, %swap3A_647], %swap3A_650 {strides = array<i32>} : memref<128x128xf32, #tpu.memory_space<vmem>>, vector<1x16xf32>,
          %scan3A_651 = arith.constant 0 : i32
          %scan3A_652 = arith.constant 5 : i32
          %scan3A_653 = arith.addi %scan3A_73, %scan3A_652 : i32
          %shift_right_arithmetic3A_654 = arith.constant 3 : i32
          %shift_right_arithmetic3A_655 = arith.shrsi %scan3A_653, %shift_right_arithmetic3A_654 : i32
          %and3A_656 = arith.constant 7 : i32
          %and3A_657 = arith.andi %scan3A_653, %and3A_656 : i32
          %mul3A_658 = arith.constant 16 : i32
          %mul3A_659 = arith.muli %and3A_657, %mul3A_658 : i32
          %get3A_660 = arith.index_cast %shift_right_arithmetic3A_655 : i32 to index
          %get3A_661 = arith.index_cast %mul3A_659 : i32 to index
          %get3A_662 = tpu.vector_load %arg18[%get3A_660, %get3A_661] {strides = array<i32>} : memref<16x128xf32, #tpu.memory_space<vmem>>, vector<1x16xf32>,
          %get3A_663 = vector.shape_cast %get3A_662 : vector<1x16xf32> to vector<16xf32>
          %get3A_664 = arith.index_cast %scan3A_653 : i32 to index
          %get3A_665 = arith.constant 0 : index
          %get3A_666 = tpu.vector_load %arg12[%get3A_664, %get3A_665] {strides = array<i32>} : memref<128x128xf32, #tpu.memory_space<vmem>>, vector<1x16xf32>,
          %get3A_667 = vector.shape_cast %get3A_666 : vector<1x16xf32> to vector<16xf32>
          %slice3A_668 = vector.extract_strided_slice %get3A_663 {offsets = [0], sizes = [1], strides = [1]} : vector<16xf32> to vector<1xf32>
          %squeeze3A_669 = vector.extract %slice3A_668[0] : f32 from vector<1xf32>
          %mul3A_670 = vector.broadcast %squeeze3A_669 : f32 to vector<16xf32>
          %mul3A_671 = arith.mulf %get3A_667, %mul3A_670 : vector<16xf32>
          %swap3A_672 = arith.index_cast %scan3A_653 : i32 to index
          %swap3A_673 = arith.constant 0 : index
          %swap3A_674 = tpu.vector_load %arg12[%swap3A_672, %swap3A_673] {strides = array<i32>} : memref<128x128xf32, #tpu.memory_space<vmem>>, vector<1x16xf32>,
          %swap3A_675 = vector.shape_cast %swap3A_674 : vector<1x16xf32> to vector<16xf32>
          %swap3A_676 = vector.shape_cast %mul3A_671 : vector<16xf32> to vector<1x16xf32>
          tpu.vector_store %arg12[%swap3A_672, %swap3A_673], %swap3A_676 {strides = array<i32>} : memref<128x128xf32, #tpu.memory_space<vmem>>, vector<1x16xf32>,
          %get3A_677 = arith.index_cast %scan3A_653 : i32 to index
          %get3A_678 = arith.constant 16 : index
          %get3A_679 = tpu.vector_load %arg12[%get3A_677, %get3A_678] {strides = array<i32>} : memref<128x128xf32, #tpu.memory_space<vmem>>, vector<1x16xf32>,
          %get3A_680 = vector.shape_cast %get3A_679 : vector<1x16xf32> to vector<16xf32>
          %slice3A_681 = vector.extract_strided_slice %get3A_663 {offsets = [0], sizes = [1], strides = [1]} : vector<16xf32> to vector<1xf32>
          %squeeze3A_682 = vector.extract %slice3A_681[0] : f32 from vector<1xf32>
          %mul3A_683 = vector.broadcast %squeeze3A_682 : f32 to vector<16xf32>
          %mul3A_684 = arith.mulf %get3A_680, %mul3A_683 : vector<16xf32>
          %swap3A_685 = arith.index_cast %scan3A_653 : i32 to index
          %swap3A_686 = arith.constant 16 : index
          %swap3A_687 = tpu.vector_load %arg12[%swap3A_685, %swap3A_686] {strides = array<i32>} : memref<128x128xf32, #tpu.memory_space<vmem>>, vector<1x16xf32>,
          %swap3A_688 = vector.shape_cast %swap3A_687 : vector<1x16xf32> to vector<16xf32>
          %swap3A_689 = vector.shape_cast %mul3A_684 : vector<16xf32> to vector<1x16xf32>
          tpu.vector_store %arg12[%swap3A_685, %swap3A_686], %swap3A_689 {strides = array<i32>} : memref<128x128xf32, #tpu.memory_space<vmem>>, vector<1x16xf32>,
          %get3A_690 = arith.index_cast %scan3A_653 : i32 to index
          %get3A_691 = arith.constant 32 : index
          %get3A_692 = tpu.vector_load %arg12[%get3A_690, %get3A_691] {strides = array<i32>} : memref<128x128xf32, #tpu.memory_space<vmem>>, vector<1x16xf32>,
          %get3A_693 = vector.shape_cast %get3A_692 : vector<1x16xf32> to vector<16xf32>
          %slice3A_694 = vector.extract_strided_slice %get3A_663 {offsets = [1], sizes = [1], strides = [1]} : vector<16xf32> to vector<1xf32>
          %squeeze3A_695 = vector.extract %slice3A_694[0] : f32 from vector<1xf32>
          %mul3A_696 = vector.broadcast %squeeze3A_695 : f32 to vector<16xf32>
          %mul3A_697 = arith.mulf %get3A_693, %mul3A_696 : vector<16xf32>
          %swap3A_698 = arith.index_cast %scan3A_653 : i32 to index
          %swap3A_699 = arith.constant 32 : index
          %swap3A_700 = tpu.vector_load %arg12[%swap3A_698, %swap3A_699] {strides = array<i32>} : memref<128x128xf32, #tpu.memory_space<vmem>>, vector<1x16xf32>,
          %swap3A_701 = vector.shape_cast %swap3A_700 : vector<1x16xf32> to vector<16xf32>
          %swap3A_702 = vector.shape_cast %mul3A_697 : vector<16xf32> to vector<1x16xf32>
          tpu.vector_store %arg12[%swap3A_698, %swap3A_699], %swap3A_702 {strides = array<i32>} : memref<128x128xf32, #tpu.memory_space<vmem>>, vector<1x16xf32>,
          %get3A_703 = arith.index_cast %scan3A_653 : i32 to index
          %get3A_704 = arith.constant 48 : index
          %get3A_705 = tpu.vector_load %arg12[%get3A_703, %get3A_704] {strides = array<i32>} : memref<128x128xf32, #tpu.memory_space<vmem>>, vector<1x16xf32>,
          %get3A_706 = vector.shape_cast %get3A_705 : vector<1x16xf32> to vector<16xf32>
          %slice3A_707 = vector.extract_strided_slice %get3A_663 {offsets = [1], sizes = [1], strides = [1]} : vector<16xf32> to vector<1xf32>
          %squeeze3A_708 = vector.extract %slice3A_707[0] : f32 from vector<1xf32>
          %mul3A_709 = vector.broadcast %squeeze3A_708 : f32 to vector<16xf32>
          %mul3A_710 = arith.mulf %get3A_706, %mul3A_709 : vector<16xf32>
          %swap3A_711 = arith.index_cast %scan3A_653 : i32 to index
          %swap3A_712 = arith.constant 48 : index
          %swap3A_713 = tpu.vector_load %arg12[%swap3A_711, %swap3A_712] {strides = array<i32>} : memref<128x128xf32, #tpu.memory_space<vmem>>, vector<1x16xf32>,
          %swap3A_714 = vector.shape_cast %swap3A_713 : vector<1x16xf32> to vector<16xf32>
          %swap3A_715 = vector.shape_cast %mul3A_710 : vector<16xf32> to vector<1x16xf32>
          tpu.vector_store %arg12[%swap3A_711, %swap3A_712], %swap3A_715 {strides = array<i32>} : memref<128x128xf32, #tpu.memory_space<vmem>>, vector<1x16xf32>,
          %get3A_716 = arith.index_cast %scan3A_653 : i32 to index
          %get3A_717 = arith.constant 64 : index
          %get3A_718 = tpu.vector_load %arg12[%get3A_716, %get3A_717] {strides = array<i32>} : memref<128x128xf32, #tpu.memory_space<vmem>>, vector<1x16xf32>,
          %get3A_719 = vector.shape_cast %get3A_718 : vector<1x16xf32> to vector<16xf32>
          %slice3A_720 = vector.extract_strided_slice %get3A_663 {offsets = [2], sizes = [1], strides = [1]} : vector<16xf32> to vector<1xf32>
          %squeeze3A_721 = vector.extract %slice3A_720[0] : f32 from vector<1xf32>
          %mul3A_722 = vector.broadcast %squeeze3A_721 : f32 to vector<16xf32>
          %mul3A_723 = arith.mulf %get3A_719, %mul3A_722 : vector<16xf32>
          %swap3A_724 = arith.index_cast %scan3A_653 : i32 to index
          %swap3A_725 = arith.constant 64 : index
          %swap3A_726 = tpu.vector_load %arg12[%swap3A_724, %swap3A_725] {strides = array<i32>} : memref<128x128xf32, #tpu.memory_space<vmem>>, vector<1x16xf32>,
          %swap3A_727 = vector.shape_cast %swap3A_726 : vector<1x16xf32> to vector<16xf32>
          %swap3A_728 = vector.shape_cast %mul3A_723 : vector<16xf32> to vector<1x16xf32>
          tpu.vector_store %arg12[%swap3A_724, %swap3A_725], %swap3A_728 {strides = array<i32>} : memref<128x128xf32, #tpu.memory_space<vmem>>, vector<1x16xf32>,
          %get3A_729 = arith.index_cast %scan3A_653 : i32 to index
          %get3A_730 = arith.constant 80 : index
          %get3A_731 = tpu.vector_load %arg12[%get3A_729, %get3A_730] {strides = array<i32>} : memref<128x128xf32, #tpu.memory_space<vmem>>, vector<1x16xf32>,
          %get3A_732 = vector.shape_cast %get3A_731 : vector<1x16xf32> to vector<16xf32>
          %slice3A_733 = vector.extract_strided_slice %get3A_663 {offsets = [2], sizes = [1], strides = [1]} : vector<16xf32> to vector<1xf32>
          %squeeze3A_734 = vector.extract %slice3A_733[0] : f32 from vector<1xf32>
          %mul3A_735 = vector.broadcast %squeeze3A_734 : f32 to vector<16xf32>
          %mul3A_736 = arith.mulf %get3A_732, %mul3A_735 : vector<16xf32>
          %swap3A_737 = arith.index_cast %scan3A_653 : i32 to index
          %swap3A_738 = arith.constant 80 : index
          %swap3A_739 = tpu.vector_load %arg12[%swap3A_737, %swap3A_738] {strides = array<i32>} : memref<128x128xf32, #tpu.memory_space<vmem>>, vector<1x16xf32>,
          %swap3A_740 = vector.shape_cast %swap3A_739 : vector<1x16xf32> to vector<16xf32>
          %swap3A_741 = vector.shape_cast %mul3A_736 : vector<16xf32> to vector<1x16xf32>
          tpu.vector_store %arg12[%swap3A_737, %swap3A_738], %swap3A_741 {strides = array<i32>} : memref<128x128xf32, #tpu.memory_space<vmem>>, vector<1x16xf32>,
          %get3A_742 = arith.index_cast %scan3A_653 : i32 to index
          %get3A_743 = arith.constant 96 : index
          %get3A_744 = tpu.vector_load %arg12[%get3A_742, %get3A_743] {strides = array<i32>} : memref<128x128xf32, #tpu.memory_space<vmem>>, vector<1x16xf32>,
          %get3A_745 = vector.shape_cast %get3A_744 : vector<1x16xf32> to vector<16xf32>
          %slice3A_746 = vector.extract_strided_slice %get3A_663 {offsets = [3], sizes = [1], strides = [1]} : vector<16xf32> to vector<1xf32>
          %squeeze3A_747 = vector.extract %slice3A_746[0] : f32 from vector<1xf32>
          %mul3A_748 = vector.broadcast %squeeze3A_747 : f32 to vector<16xf32>
          %mul3A_749 = arith.mulf %get3A_745, %mul3A_748 : vector<16xf32>
          %swap3A_750 = arith.index_cast %scan3A_653 : i32 to index
          %swap3A_751 = arith.constant 96 : index
          %swap3A_752 = tpu.vector_load %arg12[%swap3A_750, %swap3A_751] {strides = array<i32>} : memref<128x128xf32, #tpu.memory_space<vmem>>, vector<1x16xf32>,
          %swap3A_753 = vector.shape_cast %swap3A_752 : vector<1x16xf32> to vector<16xf32>
          %swap3A_754 = vector.shape_cast %mul3A_749 : vector<16xf32> to vector<1x16xf32>
          tpu.vector_store %arg12[%swap3A_750, %swap3A_751], %swap3A_754 {strides = array<i32>} : memref<128x128xf32, #tpu.memory_space<vmem>>, vector<1x16xf32>,
          %get3A_755 = arith.index_cast %scan3A_653 : i32 to index
          %get3A_756 = arith.constant 112 : index
          %get3A_757 = tpu.vector_load %arg12[%get3A_755, %get3A_756] {strides = array<i32>} : memref<128x128xf32, #tpu.memory_space<vmem>>, vector<1x16xf32>,
          %get3A_758 = vector.shape_cast %get3A_757 : vector<1x16xf32> to vector<16xf32>
          %slice3A_759 = vector.extract_strided_slice %get3A_663 {offsets = [3], sizes = [1], strides = [1]} : vector<16xf32> to vector<1xf32>
          %squeeze3A_760 = vector.extract %slice3A_759[0] : f32 from vector<1xf32>
          %mul3A_761 = vector.broadcast %squeeze3A_760 : f32 to vector<16xf32>
          %mul3A_762 = arith.mulf %get3A_758, %mul3A_761 : vector<16xf32>
          %swap3A_763 = arith.index_cast %scan3A_653 : i32 to index
          %swap3A_764 = arith.constant 112 : index
          %swap3A_765 = tpu.vector_load %arg12[%swap3A_763, %swap3A_764] {strides = array<i32>} : memref<128x128xf32, #tpu.memory_space<vmem>>, vector<1x16xf32>,
          %swap3A_766 = vector.shape_cast %swap3A_765 : vector<1x16xf32> to vector<16xf32>
          %swap3A_767 = vector.shape_cast %mul3A_762 : vector<16xf32> to vector<1x16xf32>
          tpu.vector_store %arg12[%swap3A_763, %swap3A_764], %swap3A_767 {strides = array<i32>} : memref<128x128xf32, #tpu.memory_space<vmem>>, vector<1x16xf32>,
          %scan3A_768 = arith.constant 0 : i32
          %scan3A_769 = arith.constant 6 : i32
          %scan3A_770 = arith.addi %scan3A_73, %scan3A_769 : i32
          %shift_right_arithmetic3A_771 = arith.constant 3 : i32
          %shift_right_arithmetic3A_772 = arith.shrsi %scan3A_770, %shift_right_arithmetic3A_771 : i32
          %and3A_773 = arith.constant 7 : i32
          %and3A_774 = arith.andi %scan3A_770, %and3A_773 : i32
          %mul3A_775 = arith.constant 16 : i32
          %mul3A_776 = arith.muli %and3A_774, %mul3A_775 : i32
          %get3A_777 = arith.index_cast %shift_right_arithmetic3A_772 : i32 to index
          %get3A_778 = arith.index_cast %mul3A_776 : i32 to index
          %get3A_779 = tpu.vector_load %arg18[%get3A_777, %get3A_778] {strides = array<i32>} : memref<16x128xf32, #tpu.memory_space<vmem>>, vector<1x16xf32>,
          %get3A_780 = vector.shape_cast %get3A_779 : vector<1x16xf32> to vector<16xf32>
          %get3A_781 = arith.index_cast %scan3A_770 : i32 to index
          %get3A_782 = arith.constant 0 : index
          %get3A_783 = tpu.vector_load %arg12[%get3A_781, %get3A_782] {strides = array<i32>} : memref<128x128xf32, #tpu.memory_space<vmem>>, vector<1x16xf32>,
          %get3A_784 = vector.shape_cast %get3A_783 : vector<1x16xf32> to vector<16xf32>
          %slice3A_785 = vector.extract_strided_slice %get3A_780 {offsets = [0], sizes = [1], strides = [1]} : vector<16xf32> to vector<1xf32>
          %squeeze3A_786 = vector.extract %slice3A_785[0] : f32 from vector<1xf32>
          %mul3A_787 = vector.broadcast %squeeze3A_786 : f32 to vector<16xf32>
          %mul3A_788 = arith.mulf %get3A_784, %mul3A_787 : vector<16xf32>
          %swap3A_789 = arith.index_cast %scan3A_770 : i32 to index
          %swap3A_790 = arith.constant 0 : index
          %swap3A_791 = tpu.vector_load %arg12[%swap3A_789, %swap3A_790] {strides = array<i32>} : memref<128x128xf32, #tpu.memory_space<vmem>>, vector<1x16xf32>,
          %swap3A_792 = vector.shape_cast %swap3A_791 : vector<1x16xf32> to vector<16xf32>
          %swap3A_793 = vector.shape_cast %mul3A_788 : vector<16xf32> to vector<1x16xf32>
          tpu.vector_store %arg12[%swap3A_789, %swap3A_790], %swap3A_793 {strides = array<i32>} : memref<128x128xf32, #tpu.memory_space<vmem>>, vector<1x16xf32>,
          %get3A_794 = arith.index_cast %scan3A_770 : i32 to index
          %get3A_795 = arith.constant 16 : index
          %get3A_796 = tpu.vector_load %arg12[%get3A_794, %get3A_795] {strides = array<i32>} : memref<128x128xf32, #tpu.memory_space<vmem>>, vector<1x16xf32>,
          %get3A_797 = vector.shape_cast %get3A_796 : vector<1x16xf32> to vector<16xf32>
          %slice3A_798 = vector.extract_strided_slice %get3A_780 {offsets = [0], sizes = [1], strides = [1]} : vector<16xf32> to vector<1xf32>
          %squeeze3A_799 = vector.extract %slice3A_798[0] : f32 from vector<1xf32>
          %mul3A_800 = vector.broadcast %squeeze3A_799 : f32 to vector<16xf32>
          %mul3A_801 = arith.mulf %get3A_797, %mul3A_800 : vector<16xf32>
          %swap3A_802 = arith.index_cast %scan3A_770 : i32 to index
          %swap3A_803 = arith.constant 16 : index
          %swap3A_804 = tpu.vector_load %arg12[%swap3A_802, %swap3A_803] {strides = array<i32>} : memref<128x128xf32, #tpu.memory_space<vmem>>, vector<1x16xf32>,
          %swap3A_805 = vector.shape_cast %swap3A_804 : vector<1x16xf32> to vector<16xf32>
          %swap3A_806 = vector.shape_cast %mul3A_801 : vector<16xf32> to vector<1x16xf32>
          tpu.vector_store %arg12[%swap3A_802, %swap3A_803], %swap3A_806 {strides = array<i32>} : memref<128x128xf32, #tpu.memory_space<vmem>>, vector<1x16xf32>,
          %get3A_807 = arith.index_cast %scan3A_770 : i32 to index
          %get3A_808 = arith.constant 32 : index
          %get3A_809 = tpu.vector_load %arg12[%get3A_807, %get3A_808] {strides = array<i32>} : memref<128x128xf32, #tpu.memory_space<vmem>>, vector<1x16xf32>,
          %get3A_810 = vector.shape_cast %get3A_809 : vector<1x16xf32> to vector<16xf32>
          %slice3A_811 = vector.extract_strided_slice %get3A_780 {offsets = [1], sizes = [1], strides = [1]} : vector<16xf32> to vector<1xf32>
          %squeeze3A_812 = vector.extract %slice3A_811[0] : f32 from vector<1xf32>
          %mul3A_813 = vector.broadcast %squeeze3A_812 : f32 to vector<16xf32>
          %mul3A_814 = arith.mulf %get3A_810, %mul3A_813 : vector<16xf32>
          %swap3A_815 = arith.index_cast %scan3A_770 : i32 to index
          %swap3A_816 = arith.constant 32 : index
          %swap3A_817 = tpu.vector_load %arg12[%swap3A_815, %swap3A_816] {strides = array<i32>} : memref<128x128xf32, #tpu.memory_space<vmem>>, vector<1x16xf32>,
          %swap3A_818 = vector.shape_cast %swap3A_817 : vector<1x16xf32> to vector<16xf32>
          %swap3A_819 = vector.shape_cast %mul3A_814 : vector<16xf32> to vector<1x16xf32>
          tpu.vector_store %arg12[%swap3A_815, %swap3A_816], %swap3A_819 {strides = array<i32>} : memref<128x128xf32, #tpu.memory_space<vmem>>, vector<1x16xf32>,
          %get3A_820 = arith.index_cast %scan3A_770 : i32 to index
          %get3A_821 = arith.constant 48 : index
          %get3A_822 = tpu.vector_load %arg12[%get3A_820, %get3A_821] {strides = array<i32>} : memref<128x128xf32, #tpu.memory_space<vmem>>, vector<1x16xf32>,
          %get3A_823 = vector.shape_cast %get3A_822 : vector<1x16xf32> to vector<16xf32>
          %slice3A_824 = vector.extract_strided_slice %get3A_780 {offsets = [1], sizes = [1], strides = [1]} : vector<16xf32> to vector<1xf32>
          %squeeze3A_825 = vector.extract %slice3A_824[0] : f32 from vector<1xf32>
          %mul3A_826 = vector.broadcast %squeeze3A_825 : f32 to vector<16xf32>
          %mul3A_827 = arith.mulf %get3A_823, %mul3A_826 : vector<16xf32>
          %swap3A_828 = arith.index_cast %scan3A_770 : i32 to index
          %swap3A_829 = arith.constant 48 : index
          %swap3A_830 = tpu.vector_load %arg12[%swap3A_828, %swap3A_829] {strides = array<i32>} : memref<128x128xf32, #tpu.memory_space<vmem>>, vector<1x16xf32>,
          %swap3A_831 = vector.shape_cast %swap3A_830 : vector<1x16xf32> to vector<16xf32>
          %swap3A_832 = vector.shape_cast %mul3A_827 : vector<16xf32> to vector<1x16xf32>
          tpu.vector_store %arg12[%swap3A_828, %swap3A_829], %swap3A_832 {strides = array<i32>} : memref<128x128xf32, #tpu.memory_space<vmem>>, vector<1x16xf32>,
          %get3A_833 = arith.index_cast %scan3A_770 : i32 to index
          %get3A_834 = arith.constant 64 : index
          %get3A_835 = tpu.vector_load %arg12[%get3A_833, %get3A_834] {strides = array<i32>} : memref<128x128xf32, #tpu.memory_space<vmem>>, vector<1x16xf32>,
          %get3A_836 = vector.shape_cast %get3A_835 : vector<1x16xf32> to vector<16xf32>
          %slice3A_837 = vector.extract_strided_slice %get3A_780 {offsets = [2], sizes = [1], strides = [1]} : vector<16xf32> to vector<1xf32>
          %squeeze3A_838 = vector.extract %slice3A_837[0] : f32 from vector<1xf32>
          %mul3A_839 = vector.broadcast %squeeze3A_838 : f32 to vector<16xf32>
          %mul3A_840 = arith.mulf %get3A_836, %mul3A_839 : vector<16xf32>
          %swap3A_841 = arith.index_cast %scan3A_770 : i32 to index
          %swap3A_842 = arith.constant 64 : index
          %swap3A_843 = tpu.vector_load %arg12[%swap3A_841, %swap3A_842] {strides = array<i32>} : memref<128x128xf32, #tpu.memory_space<vmem>>, vector<1x16xf32>,
          %swap3A_844 = vector.shape_cast %swap3A_843 : vector<1x16xf32> to vector<16xf32>
          %swap3A_845 = vector.shape_cast %mul3A_840 : vector<16xf32> to vector<1x16xf32>
          tpu.vector_store %arg12[%swap3A_841, %swap3A_842], %swap3A_845 {strides = array<i32>} : memref<128x128xf32, #tpu.memory_space<vmem>>, vector<1x16xf32>,
          %get3A_846 = arith.index_cast %scan3A_770 : i32 to index
          %get3A_847 = arith.constant 80 : index
          %get3A_848 = tpu.vector_load %arg12[%get3A_846, %get3A_847] {strides = array<i32>} : memref<128x128xf32, #tpu.memory_space<vmem>>, vector<1x16xf32>,
          %get3A_849 = vector.shape_cast %get3A_848 : vector<1x16xf32> to vector<16xf32>
          %slice3A_850 = vector.extract_strided_slice %get3A_780 {offsets = [2], sizes = [1], strides = [1]} : vector<16xf32> to vector<1xf32>
          %squeeze3A_851 = vector.extract %slice3A_850[0] : f32 from vector<1xf32>
          %mul3A_852 = vector.broadcast %squeeze3A_851 : f32 to vector<16xf32>
          %mul3A_853 = arith.mulf %get3A_849, %mul3A_852 : vector<16xf32>
          %swap3A_854 = arith.index_cast %scan3A_770 : i32 to index
          %swap3A_855 = arith.constant 80 : index
          %swap3A_856 = tpu.vector_load %arg12[%swap3A_854, %swap3A_855] {strides = array<i32>} : memref<128x128xf32, #tpu.memory_space<vmem>>, vector<1x16xf32>,
          %swap3A_857 = vector.shape_cast %swap3A_856 : vector<1x16xf32> to vector<16xf32>
          %swap3A_858 = vector.shape_cast %mul3A_853 : vector<16xf32> to vector<1x16xf32>
          tpu.vector_store %arg12[%swap3A_854, %swap3A_855], %swap3A_858 {strides = array<i32>} : memref<128x128xf32, #tpu.memory_space<vmem>>, vector<1x16xf32>,
          %get3A_859 = arith.index_cast %scan3A_770 : i32 to index
          %get3A_860 = arith.constant 96 : index
          %get3A_861 = tpu.vector_load %arg12[%get3A_859, %get3A_860] {strides = array<i32>} : memref<128x128xf32, #tpu.memory_space<vmem>>, vector<1x16xf32>,
          %get3A_862 = vector.shape_cast %get3A_861 : vector<1x16xf32> to vector<16xf32>
          %slice3A_863 = vector.extract_strided_slice %get3A_780 {offsets = [3], sizes = [1], strides = [1]} : vector<16xf32> to vector<1xf32>
          %squeeze3A_864 = vector.extract %slice3A_863[0] : f32 from vector<1xf32>
          %mul3A_865 = vector.broadcast %squeeze3A_864 : f32 to vector<16xf32>
          %mul3A_866 = arith.mulf %get3A_862, %mul3A_865 : vector<16xf32>
          %swap3A_867 = arith.index_cast %scan3A_770 : i32 to index
          %swap3A_868 = arith.constant 96 : index
          %swap3A_869 = tpu.vector_load %arg12[%swap3A_867, %swap3A_868] {strides = array<i32>} : memref<128x128xf32, #tpu.memory_space<vmem>>, vector<1x16xf32>,
          %swap3A_870 = vector.shape_cast %swap3A_869 : vector<1x16xf32> to vector<16xf32>
          %swap3A_871 = vector.shape_cast %mul3A_866 : vector<16xf32> to vector<1x16xf32>
          tpu.vector_store %arg12[%swap3A_867, %swap3A_868], %swap3A_871 {strides = array<i32>} : memref<128x128xf32, #tpu.memory_space<vmem>>, vector<1x16xf32>,
          %get3A_872 = arith.index_cast %scan3A_770 : i32 to index
          %get3A_873 = arith.constant 112 : index
          %get3A_874 = tpu.vector_load %arg12[%get3A_872, %get3A_873] {strides = array<i32>} : memref<128x128xf32, #tpu.memory_space<vmem>>, vector<1x16xf32>,
          %get3A_875 = vector.shape_cast %get3A_874 : vector<1x16xf32> to vector<16xf32>
          %slice3A_876 = vector.extract_strided_slice %get3A_780 {offsets = [3], sizes = [1], strides = [1]} : vector<16xf32> to vector<1xf32>
          %squeeze3A_877 = vector.extract %slice3A_876[0] : f32 from vector<1xf32>
          %mul3A_878 = vector.broadcast %squeeze3A_877 : f32 to vector<16xf32>
          %mul3A_879 = arith.mulf %get3A_875, %mul3A_878 : vector<16xf32>
          %swap3A_880 = arith.index_cast %scan3A_770 : i32 to index
          %swap3A_881 = arith.constant 112 : index
          %swap3A_882 = tpu.vector_load %arg12[%swap3A_880, %swap3A_881] {strides = array<i32>} : memref<128x128xf32, #tpu.memory_space<vmem>>, vector<1x16xf32>,
          %swap3A_883 = vector.shape_cast %swap3A_882 : vector<1x16xf32> to vector<16xf32>
          %swap3A_884 = vector.shape_cast %mul3A_879 : vector<16xf32> to vector<1x16xf32>
          tpu.vector_store %arg12[%swap3A_880, %swap3A_881], %swap3A_884 {strides = array<i32>} : memref<128x128xf32, #tpu.memory_space<vmem>>, vector<1x16xf32>,
          %scan3A_885 = arith.constant 0 : i32
          %scan3A_886 = arith.constant 7 : i32
          %scan3A_887 = arith.addi %scan3A_73, %scan3A_886 : i32
          %shift_right_arithmetic3A_888 = arith.constant 3 : i32
          %shift_right_arithmetic3A_889 = arith.shrsi %scan3A_887, %shift_right_arithmetic3A_888 : i32
          %and3A_890 = arith.constant 7 : i32
          %and3A_891 = arith.andi %scan3A_887, %and3A_890 : i32
          %mul3A_892 = arith.constant 16 : i32
          %mul3A_893 = arith.muli %and3A_891, %mul3A_892 : i32
          %get3A_894 = arith.index_cast %shift_right_arithmetic3A_889 : i32 to index
          %get3A_895 = arith.index_cast %mul3A_893 : i32 to index
          %get3A_896 = tpu.vector_load %arg18[%get3A_894, %get3A_895] {strides = array<i32>} : memref<16x128xf32, #tpu.memory_space<vmem>>, vector<1x16xf32>,
          %get3A_897 = vector.shape_cast %get3A_896 : vector<1x16xf32> to vector<16xf32>
          %get3A_898 = arith.index_cast %scan3A_887 : i32 to index
          %get3A_899 = arith.constant 0 : index
          %get3A_900 = tpu.vector_load %arg12[%get3A_898, %get3A_899] {strides = array<i32>} : memref<128x128xf32, #tpu.memory_space<vmem>>, vector<1x16xf32>,
          %get3A_901 = vector.shape_cast %get3A_900 : vector<1x16xf32> to vector<16xf32>
          %slice3A_902 = vector.extract_strided_slice %get3A_897 {offsets = [0], sizes = [1], strides = [1]} : vector<16xf32> to vector<1xf32>
          %squeeze3A_903 = vector.extract %slice3A_902[0] : f32 from vector<1xf32>
          %mul3A_904 = vector.broadcast %squeeze3A_903 : f32 to vector<16xf32>
          %mul3A_905 = arith.mulf %get3A_901, %mul3A_904 : vector<16xf32>
          %swap3A_906 = arith.index_cast %scan3A_887 : i32 to index
          %swap3A_907 = arith.constant 0 : index
          %swap3A_908 = tpu.vector_load %arg12[%swap3A_906, %swap3A_907] {strides = array<i32>} : memref<128x128xf32, #tpu.memory_space<vmem>>, vector<1x16xf32>,
          %swap3A_909 = vector.shape_cast %swap3A_908 : vector<1x16xf32> to vector<16xf32>
          %swap3A_910 = vector.shape_cast %mul3A_905 : vector<16xf32> to vector<1x16xf32>
          tpu.vector_store %arg12[%swap3A_906, %swap3A_907], %swap3A_910 {strides = array<i32>} : memref<128x128xf32, #tpu.memory_space<vmem>>, vector<1x16xf32>,
          %get3A_911 = arith.index_cast %scan3A_887 : i32 to index
          %get3A_912 = arith.constant 16 : index
          %get3A_913 = tpu.vector_load %arg12[%get3A_911, %get3A_912] {strides = array<i32>} : memref<128x128xf32, #tpu.memory_space<vmem>>, vector<1x16xf32>,
          %get3A_914 = vector.shape_cast %get3A_913 : vector<1x16xf32> to vector<16xf32>
          %slice3A_915 = vector.extract_strided_slice %get3A_897 {offsets = [0], sizes = [1], strides = [1]} : vector<16xf32> to vector<1xf32>
          %squeeze3A_916 = vector.extract %slice3A_915[0] : f32 from vector<1xf32>
          %mul3A_917 = vector.broadcast %squeeze3A_916 : f32 to vector<16xf32>
          %mul3A_918 = arith.mulf %get3A_914, %mul3A_917 : vector<16xf32>
          %swap3A_919 = arith.index_cast %scan3A_887 : i32 to index
          %swap3A_920 = arith.constant 16 : index
          %swap3A_921 = tpu.vector_load %arg12[%swap3A_919, %swap3A_920] {strides = array<i32>} : memref<128x128xf32, #tpu.memory_space<vmem>>, vector<1x16xf32>,
          %swap3A_922 = vector.shape_cast %swap3A_921 : vector<1x16xf32> to vector<16xf32>
          %swap3A_923 = vector.shape_cast %mul3A_918 : vector<16xf32> to vector<1x16xf32>
          tpu.vector_store %arg12[%swap3A_919, %swap3A_920], %swap3A_923 {strides = array<i32>} : memref<128x128xf32, #tpu.memory_space<vmem>>, vector<1x16xf32>,
          %get3A_924 = arith.index_cast %scan3A_887 : i32 to index
          %get3A_925 = arith.constant 32 : index
          %get3A_926 = tpu.vector_load %arg12[%get3A_924, %get3A_925] {strides = array<i32>} : memref<128x128xf32, #tpu.memory_space<vmem>>, vector<1x16xf32>,
          %get3A_927 = vector.shape_cast %get3A_926 : vector<1x16xf32> to vector<16xf32>
          %slice3A_928 = vector.extract_strided_slice %get3A_897 {offsets = [1], sizes = [1], strides = [1]} : vector<16xf32> to vector<1xf32>
          %squeeze3A_929 = vector.extract %slice3A_928[0] : f32 from vector<1xf32>
          %mul3A_930 = vector.broadcast %squeeze3A_929 : f32 to vector<16xf32>
          %mul3A_931 = arith.mulf %get3A_927, %mul3A_930 : vector<16xf32>
          %swap3A_932 = arith.index_cast %scan3A_887 : i32 to index
          %swap3A_933 = arith.constant 32 : index
          %swap3A_934 = tpu.vector_load %arg12[%swap3A_932, %swap3A_933] {strides = array<i32>} : memref<128x128xf32, #tpu.memory_space<vmem>>, vector<1x16xf32>,
          %swap3A_935 = vector.shape_cast %swap3A_934 : vector<1x16xf32> to vector<16xf32>
          %swap3A_936 = vector.shape_cast %mul3A_931 : vector<16xf32> to vector<1x16xf32>
          tpu.vector_store %arg12[%swap3A_932, %swap3A_933], %swap3A_936 {strides = array<i32>} : memref<128x128xf32, #tpu.memory_space<vmem>>, vector<1x16xf32>,
          %get3A_937 = arith.index_cast %scan3A_887 : i32 to index
          %get3A_938 = arith.constant 48 : index
          %get3A_939 = tpu.vector_load %arg12[%get3A_937, %get3A_938] {strides = array<i32>} : memref<128x128xf32, #tpu.memory_space<vmem>>, vector<1x16xf32>,
          %get3A_940 = vector.shape_cast %get3A_939 : vector<1x16xf32> to vector<16xf32>
          %slice3A_941 = vector.extract_strided_slice %get3A_897 {offsets = [1], sizes = [1], strides = [1]} : vector<16xf32> to vector<1xf32>
          %squeeze3A_942 = vector.extract %slice3A_941[0] : f32 from vector<1xf32>
          %mul3A_943 = vector.broadcast %squeeze3A_942 : f32 to vector<16xf32>
          %mul3A_944 = arith.mulf %get3A_940, %mul3A_943 : vector<16xf32>
          %swap3A_945 = arith.index_cast %scan3A_887 : i32 to index
          %swap3A_946 = arith.constant 48 : index
          %swap3A_947 = tpu.vector_load %arg12[%swap3A_945, %swap3A_946] {strides = array<i32>} : memref<128x128xf32, #tpu.memory_space<vmem>>, vector<1x16xf32>,
          %swap3A_948 = vector.shape_cast %swap3A_947 : vector<1x16xf32> to vector<16xf32>
          %swap3A_949 = vector.shape_cast %mul3A_944 : vector<16xf32> to vector<1x16xf32>
          tpu.vector_store %arg12[%swap3A_945, %swap3A_946], %swap3A_949 {strides = array<i32>} : memref<128x128xf32, #tpu.memory_space<vmem>>, vector<1x16xf32>,
          %get3A_950 = arith.index_cast %scan3A_887 : i32 to index
          %get3A_951 = arith.constant 64 : index
          %get3A_952 = tpu.vector_load %arg12[%get3A_950, %get3A_951] {strides = array<i32>} : memref<128x128xf32, #tpu.memory_space<vmem>>, vector<1x16xf32>,
          %get3A_953 = vector.shape_cast %get3A_952 : vector<1x16xf32> to vector<16xf32>
          %slice3A_954 = vector.extract_strided_slice %get3A_897 {offsets = [2], sizes = [1], strides = [1]} : vector<16xf32> to vector<1xf32>
          %squeeze3A_955 = vector.extract %slice3A_954[0] : f32 from vector<1xf32>
          %mul3A_956 = vector.broadcast %squeeze3A_955 : f32 to vector<16xf32>
          %mul3A_957 = arith.mulf %get3A_953, %mul3A_956 : vector<16xf32>
          %swap3A_958 = arith.index_cast %scan3A_887 : i32 to index
          %swap3A_959 = arith.constant 64 : index
          %swap3A_960 = tpu.vector_load %arg12[%swap3A_958, %swap3A_959] {strides = array<i32>} : memref<128x128xf32, #tpu.memory_space<vmem>>, vector<1x16xf32>,
          %swap3A_961 = vector.shape_cast %swap3A_960 : vector<1x16xf32> to vector<16xf32>
          %swap3A_962 = vector.shape_cast %mul3A_957 : vector<16xf32> to vector<1x16xf32>
          tpu.vector_store %arg12[%swap3A_958, %swap3A_959], %swap3A_962 {strides = array<i32>} : memref<128x128xf32, #tpu.memory_space<vmem>>, vector<1x16xf32>,
          %get3A_963 = arith.index_cast %scan3A_887 : i32 to index
          %get3A_964 = arith.constant 80 : index
          %get3A_965 = tpu.vector_load %arg12[%get3A_963, %get3A_964] {strides = array<i32>} : memref<128x128xf32, #tpu.memory_space<vmem>>, vector<1x16xf32>,
          %get3A_966 = vector.shape_cast %get3A_965 : vector<1x16xf32> to vector<16xf32>
          %slice3A_967 = vector.extract_strided_slice %get3A_897 {offsets = [2], sizes = [1], strides = [1]} : vector<16xf32> to vector<1xf32>
          %squeeze3A_968 = vector.extract %slice3A_967[0] : f32 from vector<1xf32>
          %mul3A_969 = vector.broadcast %squeeze3A_968 : f32 to vector<16xf32>
          %mul3A_970 = arith.mulf %get3A_966, %mul3A_969 : vector<16xf32>
          %swap3A_971 = arith.index_cast %scan3A_887 : i32 to index
          %swap3A_972 = arith.constant 80 : index
          %swap3A_973 = tpu.vector_load %arg12[%swap3A_971, %swap3A_972] {strides = array<i32>} : memref<128x128xf32, #tpu.memory_space<vmem>>, vector<1x16xf32>,
          %swap3A_974 = vector.shape_cast %swap3A_973 : vector<1x16xf32> to vector<16xf32>
          %swap3A_975 = vector.shape_cast %mul3A_970 : vector<16xf32> to vector<1x16xf32>
          tpu.vector_store %arg12[%swap3A_971, %swap3A_972], %swap3A_975 {strides = array<i32>} : memref<128x128xf32, #tpu.memory_space<vmem>>, vector<1x16xf32>,
          %get3A_976 = arith.index_cast %scan3A_887 : i32 to index
          %get3A_977 = arith.constant 96 : index
          %get3A_978 = tpu.vector_load %arg12[%get3A_976, %get3A_977] {strides = array<i32>} : memref<128x128xf32, #tpu.memory_space<vmem>>, vector<1x16xf32>,
          %get3A_979 = vector.shape_cast %get3A_978 : vector<1x16xf32> to vector<16xf32>
          %slice3A_980 = vector.extract_strided_slice %get3A_897 {offsets = [3], sizes = [1], strides = [1]} : vector<16xf32> to vector<1xf32>
          %squeeze3A_981 = vector.extract %slice3A_980[0] : f32 from vector<1xf32>
          %mul3A_982 = vector.broadcast %squeeze3A_981 : f32 to vector<16xf32>
          %mul3A_983 = arith.mulf %get3A_979, %mul3A_982 : vector<16xf32>
          %swap3A_984 = arith.index_cast %scan3A_887 : i32 to index
          %swap3A_985 = arith.constant 96 : index
          %swap3A_986 = tpu.vector_load %arg12[%swap3A_984, %swap3A_985] {strides = array<i32>} : memref<128x128xf32, #tpu.memory_space<vmem>>, vector<1x16xf32>,
          %swap3A_987 = vector.shape_cast %swap3A_986 : vector<1x16xf32> to vector<16xf32>
          %swap3A_988 = vector.shape_cast %mul3A_983 : vector<16xf32> to vector<1x16xf32>
          tpu.vector_store %arg12[%swap3A_984, %swap3A_985], %swap3A_988 {strides = array<i32>} : memref<128x128xf32, #tpu.memory_space<vmem>>, vector<1x16xf32>,
          %get3A_989 = arith.index_cast %scan3A_887 : i32 to index
          %get3A_990 = arith.constant 112 : index
          %get3A_991 = tpu.vector_load %arg12[%get3A_989, %get3A_990] {strides = array<i32>} : memref<128x128xf32, #tpu.memory_space<vmem>>, vector<1x16xf32>,
          %get3A_992 = vector.shape_cast %get3A_991 : vector<1x16xf32> to vector<16xf32>
          %slice3A_993 = vector.extract_strided_slice %get3A_897 {offsets = [3], sizes = [1], strides = [1]} : vector<16xf32> to vector<1xf32>
          %squeeze3A_994 = vector.extract %slice3A_993[0] : f32 from vector<1xf32>
          %mul3A_995 = vector.broadcast %squeeze3A_994 : f32 to vector<16xf32>
          %mul3A_996 = arith.mulf %get3A_992, %mul3A_995 : vector<16xf32>
          %swap3A_997 = arith.index_cast %scan3A_887 : i32 to index
          %swap3A_998 = arith.constant 112 : index
          %swap3A_999 = tpu.vector_load %arg12[%swap3A_997, %swap3A_998] {strides = array<i32>} : memref<128x128xf32, #tpu.memory_space<vmem>>, vector<1x16xf32>,
          %swap3A_1000 = vector.shape_cast %swap3A_999 : vector<1x16xf32> to vector<16xf32>
          %swap3A_1001 = vector.shape_cast %mul3A_996 : vector<16xf32> to vector<1x16xf32>
          tpu.vector_store %arg12[%swap3A_997, %swap3A_998], %swap3A_1001 {strides = array<i32>} : memref<128x128xf32, #tpu.memory_space<vmem>>, vector<1x16xf32>,
          %scan3A_1002 = arith.constant 0 : i32
          scf.yield %scan3A_1002 : i32
        }
        %scan3A_72 = arith.constant 128 : i32
        %run_scoped3A = arith.constant 0 : i32
        "tpu.region"() ({
          %run_scoped3A_73 = tpu.sem_alloc : memref<!tpu.dma_semaphore, #tpu.memory_space<semaphore_mem>>
          %dma_start3A = arith.constant 0 : i32
          %dma_start3A_74 = tpu.memref_slice %arg9[%run_scoped3A, %dma_start3A] : memref<2x128xi32, #tpu.memory_space<vmem>> -> memref<1x128xi32, #tpu.memory_space<vmem>>
          %dma_start3A_75 = tpu.memref_squeeze %dma_start3A_74 : memref<1x128xi32, #tpu.memory_space<vmem>> -> memref<128xi32, #tpu.memory_space<vmem>>
          %dma_start3A_76 = arith.constant 0 : i32
          %dma_start3A_77 = arith.constant 0 : i32
          %dma_start3A_78 = tpu.memref_slice %arg8[%dma_start3A_76, %dma_start3A_77] : memref<10240x128xf32, #tpu.memory_space<vmem_shared>> -> memref<10240x128xf32, #tpu.memory_space<vmem_shared>>
          tpu.enqueue_indirect_dma source(%arg12 : memref<128x128xf32, #tpu.memory_space<vmem>>) target(%dma_start3A_78 : memref<10240x128xf32, #tpu.memory_space<vmem_shared>>) offsets(%dma_start3A_75 : memref<128xi32, #tpu.memory_space<vmem>>) semaphore(%run_scoped3A_73 : memref<!tpu.dma_semaphore, #tpu.memory_space<semaphore_mem>>) {add = true}
          %dma_wait3A_79 = arith.constant 0 : i32
          %dma_wait3A_80 = tpu.memref_slice %arg9[%run_scoped3A, %dma_wait3A_79] : memref<2x128xi32, #tpu.memory_space<vmem>> -> memref<1x128xi32, #tpu.memory_space<vmem>>
          %dma_wait3A_81 = tpu.memref_squeeze %dma_wait3A_80 : memref<1x128xi32, #tpu.memory_space<vmem>> -> memref<128xi32, #tpu.memory_space<vmem>>
          %dma_wait3A_82 = arith.constant 0 : i32
          %dma_wait3A_83 = arith.constant 0 : i32
          %dma_wait3A_84 = tpu.memref_slice %arg8[%dma_wait3A_82, %dma_wait3A_83] : memref<10240x128xf32, #tpu.memory_space<vmem_shared>> -> memref<10240x128xf32, #tpu.memory_space<vmem_shared>>
          tpu.wait_indirect_dma semaphore(%run_scoped3A_73 : memref<!tpu.dma_semaphore, #tpu.memory_space<semaphore_mem>>) src(%arg12 : memref<128x128xf32, #tpu.memory_space<vmem>>) dst(%dma_wait3A_84 : memref<10240x128xf32, #tpu.memory_space<vmem_shared>>)
          tpu.yield
        }) : () -> ()
      } else {
      }
      %mul3A_35 = arith.constant 2 : i32
      %mul3A_36 = arith.muli %scan3A_11, %mul3A_35 : i32
      %add3A_37 = arith.constant 1 : i32
      %add3A_38 = arith.addi %mul3A_36, %add3A_37 : i32
      %add3A_39 = arith.constant 1 : i32
      %add3A_40 = arith.addi %add3A_38, %add3A_39 : i32
      %mul3A_41 = arith.constant 16 : i32
      %mul3A_42 = arith.muli %add3A_40, %mul3A_41 : i32
      %add3A_43 = arith.addi %arg1, %mul3A_42 : i32
      %lt3A_44 = arith.constant 2500 : i32
      %lt3A_45 = arith.cmpi slt, %add3A_43, %lt3A_44 : i32
      %convert_element_type3A_46 = arith.extui %lt3A_45 : i1 to i32
      %cond3A_47 = arith.constant 0 : i32
      %cond3A_48 = arith.cmpi ne, %convert_element_type3A_46, %cond3A_47 : i32
      scf.if %cond3A_48 {
        %mul3A_58 = arith.constant 128 : i32
        %mul3A_59 = arith.muli %add3A_43, %mul3A_58 : i32
        "tpu.region"() ({
          %run_scoped3A_68 = tpu.sem_alloc : memref<!tpu.dma_semaphore, #tpu.memory_space<semaphore_mem>>
          %dma_start3A_69 = tpu.memref_slice %arg2[%mul3A_59] : memref<320000xi32, #tpu.memory_space<hbm>> -> memref<128xi32, #tpu.memory_space<hbm>>
          %dma_start3A_70 = tpu.memref_slice %arg2[%mul3A_59] : memref<320000xi32, #tpu.memory_space<hbm>> -> memref<128xi32, #tpu.memory_space<hbm>>
          tpu.enqueue_dma source(%dma_start3A_70 : memref<128xi32, #tpu.memory_space<hbm>>) target(%arg10 : memref<128xi32, #tpu.memory_space<vmem>>) target_semaphore(%run_scoped3A_68 : memref<!tpu.dma_semaphore, #tpu.memory_space<semaphore_mem>>)
          %dma_wait3A = tpu.memref_slice %arg2[%mul3A_59] : memref<320000xi32, #tpu.memory_space<hbm>> -> memref<128xi32, #tpu.memory_space<hbm>>
          %dma_wait3A_71 = tpu.memref_slice %arg2[%mul3A_59] : memref<320000xi32, #tpu.memory_space<hbm>> -> memref<128xi32, #tpu.memory_space<hbm>>
          tpu.wait_dma2 semaphore(%run_scoped3A_68 : memref<!tpu.dma_semaphore, #tpu.memory_space<semaphore_mem>>) src(%dma_wait3A_71 : memref<128xi32, #tpu.memory_space<hbm>>) dst(%arg10 : memref<128xi32, #tpu.memory_space<vmem>>)
          tpu.yield
        }) : () -> ()
        %run_scoped3A = arith.constant 0 : i32
        "tpu.region"() ({
          %run_scoped3A_68 = tpu.sem_alloc : memref<!tpu.dma_semaphore, #tpu.memory_space<semaphore_mem>>
          %dma_start3A_69 = arith.constant 0 : i32
          %dma_start3A_70 = tpu.memref_slice %arg9[%run_scoped3A, %dma_start3A_69] : memref<2x128xi32, #tpu.memory_space<vmem>> -> memref<1x128xi32, #tpu.memory_space<vmem>>
          %dma_start3A_71 = tpu.memref_squeeze %dma_start3A_70 : memref<1x128xi32, #tpu.memory_space<vmem>> -> memref<128xi32, #tpu.memory_space<vmem>>
          %dma_start3A_72 = tpu.memref_slice %arg3[%mul3A_59] : memref<320000xi32, #tpu.memory_space<hbm>> -> memref<128xi32, #tpu.memory_space<hbm>>
          %dma_start3A_73 = arith.constant 0 : i32
          %dma_start3A_74 = tpu.memref_slice %arg9[%run_scoped3A, %dma_start3A_73] : memref<2x128xi32, #tpu.memory_space<vmem>> -> memref<1x128xi32, #tpu.memory_space<vmem>>
          %dma_start3A_75 = tpu.memref_squeeze %dma_start3A_74 : memref<1x128xi32, #tpu.memory_space<vmem>> -> memref<128xi32, #tpu.memory_space<vmem>>
          %dma_start3A_76 = tpu.memref_slice %arg3[%mul3A_59] : memref<320000xi32, #tpu.memory_space<hbm>> -> memref<128xi32, #tpu.memory_space<hbm>>
          tpu.enqueue_dma source(%dma_start3A_76 : memref<128xi32, #tpu.memory_space<hbm>>) target(%dma_start3A_75 : memref<128xi32, #tpu.memory_space<vmem>>) target_semaphore(%run_scoped3A_68 : memref<!tpu.dma_semaphore, #tpu.memory_space<semaphore_mem>>)
          %dma_wait3A = arith.constant 0 : i32
          %dma_wait3A_77 = tpu.memref_slice %arg9[%run_scoped3A, %dma_wait3A] : memref<2x128xi32, #tpu.memory_space<vmem>> -> memref<1x128xi32, #tpu.memory_space<vmem>>
          %dma_wait3A_78 = tpu.memref_squeeze %dma_wait3A_77 : memref<1x128xi32, #tpu.memory_space<vmem>> -> memref<128xi32, #tpu.memory_space<vmem>>
          %dma_wait3A_79 = tpu.memref_slice %arg3[%mul3A_59] : memref<320000xi32, #tpu.memory_space<hbm>> -> memref<128xi32, #tpu.memory_space<hbm>>
          %dma_wait3A_80 = arith.constant 0 : i32
          %dma_wait3A_81 = tpu.memref_slice %arg9[%run_scoped3A, %dma_wait3A_80] : memref<2x128xi32, #tpu.memory_space<vmem>> -> memref<1x128xi32, #tpu.memory_space<vmem>>
          %dma_wait3A_82 = tpu.memref_squeeze %dma_wait3A_81 : memref<1x128xi32, #tpu.memory_space<vmem>> -> memref<128xi32, #tpu.memory_space<vmem>>
          %dma_wait3A_83 = tpu.memref_slice %arg3[%mul3A_59] : memref<320000xi32, #tpu.memory_space<hbm>> -> memref<128xi32, #tpu.memory_space<hbm>>
          tpu.wait_dma2 semaphore(%run_scoped3A_68 : memref<!tpu.dma_semaphore, #tpu.memory_space<semaphore_mem>>) src(%dma_wait3A_83 : memref<128xi32, #tpu.memory_space<hbm>>) dst(%dma_wait3A_82 : memref<128xi32, #tpu.memory_space<vmem>>)
          tpu.yield
        }) : () -> ()
        %mul3A_60 = arith.constant 16 : i32
        %mul3A_61 = arith.muli %add3A_43, %mul3A_60 : i32
        %dma_start3A = arith.constant 0 : i32
        %dma_start3A_62 = tpu.memref_slice %arg4[%mul3A_61, %dma_start3A] : memref<40000x128xf32, #tpu.memory_space<hbm>> -> memref<16x128xf32, #tpu.memory_space<hbm>>
        %dma_start3A_63 = arith.constant 0 : i32
        %dma_start3A_64 = tpu.memref_slice %arg4[%mul3A_61, %dma_start3A_63] : memref<40000x128xf32, #tpu.memory_space<hbm>> -> memref<16x128xf32, #tpu.memory_space<hbm>>
        tpu.enqueue_dma source(%dma_start3A_64 : memref<16x128xf32, #tpu.memory_space<hbm>>) target(%arg18 : memref<16x128xf32, #tpu.memory_space<vmem>>) target_semaphore(%arg16 : memref<!tpu.dma_semaphore, #tpu.memory_space<semaphore_mem>>)
        %dma_start3A_65 = arith.constant 0 : i32
        %dma_start3A_66 = arith.constant 0 : i32
        %dma_start3A_67 = tpu.memref_slice %arg5[%dma_start3A_65, %dma_start3A_66] : memref<10240x128xf32, #tpu.memory_space<hbm>> -> memref<10240x128xf32, #tpu.memory_space<hbm>>
        tpu.enqueue_indirect_dma source(%dma_start3A_67 : memref<10240x128xf32, #tpu.memory_space<hbm>>) target(%arg12 : memref<128x128xf32, #tpu.memory_space<vmem>>) offsets(%arg10 : memref<128xi32, #tpu.memory_space<vmem>>) semaphore(%arg14 : memref<!tpu.dma_semaphore, #tpu.memory_space<semaphore_mem>>)
      } else {
      }
      %mul3A_49 = arith.constant 16 : i32
      %mul3A_50 = arith.muli %add3A_38, %mul3A_49 : i32
      %add3A_51 = arith.addi %arg1, %mul3A_50 : i32
      %lt3A_52 = arith.constant 2500 : i32
      %lt3A_53 = arith.cmpi slt, %add3A_51, %lt3A_52 : i32
      %convert_element_type3A_54 = arith.extui %lt3A_53 : i1 to i32
      %cond3A_55 = arith.constant 0 : i32
      %cond3A_56 = arith.cmpi ne, %convert_element_type3A_54, %cond3A_55 : i32
      scf.if %cond3A_56 {
        %mul3A_58 = arith.constant 16 : i32
        %mul3A_59 = arith.muli %add3A_51, %mul3A_58 : i32
        %dma_wait3A = arith.constant 0 : i32
        %dma_wait3A_60 = tpu.memref_slice %arg4[%mul3A_59, %dma_wait3A] : memref<40000x128xf32, #tpu.memory_space<hbm>> -> memref<16x128xf32, #tpu.memory_space<hbm>>
        %dma_wait3A_61 = arith.constant 0 : i32
        %dma_wait3A_62 = tpu.memref_slice %arg4[%mul3A_59, %dma_wait3A_61] : memref<40000x128xf32, #tpu.memory_space<hbm>> -> memref<16x128xf32, #tpu.memory_space<hbm>>
        tpu.wait_dma2 semaphore(%arg17 : memref<!tpu.dma_semaphore, #tpu.memory_space<semaphore_mem>>) src(%dma_wait3A_62 : memref<16x128xf32, #tpu.memory_space<hbm>>) dst(%arg19 : memref<16x128xf32, #tpu.memory_space<vmem>>)
        %dma_wait3A_63 = arith.constant 0 : i32
        %dma_wait3A_64 = arith.constant 0 : i32
        %dma_wait3A_65 = tpu.memref_slice %arg5[%dma_wait3A_63, %dma_wait3A_64] : memref<10240x128xf32, #tpu.memory_space<hbm>> -> memref<10240x128xf32, #tpu.memory_space<hbm>>
        tpu.wait_indirect_dma semaphore(%arg15 : memref<!tpu.dma_semaphore, #tpu.memory_space<semaphore_mem>>) src(%dma_wait3A_65 : memref<10240x128xf32, #tpu.memory_space<hbm>>) dst(%arg13 : memref<128x128xf32, #tpu.memory_space<vmem>>)
        %scan3A_66 = arith.constant 0 : i32
        %scan3A_67 = arith.constant 0 : i32
        %scan3A_68 = arith.constant 128 : i32
        %scan3A_69 = arith.addi %scan3A_67, %scan3A_68 : i32
        %scan3A_70 = arith.constant 8 : i32
        %scan3A_71 = scf.for %scan3A_73 = %scan3A_67 to %scan3A_69 step %scan3A_70 iter_args(%scan3A_74 = %scan3A_66) -> (i32)  : i32 {
          %shift_right_arithmetic3A = arith.constant 3 : i32
          %shift_right_arithmetic3A_75 = arith.shrsi %scan3A_73, %shift_right_arithmetic3A : i32
          %and3A = arith.constant 7 : i32
          %and3A_76 = arith.andi %scan3A_73, %and3A : i32
          %mul3A_77 = arith.constant 16 : i32
          %mul3A_78 = arith.muli %and3A_76, %mul3A_77 : i32
          %get3A = arith.index_cast %shift_right_arithmetic3A_75 : i32 to index
          %get3A_79 = arith.index_cast %mul3A_78 : i32 to index
          %get3A_80 = tpu.vector_load %arg19[%get3A, %get3A_79] {strides = array<i32>} : memref<16x128xf32, #tpu.memory_space<vmem>>, vector<1x16xf32>,
          %get3A_81 = vector.shape_cast %get3A_80 : vector<1x16xf32> to vector<16xf32>
          %get3A_82 = arith.index_cast %scan3A_73 : i32 to index
          %get3A_83 = arith.constant 0 : index
          %get3A_84 = tpu.vector_load %arg13[%get3A_82, %get3A_83] {strides = array<i32>} : memref<128x128xf32, #tpu.memory_space<vmem>>, vector<1x16xf32>,
          %get3A_85 = vector.shape_cast %get3A_84 : vector<1x16xf32> to vector<16xf32>
          %slice3A = vector.extract_strided_slice %get3A_81 {offsets = [0], sizes = [1], strides = [1]} : vector<16xf32> to vector<1xf32>
          %squeeze3A = vector.extract %slice3A[0] : f32 from vector<1xf32>
          %mul3A_86 = vector.broadcast %squeeze3A : f32 to vector<16xf32>
          %mul3A_87 = arith.mulf %get3A_85, %mul3A_86 : vector<16xf32>
          %swap3A = arith.index_cast %scan3A_73 : i32 to index
          %swap3A_88 = arith.constant 0 : index
          %swap3A_89 = tpu.vector_load %arg13[%swap3A, %swap3A_88] {strides = array<i32>} : memref<128x128xf32, #tpu.memory_space<vmem>>, vector<1x16xf32>,
          %swap3A_90 = vector.shape_cast %swap3A_89 : vector<1x16xf32> to vector<16xf32>
          %swap3A_91 = vector.shape_cast %mul3A_87 : vector<16xf32> to vector<1x16xf32>
          tpu.vector_store %arg13[%swap3A, %swap3A_88], %swap3A_91 {strides = array<i32>} : memref<128x128xf32, #tpu.memory_space<vmem>>, vector<1x16xf32>,
          %get3A_92 = arith.index_cast %scan3A_73 : i32 to index
          %get3A_93 = arith.constant 16 : index
          %get3A_94 = tpu.vector_load %arg13[%get3A_92, %get3A_93] {strides = array<i32>} : memref<128x128xf32, #tpu.memory_space<vmem>>, vector<1x16xf32>,
          %get3A_95 = vector.shape_cast %get3A_94 : vector<1x16xf32> to vector<16xf32>
          %slice3A_96 = vector.extract_strided_slice %get3A_81 {offsets = [0], sizes = [1], strides = [1]} : vector<16xf32> to vector<1xf32>
          %squeeze3A_97 = vector.extract %slice3A_96[0] : f32 from vector<1xf32>
          %mul3A_98 = vector.broadcast %squeeze3A_97 : f32 to vector<16xf32>
          %mul3A_99 = arith.mulf %get3A_95, %mul3A_98 : vector<16xf32>
          %swap3A_100 = arith.index_cast %scan3A_73 : i32 to index
          %swap3A_101 = arith.constant 16 : index
          %swap3A_102 = tpu.vector_load %arg13[%swap3A_100, %swap3A_101] {strides = array<i32>} : memref<128x128xf32, #tpu.memory_space<vmem>>, vector<1x16xf32>,
          %swap3A_103 = vector.shape_cast %swap3A_102 : vector<1x16xf32> to vector<16xf32>
          %swap3A_104 = vector.shape_cast %mul3A_99 : vector<16xf32> to vector<1x16xf32>
          tpu.vector_store %arg13[%swap3A_100, %swap3A_101], %swap3A_104 {strides = array<i32>} : memref<128x128xf32, #tpu.memory_space<vmem>>, vector<1x16xf32>,
          %get3A_105 = arith.index_cast %scan3A_73 : i32 to index
          %get3A_106 = arith.constant 32 : index
          %get3A_107 = tpu.vector_load %arg13[%get3A_105, %get3A_106] {strides = array<i32>} : memref<128x128xf32, #tpu.memory_space<vmem>>, vector<1x16xf32>,
          %get3A_108 = vector.shape_cast %get3A_107 : vector<1x16xf32> to vector<16xf32>
          %slice3A_109 = vector.extract_strided_slice %get3A_81 {offsets = [1], sizes = [1], strides = [1]} : vector<16xf32> to vector<1xf32>
          %squeeze3A_110 = vector.extract %slice3A_109[0] : f32 from vector<1xf32>
          %mul3A_111 = vector.broadcast %squeeze3A_110 : f32 to vector<16xf32>
          %mul3A_112 = arith.mulf %get3A_108, %mul3A_111 : vector<16xf32>
          %swap3A_113 = arith.index_cast %scan3A_73 : i32 to index
          %swap3A_114 = arith.constant 32 : index
          %swap3A_115 = tpu.vector_load %arg13[%swap3A_113, %swap3A_114] {strides = array<i32>} : memref<128x128xf32, #tpu.memory_space<vmem>>, vector<1x16xf32>,
          %swap3A_116 = vector.shape_cast %swap3A_115 : vector<1x16xf32> to vector<16xf32>
          %swap3A_117 = vector.shape_cast %mul3A_112 : vector<16xf32> to vector<1x16xf32>
          tpu.vector_store %arg13[%swap3A_113, %swap3A_114], %swap3A_117 {strides = array<i32>} : memref<128x128xf32, #tpu.memory_space<vmem>>, vector<1x16xf32>,
          %get3A_118 = arith.index_cast %scan3A_73 : i32 to index
          %get3A_119 = arith.constant 48 : index
          %get3A_120 = tpu.vector_load %arg13[%get3A_118, %get3A_119] {strides = array<i32>} : memref<128x128xf32, #tpu.memory_space<vmem>>, vector<1x16xf32>,
          %get3A_121 = vector.shape_cast %get3A_120 : vector<1x16xf32> to vector<16xf32>
          %slice3A_122 = vector.extract_strided_slice %get3A_81 {offsets = [1], sizes = [1], strides = [1]} : vector<16xf32> to vector<1xf32>
          %squeeze3A_123 = vector.extract %slice3A_122[0] : f32 from vector<1xf32>
          %mul3A_124 = vector.broadcast %squeeze3A_123 : f32 to vector<16xf32>
          %mul3A_125 = arith.mulf %get3A_121, %mul3A_124 : vector<16xf32>
          %swap3A_126 = arith.index_cast %scan3A_73 : i32 to index
          %swap3A_127 = arith.constant 48 : index
          %swap3A_128 = tpu.vector_load %arg13[%swap3A_126, %swap3A_127] {strides = array<i32>} : memref<128x128xf32, #tpu.memory_space<vmem>>, vector<1x16xf32>,
          %swap3A_129 = vector.shape_cast %swap3A_128 : vector<1x16xf32> to vector<16xf32>
          %swap3A_130 = vector.shape_cast %mul3A_125 : vector<16xf32> to vector<1x16xf32>
          tpu.vector_store %arg13[%swap3A_126, %swap3A_127], %swap3A_130 {strides = array<i32>} : memref<128x128xf32, #tpu.memory_space<vmem>>, vector<1x16xf32>,
          %get3A_131 = arith.index_cast %scan3A_73 : i32 to index
          %get3A_132 = arith.constant 64 : index
          %get3A_133 = tpu.vector_load %arg13[%get3A_131, %get3A_132] {strides = array<i32>} : memref<128x128xf32, #tpu.memory_space<vmem>>, vector<1x16xf32>,
          %get3A_134 = vector.shape_cast %get3A_133 : vector<1x16xf32> to vector<16xf32>
          %slice3A_135 = vector.extract_strided_slice %get3A_81 {offsets = [2], sizes = [1], strides = [1]} : vector<16xf32> to vector<1xf32>
          %squeeze3A_136 = vector.extract %slice3A_135[0] : f32 from vector<1xf32>
          %mul3A_137 = vector.broadcast %squeeze3A_136 : f32 to vector<16xf32>
          %mul3A_138 = arith.mulf %get3A_134, %mul3A_137 : vector<16xf32>
          %swap3A_139 = arith.index_cast %scan3A_73 : i32 to index
          %swap3A_140 = arith.constant 64 : index
          %swap3A_141 = tpu.vector_load %arg13[%swap3A_139, %swap3A_140] {strides = array<i32>} : memref<128x128xf32, #tpu.memory_space<vmem>>, vector<1x16xf32>,
          %swap3A_142 = vector.shape_cast %swap3A_141 : vector<1x16xf32> to vector<16xf32>
          %swap3A_143 = vector.shape_cast %mul3A_138 : vector<16xf32> to vector<1x16xf32>
          tpu.vector_store %arg13[%swap3A_139, %swap3A_140], %swap3A_143 {strides = array<i32>} : memref<128x128xf32, #tpu.memory_space<vmem>>, vector<1x16xf32>,
          %get3A_144 = arith.index_cast %scan3A_73 : i32 to index
          %get3A_145 = arith.constant 80 : index
          %get3A_146 = tpu.vector_load %arg13[%get3A_144, %get3A_145] {strides = array<i32>} : memref<128x128xf32, #tpu.memory_space<vmem>>, vector<1x16xf32>,
          %get3A_147 = vector.shape_cast %get3A_146 : vector<1x16xf32> to vector<16xf32>
          %slice3A_148 = vector.extract_strided_slice %get3A_81 {offsets = [2], sizes = [1], strides = [1]} : vector<16xf32> to vector<1xf32>
          %squeeze3A_149 = vector.extract %slice3A_148[0] : f32 from vector<1xf32>
          %mul3A_150 = vector.broadcast %squeeze3A_149 : f32 to vector<16xf32>
          %mul3A_151 = arith.mulf %get3A_147, %mul3A_150 : vector<16xf32>
          %swap3A_152 = arith.index_cast %scan3A_73 : i32 to index
          %swap3A_153 = arith.constant 80 : index
          %swap3A_154 = tpu.vector_load %arg13[%swap3A_152, %swap3A_153] {strides = array<i32>} : memref<128x128xf32, #tpu.memory_space<vmem>>, vector<1x16xf32>,
          %swap3A_155 = vector.shape_cast %swap3A_154 : vector<1x16xf32> to vector<16xf32>
          %swap3A_156 = vector.shape_cast %mul3A_151 : vector<16xf32> to vector<1x16xf32>
          tpu.vector_store %arg13[%swap3A_152, %swap3A_153], %swap3A_156 {strides = array<i32>} : memref<128x128xf32, #tpu.memory_space<vmem>>, vector<1x16xf32>,
          %get3A_157 = arith.index_cast %scan3A_73 : i32 to index
          %get3A_158 = arith.constant 96 : index
          %get3A_159 = tpu.vector_load %arg13[%get3A_157, %get3A_158] {strides = array<i32>} : memref<128x128xf32, #tpu.memory_space<vmem>>, vector<1x16xf32>,
          %get3A_160 = vector.shape_cast %get3A_159 : vector<1x16xf32> to vector<16xf32>
          %slice3A_161 = vector.extract_strided_slice %get3A_81 {offsets = [3], sizes = [1], strides = [1]} : vector<16xf32> to vector<1xf32>
          %squeeze3A_162 = vector.extract %slice3A_161[0] : f32 from vector<1xf32>
          %mul3A_163 = vector.broadcast %squeeze3A_162 : f32 to vector<16xf32>
          %mul3A_164 = arith.mulf %get3A_160, %mul3A_163 : vector<16xf32>
          %swap3A_165 = arith.index_cast %scan3A_73 : i32 to index
          %swap3A_166 = arith.constant 96 : index
          %swap3A_167 = tpu.vector_load %arg13[%swap3A_165, %swap3A_166] {strides = array<i32>} : memref<128x128xf32, #tpu.memory_space<vmem>>, vector<1x16xf32>,
          %swap3A_168 = vector.shape_cast %swap3A_167 : vector<1x16xf32> to vector<16xf32>
          %swap3A_169 = vector.shape_cast %mul3A_164 : vector<16xf32> to vector<1x16xf32>
          tpu.vector_store %arg13[%swap3A_165, %swap3A_166], %swap3A_169 {strides = array<i32>} : memref<128x128xf32, #tpu.memory_space<vmem>>, vector<1x16xf32>,
          %get3A_170 = arith.index_cast %scan3A_73 : i32 to index
          %get3A_171 = arith.constant 112 : index
          %get3A_172 = tpu.vector_load %arg13[%get3A_170, %get3A_171] {strides = array<i32>} : memref<128x128xf32, #tpu.memory_space<vmem>>, vector<1x16xf32>,
          %get3A_173 = vector.shape_cast %get3A_172 : vector<1x16xf32> to vector<16xf32>
          %slice3A_174 = vector.extract_strided_slice %get3A_81 {offsets = [3], sizes = [1], strides = [1]} : vector<16xf32> to vector<1xf32>
          %squeeze3A_175 = vector.extract %slice3A_174[0] : f32 from vector<1xf32>
          %mul3A_176 = vector.broadcast %squeeze3A_175 : f32 to vector<16xf32>
          %mul3A_177 = arith.mulf %get3A_173, %mul3A_176 : vector<16xf32>
          %swap3A_178 = arith.index_cast %scan3A_73 : i32 to index
          %swap3A_179 = arith.constant 112 : index
          %swap3A_180 = tpu.vector_load %arg13[%swap3A_178, %swap3A_179] {strides = array<i32>} : memref<128x128xf32, #tpu.memory_space<vmem>>, vector<1x16xf32>,
          %swap3A_181 = vector.shape_cast %swap3A_180 : vector<1x16xf32> to vector<16xf32>
          %swap3A_182 = vector.shape_cast %mul3A_177 : vector<16xf32> to vector<1x16xf32>
          tpu.vector_store %arg13[%swap3A_178, %swap3A_179], %swap3A_182 {strides = array<i32>} : memref<128x128xf32, #tpu.memory_space<vmem>>, vector<1x16xf32>,
          %scan3A_183 = arith.constant 0 : i32
          %scan3A_184 = arith.constant 1 : i32
          %scan3A_185 = arith.addi %scan3A_73, %scan3A_184 : i32
          %shift_right_arithmetic3A_186 = arith.constant 3 : i32
          %shift_right_arithmetic3A_187 = arith.shrsi %scan3A_185, %shift_right_arithmetic3A_186 : i32
          %and3A_188 = arith.constant 7 : i32
          %and3A_189 = arith.andi %scan3A_185, %and3A_188 : i32
          %mul3A_190 = arith.constant 16 : i32
          %mul3A_191 = arith.muli %and3A_189, %mul3A_190 : i32
          %get3A_192 = arith.index_cast %shift_right_arithmetic3A_187 : i32 to index
          %get3A_193 = arith.index_cast %mul3A_191 : i32 to index
          %get3A_194 = tpu.vector_load %arg19[%get3A_192, %get3A_193] {strides = array<i32>} : memref<16x128xf32, #tpu.memory_space<vmem>>, vector<1x16xf32>,
          %get3A_195 = vector.shape_cast %get3A_194 : vector<1x16xf32> to vector<16xf32>
          %get3A_196 = arith.index_cast %scan3A_185 : i32 to index
          %get3A_197 = arith.constant 0 : index
          %get3A_198 = tpu.vector_load %arg13[%get3A_196, %get3A_197] {strides = array<i32>} : memref<128x128xf32, #tpu.memory_space<vmem>>, vector<1x16xf32>,
          %get3A_199 = vector.shape_cast %get3A_198 : vector<1x16xf32> to vector<16xf32>
          %slice3A_200 = vector.extract_strided_slice %get3A_195 {offsets = [0], sizes = [1], strides = [1]} : vector<16xf32> to vector<1xf32>
          %squeeze3A_201 = vector.extract %slice3A_200[0] : f32 from vector<1xf32>
          %mul3A_202 = vector.broadcast %squeeze3A_201 : f32 to vector<16xf32>
          %mul3A_203 = arith.mulf %get3A_199, %mul3A_202 : vector<16xf32>
          %swap3A_204 = arith.index_cast %scan3A_185 : i32 to index
          %swap3A_205 = arith.constant 0 : index
          %swap3A_206 = tpu.vector_load %arg13[%swap3A_204, %swap3A_205] {strides = array<i32>} : memref<128x128xf32, #tpu.memory_space<vmem>>, vector<1x16xf32>,
          %swap3A_207 = vector.shape_cast %swap3A_206 : vector<1x16xf32> to vector<16xf32>
          %swap3A_208 = vector.shape_cast %mul3A_203 : vector<16xf32> to vector<1x16xf32>
          tpu.vector_store %arg13[%swap3A_204, %swap3A_205], %swap3A_208 {strides = array<i32>} : memref<128x128xf32, #tpu.memory_space<vmem>>, vector<1x16xf32>,
          %get3A_209 = arith.index_cast %scan3A_185 : i32 to index
          %get3A_210 = arith.constant 16 : index
          %get3A_211 = tpu.vector_load %arg13[%get3A_209, %get3A_210] {strides = array<i32>} : memref<128x128xf32, #tpu.memory_space<vmem>>, vector<1x16xf32>,
          %get3A_212 = vector.shape_cast %get3A_211 : vector<1x16xf32> to vector<16xf32>
          %slice3A_213 = vector.extract_strided_slice %get3A_195 {offsets = [0], sizes = [1], strides = [1]} : vector<16xf32> to vector<1xf32>
          %squeeze3A_214 = vector.extract %slice3A_213[0] : f32 from vector<1xf32>
          %mul3A_215 = vector.broadcast %squeeze3A_214 : f32 to vector<16xf32>
          %mul3A_216 = arith.mulf %get3A_212, %mul3A_215 : vector<16xf32>
          %swap3A_217 = arith.index_cast %scan3A_185 : i32 to index
          %swap3A_218 = arith.constant 16 : index
          %swap3A_219 = tpu.vector_load %arg13[%swap3A_217, %swap3A_218] {strides = array<i32>} : memref<128x128xf32, #tpu.memory_space<vmem>>, vector<1x16xf32>,
          %swap3A_220 = vector.shape_cast %swap3A_219 : vector<1x16xf32> to vector<16xf32>
          %swap3A_221 = vector.shape_cast %mul3A_216 : vector<16xf32> to vector<1x16xf32>
          tpu.vector_store %arg13[%swap3A_217, %swap3A_218], %swap3A_221 {strides = array<i32>} : memref<128x128xf32, #tpu.memory_space<vmem>>, vector<1x16xf32>,
          %get3A_222 = arith.index_cast %scan3A_185 : i32 to index
          %get3A_223 = arith.constant 32 : index
          %get3A_224 = tpu.vector_load %arg13[%get3A_222, %get3A_223] {strides = array<i32>} : memref<128x128xf32, #tpu.memory_space<vmem>>, vector<1x16xf32>,
          %get3A_225 = vector.shape_cast %get3A_224 : vector<1x16xf32> to vector<16xf32>
          %slice3A_226 = vector.extract_strided_slice %get3A_195 {offsets = [1], sizes = [1], strides = [1]} : vector<16xf32> to vector<1xf32>
          %squeeze3A_227 = vector.extract %slice3A_226[0] : f32 from vector<1xf32>
          %mul3A_228 = vector.broadcast %squeeze3A_227 : f32 to vector<16xf32>
          %mul3A_229 = arith.mulf %get3A_225, %mul3A_228 : vector<16xf32>
          %swap3A_230 = arith.index_cast %scan3A_185 : i32 to index
          %swap3A_231 = arith.constant 32 : index
          %swap3A_232 = tpu.vector_load %arg13[%swap3A_230, %swap3A_231] {strides = array<i32>} : memref<128x128xf32, #tpu.memory_space<vmem>>, vector<1x16xf32>,
          %swap3A_233 = vector.shape_cast %swap3A_232 : vector<1x16xf32> to vector<16xf32>
          %swap3A_234 = vector.shape_cast %mul3A_229 : vector<16xf32> to vector<1x16xf32>
          tpu.vector_store %arg13[%swap3A_230, %swap3A_231], %swap3A_234 {strides = array<i32>} : memref<128x128xf32, #tpu.memory_space<vmem>>, vector<1x16xf32>,
          %get3A_235 = arith.index_cast %scan3A_185 : i32 to index
          %get3A_236 = arith.constant 48 : index
          %get3A_237 = tpu.vector_load %arg13[%get3A_235, %get3A_236] {strides = array<i32>} : memref<128x128xf32, #tpu.memory_space<vmem>>, vector<1x16xf32>,
          %get3A_238 = vector.shape_cast %get3A_237 : vector<1x16xf32> to vector<16xf32>
          %slice3A_239 = vector.extract_strided_slice %get3A_195 {offsets = [1], sizes = [1], strides = [1]} : vector<16xf32> to vector<1xf32>
          %squeeze3A_240 = vector.extract %slice3A_239[0] : f32 from vector<1xf32>
          %mul3A_241 = vector.broadcast %squeeze3A_240 : f32 to vector<16xf32>
          %mul3A_242 = arith.mulf %get3A_238, %mul3A_241 : vector<16xf32>
          %swap3A_243 = arith.index_cast %scan3A_185 : i32 to index
          %swap3A_244 = arith.constant 48 : index
          %swap3A_245 = tpu.vector_load %arg13[%swap3A_243, %swap3A_244] {strides = array<i32>} : memref<128x128xf32, #tpu.memory_space<vmem>>, vector<1x16xf32>,
          %swap3A_246 = vector.shape_cast %swap3A_245 : vector<1x16xf32> to vector<16xf32>
          %swap3A_247 = vector.shape_cast %mul3A_242 : vector<16xf32> to vector<1x16xf32>
          tpu.vector_store %arg13[%swap3A_243, %swap3A_244], %swap3A_247 {strides = array<i32>} : memref<128x128xf32, #tpu.memory_space<vmem>>, vector<1x16xf32>,
          %get3A_248 = arith.index_cast %scan3A_185 : i32 to index
          %get3A_249 = arith.constant 64 : index
          %get3A_250 = tpu.vector_load %arg13[%get3A_248, %get3A_249] {strides = array<i32>} : memref<128x128xf32, #tpu.memory_space<vmem>>, vector<1x16xf32>,
          %get3A_251 = vector.shape_cast %get3A_250 : vector<1x16xf32> to vector<16xf32>
          %slice3A_252 = vector.extract_strided_slice %get3A_195 {offsets = [2], sizes = [1], strides = [1]} : vector<16xf32> to vector<1xf32>
          %squeeze3A_253 = vector.extract %slice3A_252[0] : f32 from vector<1xf32>
          %mul3A_254 = vector.broadcast %squeeze3A_253 : f32 to vector<16xf32>
          %mul3A_255 = arith.mulf %get3A_251, %mul3A_254 : vector<16xf32>
          %swap3A_256 = arith.index_cast %scan3A_185 : i32 to index
          %swap3A_257 = arith.constant 64 : index
          %swap3A_258 = tpu.vector_load %arg13[%swap3A_256, %swap3A_257] {strides = array<i32>} : memref<128x128xf32, #tpu.memory_space<vmem>>, vector<1x16xf32>,
          %swap3A_259 = vector.shape_cast %swap3A_258 : vector<1x16xf32> to vector<16xf32>
          %swap3A_260 = vector.shape_cast %mul3A_255 : vector<16xf32> to vector<1x16xf32>
          tpu.vector_store %arg13[%swap3A_256, %swap3A_257], %swap3A_260 {strides = array<i32>} : memref<128x128xf32, #tpu.memory_space<vmem>>, vector<1x16xf32>,
          %get3A_261 = arith.index_cast %scan3A_185 : i32 to index
          %get3A_262 = arith.constant 80 : index
          %get3A_263 = tpu.vector_load %arg13[%get3A_261, %get3A_262] {strides = array<i32>} : memref<128x128xf32, #tpu.memory_space<vmem>>, vector<1x16xf32>,
          %get3A_264 = vector.shape_cast %get3A_263 : vector<1x16xf32> to vector<16xf32>
          %slice3A_265 = vector.extract_strided_slice %get3A_195 {offsets = [2], sizes = [1], strides = [1]} : vector<16xf32> to vector<1xf32>
          %squeeze3A_266 = vector.extract %slice3A_265[0] : f32 from vector<1xf32>
          %mul3A_267 = vector.broadcast %squeeze3A_266 : f32 to vector<16xf32>
          %mul3A_268 = arith.mulf %get3A_264, %mul3A_267 : vector<16xf32>
          %swap3A_269 = arith.index_cast %scan3A_185 : i32 to index
          %swap3A_270 = arith.constant 80 : index
          %swap3A_271 = tpu.vector_load %arg13[%swap3A_269, %swap3A_270] {strides = array<i32>} : memref<128x128xf32, #tpu.memory_space<vmem>>, vector<1x16xf32>,
          %swap3A_272 = vector.shape_cast %swap3A_271 : vector<1x16xf32> to vector<16xf32>
          %swap3A_273 = vector.shape_cast %mul3A_268 : vector<16xf32> to vector<1x16xf32>
          tpu.vector_store %arg13[%swap3A_269, %swap3A_270], %swap3A_273 {strides = array<i32>} : memref<128x128xf32, #tpu.memory_space<vmem>>, vector<1x16xf32>,
          %get3A_274 = arith.index_cast %scan3A_185 : i32 to index
          %get3A_275 = arith.constant 96 : index
          %get3A_276 = tpu.vector_load %arg13[%get3A_274, %get3A_275] {strides = array<i32>} : memref<128x128xf32, #tpu.memory_space<vmem>>, vector<1x16xf32>,
          %get3A_277 = vector.shape_cast %get3A_276 : vector<1x16xf32> to vector<16xf32>
          %slice3A_278 = vector.extract_strided_slice %get3A_195 {offsets = [3], sizes = [1], strides = [1]} : vector<16xf32> to vector<1xf32>
          %squeeze3A_279 = vector.extract %slice3A_278[0] : f32 from vector<1xf32>
          %mul3A_280 = vector.broadcast %squeeze3A_279 : f32 to vector<16xf32>
          %mul3A_281 = arith.mulf %get3A_277, %mul3A_280 : vector<16xf32>
          %swap3A_282 = arith.index_cast %scan3A_185 : i32 to index
          %swap3A_283 = arith.constant 96 : index
          %swap3A_284 = tpu.vector_load %arg13[%swap3A_282, %swap3A_283] {strides = array<i32>} : memref<128x128xf32, #tpu.memory_space<vmem>>, vector<1x16xf32>,
          %swap3A_285 = vector.shape_cast %swap3A_284 : vector<1x16xf32> to vector<16xf32>
          %swap3A_286 = vector.shape_cast %mul3A_281 : vector<16xf32> to vector<1x16xf32>
          tpu.vector_store %arg13[%swap3A_282, %swap3A_283], %swap3A_286 {strides = array<i32>} : memref<128x128xf32, #tpu.memory_space<vmem>>, vector<1x16xf32>,
          %get3A_287 = arith.index_cast %scan3A_185 : i32 to index
          %get3A_288 = arith.constant 112 : index
          %get3A_289 = tpu.vector_load %arg13[%get3A_287, %get3A_288] {strides = array<i32>} : memref<128x128xf32, #tpu.memory_space<vmem>>, vector<1x16xf32>,
          %get3A_290 = vector.shape_cast %get3A_289 : vector<1x16xf32> to vector<16xf32>
          %slice3A_291 = vector.extract_strided_slice %get3A_195 {offsets = [3], sizes = [1], strides = [1]} : vector<16xf32> to vector<1xf32>
          %squeeze3A_292 = vector.extract %slice3A_291[0] : f32 from vector<1xf32>
          %mul3A_293 = vector.broadcast %squeeze3A_292 : f32 to vector<16xf32>
          %mul3A_294 = arith.mulf %get3A_290, %mul3A_293 : vector<16xf32>
          %swap3A_295 = arith.index_cast %scan3A_185 : i32 to index
          %swap3A_296 = arith.constant 112 : index
          %swap3A_297 = tpu.vector_load %arg13[%swap3A_295, %swap3A_296] {strides = array<i32>} : memref<128x128xf32, #tpu.memory_space<vmem>>, vector<1x16xf32>,
          %swap3A_298 = vector.shape_cast %swap3A_297 : vector<1x16xf32> to vector<16xf32>
          %swap3A_299 = vector.shape_cast %mul3A_294 : vector<16xf32> to vector<1x16xf32>
          tpu.vector_store %arg13[%swap3A_295, %swap3A_296], %swap3A_299 {strides = array<i32>} : memref<128x128xf32, #tpu.memory_space<vmem>>, vector<1x16xf32>,
          %scan3A_300 = arith.constant 0 : i32
          %scan3A_301 = arith.constant 2 : i32
          %scan3A_302 = arith.addi %scan3A_73, %scan3A_301 : i32
          %shift_right_arithmetic3A_303 = arith.constant 3 : i32
          %shift_right_arithmetic3A_304 = arith.shrsi %scan3A_302, %shift_right_arithmetic3A_303 : i32
          %and3A_305 = arith.constant 7 : i32
          %and3A_306 = arith.andi %scan3A_302, %and3A_305 : i32
          %mul3A_307 = arith.constant 16 : i32
          %mul3A_308 = arith.muli %and3A_306, %mul3A_307 : i32
          %get3A_309 = arith.index_cast %shift_right_arithmetic3A_304 : i32 to index
          %get3A_310 = arith.index_cast %mul3A_308 : i32 to index
          %get3A_311 = tpu.vector_load %arg19[%get3A_309, %get3A_310] {strides = array<i32>} : memref<16x128xf32, #tpu.memory_space<vmem>>, vector<1x16xf32>,
          %get3A_312 = vector.shape_cast %get3A_311 : vector<1x16xf32> to vector<16xf32>
          %get3A_313 = arith.index_cast %scan3A_302 : i32 to index
          %get3A_314 = arith.constant 0 : index
          %get3A_315 = tpu.vector_load %arg13[%get3A_313, %get3A_314] {strides = array<i32>} : memref<128x128xf32, #tpu.memory_space<vmem>>, vector<1x16xf32>,
          %get3A_316 = vector.shape_cast %get3A_315 : vector<1x16xf32> to vector<16xf32>
          %slice3A_317 = vector.extract_strided_slice %get3A_312 {offsets = [0], sizes = [1], strides = [1]} : vector<16xf32> to vector<1xf32>
          %squeeze3A_318 = vector.extract %slice3A_317[0] : f32 from vector<1xf32>
          %mul3A_319 = vector.broadcast %squeeze3A_318 : f32 to vector<16xf32>
          %mul3A_320 = arith.mulf %get3A_316, %mul3A_319 : vector<16xf32>
          %swap3A_321 = arith.index_cast %scan3A_302 : i32 to index
          %swap3A_322 = arith.constant 0 : index
          %swap3A_323 = tpu.vector_load %arg13[%swap3A_321, %swap3A_322] {strides = array<i32>} : memref<128x128xf32, #tpu.memory_space<vmem>>, vector<1x16xf32>,
          %swap3A_324 = vector.shape_cast %swap3A_323 : vector<1x16xf32> to vector<16xf32>
          %swap3A_325 = vector.shape_cast %mul3A_320 : vector<16xf32> to vector<1x16xf32>
          tpu.vector_store %arg13[%swap3A_321, %swap3A_322], %swap3A_325 {strides = array<i32>} : memref<128x128xf32, #tpu.memory_space<vmem>>, vector<1x16xf32>,
          %get3A_326 = arith.index_cast %scan3A_302 : i32 to index
          %get3A_327 = arith.constant 16 : index
          %get3A_328 = tpu.vector_load %arg13[%get3A_326, %get3A_327] {strides = array<i32>} : memref<128x128xf32, #tpu.memory_space<vmem>>, vector<1x16xf32>,
          %get3A_329 = vector.shape_cast %get3A_328 : vector<1x16xf32> to vector<16xf32>
          %slice3A_330 = vector.extract_strided_slice %get3A_312 {offsets = [0], sizes = [1], strides = [1]} : vector<16xf32> to vector<1xf32>
          %squeeze3A_331 = vector.extract %slice3A_330[0] : f32 from vector<1xf32>
          %mul3A_332 = vector.broadcast %squeeze3A_331 : f32 to vector<16xf32>
          %mul3A_333 = arith.mulf %get3A_329, %mul3A_332 : vector<16xf32>
          %swap3A_334 = arith.index_cast %scan3A_302 : i32 to index
          %swap3A_335 = arith.constant 16 : index
          %swap3A_336 = tpu.vector_load %arg13[%swap3A_334, %swap3A_335] {strides = array<i32>} : memref<128x128xf32, #tpu.memory_space<vmem>>, vector<1x16xf32>,
          %swap3A_337 = vector.shape_cast %swap3A_336 : vector<1x16xf32> to vector<16xf32>
          %swap3A_338 = vector.shape_cast %mul3A_333 : vector<16xf32> to vector<1x16xf32>
          tpu.vector_store %arg13[%swap3A_334, %swap3A_335], %swap3A_338 {strides = array<i32>} : memref<128x128xf32, #tpu.memory_space<vmem>>, vector<1x16xf32>,
          %get3A_339 = arith.index_cast %scan3A_302 : i32 to index
          %get3A_340 = arith.constant 32 : index
          %get3A_341 = tpu.vector_load %arg13[%get3A_339, %get3A_340] {strides = array<i32>} : memref<128x128xf32, #tpu.memory_space<vmem>>, vector<1x16xf32>,
          %get3A_342 = vector.shape_cast %get3A_341 : vector<1x16xf32> to vector<16xf32>
          %slice3A_343 = vector.extract_strided_slice %get3A_312 {offsets = [1], sizes = [1], strides = [1]} : vector<16xf32> to vector<1xf32>
          %squeeze3A_344 = vector.extract %slice3A_343[0] : f32 from vector<1xf32>
          %mul3A_345 = vector.broadcast %squeeze3A_344 : f32 to vector<16xf32>
          %mul3A_346 = arith.mulf %get3A_342, %mul3A_345 : vector<16xf32>
          %swap3A_347 = arith.index_cast %scan3A_302 : i32 to index
          %swap3A_348 = arith.constant 32 : index
          %swap3A_349 = tpu.vector_load %arg13[%swap3A_347, %swap3A_348] {strides = array<i32>} : memref<128x128xf32, #tpu.memory_space<vmem>>, vector<1x16xf32>,
          %swap3A_350 = vector.shape_cast %swap3A_349 : vector<1x16xf32> to vector<16xf32>
          %swap3A_351 = vector.shape_cast %mul3A_346 : vector<16xf32> to vector<1x16xf32>
          tpu.vector_store %arg13[%swap3A_347, %swap3A_348], %swap3A_351 {strides = array<i32>} : memref<128x128xf32, #tpu.memory_space<vmem>>, vector<1x16xf32>,
          %get3A_352 = arith.index_cast %scan3A_302 : i32 to index
          %get3A_353 = arith.constant 48 : index
          %get3A_354 = tpu.vector_load %arg13[%get3A_352, %get3A_353] {strides = array<i32>} : memref<128x128xf32, #tpu.memory_space<vmem>>, vector<1x16xf32>,
          %get3A_355 = vector.shape_cast %get3A_354 : vector<1x16xf32> to vector<16xf32>
          %slice3A_356 = vector.extract_strided_slice %get3A_312 {offsets = [1], sizes = [1], strides = [1]} : vector<16xf32> to vector<1xf32>
          %squeeze3A_357 = vector.extract %slice3A_356[0] : f32 from vector<1xf32>
          %mul3A_358 = vector.broadcast %squeeze3A_357 : f32 to vector<16xf32>
          %mul3A_359 = arith.mulf %get3A_355, %mul3A_358 : vector<16xf32>
          %swap3A_360 = arith.index_cast %scan3A_302 : i32 to index
          %swap3A_361 = arith.constant 48 : index
          %swap3A_362 = tpu.vector_load %arg13[%swap3A_360, %swap3A_361] {strides = array<i32>} : memref<128x128xf32, #tpu.memory_space<vmem>>, vector<1x16xf32>,
          %swap3A_363 = vector.shape_cast %swap3A_362 : vector<1x16xf32> to vector<16xf32>
          %swap3A_364 = vector.shape_cast %mul3A_359 : vector<16xf32> to vector<1x16xf32>
          tpu.vector_store %arg13[%swap3A_360, %swap3A_361], %swap3A_364 {strides = array<i32>} : memref<128x128xf32, #tpu.memory_space<vmem>>, vector<1x16xf32>,
          %get3A_365 = arith.index_cast %scan3A_302 : i32 to index
          %get3A_366 = arith.constant 64 : index
          %get3A_367 = tpu.vector_load %arg13[%get3A_365, %get3A_366] {strides = array<i32>} : memref<128x128xf32, #tpu.memory_space<vmem>>, vector<1x16xf32>,
          %get3A_368 = vector.shape_cast %get3A_367 : vector<1x16xf32> to vector<16xf32>
          %slice3A_369 = vector.extract_strided_slice %get3A_312 {offsets = [2], sizes = [1], strides = [1]} : vector<16xf32> to vector<1xf32>
          %squeeze3A_370 = vector.extract %slice3A_369[0] : f32 from vector<1xf32>
          %mul3A_371 = vector.broadcast %squeeze3A_370 : f32 to vector<16xf32>
          %mul3A_372 = arith.mulf %get3A_368, %mul3A_371 : vector<16xf32>
          %swap3A_373 = arith.index_cast %scan3A_302 : i32 to index
          %swap3A_374 = arith.constant 64 : index
          %swap3A_375 = tpu.vector_load %arg13[%swap3A_373, %swap3A_374] {strides = array<i32>} : memref<128x128xf32, #tpu.memory_space<vmem>>, vector<1x16xf32>,
          %swap3A_376 = vector.shape_cast %swap3A_375 : vector<1x16xf32> to vector<16xf32>
          %swap3A_377 = vector.shape_cast %mul3A_372 : vector<16xf32> to vector<1x16xf32>
          tpu.vector_store %arg13[%swap3A_373, %swap3A_374], %swap3A_377 {strides = array<i32>} : memref<128x128xf32, #tpu.memory_space<vmem>>, vector<1x16xf32>,
          %get3A_378 = arith.index_cast %scan3A_302 : i32 to index
          %get3A_379 = arith.constant 80 : index
          %get3A_380 = tpu.vector_load %arg13[%get3A_378, %get3A_379] {strides = array<i32>} : memref<128x128xf32, #tpu.memory_space<vmem>>, vector<1x16xf32>,
          %get3A_381 = vector.shape_cast %get3A_380 : vector<1x16xf32> to vector<16xf32>
          %slice3A_382 = vector.extract_strided_slice %get3A_312 {offsets = [2], sizes = [1], strides = [1]} : vector<16xf32> to vector<1xf32>
          %squeeze3A_383 = vector.extract %slice3A_382[0] : f32 from vector<1xf32>
          %mul3A_384 = vector.broadcast %squeeze3A_383 : f32 to vector<16xf32>
          %mul3A_385 = arith.mulf %get3A_381, %mul3A_384 : vector<16xf32>
          %swap3A_386 = arith.index_cast %scan3A_302 : i32 to index
          %swap3A_387 = arith.constant 80 : index
          %swap3A_388 = tpu.vector_load %arg13[%swap3A_386, %swap3A_387] {strides = array<i32>} : memref<128x128xf32, #tpu.memory_space<vmem>>, vector<1x16xf32>,
          %swap3A_389 = vector.shape_cast %swap3A_388 : vector<1x16xf32> to vector<16xf32>
          %swap3A_390 = vector.shape_cast %mul3A_385 : vector<16xf32> to vector<1x16xf32>
          tpu.vector_store %arg13[%swap3A_386, %swap3A_387], %swap3A_390 {strides = array<i32>} : memref<128x128xf32, #tpu.memory_space<vmem>>, vector<1x16xf32>,
          %get3A_391 = arith.index_cast %scan3A_302 : i32 to index
          %get3A_392 = arith.constant 96 : index
          %get3A_393 = tpu.vector_load %arg13[%get3A_391, %get3A_392] {strides = array<i32>} : memref<128x128xf32, #tpu.memory_space<vmem>>, vector<1x16xf32>,
          %get3A_394 = vector.shape_cast %get3A_393 : vector<1x16xf32> to vector<16xf32>
          %slice3A_395 = vector.extract_strided_slice %get3A_312 {offsets = [3], sizes = [1], strides = [1]} : vector<16xf32> to vector<1xf32>
          %squeeze3A_396 = vector.extract %slice3A_395[0] : f32 from vector<1xf32>
          %mul3A_397 = vector.broadcast %squeeze3A_396 : f32 to vector<16xf32>
          %mul3A_398 = arith.mulf %get3A_394, %mul3A_397 : vector<16xf32>
          %swap3A_399 = arith.index_cast %scan3A_302 : i32 to index
          %swap3A_400 = arith.constant 96 : index
          %swap3A_401 = tpu.vector_load %arg13[%swap3A_399, %swap3A_400] {strides = array<i32>} : memref<128x128xf32, #tpu.memory_space<vmem>>, vector<1x16xf32>,
          %swap3A_402 = vector.shape_cast %swap3A_401 : vector<1x16xf32> to vector<16xf32>
          %swap3A_403 = vector.shape_cast %mul3A_398 : vector<16xf32> to vector<1x16xf32>
          tpu.vector_store %arg13[%swap3A_399, %swap3A_400], %swap3A_403 {strides = array<i32>} : memref<128x128xf32, #tpu.memory_space<vmem>>, vector<1x16xf32>,
          %get3A_404 = arith.index_cast %scan3A_302 : i32 to index
          %get3A_405 = arith.constant 112 : index
          %get3A_406 = tpu.vector_load %arg13[%get3A_404, %get3A_405] {strides = array<i32>} : memref<128x128xf32, #tpu.memory_space<vmem>>, vector<1x16xf32>,
          %get3A_407 = vector.shape_cast %get3A_406 : vector<1x16xf32> to vector<16xf32>
          %slice3A_408 = vector.extract_strided_slice %get3A_312 {offsets = [3], sizes = [1], strides = [1]} : vector<16xf32> to vector<1xf32>
          %squeeze3A_409 = vector.extract %slice3A_408[0] : f32 from vector<1xf32>
          %mul3A_410 = vector.broadcast %squeeze3A_409 : f32 to vector<16xf32>
          %mul3A_411 = arith.mulf %get3A_407, %mul3A_410 : vector<16xf32>
          %swap3A_412 = arith.index_cast %scan3A_302 : i32 to index
          %swap3A_413 = arith.constant 112 : index
          %swap3A_414 = tpu.vector_load %arg13[%swap3A_412, %swap3A_413] {strides = array<i32>} : memref<128x128xf32, #tpu.memory_space<vmem>>, vector<1x16xf32>,
          %swap3A_415 = vector.shape_cast %swap3A_414 : vector<1x16xf32> to vector<16xf32>
          %swap3A_416 = vector.shape_cast %mul3A_411 : vector<16xf32> to vector<1x16xf32>
          tpu.vector_store %arg13[%swap3A_412, %swap3A_413], %swap3A_416 {strides = array<i32>} : memref<128x128xf32, #tpu.memory_space<vmem>>, vector<1x16xf32>,
          %scan3A_417 = arith.constant 0 : i32
          %scan3A_418 = arith.constant 3 : i32
          %scan3A_419 = arith.addi %scan3A_73, %scan3A_418 : i32
          %shift_right_arithmetic3A_420 = arith.constant 3 : i32
          %shift_right_arithmetic3A_421 = arith.shrsi %scan3A_419, %shift_right_arithmetic3A_420 : i32
          %and3A_422 = arith.constant 7 : i32
          %and3A_423 = arith.andi %scan3A_419, %and3A_422 : i32
          %mul3A_424 = arith.constant 16 : i32
          %mul3A_425 = arith.muli %and3A_423, %mul3A_424 : i32
          %get3A_426 = arith.index_cast %shift_right_arithmetic3A_421 : i32 to index
          %get3A_427 = arith.index_cast %mul3A_425 : i32 to index
          %get3A_428 = tpu.vector_load %arg19[%get3A_426, %get3A_427] {strides = array<i32>} : memref<16x128xf32, #tpu.memory_space<vmem>>, vector<1x16xf32>,
          %get3A_429 = vector.shape_cast %get3A_428 : vector<1x16xf32> to vector<16xf32>
          %get3A_430 = arith.index_cast %scan3A_419 : i32 to index
          %get3A_431 = arith.constant 0 : index
          %get3A_432 = tpu.vector_load %arg13[%get3A_430, %get3A_431] {strides = array<i32>} : memref<128x128xf32, #tpu.memory_space<vmem>>, vector<1x16xf32>,
          %get3A_433 = vector.shape_cast %get3A_432 : vector<1x16xf32> to vector<16xf32>
          %slice3A_434 = vector.extract_strided_slice %get3A_429 {offsets = [0], sizes = [1], strides = [1]} : vector<16xf32> to vector<1xf32>
          %squeeze3A_435 = vector.extract %slice3A_434[0] : f32 from vector<1xf32>
          %mul3A_436 = vector.broadcast %squeeze3A_435 : f32 to vector<16xf32>
          %mul3A_437 = arith.mulf %get3A_433, %mul3A_436 : vector<16xf32>
          %swap3A_438 = arith.index_cast %scan3A_419 : i32 to index
          %swap3A_439 = arith.constant 0 : index
          %swap3A_440 = tpu.vector_load %arg13[%swap3A_438, %swap3A_439] {strides = array<i32>} : memref<128x128xf32, #tpu.memory_space<vmem>>, vector<1x16xf32>,
          %swap3A_441 = vector.shape_cast %swap3A_440 : vector<1x16xf32> to vector<16xf32>
          %swap3A_442 = vector.shape_cast %mul3A_437 : vector<16xf32> to vector<1x16xf32>
          tpu.vector_store %arg13[%swap3A_438, %swap3A_439], %swap3A_442 {strides = array<i32>} : memref<128x128xf32, #tpu.memory_space<vmem>>, vector<1x16xf32>,
          %get3A_443 = arith.index_cast %scan3A_419 : i32 to index
          %get3A_444 = arith.constant 16 : index
          %get3A_445 = tpu.vector_load %arg13[%get3A_443, %get3A_444] {strides = array<i32>} : memref<128x128xf32, #tpu.memory_space<vmem>>, vector<1x16xf32>,
          %get3A_446 = vector.shape_cast %get3A_445 : vector<1x16xf32> to vector<16xf32>
          %slice3A_447 = vector.extract_strided_slice %get3A_429 {offsets = [0], sizes = [1], strides = [1]} : vector<16xf32> to vector<1xf32>
          %squeeze3A_448 = vector.extract %slice3A_447[0] : f32 from vector<1xf32>
          %mul3A_449 = vector.broadcast %squeeze3A_448 : f32 to vector<16xf32>
          %mul3A_450 = arith.mulf %get3A_446, %mul3A_449 : vector<16xf32>
          %swap3A_451 = arith.index_cast %scan3A_419 : i32 to index
          %swap3A_452 = arith.constant 16 : index
          %swap3A_453 = tpu.vector_load %arg13[%swap3A_451, %swap3A_452] {strides = array<i32>} : memref<128x128xf32, #tpu.memory_space<vmem>>, vector<1x16xf32>,
          %swap3A_454 = vector.shape_cast %swap3A_453 : vector<1x16xf32> to vector<16xf32>
          %swap3A_455 = vector.shape_cast %mul3A_450 : vector<16xf32> to vector<1x16xf32>
          tpu.vector_store %arg13[%swap3A_451, %swap3A_452], %swap3A_455 {strides = array<i32>} : memref<128x128xf32, #tpu.memory_space<vmem>>, vector<1x16xf32>,
          %get3A_456 = arith.index_cast %scan3A_419 : i32 to index
          %get3A_457 = arith.constant 32 : index
          %get3A_458 = tpu.vector_load %arg13[%get3A_456, %get3A_457] {strides = array<i32>} : memref<128x128xf32, #tpu.memory_space<vmem>>, vector<1x16xf32>,
          %get3A_459 = vector.shape_cast %get3A_458 : vector<1x16xf32> to vector<16xf32>
          %slice3A_460 = vector.extract_strided_slice %get3A_429 {offsets = [1], sizes = [1], strides = [1]} : vector<16xf32> to vector<1xf32>
          %squeeze3A_461 = vector.extract %slice3A_460[0] : f32 from vector<1xf32>
          %mul3A_462 = vector.broadcast %squeeze3A_461 : f32 to vector<16xf32>
          %mul3A_463 = arith.mulf %get3A_459, %mul3A_462 : vector<16xf32>
          %swap3A_464 = arith.index_cast %scan3A_419 : i32 to index
          %swap3A_465 = arith.constant 32 : index
          %swap3A_466 = tpu.vector_load %arg13[%swap3A_464, %swap3A_465] {strides = array<i32>} : memref<128x128xf32, #tpu.memory_space<vmem>>, vector<1x16xf32>,
          %swap3A_467 = vector.shape_cast %swap3A_466 : vector<1x16xf32> to vector<16xf32>
          %swap3A_468 = vector.shape_cast %mul3A_463 : vector<16xf32> to vector<1x16xf32>
          tpu.vector_store %arg13[%swap3A_464, %swap3A_465], %swap3A_468 {strides = array<i32>} : memref<128x128xf32, #tpu.memory_space<vmem>>, vector<1x16xf32>,
          %get3A_469 = arith.index_cast %scan3A_419 : i32 to index
          %get3A_470 = arith.constant 48 : index
          %get3A_471 = tpu.vector_load %arg13[%get3A_469, %get3A_470] {strides = array<i32>} : memref<128x128xf32, #tpu.memory_space<vmem>>, vector<1x16xf32>,
          %get3A_472 = vector.shape_cast %get3A_471 : vector<1x16xf32> to vector<16xf32>
          %slice3A_473 = vector.extract_strided_slice %get3A_429 {offsets = [1], sizes = [1], strides = [1]} : vector<16xf32> to vector<1xf32>
          %squeeze3A_474 = vector.extract %slice3A_473[0] : f32 from vector<1xf32>
          %mul3A_475 = vector.broadcast %squeeze3A_474 : f32 to vector<16xf32>
          %mul3A_476 = arith.mulf %get3A_472, %mul3A_475 : vector<16xf32>
          %swap3A_477 = arith.index_cast %scan3A_419 : i32 to index
          %swap3A_478 = arith.constant 48 : index
          %swap3A_479 = tpu.vector_load %arg13[%swap3A_477, %swap3A_478] {strides = array<i32>} : memref<128x128xf32, #tpu.memory_space<vmem>>, vector<1x16xf32>,
          %swap3A_480 = vector.shape_cast %swap3A_479 : vector<1x16xf32> to vector<16xf32>
          %swap3A_481 = vector.shape_cast %mul3A_476 : vector<16xf32> to vector<1x16xf32>
          tpu.vector_store %arg13[%swap3A_477, %swap3A_478], %swap3A_481 {strides = array<i32>} : memref<128x128xf32, #tpu.memory_space<vmem>>, vector<1x16xf32>,
          %get3A_482 = arith.index_cast %scan3A_419 : i32 to index
          %get3A_483 = arith.constant 64 : index
          %get3A_484 = tpu.vector_load %arg13[%get3A_482, %get3A_483] {strides = array<i32>} : memref<128x128xf32, #tpu.memory_space<vmem>>, vector<1x16xf32>,
          %get3A_485 = vector.shape_cast %get3A_484 : vector<1x16xf32> to vector<16xf32>
          %slice3A_486 = vector.extract_strided_slice %get3A_429 {offsets = [2], sizes = [1], strides = [1]} : vector<16xf32> to vector<1xf32>
          %squeeze3A_487 = vector.extract %slice3A_486[0] : f32 from vector<1xf32>
          %mul3A_488 = vector.broadcast %squeeze3A_487 : f32 to vector<16xf32>
          %mul3A_489 = arith.mulf %get3A_485, %mul3A_488 : vector<16xf32>
          %swap3A_490 = arith.index_cast %scan3A_419 : i32 to index
          %swap3A_491 = arith.constant 64 : index
          %swap3A_492 = tpu.vector_load %arg13[%swap3A_490, %swap3A_491] {strides = array<i32>} : memref<128x128xf32, #tpu.memory_space<vmem>>, vector<1x16xf32>,
          %swap3A_493 = vector.shape_cast %swap3A_492 : vector<1x16xf32> to vector<16xf32>
          %swap3A_494 = vector.shape_cast %mul3A_489 : vector<16xf32> to vector<1x16xf32>
          tpu.vector_store %arg13[%swap3A_490, %swap3A_491], %swap3A_494 {strides = array<i32>} : memref<128x128xf32, #tpu.memory_space<vmem>>, vector<1x16xf32>,
          %get3A_495 = arith.index_cast %scan3A_419 : i32 to index
          %get3A_496 = arith.constant 80 : index
          %get3A_497 = tpu.vector_load %arg13[%get3A_495, %get3A_496] {strides = array<i32>} : memref<128x128xf32, #tpu.memory_space<vmem>>, vector<1x16xf32>,
          %get3A_498 = vector.shape_cast %get3A_497 : vector<1x16xf32> to vector<16xf32>
          %slice3A_499 = vector.extract_strided_slice %get3A_429 {offsets = [2], sizes = [1], strides = [1]} : vector<16xf32> to vector<1xf32>
          %squeeze3A_500 = vector.extract %slice3A_499[0] : f32 from vector<1xf32>
          %mul3A_501 = vector.broadcast %squeeze3A_500 : f32 to vector<16xf32>
          %mul3A_502 = arith.mulf %get3A_498, %mul3A_501 : vector<16xf32>
          %swap3A_503 = arith.index_cast %scan3A_419 : i32 to index
          %swap3A_504 = arith.constant 80 : index
          %swap3A_505 = tpu.vector_load %arg13[%swap3A_503, %swap3A_504] {strides = array<i32>} : memref<128x128xf32, #tpu.memory_space<vmem>>, vector<1x16xf32>,
          %swap3A_506 = vector.shape_cast %swap3A_505 : vector<1x16xf32> to vector<16xf32>
          %swap3A_507 = vector.shape_cast %mul3A_502 : vector<16xf32> to vector<1x16xf32>
          tpu.vector_store %arg13[%swap3A_503, %swap3A_504], %swap3A_507 {strides = array<i32>} : memref<128x128xf32, #tpu.memory_space<vmem>>, vector<1x16xf32>,
          %get3A_508 = arith.index_cast %scan3A_419 : i32 to index
          %get3A_509 = arith.constant 96 : index
          %get3A_510 = tpu.vector_load %arg13[%get3A_508, %get3A_509] {strides = array<i32>} : memref<128x128xf32, #tpu.memory_space<vmem>>, vector<1x16xf32>,
          %get3A_511 = vector.shape_cast %get3A_510 : vector<1x16xf32> to vector<16xf32>
          %slice3A_512 = vector.extract_strided_slice %get3A_429 {offsets = [3], sizes = [1], strides = [1]} : vector<16xf32> to vector<1xf32>
          %squeeze3A_513 = vector.extract %slice3A_512[0] : f32 from vector<1xf32>
          %mul3A_514 = vector.broadcast %squeeze3A_513 : f32 to vector<16xf32>
          %mul3A_515 = arith.mulf %get3A_511, %mul3A_514 : vector<16xf32>
          %swap3A_516 = arith.index_cast %scan3A_419 : i32 to index
          %swap3A_517 = arith.constant 96 : index
          %swap3A_518 = tpu.vector_load %arg13[%swap3A_516, %swap3A_517] {strides = array<i32>} : memref<128x128xf32, #tpu.memory_space<vmem>>, vector<1x16xf32>,
          %swap3A_519 = vector.shape_cast %swap3A_518 : vector<1x16xf32> to vector<16xf32>
          %swap3A_520 = vector.shape_cast %mul3A_515 : vector<16xf32> to vector<1x16xf32>
          tpu.vector_store %arg13[%swap3A_516, %swap3A_517], %swap3A_520 {strides = array<i32>} : memref<128x128xf32, #tpu.memory_space<vmem>>, vector<1x16xf32>,
          %get3A_521 = arith.index_cast %scan3A_419 : i32 to index
          %get3A_522 = arith.constant 112 : index
          %get3A_523 = tpu.vector_load %arg13[%get3A_521, %get3A_522] {strides = array<i32>} : memref<128x128xf32, #tpu.memory_space<vmem>>, vector<1x16xf32>,
          %get3A_524 = vector.shape_cast %get3A_523 : vector<1x16xf32> to vector<16xf32>
          %slice3A_525 = vector.extract_strided_slice %get3A_429 {offsets = [3], sizes = [1], strides = [1]} : vector<16xf32> to vector<1xf32>
          %squeeze3A_526 = vector.extract %slice3A_525[0] : f32 from vector<1xf32>
          %mul3A_527 = vector.broadcast %squeeze3A_526 : f32 to vector<16xf32>
          %mul3A_528 = arith.mulf %get3A_524, %mul3A_527 : vector<16xf32>
          %swap3A_529 = arith.index_cast %scan3A_419 : i32 to index
          %swap3A_530 = arith.constant 112 : index
          %swap3A_531 = tpu.vector_load %arg13[%swap3A_529, %swap3A_530] {strides = array<i32>} : memref<128x128xf32, #tpu.memory_space<vmem>>, vector<1x16xf32>,
          %swap3A_532 = vector.shape_cast %swap3A_531 : vector<1x16xf32> to vector<16xf32>
          %swap3A_533 = vector.shape_cast %mul3A_528 : vector<16xf32> to vector<1x16xf32>
          tpu.vector_store %arg13[%swap3A_529, %swap3A_530], %swap3A_533 {strides = array<i32>} : memref<128x128xf32, #tpu.memory_space<vmem>>, vector<1x16xf32>,
          %scan3A_534 = arith.constant 0 : i32
          %scan3A_535 = arith.constant 4 : i32
          %scan3A_536 = arith.addi %scan3A_73, %scan3A_535 : i32
          %shift_right_arithmetic3A_537 = arith.constant 3 : i32
          %shift_right_arithmetic3A_538 = arith.shrsi %scan3A_536, %shift_right_arithmetic3A_537 : i32
          %and3A_539 = arith.constant 7 : i32
          %and3A_540 = arith.andi %scan3A_536, %and3A_539 : i32
          %mul3A_541 = arith.constant 16 : i32
          %mul3A_542 = arith.muli %and3A_540, %mul3A_541 : i32
          %get3A_543 = arith.index_cast %shift_right_arithmetic3A_538 : i32 to index
          %get3A_544 = arith.index_cast %mul3A_542 : i32 to index
          %get3A_545 = tpu.vector_load %arg19[%get3A_543, %get3A_544] {strides = array<i32>} : memref<16x128xf32, #tpu.memory_space<vmem>>, vector<1x16xf32>,
          %get3A_546 = vector.shape_cast %get3A_545 : vector<1x16xf32> to vector<16xf32>
          %get3A_547 = arith.index_cast %scan3A_536 : i32 to index
          %get3A_548 = arith.constant 0 : index
          %get3A_549 = tpu.vector_load %arg13[%get3A_547, %get3A_548] {strides = array<i32>} : memref<128x128xf32, #tpu.memory_space<vmem>>, vector<1x16xf32>,
          %get3A_550 = vector.shape_cast %get3A_549 : vector<1x16xf32> to vector<16xf32>
          %slice3A_551 = vector.extract_strided_slice %get3A_546 {offsets = [0], sizes = [1], strides = [1]} : vector<16xf32> to vector<1xf32>
          %squeeze3A_552 = vector.extract %slice3A_551[0] : f32 from vector<1xf32>
          %mul3A_553 = vector.broadcast %squeeze3A_552 : f32 to vector<16xf32>
          %mul3A_554 = arith.mulf %get3A_550, %mul3A_553 : vector<16xf32>
          %swap3A_555 = arith.index_cast %scan3A_536 : i32 to index
          %swap3A_556 = arith.constant 0 : index
          %swap3A_557 = tpu.vector_load %arg13[%swap3A_555, %swap3A_556] {strides = array<i32>} : memref<128x128xf32, #tpu.memory_space<vmem>>, vector<1x16xf32>,
          %swap3A_558 = vector.shape_cast %swap3A_557 : vector<1x16xf32> to vector<16xf32>
          %swap3A_559 = vector.shape_cast %mul3A_554 : vector<16xf32> to vector<1x16xf32>
          tpu.vector_store %arg13[%swap3A_555, %swap3A_556], %swap3A_559 {strides = array<i32>} : memref<128x128xf32, #tpu.memory_space<vmem>>, vector<1x16xf32>,
          %get3A_560 = arith.index_cast %scan3A_536 : i32 to index
          %get3A_561 = arith.constant 16 : index
          %get3A_562 = tpu.vector_load %arg13[%get3A_560, %get3A_561] {strides = array<i32>} : memref<128x128xf32, #tpu.memory_space<vmem>>, vector<1x16xf32>,
          %get3A_563 = vector.shape_cast %get3A_562 : vector<1x16xf32> to vector<16xf32>
          %slice3A_564 = vector.extract_strided_slice %get3A_546 {offsets = [0], sizes = [1], strides = [1]} : vector<16xf32> to vector<1xf32>
          %squeeze3A_565 = vector.extract %slice3A_564[0] : f32 from vector<1xf32>
          %mul3A_566 = vector.broadcast %squeeze3A_565 : f32 to vector<16xf32>
          %mul3A_567 = arith.mulf %get3A_563, %mul3A_566 : vector<16xf32>
          %swap3A_568 = arith.index_cast %scan3A_536 : i32 to index
          %swap3A_569 = arith.constant 16 : index
          %swap3A_570 = tpu.vector_load %arg13[%swap3A_568, %swap3A_569] {strides = array<i32>} : memref<128x128xf32, #tpu.memory_space<vmem>>, vector<1x16xf32>,
          %swap3A_571 = vector.shape_cast %swap3A_570 : vector<1x16xf32> to vector<16xf32>
          %swap3A_572 = vector.shape_cast %mul3A_567 : vector<16xf32> to vector<1x16xf32>
          tpu.vector_store %arg13[%swap3A_568, %swap3A_569], %swap3A_572 {strides = array<i32>} : memref<128x128xf32, #tpu.memory_space<vmem>>, vector<1x16xf32>,
          %get3A_573 = arith.index_cast %scan3A_536 : i32 to index
          %get3A_574 = arith.constant 32 : index
          %get3A_575 = tpu.vector_load %arg13[%get3A_573, %get3A_574] {strides = array<i32>} : memref<128x128xf32, #tpu.memory_space<vmem>>, vector<1x16xf32>,
          %get3A_576 = vector.shape_cast %get3A_575 : vector<1x16xf32> to vector<16xf32>
          %slice3A_577 = vector.extract_strided_slice %get3A_546 {offsets = [1], sizes = [1], strides = [1]} : vector<16xf32> to vector<1xf32>
          %squeeze3A_578 = vector.extract %slice3A_577[0] : f32 from vector<1xf32>
          %mul3A_579 = vector.broadcast %squeeze3A_578 : f32 to vector<16xf32>
          %mul3A_580 = arith.mulf %get3A_576, %mul3A_579 : vector<16xf32>
          %swap3A_581 = arith.index_cast %scan3A_536 : i32 to index
          %swap3A_582 = arith.constant 32 : index
          %swap3A_583 = tpu.vector_load %arg13[%swap3A_581, %swap3A_582] {strides = array<i32>} : memref<128x128xf32, #tpu.memory_space<vmem>>, vector<1x16xf32>,
          %swap3A_584 = vector.shape_cast %swap3A_583 : vector<1x16xf32> to vector<16xf32>
          %swap3A_585 = vector.shape_cast %mul3A_580 : vector<16xf32> to vector<1x16xf32>
          tpu.vector_store %arg13[%swap3A_581, %swap3A_582], %swap3A_585 {strides = array<i32>} : memref<128x128xf32, #tpu.memory_space<vmem>>, vector<1x16xf32>,
          %get3A_586 = arith.index_cast %scan3A_536 : i32 to index
          %get3A_587 = arith.constant 48 : index
          %get3A_588 = tpu.vector_load %arg13[%get3A_586, %get3A_587] {strides = array<i32>} : memref<128x128xf32, #tpu.memory_space<vmem>>, vector<1x16xf32>,
          %get3A_589 = vector.shape_cast %get3A_588 : vector<1x16xf32> to vector<16xf32>
          %slice3A_590 = vector.extract_strided_slice %get3A_546 {offsets = [1], sizes = [1], strides = [1]} : vector<16xf32> to vector<1xf32>
          %squeeze3A_591 = vector.extract %slice3A_590[0] : f32 from vector<1xf32>
          %mul3A_592 = vector.broadcast %squeeze3A_591 : f32 to vector<16xf32>
          %mul3A_593 = arith.mulf %get3A_589, %mul3A_592 : vector<16xf32>
          %swap3A_594 = arith.index_cast %scan3A_536 : i32 to index
          %swap3A_595 = arith.constant 48 : index
          %swap3A_596 = tpu.vector_load %arg13[%swap3A_594, %swap3A_595] {strides = array<i32>} : memref<128x128xf32, #tpu.memory_space<vmem>>, vector<1x16xf32>,
          %swap3A_597 = vector.shape_cast %swap3A_596 : vector<1x16xf32> to vector<16xf32>
          %swap3A_598 = vector.shape_cast %mul3A_593 : vector<16xf32> to vector<1x16xf32>
          tpu.vector_store %arg13[%swap3A_594, %swap3A_595], %swap3A_598 {strides = array<i32>} : memref<128x128xf32, #tpu.memory_space<vmem>>, vector<1x16xf32>,
          %get3A_599 = arith.index_cast %scan3A_536 : i32 to index
          %get3A_600 = arith.constant 64 : index
          %get3A_601 = tpu.vector_load %arg13[%get3A_599, %get3A_600] {strides = array<i32>} : memref<128x128xf32, #tpu.memory_space<vmem>>, vector<1x16xf32>,
          %get3A_602 = vector.shape_cast %get3A_601 : vector<1x16xf32> to vector<16xf32>
          %slice3A_603 = vector.extract_strided_slice %get3A_546 {offsets = [2], sizes = [1], strides = [1]} : vector<16xf32> to vector<1xf32>
          %squeeze3A_604 = vector.extract %slice3A_603[0] : f32 from vector<1xf32>
          %mul3A_605 = vector.broadcast %squeeze3A_604 : f32 to vector<16xf32>
          %mul3A_606 = arith.mulf %get3A_602, %mul3A_605 : vector<16xf32>
          %swap3A_607 = arith.index_cast %scan3A_536 : i32 to index
          %swap3A_608 = arith.constant 64 : index
          %swap3A_609 = tpu.vector_load %arg13[%swap3A_607, %swap3A_608] {strides = array<i32>} : memref<128x128xf32, #tpu.memory_space<vmem>>, vector<1x16xf32>,
          %swap3A_610 = vector.shape_cast %swap3A_609 : vector<1x16xf32> to vector<16xf32>
          %swap3A_611 = vector.shape_cast %mul3A_606 : vector<16xf32> to vector<1x16xf32>
          tpu.vector_store %arg13[%swap3A_607, %swap3A_608], %swap3A_611 {strides = array<i32>} : memref<128x128xf32, #tpu.memory_space<vmem>>, vector<1x16xf32>,
          %get3A_612 = arith.index_cast %scan3A_536 : i32 to index
          %get3A_613 = arith.constant 80 : index
          %get3A_614 = tpu.vector_load %arg13[%get3A_612, %get3A_613] {strides = array<i32>} : memref<128x128xf32, #tpu.memory_space<vmem>>, vector<1x16xf32>,
          %get3A_615 = vector.shape_cast %get3A_614 : vector<1x16xf32> to vector<16xf32>
          %slice3A_616 = vector.extract_strided_slice %get3A_546 {offsets = [2], sizes = [1], strides = [1]} : vector<16xf32> to vector<1xf32>
          %squeeze3A_617 = vector.extract %slice3A_616[0] : f32 from vector<1xf32>
          %mul3A_618 = vector.broadcast %squeeze3A_617 : f32 to vector<16xf32>
          %mul3A_619 = arith.mulf %get3A_615, %mul3A_618 : vector<16xf32>
          %swap3A_620 = arith.index_cast %scan3A_536 : i32 to index
          %swap3A_621 = arith.constant 80 : index
          %swap3A_622 = tpu.vector_load %arg13[%swap3A_620, %swap3A_621] {strides = array<i32>} : memref<128x128xf32, #tpu.memory_space<vmem>>, vector<1x16xf32>,
          %swap3A_623 = vector.shape_cast %swap3A_622 : vector<1x16xf32> to vector<16xf32>
          %swap3A_624 = vector.shape_cast %mul3A_619 : vector<16xf32> to vector<1x16xf32>
          tpu.vector_store %arg13[%swap3A_620, %swap3A_621], %swap3A_624 {strides = array<i32>} : memref<128x128xf32, #tpu.memory_space<vmem>>, vector<1x16xf32>,
          %get3A_625 = arith.index_cast %scan3A_536 : i32 to index
          %get3A_626 = arith.constant 96 : index
          %get3A_627 = tpu.vector_load %arg13[%get3A_625, %get3A_626] {strides = array<i32>} : memref<128x128xf32, #tpu.memory_space<vmem>>, vector<1x16xf32>,
          %get3A_628 = vector.shape_cast %get3A_627 : vector<1x16xf32> to vector<16xf32>
          %slice3A_629 = vector.extract_strided_slice %get3A_546 {offsets = [3], sizes = [1], strides = [1]} : vector<16xf32> to vector<1xf32>
          %squeeze3A_630 = vector.extract %slice3A_629[0] : f32 from vector<1xf32>
          %mul3A_631 = vector.broadcast %squeeze3A_630 : f32 to vector<16xf32>
          %mul3A_632 = arith.mulf %get3A_628, %mul3A_631 : vector<16xf32>
          %swap3A_633 = arith.index_cast %scan3A_536 : i32 to index
          %swap3A_634 = arith.constant 96 : index
          %swap3A_635 = tpu.vector_load %arg13[%swap3A_633, %swap3A_634] {strides = array<i32>} : memref<128x128xf32, #tpu.memory_space<vmem>>, vector<1x16xf32>,
          %swap3A_636 = vector.shape_cast %swap3A_635 : vector<1x16xf32> to vector<16xf32>
          %swap3A_637 = vector.shape_cast %mul3A_632 : vector<16xf32> to vector<1x16xf32>
          tpu.vector_store %arg13[%swap3A_633, %swap3A_634], %swap3A_637 {strides = array<i32>} : memref<128x128xf32, #tpu.memory_space<vmem>>, vector<1x16xf32>,
          %get3A_638 = arith.index_cast %scan3A_536 : i32 to index
          %get3A_639 = arith.constant 112 : index
          %get3A_640 = tpu.vector_load %arg13[%get3A_638, %get3A_639] {strides = array<i32>} : memref<128x128xf32, #tpu.memory_space<vmem>>, vector<1x16xf32>,
          %get3A_641 = vector.shape_cast %get3A_640 : vector<1x16xf32> to vector<16xf32>
          %slice3A_642 = vector.extract_strided_slice %get3A_546 {offsets = [3], sizes = [1], strides = [1]} : vector<16xf32> to vector<1xf32>
          %squeeze3A_643 = vector.extract %slice3A_642[0] : f32 from vector<1xf32>
          %mul3A_644 = vector.broadcast %squeeze3A_643 : f32 to vector<16xf32>
          %mul3A_645 = arith.mulf %get3A_641, %mul3A_644 : vector<16xf32>
          %swap3A_646 = arith.index_cast %scan3A_536 : i32 to index
          %swap3A_647 = arith.constant 112 : index
          %swap3A_648 = tpu.vector_load %arg13[%swap3A_646, %swap3A_647] {strides = array<i32>} : memref<128x128xf32, #tpu.memory_space<vmem>>, vector<1x16xf32>,
          %swap3A_649 = vector.shape_cast %swap3A_648 : vector<1x16xf32> to vector<16xf32>
          %swap3A_650 = vector.shape_cast %mul3A_645 : vector<16xf32> to vector<1x16xf32>
          tpu.vector_store %arg13[%swap3A_646, %swap3A_647], %swap3A_650 {strides = array<i32>} : memref<128x128xf32, #tpu.memory_space<vmem>>, vector<1x16xf32>,
          %scan3A_651 = arith.constant 0 : i32
          %scan3A_652 = arith.constant 5 : i32
          %scan3A_653 = arith.addi %scan3A_73, %scan3A_652 : i32
          %shift_right_arithmetic3A_654 = arith.constant 3 : i32
          %shift_right_arithmetic3A_655 = arith.shrsi %scan3A_653, %shift_right_arithmetic3A_654 : i32
          %and3A_656 = arith.constant 7 : i32
          %and3A_657 = arith.andi %scan3A_653, %and3A_656 : i32
          %mul3A_658 = arith.constant 16 : i32
          %mul3A_659 = arith.muli %and3A_657, %mul3A_658 : i32
          %get3A_660 = arith.index_cast %shift_right_arithmetic3A_655 : i32 to index
          %get3A_661 = arith.index_cast %mul3A_659 : i32 to index
          %get3A_662 = tpu.vector_load %arg19[%get3A_660, %get3A_661] {strides = array<i32>} : memref<16x128xf32, #tpu.memory_space<vmem>>, vector<1x16xf32>,
          %get3A_663 = vector.shape_cast %get3A_662 : vector<1x16xf32> to vector<16xf32>
          %get3A_664 = arith.index_cast %scan3A_653 : i32 to index
          %get3A_665 = arith.constant 0 : index
          %get3A_666 = tpu.vector_load %arg13[%get3A_664, %get3A_665] {strides = array<i32>} : memref<128x128xf32, #tpu.memory_space<vmem>>, vector<1x16xf32>,
          %get3A_667 = vector.shape_cast %get3A_666 : vector<1x16xf32> to vector<16xf32>
          %slice3A_668 = vector.extract_strided_slice %get3A_663 {offsets = [0], sizes = [1], strides = [1]} : vector<16xf32> to vector<1xf32>
          %squeeze3A_669 = vector.extract %slice3A_668[0] : f32 from vector<1xf32>
          %mul3A_670 = vector.broadcast %squeeze3A_669 : f32 to vector<16xf32>
          %mul3A_671 = arith.mulf %get3A_667, %mul3A_670 : vector<16xf32>
          %swap3A_672 = arith.index_cast %scan3A_653 : i32 to index
          %swap3A_673 = arith.constant 0 : index
          %swap3A_674 = tpu.vector_load %arg13[%swap3A_672, %swap3A_673] {strides = array<i32>} : memref<128x128xf32, #tpu.memory_space<vmem>>, vector<1x16xf32>,
          %swap3A_675 = vector.shape_cast %swap3A_674 : vector<1x16xf32> to vector<16xf32>
          %swap3A_676 = vector.shape_cast %mul3A_671 : vector<16xf32> to vector<1x16xf32>
          tpu.vector_store %arg13[%swap3A_672, %swap3A_673], %swap3A_676 {strides = array<i32>} : memref<128x128xf32, #tpu.memory_space<vmem>>, vector<1x16xf32>,
          %get3A_677 = arith.index_cast %scan3A_653 : i32 to index
          %get3A_678 = arith.constant 16 : index
          %get3A_679 = tpu.vector_load %arg13[%get3A_677, %get3A_678] {strides = array<i32>} : memref<128x128xf32, #tpu.memory_space<vmem>>, vector<1x16xf32>,
          %get3A_680 = vector.shape_cast %get3A_679 : vector<1x16xf32> to vector<16xf32>
          %slice3A_681 = vector.extract_strided_slice %get3A_663 {offsets = [0], sizes = [1], strides = [1]} : vector<16xf32> to vector<1xf32>
          %squeeze3A_682 = vector.extract %slice3A_681[0] : f32 from vector<1xf32>
          %mul3A_683 = vector.broadcast %squeeze3A_682 : f32 to vector<16xf32>
          %mul3A_684 = arith.mulf %get3A_680, %mul3A_683 : vector<16xf32>
          %swap3A_685 = arith.index_cast %scan3A_653 : i32 to index
          %swap3A_686 = arith.constant 16 : index
          %swap3A_687 = tpu.vector_load %arg13[%swap3A_685, %swap3A_686] {strides = array<i32>} : memref<128x128xf32, #tpu.memory_space<vmem>>, vector<1x16xf32>,
          %swap3A_688 = vector.shape_cast %swap3A_687 : vector<1x16xf32> to vector<16xf32>
          %swap3A_689 = vector.shape_cast %mul3A_684 : vector<16xf32> to vector<1x16xf32>
          tpu.vector_store %arg13[%swap3A_685, %swap3A_686], %swap3A_689 {strides = array<i32>} : memref<128x128xf32, #tpu.memory_space<vmem>>, vector<1x16xf32>,
          %get3A_690 = arith.index_cast %scan3A_653 : i32 to index
          %get3A_691 = arith.constant 32 : index
          %get3A_692 = tpu.vector_load %arg13[%get3A_690, %get3A_691] {strides = array<i32>} : memref<128x128xf32, #tpu.memory_space<vmem>>, vector<1x16xf32>,
          %get3A_693 = vector.shape_cast %get3A_692 : vector<1x16xf32> to vector<16xf32>
          %slice3A_694 = vector.extract_strided_slice %get3A_663 {offsets = [1], sizes = [1], strides = [1]} : vector<16xf32> to vector<1xf32>
          %squeeze3A_695 = vector.extract %slice3A_694[0] : f32 from vector<1xf32>
          %mul3A_696 = vector.broadcast %squeeze3A_695 : f32 to vector<16xf32>
          %mul3A_697 = arith.mulf %get3A_693, %mul3A_696 : vector<16xf32>
          %swap3A_698 = arith.index_cast %scan3A_653 : i32 to index
          %swap3A_699 = arith.constant 32 : index
          %swap3A_700 = tpu.vector_load %arg13[%swap3A_698, %swap3A_699] {strides = array<i32>} : memref<128x128xf32, #tpu.memory_space<vmem>>, vector<1x16xf32>,
          %swap3A_701 = vector.shape_cast %swap3A_700 : vector<1x16xf32> to vector<16xf32>
          %swap3A_702 = vector.shape_cast %mul3A_697 : vector<16xf32> to vector<1x16xf32>
          tpu.vector_store %arg13[%swap3A_698, %swap3A_699], %swap3A_702 {strides = array<i32>} : memref<128x128xf32, #tpu.memory_space<vmem>>, vector<1x16xf32>,
          %get3A_703 = arith.index_cast %scan3A_653 : i32 to index
          %get3A_704 = arith.constant 48 : index
          %get3A_705 = tpu.vector_load %arg13[%get3A_703, %get3A_704] {strides = array<i32>} : memref<128x128xf32, #tpu.memory_space<vmem>>, vector<1x16xf32>,
          %get3A_706 = vector.shape_cast %get3A_705 : vector<1x16xf32> to vector<16xf32>
          %slice3A_707 = vector.extract_strided_slice %get3A_663 {offsets = [1], sizes = [1], strides = [1]} : vector<16xf32> to vector<1xf32>
          %squeeze3A_708 = vector.extract %slice3A_707[0] : f32 from vector<1xf32>
          %mul3A_709 = vector.broadcast %squeeze3A_708 : f32 to vector<16xf32>
          %mul3A_710 = arith.mulf %get3A_706, %mul3A_709 : vector<16xf32>
          %swap3A_711 = arith.index_cast %scan3A_653 : i32 to index
          %swap3A_712 = arith.constant 48 : index
          %swap3A_713 = tpu.vector_load %arg13[%swap3A_711, %swap3A_712] {strides = array<i32>} : memref<128x128xf32, #tpu.memory_space<vmem>>, vector<1x16xf32>,
          %swap3A_714 = vector.shape_cast %swap3A_713 : vector<1x16xf32> to vector<16xf32>
          %swap3A_715 = vector.shape_cast %mul3A_710 : vector<16xf32> to vector<1x16xf32>
          tpu.vector_store %arg13[%swap3A_711, %swap3A_712], %swap3A_715 {strides = array<i32>} : memref<128x128xf32, #tpu.memory_space<vmem>>, vector<1x16xf32>,
          %get3A_716 = arith.index_cast %scan3A_653 : i32 to index
          %get3A_717 = arith.constant 64 : index
          %get3A_718 = tpu.vector_load %arg13[%get3A_716, %get3A_717] {strides = array<i32>} : memref<128x128xf32, #tpu.memory_space<vmem>>, vector<1x16xf32>,
          %get3A_719 = vector.shape_cast %get3A_718 : vector<1x16xf32> to vector<16xf32>
          %slice3A_720 = vector.extract_strided_slice %get3A_663 {offsets = [2], sizes = [1], strides = [1]} : vector<16xf32> to vector<1xf32>
          %squeeze3A_721 = vector.extract %slice3A_720[0] : f32 from vector<1xf32>
          %mul3A_722 = vector.broadcast %squeeze3A_721 : f32 to vector<16xf32>
          %mul3A_723 = arith.mulf %get3A_719, %mul3A_722 : vector<16xf32>
          %swap3A_724 = arith.index_cast %scan3A_653 : i32 to index
          %swap3A_725 = arith.constant 64 : index
          %swap3A_726 = tpu.vector_load %arg13[%swap3A_724, %swap3A_725] {strides = array<i32>} : memref<128x128xf32, #tpu.memory_space<vmem>>, vector<1x16xf32>,
          %swap3A_727 = vector.shape_cast %swap3A_726 : vector<1x16xf32> to vector<16xf32>
          %swap3A_728 = vector.shape_cast %mul3A_723 : vector<16xf32> to vector<1x16xf32>
          tpu.vector_store %arg13[%swap3A_724, %swap3A_725], %swap3A_728 {strides = array<i32>} : memref<128x128xf32, #tpu.memory_space<vmem>>, vector<1x16xf32>,
          %get3A_729 = arith.index_cast %scan3A_653 : i32 to index
          %get3A_730 = arith.constant 80 : index
          %get3A_731 = tpu.vector_load %arg13[%get3A_729, %get3A_730] {strides = array<i32>} : memref<128x128xf32, #tpu.memory_space<vmem>>, vector<1x16xf32>,
          %get3A_732 = vector.shape_cast %get3A_731 : vector<1x16xf32> to vector<16xf32>
          %slice3A_733 = vector.extract_strided_slice %get3A_663 {offsets = [2], sizes = [1], strides = [1]} : vector<16xf32> to vector<1xf32>
          %squeeze3A_734 = vector.extract %slice3A_733[0] : f32 from vector<1xf32>
          %mul3A_735 = vector.broadcast %squeeze3A_734 : f32 to vector<16xf32>
          %mul3A_736 = arith.mulf %get3A_732, %mul3A_735 : vector<16xf32>
          %swap3A_737 = arith.index_cast %scan3A_653 : i32 to index
          %swap3A_738 = arith.constant 80 : index
          %swap3A_739 = tpu.vector_load %arg13[%swap3A_737, %swap3A_738] {strides = array<i32>} : memref<128x128xf32, #tpu.memory_space<vmem>>, vector<1x16xf32>,
          %swap3A_740 = vector.shape_cast %swap3A_739 : vector<1x16xf32> to vector<16xf32>
          %swap3A_741 = vector.shape_cast %mul3A_736 : vector<16xf32> to vector<1x16xf32>
          tpu.vector_store %arg13[%swap3A_737, %swap3A_738], %swap3A_741 {strides = array<i32>} : memref<128x128xf32, #tpu.memory_space<vmem>>, vector<1x16xf32>,
          %get3A_742 = arith.index_cast %scan3A_653 : i32 to index
          %get3A_743 = arith.constant 96 : index
          %get3A_744 = tpu.vector_load %arg13[%get3A_742, %get3A_743] {strides = array<i32>} : memref<128x128xf32, #tpu.memory_space<vmem>>, vector<1x16xf32>,
          %get3A_745 = vector.shape_cast %get3A_744 : vector<1x16xf32> to vector<16xf32>
          %slice3A_746 = vector.extract_strided_slice %get3A_663 {offsets = [3], sizes = [1], strides = [1]} : vector<16xf32> to vector<1xf32>
          %squeeze3A_747 = vector.extract %slice3A_746[0] : f32 from vector<1xf32>
          %mul3A_748 = vector.broadcast %squeeze3A_747 : f32 to vector<16xf32>
          %mul3A_749 = arith.mulf %get3A_745, %mul3A_748 : vector<16xf32>
          %swap3A_750 = arith.index_cast %scan3A_653 : i32 to index
          %swap3A_751 = arith.constant 96 : index
          %swap3A_752 = tpu.vector_load %arg13[%swap3A_750, %swap3A_751] {strides = array<i32>} : memref<128x128xf32, #tpu.memory_space<vmem>>, vector<1x16xf32>,
          %swap3A_753 = vector.shape_cast %swap3A_752 : vector<1x16xf32> to vector<16xf32>
          %swap3A_754 = vector.shape_cast %mul3A_749 : vector<16xf32> to vector<1x16xf32>
          tpu.vector_store %arg13[%swap3A_750, %swap3A_751], %swap3A_754 {strides = array<i32>} : memref<128x128xf32, #tpu.memory_space<vmem>>, vector<1x16xf32>,
          %get3A_755 = arith.index_cast %scan3A_653 : i32 to index
          %get3A_756 = arith.constant 112 : index
          %get3A_757 = tpu.vector_load %arg13[%get3A_755, %get3A_756] {strides = array<i32>} : memref<128x128xf32, #tpu.memory_space<vmem>>, vector<1x16xf32>,
          %get3A_758 = vector.shape_cast %get3A_757 : vector<1x16xf32> to vector<16xf32>
          %slice3A_759 = vector.extract_strided_slice %get3A_663 {offsets = [3], sizes = [1], strides = [1]} : vector<16xf32> to vector<1xf32>
          %squeeze3A_760 = vector.extract %slice3A_759[0] : f32 from vector<1xf32>
          %mul3A_761 = vector.broadcast %squeeze3A_760 : f32 to vector<16xf32>
          %mul3A_762 = arith.mulf %get3A_758, %mul3A_761 : vector<16xf32>
          %swap3A_763 = arith.index_cast %scan3A_653 : i32 to index
          %swap3A_764 = arith.constant 112 : index
          %swap3A_765 = tpu.vector_load %arg13[%swap3A_763, %swap3A_764] {strides = array<i32>} : memref<128x128xf32, #tpu.memory_space<vmem>>, vector<1x16xf32>,
          %swap3A_766 = vector.shape_cast %swap3A_765 : vector<1x16xf32> to vector<16xf32>
          %swap3A_767 = vector.shape_cast %mul3A_762 : vector<16xf32> to vector<1x16xf32>
          tpu.vector_store %arg13[%swap3A_763, %swap3A_764], %swap3A_767 {strides = array<i32>} : memref<128x128xf32, #tpu.memory_space<vmem>>, vector<1x16xf32>,
          %scan3A_768 = arith.constant 0 : i32
          %scan3A_769 = arith.constant 6 : i32
          %scan3A_770 = arith.addi %scan3A_73, %scan3A_769 : i32
          %shift_right_arithmetic3A_771 = arith.constant 3 : i32
          %shift_right_arithmetic3A_772 = arith.shrsi %scan3A_770, %shift_right_arithmetic3A_771 : i32
          %and3A_773 = arith.constant 7 : i32
          %and3A_774 = arith.andi %scan3A_770, %and3A_773 : i32
          %mul3A_775 = arith.constant 16 : i32
          %mul3A_776 = arith.muli %and3A_774, %mul3A_775 : i32
          %get3A_777 = arith.index_cast %shift_right_arithmetic3A_772 : i32 to index
          %get3A_778 = arith.index_cast %mul3A_776 : i32 to index
          %get3A_779 = tpu.vector_load %arg19[%get3A_777, %get3A_778] {strides = array<i32>} : memref<16x128xf32, #tpu.memory_space<vmem>>, vector<1x16xf32>,
          %get3A_780 = vector.shape_cast %get3A_779 : vector<1x16xf32> to vector<16xf32>
          %get3A_781 = arith.index_cast %scan3A_770 : i32 to index
          %get3A_782 = arith.constant 0 : index
          %get3A_783 = tpu.vector_load %arg13[%get3A_781, %get3A_782] {strides = array<i32>} : memref<128x128xf32, #tpu.memory_space<vmem>>, vector<1x16xf32>,
          %get3A_784 = vector.shape_cast %get3A_783 : vector<1x16xf32> to vector<16xf32>
          %slice3A_785 = vector.extract_strided_slice %get3A_780 {offsets = [0], sizes = [1], strides = [1]} : vector<16xf32> to vector<1xf32>
          %squeeze3A_786 = vector.extract %slice3A_785[0] : f32 from vector<1xf32>
          %mul3A_787 = vector.broadcast %squeeze3A_786 : f32 to vector<16xf32>
          %mul3A_788 = arith.mulf %get3A_784, %mul3A_787 : vector<16xf32>
          %swap3A_789 = arith.index_cast %scan3A_770 : i32 to index
          %swap3A_790 = arith.constant 0 : index
          %swap3A_791 = tpu.vector_load %arg13[%swap3A_789, %swap3A_790] {strides = array<i32>} : memref<128x128xf32, #tpu.memory_space<vmem>>, vector<1x16xf32>,
          %swap3A_792 = vector.shape_cast %swap3A_791 : vector<1x16xf32> to vector<16xf32>
          %swap3A_793 = vector.shape_cast %mul3A_788 : vector<16xf32> to vector<1x16xf32>
          tpu.vector_store %arg13[%swap3A_789, %swap3A_790], %swap3A_793 {strides = array<i32>} : memref<128x128xf32, #tpu.memory_space<vmem>>, vector<1x16xf32>,
          %get3A_794 = arith.index_cast %scan3A_770 : i32 to index
          %get3A_795 = arith.constant 16 : index
          %get3A_796 = tpu.vector_load %arg13[%get3A_794, %get3A_795] {strides = array<i32>} : memref<128x128xf32, #tpu.memory_space<vmem>>, vector<1x16xf32>,
          %get3A_797 = vector.shape_cast %get3A_796 : vector<1x16xf32> to vector<16xf32>
          %slice3A_798 = vector.extract_strided_slice %get3A_780 {offsets = [0], sizes = [1], strides = [1]} : vector<16xf32> to vector<1xf32>
          %squeeze3A_799 = vector.extract %slice3A_798[0] : f32 from vector<1xf32>
          %mul3A_800 = vector.broadcast %squeeze3A_799 : f32 to vector<16xf32>
          %mul3A_801 = arith.mulf %get3A_797, %mul3A_800 : vector<16xf32>
          %swap3A_802 = arith.index_cast %scan3A_770 : i32 to index
          %swap3A_803 = arith.constant 16 : index
          %swap3A_804 = tpu.vector_load %arg13[%swap3A_802, %swap3A_803] {strides = array<i32>} : memref<128x128xf32, #tpu.memory_space<vmem>>, vector<1x16xf32>,
          %swap3A_805 = vector.shape_cast %swap3A_804 : vector<1x16xf32> to vector<16xf32>
          %swap3A_806 = vector.shape_cast %mul3A_801 : vector<16xf32> to vector<1x16xf32>
          tpu.vector_store %arg13[%swap3A_802, %swap3A_803], %swap3A_806 {strides = array<i32>} : memref<128x128xf32, #tpu.memory_space<vmem>>, vector<1x16xf32>,
          %get3A_807 = arith.index_cast %scan3A_770 : i32 to index
          %get3A_808 = arith.constant 32 : index
          %get3A_809 = tpu.vector_load %arg13[%get3A_807, %get3A_808] {strides = array<i32>} : memref<128x128xf32, #tpu.memory_space<vmem>>, vector<1x16xf32>,
          %get3A_810 = vector.shape_cast %get3A_809 : vector<1x16xf32> to vector<16xf32>
          %slice3A_811 = vector.extract_strided_slice %get3A_780 {offsets = [1], sizes = [1], strides = [1]} : vector<16xf32> to vector<1xf32>
          %squeeze3A_812 = vector.extract %slice3A_811[0] : f32 from vector<1xf32>
          %mul3A_813 = vector.broadcast %squeeze3A_812 : f32 to vector<16xf32>
          %mul3A_814 = arith.mulf %get3A_810, %mul3A_813 : vector<16xf32>
          %swap3A_815 = arith.index_cast %scan3A_770 : i32 to index
          %swap3A_816 = arith.constant 32 : index
          %swap3A_817 = tpu.vector_load %arg13[%swap3A_815, %swap3A_816] {strides = array<i32>} : memref<128x128xf32, #tpu.memory_space<vmem>>, vector<1x16xf32>,
          %swap3A_818 = vector.shape_cast %swap3A_817 : vector<1x16xf32> to vector<16xf32>
          %swap3A_819 = vector.shape_cast %mul3A_814 : vector<16xf32> to vector<1x16xf32>
          tpu.vector_store %arg13[%swap3A_815, %swap3A_816], %swap3A_819 {strides = array<i32>} : memref<128x128xf32, #tpu.memory_space<vmem>>, vector<1x16xf32>,
          %get3A_820 = arith.index_cast %scan3A_770 : i32 to index
          %get3A_821 = arith.constant 48 : index
          %get3A_822 = tpu.vector_load %arg13[%get3A_820, %get3A_821] {strides = array<i32>} : memref<128x128xf32, #tpu.memory_space<vmem>>, vector<1x16xf32>,
          %get3A_823 = vector.shape_cast %get3A_822 : vector<1x16xf32> to vector<16xf32>
          %slice3A_824 = vector.extract_strided_slice %get3A_780 {offsets = [1], sizes = [1], strides = [1]} : vector<16xf32> to vector<1xf32>
          %squeeze3A_825 = vector.extract %slice3A_824[0] : f32 from vector<1xf32>
          %mul3A_826 = vector.broadcast %squeeze3A_825 : f32 to vector<16xf32>
          %mul3A_827 = arith.mulf %get3A_823, %mul3A_826 : vector<16xf32>
          %swap3A_828 = arith.index_cast %scan3A_770 : i32 to index
          %swap3A_829 = arith.constant 48 : index
          %swap3A_830 = tpu.vector_load %arg13[%swap3A_828, %swap3A_829] {strides = array<i32>} : memref<128x128xf32, #tpu.memory_space<vmem>>, vector<1x16xf32>,
          %swap3A_831 = vector.shape_cast %swap3A_830 : vector<1x16xf32> to vector<16xf32>
          %swap3A_832 = vector.shape_cast %mul3A_827 : vector<16xf32> to vector<1x16xf32>
          tpu.vector_store %arg13[%swap3A_828, %swap3A_829], %swap3A_832 {strides = array<i32>} : memref<128x128xf32, #tpu.memory_space<vmem>>, vector<1x16xf32>,
          %get3A_833 = arith.index_cast %scan3A_770 : i32 to index
          %get3A_834 = arith.constant 64 : index
          %get3A_835 = tpu.vector_load %arg13[%get3A_833, %get3A_834] {strides = array<i32>} : memref<128x128xf32, #tpu.memory_space<vmem>>, vector<1x16xf32>,
          %get3A_836 = vector.shape_cast %get3A_835 : vector<1x16xf32> to vector<16xf32>
          %slice3A_837 = vector.extract_strided_slice %get3A_780 {offsets = [2], sizes = [1], strides = [1]} : vector<16xf32> to vector<1xf32>
          %squeeze3A_838 = vector.extract %slice3A_837[0] : f32 from vector<1xf32>
          %mul3A_839 = vector.broadcast %squeeze3A_838 : f32 to vector<16xf32>
          %mul3A_840 = arith.mulf %get3A_836, %mul3A_839 : vector<16xf32>
          %swap3A_841 = arith.index_cast %scan3A_770 : i32 to index
          %swap3A_842 = arith.constant 64 : index
          %swap3A_843 = tpu.vector_load %arg13[%swap3A_841, %swap3A_842] {strides = array<i32>} : memref<128x128xf32, #tpu.memory_space<vmem>>, vector<1x16xf32>,
          %swap3A_844 = vector.shape_cast %swap3A_843 : vector<1x16xf32> to vector<16xf32>
          %swap3A_845 = vector.shape_cast %mul3A_840 : vector<16xf32> to vector<1x16xf32>
          tpu.vector_store %arg13[%swap3A_841, %swap3A_842], %swap3A_845 {strides = array<i32>} : memref<128x128xf32, #tpu.memory_space<vmem>>, vector<1x16xf32>,
          %get3A_846 = arith.index_cast %scan3A_770 : i32 to index
          %get3A_847 = arith.constant 80 : index
          %get3A_848 = tpu.vector_load %arg13[%get3A_846, %get3A_847] {strides = array<i32>} : memref<128x128xf32, #tpu.memory_space<vmem>>, vector<1x16xf32>,
          %get3A_849 = vector.shape_cast %get3A_848 : vector<1x16xf32> to vector<16xf32>
          %slice3A_850 = vector.extract_strided_slice %get3A_780 {offsets = [2], sizes = [1], strides = [1]} : vector<16xf32> to vector<1xf32>
          %squeeze3A_851 = vector.extract %slice3A_850[0] : f32 from vector<1xf32>
          %mul3A_852 = vector.broadcast %squeeze3A_851 : f32 to vector<16xf32>
          %mul3A_853 = arith.mulf %get3A_849, %mul3A_852 : vector<16xf32>
          %swap3A_854 = arith.index_cast %scan3A_770 : i32 to index
          %swap3A_855 = arith.constant 80 : index
          %swap3A_856 = tpu.vector_load %arg13[%swap3A_854, %swap3A_855] {strides = array<i32>} : memref<128x128xf32, #tpu.memory_space<vmem>>, vector<1x16xf32>,
          %swap3A_857 = vector.shape_cast %swap3A_856 : vector<1x16xf32> to vector<16xf32>
          %swap3A_858 = vector.shape_cast %mul3A_853 : vector<16xf32> to vector<1x16xf32>
          tpu.vector_store %arg13[%swap3A_854, %swap3A_855], %swap3A_858 {strides = array<i32>} : memref<128x128xf32, #tpu.memory_space<vmem>>, vector<1x16xf32>,
          %get3A_859 = arith.index_cast %scan3A_770 : i32 to index
          %get3A_860 = arith.constant 96 : index
          %get3A_861 = tpu.vector_load %arg13[%get3A_859, %get3A_860] {strides = array<i32>} : memref<128x128xf32, #tpu.memory_space<vmem>>, vector<1x16xf32>,
          %get3A_862 = vector.shape_cast %get3A_861 : vector<1x16xf32> to vector<16xf32>
          %slice3A_863 = vector.extract_strided_slice %get3A_780 {offsets = [3], sizes = [1], strides = [1]} : vector<16xf32> to vector<1xf32>
          %squeeze3A_864 = vector.extract %slice3A_863[0] : f32 from vector<1xf32>
          %mul3A_865 = vector.broadcast %squeeze3A_864 : f32 to vector<16xf32>
          %mul3A_866 = arith.mulf %get3A_862, %mul3A_865 : vector<16xf32>
          %swap3A_867 = arith.index_cast %scan3A_770 : i32 to index
          %swap3A_868 = arith.constant 96 : index
          %swap3A_869 = tpu.vector_load %arg13[%swap3A_867, %swap3A_868] {strides = array<i32>} : memref<128x128xf32, #tpu.memory_space<vmem>>, vector<1x16xf32>,
          %swap3A_870 = vector.shape_cast %swap3A_869 : vector<1x16xf32> to vector<16xf32>
          %swap3A_871 = vector.shape_cast %mul3A_866 : vector<16xf32> to vector<1x16xf32>
          tpu.vector_store %arg13[%swap3A_867, %swap3A_868], %swap3A_871 {strides = array<i32>} : memref<128x128xf32, #tpu.memory_space<vmem>>, vector<1x16xf32>,
          %get3A_872 = arith.index_cast %scan3A_770 : i32 to index
          %get3A_873 = arith.constant 112 : index
          %get3A_874 = tpu.vector_load %arg13[%get3A_872, %get3A_873] {strides = array<i32>} : memref<128x128xf32, #tpu.memory_space<vmem>>, vector<1x16xf32>,
          %get3A_875 = vector.shape_cast %get3A_874 : vector<1x16xf32> to vector<16xf32>
          %slice3A_876 = vector.extract_strided_slice %get3A_780 {offsets = [3], sizes = [1], strides = [1]} : vector<16xf32> to vector<1xf32>
          %squeeze3A_877 = vector.extract %slice3A_876[0] : f32 from vector<1xf32>
          %mul3A_878 = vector.broadcast %squeeze3A_877 : f32 to vector<16xf32>
          %mul3A_879 = arith.mulf %get3A_875, %mul3A_878 : vector<16xf32>
          %swap3A_880 = arith.index_cast %scan3A_770 : i32 to index
          %swap3A_881 = arith.constant 112 : index
          %swap3A_882 = tpu.vector_load %arg13[%swap3A_880, %swap3A_881] {strides = array<i32>} : memref<128x128xf32, #tpu.memory_space<vmem>>, vector<1x16xf32>,
          %swap3A_883 = vector.shape_cast %swap3A_882 : vector<1x16xf32> to vector<16xf32>
          %swap3A_884 = vector.shape_cast %mul3A_879 : vector<16xf32> to vector<1x16xf32>
          tpu.vector_store %arg13[%swap3A_880, %swap3A_881], %swap3A_884 {strides = array<i32>} : memref<128x128xf32, #tpu.memory_space<vmem>>, vector<1x16xf32>,
          %scan3A_885 = arith.constant 0 : i32
          %scan3A_886 = arith.constant 7 : i32
          %scan3A_887 = arith.addi %scan3A_73, %scan3A_886 : i32
          %shift_right_arithmetic3A_888 = arith.constant 3 : i32
          %shift_right_arithmetic3A_889 = arith.shrsi %scan3A_887, %shift_right_arithmetic3A_888 : i32
          %and3A_890 = arith.constant 7 : i32
          %and3A_891 = arith.andi %scan3A_887, %and3A_890 : i32
          %mul3A_892 = arith.constant 16 : i32
          %mul3A_893 = arith.muli %and3A_891, %mul3A_892 : i32
          %get3A_894 = arith.index_cast %shift_right_arithmetic3A_889 : i32 to index
          %get3A_895 = arith.index_cast %mul3A_893 : i32 to index
          %get3A_896 = tpu.vector_load %arg19[%get3A_894, %get3A_895] {strides = array<i32>} : memref<16x128xf32, #tpu.memory_space<vmem>>, vector<1x16xf32>,
          %get3A_897 = vector.shape_cast %get3A_896 : vector<1x16xf32> to vector<16xf32>
          %get3A_898 = arith.index_cast %scan3A_887 : i32 to index
          %get3A_899 = arith.constant 0 : index
          %get3A_900 = tpu.vector_load %arg13[%get3A_898, %get3A_899] {strides = array<i32>} : memref<128x128xf32, #tpu.memory_space<vmem>>, vector<1x16xf32>,
          %get3A_901 = vector.shape_cast %get3A_900 : vector<1x16xf32> to vector<16xf32>
          %slice3A_902 = vector.extract_strided_slice %get3A_897 {offsets = [0], sizes = [1], strides = [1]} : vector<16xf32> to vector<1xf32>
          %squeeze3A_903 = vector.extract %slice3A_902[0] : f32 from vector<1xf32>
          %mul3A_904 = vector.broadcast %squeeze3A_903 : f32 to vector<16xf32>
          %mul3A_905 = arith.mulf %get3A_901, %mul3A_904 : vector<16xf32>
          %swap3A_906 = arith.index_cast %scan3A_887 : i32 to index
          %swap3A_907 = arith.constant 0 : index
          %swap3A_908 = tpu.vector_load %arg13[%swap3A_906, %swap3A_907] {strides = array<i32>} : memref<128x128xf32, #tpu.memory_space<vmem>>, vector<1x16xf32>,
          %swap3A_909 = vector.shape_cast %swap3A_908 : vector<1x16xf32> to vector<16xf32>
          %swap3A_910 = vector.shape_cast %mul3A_905 : vector<16xf32> to vector<1x16xf32>
          tpu.vector_store %arg13[%swap3A_906, %swap3A_907], %swap3A_910 {strides = array<i32>} : memref<128x128xf32, #tpu.memory_space<vmem>>, vector<1x16xf32>,
          %get3A_911 = arith.index_cast %scan3A_887 : i32 to index
          %get3A_912 = arith.constant 16 : index
          %get3A_913 = tpu.vector_load %arg13[%get3A_911, %get3A_912] {strides = array<i32>} : memref<128x128xf32, #tpu.memory_space<vmem>>, vector<1x16xf32>,
          %get3A_914 = vector.shape_cast %get3A_913 : vector<1x16xf32> to vector<16xf32>
          %slice3A_915 = vector.extract_strided_slice %get3A_897 {offsets = [0], sizes = [1], strides = [1]} : vector<16xf32> to vector<1xf32>
          %squeeze3A_916 = vector.extract %slice3A_915[0] : f32 from vector<1xf32>
          %mul3A_917 = vector.broadcast %squeeze3A_916 : f32 to vector<16xf32>
          %mul3A_918 = arith.mulf %get3A_914, %mul3A_917 : vector<16xf32>
          %swap3A_919 = arith.index_cast %scan3A_887 : i32 to index
          %swap3A_920 = arith.constant 16 : index
          %swap3A_921 = tpu.vector_load %arg13[%swap3A_919, %swap3A_920] {strides = array<i32>} : memref<128x128xf32, #tpu.memory_space<vmem>>, vector<1x16xf32>,
          %swap3A_922 = vector.shape_cast %swap3A_921 : vector<1x16xf32> to vector<16xf32>
          %swap3A_923 = vector.shape_cast %mul3A_918 : vector<16xf32> to vector<1x16xf32>
          tpu.vector_store %arg13[%swap3A_919, %swap3A_920], %swap3A_923 {strides = array<i32>} : memref<128x128xf32, #tpu.memory_space<vmem>>, vector<1x16xf32>,
          %get3A_924 = arith.index_cast %scan3A_887 : i32 to index
          %get3A_925 = arith.constant 32 : index
          %get3A_926 = tpu.vector_load %arg13[%get3A_924, %get3A_925] {strides = array<i32>} : memref<128x128xf32, #tpu.memory_space<vmem>>, vector<1x16xf32>,
          %get3A_927 = vector.shape_cast %get3A_926 : vector<1x16xf32> to vector<16xf32>
          %slice3A_928 = vector.extract_strided_slice %get3A_897 {offsets = [1], sizes = [1], strides = [1]} : vector<16xf32> to vector<1xf32>
          %squeeze3A_929 = vector.extract %slice3A_928[0] : f32 from vector<1xf32>
          %mul3A_930 = vector.broadcast %squeeze3A_929 : f32 to vector<16xf32>
          %mul3A_931 = arith.mulf %get3A_927, %mul3A_930 : vector<16xf32>
          %swap3A_932 = arith.index_cast %scan3A_887 : i32 to index
          %swap3A_933 = arith.constant 32 : index
          %swap3A_934 = tpu.vector_load %arg13[%swap3A_932, %swap3A_933] {strides = array<i32>} : memref<128x128xf32, #tpu.memory_space<vmem>>, vector<1x16xf32>,
          %swap3A_935 = vector.shape_cast %swap3A_934 : vector<1x16xf32> to vector<16xf32>
          %swap3A_936 = vector.shape_cast %mul3A_931 : vector<16xf32> to vector<1x16xf32>
          tpu.vector_store %arg13[%swap3A_932, %swap3A_933], %swap3A_936 {strides = array<i32>} : memref<128x128xf32, #tpu.memory_space<vmem>>, vector<1x16xf32>,
          %get3A_937 = arith.index_cast %scan3A_887 : i32 to index
          %get3A_938 = arith.constant 48 : index
          %get3A_939 = tpu.vector_load %arg13[%get3A_937, %get3A_938] {strides = array<i32>} : memref<128x128xf32, #tpu.memory_space<vmem>>, vector<1x16xf32>,
          %get3A_940 = vector.shape_cast %get3A_939 : vector<1x16xf32> to vector<16xf32>
          %slice3A_941 = vector.extract_strided_slice %get3A_897 {offsets = [1], sizes = [1], strides = [1]} : vector<16xf32> to vector<1xf32>
          %squeeze3A_942 = vector.extract %slice3A_941[0] : f32 from vector<1xf32>
          %mul3A_943 = vector.broadcast %squeeze3A_942 : f32 to vector<16xf32>
          %mul3A_944 = arith.mulf %get3A_940, %mul3A_943 : vector<16xf32>
          %swap3A_945 = arith.index_cast %scan3A_887 : i32 to index
          %swap3A_946 = arith.constant 48 : index
          %swap3A_947 = tpu.vector_load %arg13[%swap3A_945, %swap3A_946] {strides = array<i32>} : memref<128x128xf32, #tpu.memory_space<vmem>>, vector<1x16xf32>,
          %swap3A_948 = vector.shape_cast %swap3A_947 : vector<1x16xf32> to vector<16xf32>
          %swap3A_949 = vector.shape_cast %mul3A_944 : vector<16xf32> to vector<1x16xf32>
          tpu.vector_store %arg13[%swap3A_945, %swap3A_946], %swap3A_949 {strides = array<i32>} : memref<128x128xf32, #tpu.memory_space<vmem>>, vector<1x16xf32>,
          %get3A_950 = arith.index_cast %scan3A_887 : i32 to index
          %get3A_951 = arith.constant 64 : index
          %get3A_952 = tpu.vector_load %arg13[%get3A_950, %get3A_951] {strides = array<i32>} : memref<128x128xf32, #tpu.memory_space<vmem>>, vector<1x16xf32>,
          %get3A_953 = vector.shape_cast %get3A_952 : vector<1x16xf32> to vector<16xf32>
          %slice3A_954 = vector.extract_strided_slice %get3A_897 {offsets = [2], sizes = [1], strides = [1]} : vector<16xf32> to vector<1xf32>
          %squeeze3A_955 = vector.extract %slice3A_954[0] : f32 from vector<1xf32>
          %mul3A_956 = vector.broadcast %squeeze3A_955 : f32 to vector<16xf32>
          %mul3A_957 = arith.mulf %get3A_953, %mul3A_956 : vector<16xf32>
          %swap3A_958 = arith.index_cast %scan3A_887 : i32 to index
          %swap3A_959 = arith.constant 64 : index
          %swap3A_960 = tpu.vector_load %arg13[%swap3A_958, %swap3A_959] {strides = array<i32>} : memref<128x128xf32, #tpu.memory_space<vmem>>, vector<1x16xf32>,
          %swap3A_961 = vector.shape_cast %swap3A_960 : vector<1x16xf32> to vector<16xf32>
          %swap3A_962 = vector.shape_cast %mul3A_957 : vector<16xf32> to vector<1x16xf32>
          tpu.vector_store %arg13[%swap3A_958, %swap3A_959], %swap3A_962 {strides = array<i32>} : memref<128x128xf32, #tpu.memory_space<vmem>>, vector<1x16xf32>,
          %get3A_963 = arith.index_cast %scan3A_887 : i32 to index
          %get3A_964 = arith.constant 80 : index
          %get3A_965 = tpu.vector_load %arg13[%get3A_963, %get3A_964] {strides = array<i32>} : memref<128x128xf32, #tpu.memory_space<vmem>>, vector<1x16xf32>,
          %get3A_966 = vector.shape_cast %get3A_965 : vector<1x16xf32> to vector<16xf32>
          %slice3A_967 = vector.extract_strided_slice %get3A_897 {offsets = [2], sizes = [1], strides = [1]} : vector<16xf32> to vector<1xf32>
          %squeeze3A_968 = vector.extract %slice3A_967[0] : f32 from vector<1xf32>
          %mul3A_969 = vector.broadcast %squeeze3A_968 : f32 to vector<16xf32>
          %mul3A_970 = arith.mulf %get3A_966, %mul3A_969 : vector<16xf32>
          %swap3A_971 = arith.index_cast %scan3A_887 : i32 to index
          %swap3A_972 = arith.constant 80 : index
          %swap3A_973 = tpu.vector_load %arg13[%swap3A_971, %swap3A_972] {strides = array<i32>} : memref<128x128xf32, #tpu.memory_space<vmem>>, vector<1x16xf32>,
          %swap3A_974 = vector.shape_cast %swap3A_973 : vector<1x16xf32> to vector<16xf32>
          %swap3A_975 = vector.shape_cast %mul3A_970 : vector<16xf32> to vector<1x16xf32>
          tpu.vector_store %arg13[%swap3A_971, %swap3A_972], %swap3A_975 {strides = array<i32>} : memref<128x128xf32, #tpu.memory_space<vmem>>, vector<1x16xf32>,
          %get3A_976 = arith.index_cast %scan3A_887 : i32 to index
          %get3A_977 = arith.constant 96 : index
          %get3A_978 = tpu.vector_load %arg13[%get3A_976, %get3A_977] {strides = array<i32>} : memref<128x128xf32, #tpu.memory_space<vmem>>, vector<1x16xf32>,
          %get3A_979 = vector.shape_cast %get3A_978 : vector<1x16xf32> to vector<16xf32>
          %slice3A_980 = vector.extract_strided_slice %get3A_897 {offsets = [3], sizes = [1], strides = [1]} : vector<16xf32> to vector<1xf32>
          %squeeze3A_981 = vector.extract %slice3A_980[0] : f32 from vector<1xf32>
          %mul3A_982 = vector.broadcast %squeeze3A_981 : f32 to vector<16xf32>
          %mul3A_983 = arith.mulf %get3A_979, %mul3A_982 : vector<16xf32>
          %swap3A_984 = arith.index_cast %scan3A_887 : i32 to index
          %swap3A_985 = arith.constant 96 : index
          %swap3A_986 = tpu.vector_load %arg13[%swap3A_984, %swap3A_985] {strides = array<i32>} : memref<128x128xf32, #tpu.memory_space<vmem>>, vector<1x16xf32>,
          %swap3A_987 = vector.shape_cast %swap3A_986 : vector<1x16xf32> to vector<16xf32>
          %swap3A_988 = vector.shape_cast %mul3A_983 : vector<16xf32> to vector<1x16xf32>
          tpu.vector_store %arg13[%swap3A_984, %swap3A_985], %swap3A_988 {strides = array<i32>} : memref<128x128xf32, #tpu.memory_space<vmem>>, vector<1x16xf32>,
          %get3A_989 = arith.index_cast %scan3A_887 : i32 to index
          %get3A_990 = arith.constant 112 : index
          %get3A_991 = tpu.vector_load %arg13[%get3A_989, %get3A_990] {strides = array<i32>} : memref<128x128xf32, #tpu.memory_space<vmem>>, vector<1x16xf32>,
          %get3A_992 = vector.shape_cast %get3A_991 : vector<1x16xf32> to vector<16xf32>
          %slice3A_993 = vector.extract_strided_slice %get3A_897 {offsets = [3], sizes = [1], strides = [1]} : vector<16xf32> to vector<1xf32>
          %squeeze3A_994 = vector.extract %slice3A_993[0] : f32 from vector<1xf32>
          %mul3A_995 = vector.broadcast %squeeze3A_994 : f32 to vector<16xf32>
          %mul3A_996 = arith.mulf %get3A_992, %mul3A_995 : vector<16xf32>
          %swap3A_997 = arith.index_cast %scan3A_887 : i32 to index
          %swap3A_998 = arith.constant 112 : index
          %swap3A_999 = tpu.vector_load %arg13[%swap3A_997, %swap3A_998] {strides = array<i32>} : memref<128x128xf32, #tpu.memory_space<vmem>>, vector<1x16xf32>,
          %swap3A_1000 = vector.shape_cast %swap3A_999 : vector<1x16xf32> to vector<16xf32>
          %swap3A_1001 = vector.shape_cast %mul3A_996 : vector<16xf32> to vector<1x16xf32>
          tpu.vector_store %arg13[%swap3A_997, %swap3A_998], %swap3A_1001 {strides = array<i32>} : memref<128x128xf32, #tpu.memory_space<vmem>>, vector<1x16xf32>,
          %scan3A_1002 = arith.constant 0 : i32
          scf.yield %scan3A_1002 : i32
        }
        %scan3A_72 = arith.constant 128 : i32
        %run_scoped3A = arith.constant 1 : i32
        "tpu.region"() ({
          %run_scoped3A_73 = tpu.sem_alloc : memref<!tpu.dma_semaphore, #tpu.memory_space<semaphore_mem>>
          %dma_start3A = arith.constant 0 : i32
          %dma_start3A_74 = tpu.memref_slice %arg9[%run_scoped3A, %dma_start3A] : memref<2x128xi32, #tpu.memory_space<vmem>> -> memref<1x128xi32, #tpu.memory_space<vmem>>
          %dma_start3A_75 = tpu.memref_squeeze %dma_start3A_74 : memref<1x128xi32, #tpu.memory_space<vmem>> -> memref<128xi32, #tpu.memory_space<vmem>>
          %dma_start3A_76 = arith.constant 0 : i32
          %dma_start3A_77 = arith.constant 0 : i32
          %dma_start3A_78 = tpu.memref_slice %arg8[%dma_start3A_76, %dma_start3A_77] : memref<10240x128xf32, #tpu.memory_space<vmem_shared>> -> memref<10240x128xf32, #tpu.memory_space<vmem_shared>>
          tpu.enqueue_indirect_dma source(%arg13 : memref<128x128xf32, #tpu.memory_space<vmem>>) target(%dma_start3A_78 : memref<10240x128xf32, #tpu.memory_space<vmem_shared>>) offsets(%dma_start3A_75 : memref<128xi32, #tpu.memory_space<vmem>>) semaphore(%run_scoped3A_73 : memref<!tpu.dma_semaphore, #tpu.memory_space<semaphore_mem>>) {add = true}
          %dma_wait3A_79 = arith.constant 0 : i32
          %dma_wait3A_80 = tpu.memref_slice %arg9[%run_scoped3A, %dma_wait3A_79] : memref<2x128xi32, #tpu.memory_space<vmem>> -> memref<1x128xi32, #tpu.memory_space<vmem>>
          %dma_wait3A_81 = tpu.memref_squeeze %dma_wait3A_80 : memref<1x128xi32, #tpu.memory_space<vmem>> -> memref<128xi32, #tpu.memory_space<vmem>>
          %dma_wait3A_82 = arith.constant 0 : i32
          %dma_wait3A_83 = arith.constant 0 : i32
          %dma_wait3A_84 = tpu.memref_slice %arg8[%dma_wait3A_82, %dma_wait3A_83] : memref<10240x128xf32, #tpu.memory_space<vmem_shared>> -> memref<10240x128xf32, #tpu.memory_space<vmem_shared>>
          tpu.wait_indirect_dma semaphore(%run_scoped3A_73 : memref<!tpu.dma_semaphore, #tpu.memory_space<semaphore_mem>>) src(%arg13 : memref<128x128xf32, #tpu.memory_space<vmem>>) dst(%dma_wait3A_84 : memref<10240x128xf32, #tpu.memory_space<vmem_shared>>)
          tpu.yield
        }) : () -> ()
      } else {
      }
      %scan3A_57 = arith.constant 0 : i32
      scf.yield %scan3A_57 : i32
    }
    %scan3A_9 = arith.constant 79 : i32
    %barrier3A_10 = arith.constant 0 : index
    tpu.barrier barrier_id(%barrier3A_10)
    "tpu.region"() ({
      %run_scoped3A = tpu.sem_alloc : memref<!tpu.dma_semaphore, #tpu.memory_space<semaphore_mem>>
      %dma_start3A = arith.constant 0 : i32
      %dma_start3A_11 = tpu.memref_slice %arg7[%mul3A_0, %dma_start3A] : memref<10240x128xf32, #tpu.memory_space<hbm>> -> memref<640x128xf32, #tpu.memory_space<hbm>>
      %dma_start3A_12 = arith.constant 0 : i32
      %dma_start3A_13 = tpu.memref_slice %arg8[%mul3A_0, %dma_start3A_12] : memref<10240x128xf32, #tpu.memory_space<vmem_shared>> -> memref<640x128xf32, #tpu.memory_space<vmem_shared>>
      tpu.enqueue_dma source(%dma_start3A_13 : memref<640x128xf32, #tpu.memory_space<vmem_shared>>) target(%dma_start3A_11 : memref<640x128xf32, #tpu.memory_space<hbm>>) target_semaphore(%run_scoped3A : memref<!tpu.dma_semaphore, #tpu.memory_space<semaphore_mem>>)
      %dma_wait3A = arith.constant 0 : i32
      %dma_wait3A_14 = tpu.memref_slice %arg7[%mul3A_0, %dma_wait3A] : memref<10240x128xf32, #tpu.memory_space<hbm>> -> memref<640x128xf32, #tpu.memory_space<hbm>>
      %dma_wait3A_15 = arith.constant 0 : i32
      %dma_wait3A_16 = tpu.memref_slice %arg8[%mul3A_0, %dma_wait3A_15] : memref<10240x128xf32, #tpu.memory_space<vmem_shared>> -> memref<640x128xf32, #tpu.memory_space<vmem_shared>>
      tpu.wait_dma2 semaphore(%run_scoped3A : memref<!tpu.dma_semaphore, #tpu.memory_space<semaphore_mem>>) src(%dma_wait3A_16 : memref<640x128xf32, #tpu.memory_space<vmem_shared>>) dst(%dma_wait3A_14 : memref<640x128xf32, #tpu.memory_space<hbm>>)
      tpu.yield
    }) : () -> ()
    return
  }
}

module attributes {stable_mosaic.version = 14 : i64} {
  func.func @_proj_body(%arg0: memref<10240x128xf32, #tpu.memory_space<vmem>>, %arg1: memref<128x128xf32, #tpu.memory_space<vmem>>, %arg2: memref<128x4xf32, #tpu.memory_space<vmem>>, %arg3: memref<128x4xf32, #tpu.memory_space<vmem>>, %arg4: memref<10240x128xf32, #tpu.memory_space<vmem>>, %arg5: memref<10240x4xf32, #tpu.memory_space<vmem>>, %arg6: memref<10240x4xf32, #tpu.memory_space<vmem>>, %arg7: memref<1x16xf32, #tpu.memory_space<vmem>>) attributes {dimension_semantics = [], scalar_prefetch = 0 : i64, scratch_operands = 0 : i64, tpu.core_type = #tpu.core_type<tc>} {
    %get3A = arith.constant 0 : index
    %get3A_0 = arith.constant 0 : index
    %get3A_1 = vector.load %arg0[%get3A, %get3A_0] : memref<10240x128xf32, #tpu.memory_space<vmem>>, vector<10240x128xf32>
    %get3A_2 = arith.constant 0 : index
    %get3A_3 = arith.constant 0 : index
    %get3A_4 = vector.load %arg1[%get3A_2, %get3A_3] : memref<128x128xf32, #tpu.memory_space<vmem>>, vector<128x128xf32>
    %dot_general3A = arith.constant dense<0.000000e+00> : vector<10240x128xf32>
    %dot_general3A_5 = tpu.matmul %get3A_1, %get3A_4, %dot_general3A {dimension_numbers = #tpu.dot_dimension_numbers<[1], [1], [0], [0], [0, 0, 1, 0], [], []>, transpose_lhs_hint = false} : vector<10240x128xf32>, vector<128x128xf32>, vector<10240x128xf32> -> vector<10240x128xf32>
    %swap3A = arith.constant 0 : index
    %swap3A_6 = arith.constant 0 : index
    %swap3A_7 = vector.load %arg4[%swap3A, %swap3A_6] : memref<10240x128xf32, #tpu.memory_space<vmem>>, vector<10240x128xf32>
    tpu.vector_store %arg4[%swap3A, %swap3A_6], %dot_general3A_5 {strides = array<i32>} : memref<10240x128xf32, #tpu.memory_space<vmem>>, vector<10240x128xf32>,
    %get3A_8 = arith.constant 0 : index
    %get3A_9 = arith.constant 0 : index
    %get3A_10 = vector.load %arg2[%get3A_8, %get3A_9] : memref<128x4xf32, #tpu.memory_space<vmem>>, vector<128x4xf32>
    %dot_general3A_11 = arith.constant dense<0.000000e+00> : vector<10240x4xf32>
    %dot_general3A_12 = tpu.matmul %dot_general3A_5, %get3A_10, %dot_general3A_11 {dimension_numbers = #tpu.dot_dimension_numbers<[1], [0], [0], [1], [0, 0, 1, 1], [], []>, transpose_lhs_hint = false} : vector<10240x128xf32>, vector<128x4xf32>, vector<10240x4xf32> -> vector<10240x4xf32>
    %get3A_13 = arith.constant 0 : index
    %get3A_14 = arith.constant 0 : index
    %get3A_15 = vector.load %arg3[%get3A_13, %get3A_14] : memref<128x4xf32, #tpu.memory_space<vmem>>, vector<128x4xf32>
    %dot_general3A_16 = arith.constant dense<0.000000e+00> : vector<10240x4xf32>
    %dot_general3A_17 = tpu.matmul %dot_general3A_5, %get3A_15, %dot_general3A_16 {dimension_numbers = #tpu.dot_dimension_numbers<[1], [0], [0], [1], [0, 0, 1, 1], [], []>, transpose_lhs_hint = false} : vector<10240x128xf32>, vector<128x4xf32>, vector<10240x4xf32> -> vector<10240x4xf32>
    %swap3A_18 = arith.constant 0 : index
    %swap3A_19 = arith.constant 0 : index
    %swap3A_20 = vector.load %arg5[%swap3A_18, %swap3A_19] : memref<10240x4xf32, #tpu.memory_space<vmem>>, vector<10240x4xf32>
    tpu.vector_store %arg5[%swap3A_18, %swap3A_19], %dot_general3A_12 {strides = array<i32>} : memref<10240x4xf32, #tpu.memory_space<vmem>>, vector<10240x4xf32>,
    %swap3A_21 = arith.constant 0 : index
    %swap3A_22 = arith.constant 0 : index
    %swap3A_23 = vector.load %arg6[%swap3A_21, %swap3A_22] : memref<10240x4xf32, #tpu.memory_space<vmem>>, vector<10240x4xf32>
    tpu.vector_store %arg6[%swap3A_21, %swap3A_22], %dot_general3A_17 {strides = array<i32>} : memref<10240x4xf32, #tpu.memory_space<vmem>>, vector<10240x4xf32>,
    %reduce_max3A = arith.constant dense<0xFF800000> : vector<4xf32>
    %reduce_max3A_24 = vector.multi_reduction <maximumf>, %dot_general3A_12, %reduce_max3A [0] : vector<10240x4xf32> to vector<4xf32>
    %broadcast_in_dim3A = vector.shape_cast %reduce_max3A_24 : vector<4xf32> to vector<1x4xf32>
    %broadcast_in_dim3A_25 = arith.constant 1.000000e+30 : f32
    %broadcast_in_dim3A_26 = vector.broadcast %broadcast_in_dim3A_25 : f32 to vector<1x12xf32>
    %concatenate3A = tpu.concatenate %broadcast_in_dim3A, %broadcast_in_dim3A_26 in 1 : vector<1x4xf32>, vector<1x12xf32> -> vector<1x16xf32>
    %swap3A_27 = arith.constant 0 : index
    %swap3A_28 = arith.constant 0 : index
    %swap3A_29 = vector.load %arg7[%swap3A_27, %swap3A_28] : memref<1x16xf32, #tpu.memory_space<vmem>>, vector<1x16xf32>
    tpu.vector_store %arg7[%swap3A_27, %swap3A_28], %concatenate3A {strides = array<i32>} : memref<1x16xf32, #tpu.memory_space<vmem>>, vector<1x16xf32>,
    return
  }
}

module attributes {stable_mosaic.version = 14 : i64} {
  func.func @_zsum_body(%arg0: memref<32x40960xf32, #tpu.memory_space<vmem>>, %arg1: memref<40960xf32, #tpu.memory_space<vmem>>) attributes {dimension_semantics = [], scalar_prefetch = 0 : i64, scratch_operands = 0 : i64, tpu.core_type = #tpu.core_type<tc>} {
    %get3A = arith.constant 0 : index
    %get3A_0 = arith.constant 0 : index
    %get3A_1 = vector.load %arg0[%get3A, %get3A_0] : memref<32x40960xf32, #tpu.memory_space<vmem>>, vector<32x40960xf32>
    %reduce_sum3A = arith.constant dense<0.000000e+00> : vector<40960xf32>
    %reduce_sum3A_2 = vector.multi_reduction <add>, %get3A_1, %reduce_sum3A [0] : vector<32x40960xf32> to vector<40960xf32>
    %swap3A = arith.constant 0 : index
    %swap3A_3 = vector.load %arg1[%swap3A] : memref<40960xf32, #tpu.memory_space<vmem>>, vector<40960xf32>
    tpu.vector_store %arg1[%swap3A], %reduce_sum3A_2 {strides = array<i32>} : memref<40960xf32, #tpu.memory_space<vmem>>, vector<40960xf32>,
    return
  }
}

module attributes {stable_mosaic.version = 14 : i64} {
  func.func @_norm_body(%arg0: memref<10240x128xf32, #tpu.memory_space<vmem>>, %arg1: memref<10240x4xf32, #tpu.memory_space<vmem>>, %arg2: memref<4x128xf32, #tpu.memory_space<vmem>>, %arg3: memref<10240x128xf32, #tpu.memory_space<vmem>>) attributes {dimension_semantics = [], scalar_prefetch = 0 : i64, scratch_operands = 0 : i64, tpu.core_type = #tpu.core_type<tc>} {
    %get3A = arith.constant 0 : index
    %get3A_0 = arith.constant 0 : index
    %get3A_1 = vector.load %arg1[%get3A, %get3A_0] : memref<10240x4xf32, #tpu.memory_space<vmem>>, vector<10240x4xf32>
    %add3A = arith.constant 9.99999996E-13 : f32
    %add3A_2 = vector.broadcast %add3A : f32 to vector<10240x4xf32>
    %add3A_3 = arith.addf %get3A_1, %add3A_2 : vector<10240x4xf32>
    %div3A = arith.constant 1.000000e+00 : f32
    %div3A_4 = vector.broadcast %div3A : f32 to vector<10240x4xf32>
    %div3A_5 = arith.divf %div3A_4, %add3A_3 : vector<10240x4xf32>
    %get3A_6 = arith.constant 0 : index
    %get3A_7 = arith.constant 0 : index
    %get3A_8 = vector.load %arg2[%get3A_6, %get3A_7] : memref<4x128xf32, #tpu.memory_space<vmem>>, vector<4x128xf32>
    %dot_general3A = arith.constant dense<0.000000e+00> : vector<10240x128xf32>
    %dot_general3A_9 = tpu.matmul %div3A_5, %get3A_8, %dot_general3A {dimension_numbers = #tpu.dot_dimension_numbers<[1], [0], [0], [1], [0, 0, 1, 1], [], []>, transpose_lhs_hint = false} : vector<10240x4xf32>, vector<4x128xf32>, vector<10240x128xf32> -> vector<10240x128xf32>
    %get3A_10 = arith.constant 0 : index
    %get3A_11 = arith.constant 0 : index
    %get3A_12 = vector.load %arg0[%get3A_10, %get3A_11] : memref<10240x128xf32, #tpu.memory_space<vmem>>, vector<10240x128xf32>
    %mul3A = arith.mulf %get3A_12, %dot_general3A_9 : vector<10240x128xf32>
    %swap3A = arith.constant 0 : index
    %swap3A_13 = arith.constant 0 : index
    %swap3A_14 = vector.load %arg3[%swap3A, %swap3A_13] : memref<10240x128xf32, #tpu.memory_space<vmem>>, vector<10240x128xf32>
    tpu.vector_store %arg3[%swap3A, %swap3A_13], %mul3A {strides = array<i32>} : memref<10240x128xf32, #tpu.memory_space<vmem>>, vector<10240x128xf32>,
    return
  }
}

</mosaic_0001>

<sc_bundles>
// kernel: kernel.10.cloned.1.call-start
scs
__scs_entry_jumppad:
0x0: {  	(pc) =	sbr.rel $0x88, $3  }
0x1: {  	(tag) =	ssettag $0x0;
	lr =	simm.s32 $0x1  }
0x2: {  	[smem:$0x3F9C] =	sst lr;
	_ =	strace $0xD0000000  }
0x3: {  	_ = 	snop  }
0x4: {  	_ = 	snop  }
0x5: {  	_ = 	snop  }
0x6: {  	_ = 	snop  }
0x7: {  	_ = 	snop  }
__scs_overlays_trampoline_lowered:
0x8: {  	[smem:$0x3FAB] =	sst s0  }
0x9: {  	[smem:$0x3FAC] =	sst s1  }
0xa: {  	[smem:$0x3FAD] =	sst s2  }
0xb: {  	[smem:$0x3FAE] =	sst s3  }
0xc: {  	[smem:$0x3FAF] =	sst s4  }
0xd: {  	[smem:$0x3FB0] =	sst s5  }
0xe: {  	[smem:$0x3FB1] =	sst s6  }
0xf: {  	[smem:$0x3FB2] =	sst s7  }
0x10: {  	[smem:$0x3FB3] =	sst s8  }
0x11: {  	[smem:$0x3FB4] =	sst s9;
	s0 =	simm.s32 @!p0 $0x0  }
0x12: {  	s1 =	sld [smem:$0x3F9A];
	s0 =	simm.s32 @p0 $0x1  }
0x13: {  	[smem:$0x3FB5] =	sst s0;
	s0 =	simm.s32 @!p1 $0x0  }
0x14: {  	s2 =	sld [smem:$0x3F99];
	s0 =	simm.s32 @p1 $0x1  }
0x15: {  	[smem:$0x3FB6] =	sst s0;
	s0 =	simm.s32 @!p2 $0x0  }
0x16: {  	s3 =	sld [smem:$0x3FDB];
	s0 =	simm.s32 @p2 $0x1  }
0x17: {  	s4 =	simm.s32 $0x1BF5;
	[smem:$0x3FB8] =	sst s0  }
0x18: {  	s0 =	sld [smem:$0x3F9B];
	_ =	swait.ge [sflag:s4], $0x0  }
0x19: {  	s7 =	sld [smem:$0x3F9C]  }
0x1a: {  	s8 =	sadd.s32 $0xFFFFE003, lr  }
0x1b: {  	s9 =	sadd.s32 $0xFFFFFEF7, lr;
	s5 =	simm.s32 $0xFFFFFFFF;
	p2 =	slt.u32 s8, $0xFFFFF086  }
0x1c: {  	p1 =	slt.u32 s9, $0xF7A;
	s5 =	simm.s32 @!p2 $0x0  }
0x1d: {  	s5 =	simm.s32 @p1 $0x1;
	p0 =	seq.s32 s7, s2  }
0x1e: {  	s7 =	smul.u32 @!p0 $0xF7A, s2;
	p2 =	seq.s32 @!p0 s5, $0x0  }
0x1f: {  	s9 =	smul.u32 $0xF7A, s1;
	s8 =	simm.s32 @!p0 $0x1BF5;
	p2 =	por !p2, p0  }
0x20: {  	[sflag:s8] =	ssyncset.s32 @!p0 $0xFFFFF086;
	s6 =	sadd.s32 @!p0 s3, s7;
	s7 =	simm.s32 @!p0 $0x108  }
0x21: {  	s3 =	sadd.s32 s3, s9;
	s6 =	sadd.s32 @!p0 $0x88, s6;
	s7 =	simm.s32 @p2 $0x1082  }
0x22: {  	[simem:s7], [sflag:s8] =	dma.local @!p0 [hbm:s6], $0xF7A  }
0x23: {  	s9 =	sor.u32 $0xD0000000, s2;
	s6 =	simm.s32 $0x108;
	_ =	swait.ge @!p0 [sflag:s8], $0x0  }
0x24: {  	s3 =	sadd.s32 $0x88, s3;
	s6 =	simm.s32 @!p1 $0x1082;
	[sflag:s4] =	ssyncset.s32 $0xFFFFF086  }
0x25: {  	[simem:s6], [sflag:s4] =	dma.local [hbm:s3], $0xF7A  }
0x26: {  	[smem:$0x3F9C] =	sst s1;
	(tag) =	ssettag s2;
	_ =	strace s9  }
0x27: {  	s1 =	sld [smem:$0x3FAC]  }
0x28: {  	s2 =	sld [smem:$0x3FAD]  }
0x29: {  	s4 =	sld [smem:$0x3FAF]  }
0x2a: {  	p0 =	seq.s32 s5, $0x0;
	s5 =	sld [smem:$0x3FB0]  }
0x2b: {  	s6 =	sld [smem:$0x3FB1]  }
0x2c: {  	s7 =	sld [smem:$0x3FB2]  }
0x2d: {  	s3 =	simm.s32 $0x108;
	s8 =	sld [smem:$0x3FB3]  }
0x2e: {  	s3 =	simm.s32 @!p0 $0x1082;
	s9 =	sld [smem:$0x3FB4]  }
0x2f: {  	lr =	sadd.s32 s0, s3;
	s0 =	sld [smem:$0x3FAB]  }
0x30: {  	s3 =	sld [smem:$0x3FAE]  }
0x31: {  	[smem:$0x3FB7] =	sst s10  }
0x32: {  	s10 =	sld [smem:$0x3FB5];
	_ =	sdelay $0x3  }
0x33: {  	p0 =	seq.s32 s10, $0x1;
	s10 =	sld [smem:$0x3FB7];
	_ =	sdelay $0x3  }
0x34: {  	[smem:$0x3FB7] =	sst s10  }
0x35: {  	s10 =	sld [smem:$0x3FB6];
	_ =	sdelay $0x3  }
0x36: {  	p1 =	seq.s32 s10, $0x1;
	s10 =	sld [smem:$0x3FB7];
	_ =	sdelay $0x3  }
0x37: {  	[smem:$0x3FB7] =	sst s10  }
0x38: {  	s10 =	sld [smem:$0x3FB8]  }
0x39: {  	_ = 	snop;
	(pc) =	sbr.ind lr, $3  }
0x3a: {  	_ = 	snop  }
0x3b: {  	_ = 	snop  }
0x3c: {  	p2 =	seq.s32 s10, $0x1;
	s10 =	sld [smem:$0x3FB7]  }
0x3d: {  	_ =	shalt  }
0x3e: {  	_ =	shalt  }
0x3f: {  	_ =	shalt  }
0x40: {  	_ =	shalt  }
0x41: {  	_ =	shalt  }
0x42: {  	_ =	shalt  }
0x43: {  	_ =	shalt  }
0x44: {  	_ =	shalt  }
0x45: {  	_ =	shalt  }
0x46: {  	_ =	shalt  }
0x47: {  	_ =	shalt  }
0x48: {  	_ =	shalt  }
0x49: {  	_ =	shalt  }
0x4a: {  	_ =	shalt  }
0x4b: {  	_ =	shalt  }
0x4c: {  	_ =	shalt  }
0x4d: {  	_ =	shalt  }
0x4e: {  	_ =	shalt  }
0x4f: {  	_ =	shalt  }
0x50: {  	_ =	shalt  }
0x51: {  	_ =	shalt  }
0x52: {  	_ =	shalt  }
0x53: {  	_ =	shalt  }
0x54: {  	_ =	shalt  }
0x55: {  	_ =	shalt  }
0x56: {  	_ =	shalt  }
0x57: {  	_ =	shalt  }
0x58: {  	_ =	shalt  }
0x59: {  	_ =	shalt  }
0x5a: {  	_ =	shalt  }
0x5b: {  	_ =	shalt  }
0x5c: {  	_ =	shalt  }
0x5d: {  	_ =	shalt  }
0x5e: {  	_ =	shalt  }
0x5f: {  	_ =	shalt  }
0x60: {  	_ =	shalt  }
0x61: {  	_ =	shalt  }
0x62: {  	_ =	shalt  }
0x63: {  	_ =	shalt  }
0x64: {  	_ =	shalt  }
0x65: {  	_ =	shalt  }
0x66: {  	_ =	shalt  }
0x67: {  	_ =	shalt  }
0x68: {  	_ =	shalt  }
0x69: {  	_ =	shalt  }
0x6a: {  	_ =	shalt  }
0x6b: {  	_ =	shalt  }
0x6c: {  	_ =	shalt  }
0x6d: {  	_ =	shalt  }
0x6e: {  	_ =	shalt  }
0x6f: {  	_ =	shalt  }
0x70: {  	_ =	shalt  }
0x71: {  	_ =	shalt  }
0x72: {  	_ =	shalt  }
0x73: {  	_ =	shalt  }
0x74: {  	_ =	shalt  }
0x75: {  	_ =	shalt  }
0x76: {  	_ =	shalt  }
0x77: {  	_ =	shalt  }
0x78: {  	_ =	shalt  }
0x79: {  	_ =	shalt  }
0x7a: {  	_ =	shalt  }
0x7b: {  	_ =	shalt  }
0x7c: {  	_ =	shalt  }
0x7d: {  	_ =	shalt  }
0x7e: {  	_ =	shalt  }
0x7f: {  	_ =	shalt  }
0x80: {  	_ =	shalt  }
0x81: {  	_ =	shalt  }
0x82: {  	_ =	shalt  }
0x83: {  	_ =	shalt  }
0x84: {  	_ =	shalt  }
0x85: {  	_ =	shalt  }
0x86: {  	_ =	shalt  }
0x87: {  	_ =	shalt  }
.Lfunc_end0:
.L_simem_size_0:
called_computation.1_lowered:
.L_overlay_start_0:
0x88: {  	s0 =	sld [smem:$0x3FD9]  }
0x89: {  	s1 =	sld [smem:$0x3FFE];
	_ =	sdelay $0x3  }
0x8a: {  	s0 =	sadd.s32 s1, s0  }
0x8b: {  	[smem:$0x3FC3] =	sst s0  }
0x8c: {  	_ = 	snop  }
0x8d: {  	s0 =	sld [smem:$0x3FD0];
	(tm) =	ssettm $0x1  }
0x8e: {  	s16 =	sld [smem:$0x3FFB];
	_ =	sdelay $0x3  }
0x8f: {  	_ =	strace s16  }
0x90: {  	s1 =	sld [smem:$0x3FFC];
	_ =	sdelay $0x3  }
0x91: {  	_ =	strace s1  }
0x92: {  	s1 =	sld [smem:$0x3FFD];
	_ =	sdelay $0x3  }
0x93: {  	_ =	strace s1  }
0x94: {  	_ =	strace $0x8FFFFFFF  }
0x95: {  	s17 =	sld [smem:$0x3FDB];
	_ =	sdelay $0x1  }
0x96: {  	s2 =	simm.s32 $_scs_section_size  }
0x97: {  	s3 =	simm.s32 $_size__tile_overlayer_lowered;
	s4 =	simm.s32 $_tile_overlayer_lowered  }
0x98: {  	s20 =	simm.s32 $0x1BFF;
	s19 =	sshll.u32 s4, $0x1;
	s1 =	sadd.s32 s2, s17  }
0x99: {  	s5 =	simm.s32 $0x0;
	s18 =	sshll.u32 s3, $0x1;
	s3 =	sadd.s32 s19, s1  }
0x9a: {  	[timem:s5], [sflag:s20] =	dma.local [hbm:s3], s18  }
0x9b: {  	_ =	swait.ge [sflag:s20], s18  }
0x9c: {  	s2 =	ssub.s32 $0x0, s18;
	[sflag:s20] =	ssyncset.done $0x0  }
0x9d: {  	[sflag:s20] =	ssyncadd.s32 s2;
	_ =	sdelay $0x1  }
0x9e: {  	s21 =	simm.s32 $0x1B8B  }
0x9f: {  	_ =	swait.ge [sflag:s21], $0x1  }
0xa0: {  	[sflag:s21] =	ssyncset.done $0x0  }
0xa1: {  	s23 =	simm.s32 $0x1B8E;
	s22 =	sld [smem:$0x3FFE];
	[sflag:s21] =	ssyncadd.s32 $0xFFFFFFFF  }
0xa2: {  	s24 =	simm.s32 $execute0_lowered;
	[smem:$0x3FD2] =	sst s23  }
0xa3: {  	s3 =	sshll.u32 s24, $0x1;
	_ =	strace $0x80000049;
	[dreg:$0x1] =	wrdreg $0xFFFFFFFF  }
0xa4: {  	s25 =	simm.s32 $_size_execute0_lowered;
	s1 =	sadd.s32 s1, s3;
	[dreg:$0x0] =	wrdreg $0x0  }
0xa5: {  	s3 =	sshll.u32 s25, $0x1;
	[dreg:$0x2] =	wrdreg s1  }
0xa6: {  	[dreg:$0x3] =	wrdreg s3  }
0xa7: {  	[dreg:$0x4] =	wrdreg $0xC0  }
0xa8: {  	_ =	task [dreg:s5], $0x5FFFF  }
0xa9: {  	[dreg:$0x1] =	wrdreg $0xFFFFFFFF  }
0xaa: {  	[dreg:$0x0] =	wrdreg $0x60  }
0xab: {  	[dreg:$0x2] =	wrdreg s22  }
0xac: {  	[dreg:$0x3] =	wrdreg s0  }
0xad: {  	[dreg:$0x4] =	wrdreg $0x0  }
0xae: {  	[dreg:$0x5] =	wrdreg $0x9  }
0xaf: {  	_ =	task.clear_ibuf [dreg:s5], $0x6FFFF;
	_ =	strace $0x90000049  }
0xb0: {  	s26 =	simm.s32 $0x9;
	_ =	strace $0x8000004B  }
0xb1: {  	_ =	swait.ge [sflag:s26], $0x1  }
0xb2: {  	[sflag:s26] =	ssyncadd.s32 $0xFFFFFFFF  }
0xb3: {  	_ =	strace $0x9000004B  }
0xb4: {  	_ =	sfence  }
0xb5: {  	s28 =	sld [smem:$0x0];
	_ =	sdelay $0x1  }
0xb6: {  	s29 =	srdreg.scid  }
0xb7: {  	s30 =	sshll.u32 s29, $0xD;
	s31 =	sshrl.u32 s29, $0x2  }
0xb8: {  	s2 =	sand.u32 $0x4000, s30;
	s1 =	sand.u32 $0x1, s29;
	s0 =	sadd.s32 s31, s28  }
0xb9: {  	s1 =	sor.u32 s2, s1;
	s0 =	sshll.u32 s0, $0x11  }
0xba: {  	s0 =	sor.u32 s0, s1  }
0xbb: {  	s0 =	sadd.s32 $0x8F2B, s0  }
0xbc: {  	[sflag:s0] =	ssyncadd.remote.s32 $0x1  }
0xbd: {  	_ =	sfence.sel $0xFFFF  }
0xbe: {  	[dreg:$0x0] =	wrdreg $0xFFFFFFFF;
	(pc) =	sbr.abs _section_cstart, $3  }
0xbf: {  	[dreg:$0x1] =	wrdreg $0xFFFFFFFF  }
0xc0: {  	_ =	task.clear_ibuf [dreg:s5], $0x2FFFF;
	_ =	strace $0x9FFFFFFF  }
0xc1: {  	(tm) =	ssettm $0x7FFFFFFF  }
tec
execute0_lowered:
.L_overlay_start_1:
0x0: {  	(tag) =	ssettag $0x1  }
0x1: {  	s0 =	rddreg [dreg:$0x0];
	s1 =	stileid.u32  }
0x2: {  	s2 =	rddreg [dreg:$0x1];
	s6 =	smul.u32 $0x50000, s1  }
0x3: {  	s3 =	rddreg [dreg:$0x2];
	s4 =	simm.s32 $0x0;
	s5 =	smul.u32 $0x2800, s1  }
0x4: {  	[smem:$0x7FF] =	sst s4  }
0x5: {  	s29 =	sshll.u32 s1, $0x6;
	s6 =	sshrl.u32 s6, $0x2;
	s7 =	sadd.s32 s5, s0  }
0x6: {  	_ =	strace $0x8000004A;
	s8 =	sadd.s32 s6, s3;
	s9 =	sadd.s32 $0xFA600, s7  }
0x7: {  	s6 =	sor.u32 $0x1C05, s29;
	s7 =	sshrl.u32 s8, $0x3;
	s8 =	simm.s32 $0x5  }
0x8: {  	[spmem:s7], [sflag:s6] =	dma.local [hbm:s9], $0x2800  }
0x9: {  	s17 =	simm.s32 $0x14100;
	s14 =	simm.s32 $0x1C200;
	_ =	swait.ge [sflag:s8], $0x2800  }
0xa: {  	s15 =	simm.s32 $0x80;
	s16 =	simm.s32 $0x14200;
	[sflag:s8] =	ssyncset.done $0x0  }
0xb: {  	s10 =	sshll.u32 s1, $0x4;
	s9 =	sadd.s32 $0x1A00, s0;
	[sflag:s8] =	ssyncadd.s32 $0xFFFFD800  }
0xc: {  	s19 =	simm.s32 $0x3;
	s11 =	sadd.s32 s9, s10;
	[bflag:$0x0] =	sbarrier.arrive $0xFFFF  }
0xd: {  	[tilespmem:s17], [sflag:$0x5] =	stream.linear.gather [hbm4b:s11+s4], $0x80, $0x38;
	[tilespmem:$0x1D200] =	vst v63  }
0xe: {  	s20 =	simm.s32 $0x1;
	s21 =	simm.s32 $0x6;
	_ =	swait.ge [sflag:s8], $0x80  }
0xf: {  	s22 =	simm.s32 $0x4;
	s12 =	sadd.s32 $0xB800, s0;
	[sflag:s8] =	ssyncset.done $0x0  }
0x10: {  	s30 =	sadd.s32 s2, s10;
	s10 =	simm.s32 $0x14000;
	[sflag:s8] =	ssyncadd.s32 $0xFFFFFF80  }
0x11: {  	[tilespmem:s10], [sflag:$0x5] =	stream.linear.gather [hbm4b:s30+s4], $0x80, $0x38;
	[tilespmem:$0x1D200] =	vst v63  }
0x12: {  	s11 =	sadd.s32 $0x5E200, s0;
	s0 =	sadd.s32 $0x122600, s0;
	_ =	swait.ge [sflag:s8], $0x80  }
0x13: {  	s31 =	sshll.u32 s1, $0x8;
	[dreg:$0x4] =	wrdreg s0;
	[sflag:s8] =	ssyncset.done $0x0  }
.Ltmp0:
0x14: {  	s0 =	sadd.s32 s11, s31;
	[sflag:s8] =	ssyncadd.s32 $0xFFFFFF80;
	(pc) =	sbr.rel .LBB2_1-.Ltmp0, $4  }
0x15: {  	[tilespmem:s14], [sflag:$0x3] =	stream.linear.gather [hbm4b:s0+s4], $0x800, $0x38;
	[tilespmem:$0x1D200] =	vst v63  }
0x16: {  	s23 =	simm.s32 $0x2;
	s24 =	simm.s32 $0x14080;
	s25 =	simm.s32 $0x18200  }
0x17: {  	[tilespmem:s16], [sflag:$0x1] =	stream.indirect.gather [hbm4b:s12+s15], $0x80, s17, s15, $0xb8;
	[tilespmem:$0x1D200] =	vst v63  }
0x18: {  	s18 =	sor.u32 $0x10, s1;
	s14 =	ssub.s32 $0x9C4, s1;
	s17 =	sor.u32 $0x20, s1  }
.LBB2_8:
0x19: {  	[tilespmem:s26+$0x20] =	vst v2  }
0x1a: {  	[tilespmem:s26+$0x50] =	vst v3  }
0x1b: {  	[tilespmem:s26+$0x60] =	vst v4  }
0x1c: {  	[tilespmem:s26+$0x10] =	vst v5  }
0x1d: {  	[tilespmem:s26+$0x70] =	vst v0  }
0x1e: {  	[tilespmem:s26+$0x0] =	vst v1  }
0x1f: {  	v0 =	vld [tilespmem:s29+$0x10];
	_ =	sdelay $0x1  }
0x20: {  	v23 =	vld [tilespmem:s26+$0x80]  }
0x21: {  	v24 =	vld [tilespmem:s26+$0x90]  }
0x22: {  	v25 =	vld [tilespmem:s26+$0xF0]  }
0x23: {  	v26 =	vld [tilespmem:s26+$0xB0];
	v27 =	vbroadcast v0, $0x0  }
0x24: {  	v6 =	vld [tilespmem:s26+$0xD0]  }
0x25: {  	v7 =	vld [tilespmem:s26+$0xC0];
	v8 =	vbroadcast v0, $0x3;
	v1 =	vmul.f32 v27, v23  }
0x26: {  	v9 =	vld [tilespmem:s26+$0xA0];
	v10 =	vbroadcast v0, $0x1;
	v2 =	vmul.f32 v24, v27  }
0x27: {  	v28 =	vld [tilespmem:s26+$0xE0];
	v0 =	vbroadcast v0, $0x2;
	v29 =	vmul.f32 v25, v8;
	[tilespmem:s26+$0x80] =	vst v1  }
0x28: {  	v30 =	vmul.f32 v26, v10;
	[tilespmem:s26+$0x90] =	vst v2  }
0x29: {  	v31 =	vmul.f32 v6, v0;
	[tilespmem:s26+$0xF0] =	vst v29  }
0x2a: {  	v0 =	vmul.f32 v7, v0;
	[tilespmem:s26+$0xB0] =	vst v30  }
0x2b: {  	v32 =	vmul.f32 v9, v10;
	[tilespmem:s26+$0xD0] =	vst v31  }
0x2c: {  	v33 =	vmul.f32 v28, v8;
	[tilespmem:s26+$0xC0] =	vst v0  }
0x2d: {  	[tilespmem:s26+$0xA0] =	vst v32  }
0x2e: {  	[tilespmem:s26+$0xE0] =	vst v33  }
0x2f: {  	v1 =	vld [tilespmem:s29+$0x20];
	_ =	sdelay $0x1  }
0x30: {  	v34 =	vld [tilespmem:s26+$0x100]  }
0x31: {  	v36 =	vld [tilespmem:s26+$0x120]  }
0x32: {  	v35 =	vld [tilespmem:s26+$0x150]  }
0x33: {  	v38 =	vld [tilespmem:s26+$0x140];
	v39 =	vbroadcast v1, $0x0  }
0x34: {  	v40 =	vld [tilespmem:s26+$0x160];
	v41 =	vbroadcast v1, $0x1  }
0x35: {  	v37 =	vld [tilespmem:s26+$0x130];
	v43 =	vbroadcast v1, $0x2;
	v0 =	vmul.f32 v39, v34  }
0x36: {  	v42 =	vld [tilespmem:s26+$0x170];
	v3 =	vmul.f32 v36, v41  }
0x37: {  	v11 =	vld [tilespmem:s26+$0x110];
	v1 =	vbroadcast v1, $0x3;
	v2 =	vmul.f32 v35, v43;
	[tilespmem:s26+$0x100] =	vst v0  }
0x38: {  	v44 =	vmul.f32 v38, v43;
	[tilespmem:s26+$0x120] =	vst v3  }
0x39: {  	v45 =	vmul.f32 v40, v1;
	[tilespmem:s26+$0x150] =	vst v2  }
0x3a: {  	v46 =	vmul.f32 v37, v41;
	[tilespmem:s26+$0x140] =	vst v44  }
0x3b: {  	v47 =	vmul.f32 v42, v1;
	[tilespmem:s26+$0x160] =	vst v45  }
0x3c: {  	v48 =	vmul.f32 v11, v39;
	[tilespmem:s26+$0x130] =	vst v46  }
0x3d: {  	[tilespmem:s26+$0x170] =	vst v47  }
0x3e: {  	[tilespmem:s26+$0x110] =	vst v48  }
0x3f: {  	v0 =	vld [tilespmem:s29+$0x30];
	_ =	sdelay $0x1  }
0x40: {  	v49 =	vld [tilespmem:s26+$0x180]  }
0x41: {  	v50 =	vld [tilespmem:s26+$0x190]  }
0x42: {  	v51 =	vld [tilespmem:s26+$0x1A0]  }
0x43: {  	v52 =	vld [tilespmem:s26+$0x1D0];
	v53 =	vbroadcast v0, $0x0  }
0x44: {  	v54 =	vld [tilespmem:s26+$0x1C0]  }
0x45: {  	v55 =	vld [tilespmem:s26+$0x1E0];
	v56 =	vbroadcast v0, $0x1;
	v2 =	vmul.f32 v53, v49  }
0x46: {  	v57 =	vld [tilespmem:s26+$0x1B0];
	v58 =	vbroadcast v0, $0x2;
	v1 =	vmul.f32 v50, v53  }
0x47: {  	v59 =	vld [tilespmem:s26+$0x1F0];
	v3 =	vmul.f32 v51, v56;
	[tilespmem:s26+$0x180] =	vst v2  }
0x48: {  	v0 =	vbroadcast v0, $0x3;
	v60 =	vmul.f32 v52, v58;
	[tilespmem:s26+$0x190] =	vst v1  }
0x49: {  	v61 =	vmul.f32 v54, v58;
	[tilespmem:s26+$0x1A0] =	vst v3  }
0x4a: {  	v62 =	vmul.f32 v55, v0;
	[tilespmem:s26+$0x1D0] =	vst v60  }
0x4b: {  	v63 =	vmul.f32 v57, v56;
	[tilespmem:s26+$0x1C0] =	vst v61  }
0x4c: {  	v0 =	vmul.f32 v59, v0;
	[tilespmem:s26+$0x1E0] =	vst v62  }
0x4d: {  	[tilespmem:s26+$0x1B0] =	vst v63  }
0x4e: {  	[tilespmem:s26+$0x1F0] =	vst v0  }
0x4f: {  	[spmem:s3] =	stream.indirect.scatter.add.f32 [tilespmem:s25], [sflag:$0x5], $0x80, s24, s15, $0xb8;
	[tilespmem:$0x1D200] =	vst v63  }
0x50: {  	_ =	swait.ge [sflag:s8], $0x4000  }
0x51: {  	[sflag:s8] =	ssyncset.done $0x0  }
0x52: {  	[sflag:s8] =	ssyncadd.s32 $0xFFFFC000  }
.LBB2_9:
0x53: {  	s4 =	sadd.s32 $0x1, s4  }
0x54: {  	p0 =	sne.s32 s4, $0x4F  }
.Ltmp1:
0x55: {  	_ = 	snop;
	(pc) =	sbr.rel @!p0 .LBB2_10-.Ltmp1, $1  }
0x56: {  	_ =	sdelay $0x3  }
.LBB2_1:
0x57: {  	s26 =	sshll.u32 s4, $0x5  }
0x58: {  	s0 =	sor.u32 s18, s26  }
0x59: {  	p0 =	sgt.u32 s0, $0x9C3  }
0x5a: {  	s28 =	sshll.u32 @!p0 s0, $0x4  }
0x5b: {  	s30 =	simm.s32 @!p0 $0x0;
	s31 =	simm.s32 @!p0 $0x14180;
	s29 =	sadd.s32 @!p0 s9, s28  }
0x5c: {  	[tilespmem:s31], [sflag:$0x6] =	stream.linear.gather @!p0 [hbm4b:s29+s30], $0x80, $0x38;
	[tilespmem:$0x1D200] =	vst v63  }
0x5d: {  	s29 =	simm.s32 @!p0 $0x6  }
0x5e: {  	_ =	swait.ge @!p0 [sflag:s29], $0x80  }
0x5f: {  	[sflag:s29] =	ssyncset.done @!p0 $0x0  }
0x60: {  	s13 =	simm.s32 @!p0 $0x14080;
	s28 =	sadd.s32 @!p0 s2, s28;
	[sflag:s29] =	ssyncadd.s32 @!p0 $0xFFFFFF80  }
0x61: {  	[tilespmem:s13], [sflag:$0x6] =	stream.linear.gather @!p0 [hbm4b:s28+s30], $0x80, $0x38;
	[tilespmem:$0x1D200] =	vst v63  }
0x62: {  	p1 =	sge.u32 s26, s14;
	_ =	swait.ge @!p0 [sflag:s29], $0x80  }
.Ltmp2:
0x63: {  	s0 =	sshll.u32 @!p0 s0, $0x8;
	[sflag:s29] =	ssyncset.done @!p0 $0x0;
	(pc) =	sbr.rel @p1 .LBB2_5-.Ltmp2, $4  }
0x64: {  	s0 =	sadd.s32 @!p0 s11, s0;
	s13 =	simm.s32 @!p0 $0x1CA00;
	[sflag:s29] =	ssyncadd.s32 @!p0 $0xFFFFFF80  }
0x65: {  	[tilespmem:s13], [sflag:$0x4] =	stream.linear.gather @!p0 [hbm4b:s0+s30], $0x800, $0x38;
	[tilespmem:$0x1D200] =	vst v63  }
0x66: {  	s0 =	simm.s32 @!p0 $0x80;
	s13 =	simm.s32 @!p0 $0x18200  }
0x67: {  	[tilespmem:s13], [sflag:$0x2] =	stream.indirect.gather @!p0 [hbm4b:s12+s0], $0x80, s31, s0, $0xb8;
	[tilespmem:$0x1D200] =	vst v63  }
0x68: {  	_ =	swait.ge [sflag:s19], $0x800  }
0x69: {  	[sflag:s19] =	ssyncset.done $0x0  }
0x6a: {  	[sflag:s19] =	ssyncadd.s32 $0xFFFFF800  }
0x6b: {  	_ =	swait.ge [sflag:s20], $0x4000  }
0x6c: {  	[sflag:s20] =	ssyncset.done $0x0  }
0x6d: {  	s29 =	simm.s32 $0x1C240;
	[sflag:s20] =	ssyncadd.s32 $0xFFFFC000  }
0x6e: {  	v0 =	vld [tilespmem:s29+$0xFFFFFFC0]  }
0x6f: {  	s28 =	simm.s32 $0x14400  }
0x70: {  	v1 =	vld [tilespmem:s28+$0xFFFFFE00]  }
0x71: {  	v2 =	vld [tilespmem:s28+$0xFFFFFE60]  }
0x72: {  	v3 =	vld [tilespmem:s28+$0xFFFFFE20]  }
0x73: {  	v4 =	vld [tilespmem:s28+$0xFFFFFE70];
	v5 =	vbroadcast v0, $0x0  }
0x74: {  	v6 =	vld [tilespmem:s28+$0xFFFFFE10];
	v7 =	vbroadcast v0, $0x3  }
0x75: {  	v8 =	vld [tilespmem:s28+$0xFFFFFE50];
	v9 =	vbroadcast v0, $0x1;
	v1 =	vmul.f32 v5, v1  }
0x76: {  	v11 =	vld [tilespmem:s28+$0xFFFFFE40];
	v2 =	vmul.f32 v2, v7  }
0x77: {  	v10 =	vld [tilespmem:s28+$0xFFFFFE30];
	v3 =	vmul.f32 v3, v9;
	[tilespmem:s28+$0xFFFFFE00] =	vst v1  }
0x78: {  	v0 =	vbroadcast v0, $0x2;
	v1 =	vmul.f32 v4, v7;
	[tilespmem:s28+$0xFFFFFE60] =	vst v2  }
0x79: {  	v2 =	vmul.f32 v6, v5;
	[tilespmem:s28+$0xFFFFFE20] =	vst v3  }
0x7a: {  	v3 =	vmul.f32 v8, v0;
	[tilespmem:s28+$0xFFFFFE70] =	vst v1  }
0x7b: {  	v0 =	vmul.f32 v11, v0;
	[tilespmem:s28+$0xFFFFFE10] =	vst v2  }
0x7c: {  	v1 =	vmul.f32 v10, v9;
	[tilespmem:s28+$0xFFFFFE50] =	vst v3  }
0x7d: {  	[tilespmem:s28+$0xFFFFFE40] =	vst v0  }
0x7e: {  	[tilespmem:s28+$0xFFFFFE30] =	vst v1  }
0x7f: {  	v0 =	vld [tilespmem:s29+$0xFFFFFFD0];
	_ =	sdelay $0x1  }
0x80: {  	v1 =	vld [tilespmem:s28+$0xFFFFFE80]  }
0x81: {  	v2 =	vld [tilespmem:s28+$0xFFFFFE90]  }
0x82: {  	v3 =	vld [tilespmem:s28+$0xFFFFFEA0]  }
0x83: {  	v4 =	vld [tilespmem:s28+$0xFFFFFEF0];
	v5 =	vbroadcast v0, $0x0  }
0x84: {  	v6 =	vld [tilespmem:s28+$0xFFFFFED0]  }
0x85: {  	v7 =	vld [tilespmem:s28+$0xFFFFFEB0];
	v49 =	vbroadcast v0, $0x1;
	v1 =	vmul.f32 v5, v1  }
0x86: {  	v50 =	vld [tilespmem:s28+$0xFFFFFEC0];
	v51 =	vbroadcast v0, $0x3;
	v2 =	vmul.f32 v2, v5  }
0x87: {  	v0 =	vbroadcast v0, $0x2;
	v5 =	vld [tilespmem:s28+$0xFFFFFEE0];
	v3 =	vmul.f32 v3, v49;
	[tilespmem:s28+$0xFFFFFE80] =	vst v1  }
0x88: {  	v1 =	vmul.f32 v4, v51;
	[tilespmem:s28+$0xFFFFFE90] =	vst v2  }
0x89: {  	v2 =	vmul.f32 v6, v0;
	[tilespmem:s28+$0xFFFFFEA0] =	vst v3  }
0x8a: {  	v3 =	vmul.f32 v7, v49;
	[tilespmem:s28+$0xFFFFFEF0] =	vst v1  }
0x8b: {  	v0 =	vmul.f32 v50, v0;
	[tilespmem:s28+$0xFFFFFED0] =	vst v2  }
0x8c: {  	[tilespmem:s28+$0xFFFFFEB0] =	vst v3;
	v1 =	vmul.f32 v5, v51  }
0x8d: {  	[tilespmem:s28+$0xFFFFFEC0] =	vst v0  }
0x8e: {  	[tilespmem:s28+$0xFFFFFEE0] =	vst v1  }
0x8f: {  	v0 =	vld [tilespmem:s29+$0xFFFFFFE0];
	_ =	sdelay $0x1  }
0x90: {  	v1 =	vld [tilespmem:s28+$0xFFFFFF20]  }
0x91: {  	v3 =	vld [tilespmem:s28+$0xFFFFFF40]  }
0x92: {  	v4 =	vld [tilespmem:s28+$0xFFFFFF50]  }
0x93: {  	v2 =	vld [tilespmem:s28+$0xFFFFFF10];
	v6 =	vbroadcast v0, $0x1  }
0x94: {  	v5 =	vld [tilespmem:s28+$0xFFFFFF30];
	v7 =	vbroadcast v0, $0x2  }
0x95: {  	v52 =	vld [tilespmem:s28+$0xFFFFFF70];
	v1 =	vmul.f32 v1, v6  }
0x96: {  	v54 =	vld [tilespmem:s28+$0xFFFFFF60];
	v55 =	vbroadcast v0, $0x0;
	v3 =	vmul.f32 v3, v7  }
0x97: {  	v53 =	vld [tilespmem:s28+$0xFFFFFF00];
	v4 =	vmul.f32 v4, v7;
	[tilespmem:s28+$0xFFFFFF20] =	vst v1  }
0x98: {  	v0 =	vbroadcast v0, $0x3;
	v2 =	vmul.f32 v2, v55;
	[tilespmem:s28+$0xFFFFFF40] =	vst v3  }
0x99: {  	v1 =	vmul.f32 v5, v6;
	[tilespmem:s28+$0xFFFFFF50] =	vst v4  }
0x9a: {  	v3 =	vmul.f32 v52, v0;
	[tilespmem:s28+$0xFFFFFF10] =	vst v2  }
0x9b: {  	v0 =	vmul.f32 v54, v0;
	[tilespmem:s28+$0xFFFFFF30] =	vst v1  }
0x9c: {  	v1 =	vmul.f32 v55, v53;
	[tilespmem:s28+$0xFFFFFF70] =	vst v3  }
0x9d: {  	[tilespmem:s28+$0xFFFFFF60] =	vst v0  }
0x9e: {  	[tilespmem:s28+$0xFFFFFF00] =	vst v1  }
0x9f: {  	v0 =	vld [tilespmem:s29+$0xFFFFFFF0];
	_ =	sdelay $0x1  }
0xa0: {  	v2 =	vld [tilespmem:s28+$0xFFFFFF80]  }
0xa1: {  	v3 =	vld [tilespmem:s28+$0xFFFFFFE0]  }
0xa2: {  	v4 =	vld [tilespmem:s28+$0xFFFFFFB0]  }
0xa3: {  	v1 =	vld [tilespmem:s28+$0xFFFFFFF0];
	v6 =	vbroadcast v0, $0x0  }
0xa4: {  	v5 =	vld [tilespmem:s28+$0xFFFFFFC0];
	v56 =	vbroadcast v0, $0x3  }
0xa5: {  	v57 =	vld [tilespmem:s28+$0xFFFFFFD0];
	v58 =	vbroadcast v0, $0x1;
	v2 =	vmul.f32 v6, v2  }
0xa6: {  	v59 =	vld [tilespmem:s28+$0xFFFFFF90];
	v3 =	vmul.f32 v3, v56  }
0xa7: {  	v7 =	vld [tilespmem:s28+$0xFFFFFFA0];
	v0 =	vbroadcast v0, $0x2;
	v4 =	vmul.f32 v4, v58;
	[tilespmem:s28+$0xFFFFFF80] =	vst v2  }
0xa8: {  	v1 =	vmul.f32 v1, v56;
	[tilespmem:s28+$0xFFFFFFE0] =	vst v3  }
0xa9: {  	v2 =	vmul.f32 v5, v0;
	[tilespmem:s28+$0xFFFFFFB0] =	vst v4  }
0xaa: {  	v0 =	vmul.f32 v57, v0;
	[tilespmem:s28+$0xFFFFFFF0] =	vst v1  }
0xab: {  	v1 =	vmul.f32 v59, v6;
	[tilespmem:s28+$0xFFFFFFC0] =	vst v2  }
0xac: {  	v60 =	vld [tilespmem:s28+$0x0];
	v2 =	vmul.f32 v7, v58;
	[tilespmem:s28+$0xFFFFFFD0] =	vst v0  }
0xad: {  	v3 =	vld [tilespmem:s28+$0x30];
	[tilespmem:s28+$0xFFFFFF90] =	vst v1  }
0xae: {  	v4 =	vld [tilespmem:s28+$0x60];
	[tilespmem:s28+$0xFFFFFFA0] =	vst v2  }
0xaf: {  	v1 =	vld [tilespmem:s29+$0x0]  }
0xb0: {  	v6 =	vld [tilespmem:s28+$0x50]  }
0xb1: {  	v2 =	vld [tilespmem:s28+$0x20]  }
0xb2: {  	v0 =	vld [tilespmem:s28+$0x40]  }
0xb3: {  	v7 =	vld [tilespmem:s28+$0x70]  }
0xb4: {  	v5 =	vld [tilespmem:s28+$0x10];
	v61 =	vbroadcast v1, $0x0;
	v62 =	vbroadcast v1, $0x1  }
0xb5: {  	v63 =	vbroadcast v1, $0x2;
	v1 =	vbroadcast v1, $0x3  }
0xb6: {  	v2 =	vmul.f32 v2, v62;
	v10 =	vmul.f32 v3, v62  }
0xb7: {  	v12 =	vmul.f32 v0, v63;
	v3 =	vmul.f32 v6, v63  }
0xb8: {  	v4 =	vmul.f32 v4, v1;
	v0 =	vmul.f32 v7, v1;
	[tilespmem:s28+$0x30] =	vst v10  }
0xb9: {  	s31 =	simm.s32 $0x0;
	s0 =	simm.s32 $0x14400;
	s30 =	simm.s32 $0x1C240;
	v1 =	vmul.f32 v61, v60;
	v5 =	vmul.f32 v5, v61;
	[tilespmem:s28+$0x40] =	vst v12  }
.LBB2_3:
0xba: {  	s31 =	sadd.s32 $0x8, s31;
	[tilespmem:s28+$0x20] =	vst v2;
	s0 =	sadd.s32 $0x400, s0;
	s29 =	sadd.s32 $0x80, s29  }
0xbb: {  	p1 =	slt.u32 s31, $0x78;
	[tilespmem:s28+$0x50] =	vst v3  }
0xbc: {  	[tilespmem:s28+$0x60] =	vst v4  }
0xbd: {  	[tilespmem:s28+$0x10] =	vst v5;
	v2 =	vld [tilespmem:s28+$0xB0]  }
0xbe: {  	[tilespmem:s28+$0x70] =	vst v0;
	v0 =	vld [tilespmem:s28+$0xF0]  }
0xbf: {  	[tilespmem:s28+$0x0] =	vst v1;
	v1 =	vld [tilespmem:s28+$0x80]  }
0xc0: {  	v3 =	vld [tilespmem:s30+$0x10]  }
0xc1: {  	v4 =	vld [tilespmem:s28+$0x90]  }
0xc2: {  	v5 =	vld [tilespmem:s28+$0xD0]  }
0xc3: {  	v6 =	vld [tilespmem:s28+$0xC0]  }
0xc4: {  	v7 =	vld [tilespmem:s28+$0xE0]  }
0xc5: {  	v8 =	vbroadcast v3, $0x0;
	v9 =	vld [tilespmem:s28+$0xA0];
	v10 =	vbroadcast v3, $0x1  }
0xc6: {  	v11 =	vbroadcast v3, $0x2;
	v3 =	vbroadcast v3, $0x3  }
0xc7: {  	v1 =	vmul.f32 v8, v1;
	v4 =	vmul.f32 v4, v8  }
0xc8: {  	v5 =	vmul.f32 v5, v11;
	v6 =	vmul.f32 v6, v11  }
0xc9: {  	v0 =	vmul.f32 v0, v3;
	[tilespmem:s28+$0x80] =	vst v1;
	v1 =	vmul.f32 v7, v3  }
0xca: {  	v2 =	vmul.f32 v2, v10;
	[tilespmem:s28+$0x90] =	vst v4;
	v3 =	vmul.f32 v9, v10  }
0xcb: {  	[tilespmem:s28+$0xF0] =	vst v0  }
0xcc: {  	[tilespmem:s28+$0xB0] =	vst v2  }
0xcd: {  	[tilespmem:s28+$0xD0] =	vst v5  }
0xce: {  	[tilespmem:s28+$0xC0] =	vst v6;
	v0 =	vld [tilespmem:s28+$0x100]  }
0xcf: {  	[tilespmem:s28+$0xA0] =	vst v3;
	v2 =	vld [tilespmem:s28+$0x150]  }
0xd0: {  	[tilespmem:s28+$0xE0] =	vst v1;
	v1 =	vld [tilespmem:s28+$0x120]  }
0xd1: {  	v3 =	vld [tilespmem:s30+$0x20]  }
0xd2: {  	v4 =	vld [tilespmem:s28+$0x130]  }
0xd3: {  	v5 =	vld [tilespmem:s28+$0x160]  }
0xd4: {  	v6 =	vld [tilespmem:s28+$0x140]  }
0xd5: {  	v7 =	vld [tilespmem:s28+$0x170]  }
0xd6: {  	v8 =	vbroadcast v3, $0x0;
	v9 =	vld [tilespmem:s28+$0x110];
	v10 =	vbroadcast v3, $0x1  }
0xd7: {  	v11 =	vbroadcast v3, $0x2;
	v3 =	vbroadcast v3, $0x3  }
0xd8: {  	v0 =	vmul.f32 v8, v0;
	v1 =	vmul.f32 v1, v10  }
0xd9: {  	v2 =	vmul.f32 v2, v11;
	v6 =	vmul.f32 v6, v11  }
0xda: {  	[tilespmem:s28+$0x100] =	vst v0;
	v0 =	vmul.f32 v5, v3;
	v3 =	vmul.f32 v7, v3  }
0xdb: {  	v5 =	vmul.f32 v9, v8;
	[tilespmem:s28+$0x120] =	vst v1;
	v1 =	vmul.f32 v4, v10  }
0xdc: {  	[tilespmem:s28+$0x150] =	vst v2  }
0xdd: {  	[tilespmem:s28+$0x140] =	vst v6  }
0xde: {  	[tilespmem:s28+$0x160] =	vst v0  }
0xdf: {  	[tilespmem:s28+$0x130] =	vst v1;
	v0 =	vld [tilespmem:s28+$0x180]  }
0xe0: {  	[tilespmem:s28+$0x170] =	vst v3;
	v1 =	vld [tilespmem:s28+$0x1D0]  }
0xe1: {  	[tilespmem:s28+$0x110] =	vst v5;
	v2 =	vld [tilespmem:s28+$0x1B0]  }
0xe2: {  	v3 =	vld [tilespmem:s30+$0x30];
	s30 =	smov.u32 s29  }
0xe3: {  	v4 =	vld [tilespmem:s28+$0x1C0]  }
0xe4: {  	v5 =	vld [tilespmem:s28+$0x190]  }
0xe5: {  	v6 =	vld [tilespmem:s28+$0x1A0]  }
0xe6: {  	v7 =	vld [tilespmem:s28+$0x1E0]  }
0xe7: {  	v8 =	vbroadcast v3, $0x0;
	v9 =	vbroadcast v3, $0x1;
	v10 =	vld [tilespmem:s28+$0x1F0]  }
0xe8: {  	v11 =	vbroadcast v3, $0x2;
	v3 =	vbroadcast v3, $0x3  }
0xe9: {  	v0 =	vmul.f32 v8, v0;
	v5 =	vmul.f32 v5, v8  }
0xea: {  	v4 =	vmul.f32 v4, v11;
	v6 =	vmul.f32 v6, v9  }
0xeb: {  	[tilespmem:s28+$0x180] =	vst v0;
	v0 =	vmul.f32 v1, v11;
	v1 =	vmul.f32 v7, v3  }
0xec: {  	v2 =	vmul.f32 v2, v9;
	[tilespmem:s28+$0x190] =	vst v5;
	v3 =	vmul.f32 v10, v3  }
0xed: {  	[tilespmem:s28+$0x1A0] =	vst v6  }
0xee: {  	[tilespmem:s28+$0x1D0] =	vst v0  }
0xef: {  	[tilespmem:s28+$0x1C0] =	vst v4  }
0xf0: {  	v0 =	vld [tilespmem:s0+$0xFFFFFE30];
	[tilespmem:s28+$0x1E0] =	vst v1  }
0xf1: {  	v1 =	vld [tilespmem:s0+$0xFFFFFE50];
	[tilespmem:s28+$0x1B0] =	vst v2  }
0xf2: {  	v2 =	vld [tilespmem:s0+$0xFFFFFE70];
	[tilespmem:s28+$0x1F0] =	vst v3;
	s28 =	smov.u32 s0  }
0xf3: {  	v3 =	vld [tilespmem:s29+$0xFFFFFFC0]  }
0xf4: {  	v4 =	vld [tilespmem:s0+$0xFFFFFE60]  }
0xf5: {  	v5 =	vld [tilespmem:s0+$0xFFFFFE00]  }
0xf6: {  	v6 =	vld [tilespmem:s0+$0xFFFFFE20]  }
0xf7: {  	v7 =	vld [tilespmem:s0+$0xFFFFFE40]  }
0xf8: {  	v8 =	vbroadcast v3, $0x0;
	v9 =	vld [tilespmem:s0+$0xFFFFFE10];
	v10 =	vbroadcast v3, $0x3  }
0xf9: {  	v11 =	vbroadcast v3, $0x1;
	v3 =	vbroadcast v3, $0x2  }
0xfa: {  	v5 =	vmul.f32 v8, v5;
	v4 =	vmul.f32 v4, v10  }
0xfb: {  	v2 =	vmul.f32 v2, v10;
	v6 =	vmul.f32 v6, v11  }
0xfc: {  	v1 =	vmul.f32 v1, v3;
	[tilespmem:s0+$0xFFFFFE00] =	vst v5;
	v5 =	vmul.f32 v7, v3  }
0xfd: {  	v0 =	vmul.f32 v0, v11;
	v3 =	vmul.f32 v9, v8;
	[tilespmem:s0+$0xFFFFFE60] =	vst v4  }
0xfe: {  	[tilespmem:s0+$0xFFFFFE20] =	vst v6  }
0xff: {  	[tilespmem:s0+$0xFFFFFE70] =	vst v2  }
0x100: {  	[tilespmem:s0+$0xFFFFFE10] =	vst v3  }
0x101: {  	[tilespmem:s0+$0xFFFFFE50] =	vst v1;
	v1 =	vld [tilespmem:s0+$0xFFFFFED0]  }
0x102: {  	[tilespmem:s0+$0xFFFFFE30] =	vst v0;
	v0 =	vld [tilespmem:s0+$0xFFFFFEF0]  }
0x103: {  	[tilespmem:s0+$0xFFFFFE40] =	vst v5;
	v2 =	vld [tilespmem:s0+$0xFFFFFEB0]  }
0x104: {  	v3 =	vld [tilespmem:s29+$0xFFFFFFD0]  }
0x105: {  	v4 =	vld [tilespmem:s0+$0xFFFFFE90]  }
0x106: {  	v5 =	vld [tilespmem:s0+$0xFFFFFE80]  }
0x107: {  	v6 =	vld [tilespmem:s0+$0xFFFFFEA0]  }
0x108: {  	v7 =	vld [tilespmem:s0+$0xFFFFFEE0]  }
0x109: {  	v8 =	vbroadcast v3, $0x0;
	v9 =	vld [tilespmem:s0+$0xFFFFFEC0];
	v10 =	vbroadcast v3, $0x2  }
0x10a: {  	v11 =	vbroadcast v3, $0x1;
	v3 =	vbroadcast v3, $0x3  }
0x10b: {  	v5 =	vmul.f32 v8, v5;
	v4 =	vmul.f32 v4, v8  }
0x10c: {  	v2 =	vmul.f32 v2, v11;
	v6 =	vmul.f32 v6, v11  }
0x10d: {  	v0 =	vmul.f32 v0, v3;
	[tilespmem:s0+$0xFFFFFE80] =	vst v5;
	v5 =	vmul.f32 v7, v3  }
0x10e: {  	v1 =	vmul.f32 v1, v10;
	[tilespmem:s0+$0xFFFFFE90] =	vst v4;
	v3 =	vmul.f32 v9, v10  }
0x10f: {  	[tilespmem:s0+$0xFFFFFEA0] =	vst v6  }
0x110: {  	[tilespmem:s0+$0xFFFFFEF0] =	vst v0  }
0x111: {  	[tilespmem:s0+$0xFFFFFED0] =	vst v1  }
0x112: {  	[tilespmem:s0+$0xFFFFFEB0] =	vst v2;
	v0 =	vld [tilespmem:s0+$0xFFFFFF10]  }
0x113: {  	[tilespmem:s0+$0xFFFFFEC0] =	vst v3;
	v1 =	vld [tilespmem:s0+$0xFFFFFF70]  }
0x114: {  	[tilespmem:s0+$0xFFFFFEE0] =	vst v5;
	v2 =	vld [tilespmem:s0+$0xFFFFFF50]  }
0x115: {  	v3 =	vld [tilespmem:s29+$0xFFFFFFE0]  }
0x116: {  	v4 =	vld [tilespmem:s0+$0xFFFFFF30]  }
0x117: {  	v5 =	vld [tilespmem:s0+$0xFFFFFF20]  }
0x118: {  	v6 =	vld [tilespmem:s0+$0xFFFFFF40]  }
0x119: {  	v7 =	vld [tilespmem:s0+$0xFFFFFF60]  }
0x11a: {  	v8 =	vld [tilespmem:s0+$0xFFFFFF00];
	v9 =	vbroadcast v3, $0x0;
	v10 =	vbroadcast v3, $0x1  }
0x11b: {  	v11 =	vbroadcast v3, $0x2;
	v3 =	vbroadcast v3, $0x3  }
0x11c: {  	v5 =	vmul.f32 v5, v10;
	v4 =	vmul.f32 v4, v10  }
0x11d: {  	v2 =	vmul.f32 v2, v11;
	v6 =	vmul.f32 v6, v11  }
0x11e: {  	v1 =	vmul.f32 v1, v3;
	[tilespmem:s0+$0xFFFFFF20] =	vst v5;
	v5 =	vmul.f32 v7, v3  }
0x11f: {  	v0 =	vmul.f32 v0, v9;
	v3 =	vmul.f32 v9, v8;
	[tilespmem:s0+$0xFFFFFF40] =	vst v6  }
0x120: {  	[tilespmem:s0+$0xFFFFFF50] =	vst v2  }
0x121: {  	[tilespmem:s0+$0xFFFFFF30] =	vst v4  }
0x122: {  	[tilespmem:s0+$0xFFFFFF10] =	vst v0  }
0x123: {  	[tilespmem:s0+$0xFFFFFF70] =	vst v1;
	v0 =	vld [tilespmem:s0+$0xFFFFFFF0]  }
0x124: {  	[tilespmem:s0+$0xFFFFFF00] =	vst v3;
	v1 =	vld [tilespmem:s0+$0xFFFFFFC0]  }
0x125: {  	[tilespmem:s0+$0xFFFFFF60] =	vst v5;
	v2 =	vld [tilespmem:s0+$0xFFFFFFB0]  }
0x126: {  	v3 =	vld [tilespmem:s29+$0xFFFFFFF0]  }
0x127: {  	v4 =	vld [tilespmem:s0+$0xFFFFFFE0]  }
0x128: {  	v5 =	vld [tilespmem:s0+$0xFFFFFF80]  }
0x129: {  	v6 =	vld [tilespmem:s0+$0xFFFFFFA0]  }
0x12a: {  	v7 =	vld [tilespmem:s0+$0xFFFFFF90]  }
0x12b: {  	v8 =	vbroadcast v3, $0x0;
	v9 =	vld [tilespmem:s0+$0xFFFFFFD0];
	v10 =	vbroadcast v3, $0x3  }
0x12c: {  	v11 =	vbroadcast v3, $0x1;
	v3 =	vbroadcast v3, $0x2  }
0x12d: {  	v5 =	vmul.f32 v8, v5;
	v4 =	vmul.f32 v4, v10  }
0x12e: {  	v2 =	vmul.f32 v2, v11;
	v6 =	vmul.f32 v6, v11  }
0x12f: {  	v1 =	vmul.f32 v1, v3;
	[tilespmem:s0+$0xFFFFFF80] =	vst v5;
	v5 =	vmul.f32 v7, v8  }
0x130: {  	v0 =	vmul.f32 v0, v10;
	v3 =	vmul.f32 v9, v3;
	[tilespmem:s0+$0xFFFFFFE0] =	vst v4  }
0x131: {  	[tilespmem:s0+$0xFFFFFFB0] =	vst v2  }
0x132: {  	[tilespmem:s0+$0xFFFFFFC0] =	vst v1  }
0x133: {  	[tilespmem:s0+$0xFFFFFFF0] =	vst v0  }
0x134: {  	[tilespmem:s0+$0xFFFFFFD0] =	vst v3;
	v0 =	vld [tilespmem:s0+$0x40]  }
0x135: {  	[tilespmem:s0+$0xFFFFFFA0] =	vst v6;
	v1 =	vld [tilespmem:s0+$0x30]  }
0x136: {  	[tilespmem:s0+$0xFFFFFF90] =	vst v5;
	v5 =	vld [tilespmem:s0+$0x10]  }
0x137: {  	v2 =	vld [tilespmem:s29+$0x0]  }
0x138: {  	v4 =	vld [tilespmem:s0+$0x60]  }
0x139: {  	v3 =	vld [tilespmem:s0+$0x20]  }
0x13a: {  	v6 =	vld [tilespmem:s0+$0x50]  }
0x13b: {  	v7 =	vld [tilespmem:s0+$0x70]  }
0x13c: {  	v8 =	vld [tilespmem:s0+$0x0];
	v9 =	vbroadcast v2, $0x0;
	v10 =	vbroadcast v2, $0x1  }
.Ltmp3:
0x13d: {  	v11 =	vbroadcast v2, $0x2;
	v12 =	vbroadcast v2, $0x3;
	(pc) =	sbr.rel @p1 .LBB2_3-.Ltmp3, $4  }
0x13e: {  	v2 =	vmul.f32 v3, v10;
	v1 =	vmul.f32 v1, v10  }
0x13f: {  	v10 =	vmul.f32 v0, v11;
	v3 =	vmul.f32 v6, v11  }
0x140: {  	v4 =	vmul.f32 v4, v12;
	[tilespmem:s0+$0x30] =	vst v1;
	v0 =	vmul.f32 v7, v12  }
0x141: {  	v5 =	vmul.f32 v5, v9;
	v1 =	vmul.f32 v9, v8;
	[tilespmem:s0+$0x40] =	vst v10  }
0x142: {  	[tilespmem:s28+$0x20] =	vst v2  }
0x143: {  	[tilespmem:s28+$0x50] =	vst v3  }
0x144: {  	[tilespmem:s28+$0x60] =	vst v4  }
0x145: {  	[tilespmem:s28+$0x70] =	vst v0  }
0x146: {  	[tilespmem:s28+$0x10] =	vst v5  }
0x147: {  	[tilespmem:s28+$0x0] =	vst v1  }
0x148: {  	v0 =	vld [tilespmem:s30+$0x10];
	_ =	sdelay $0x1  }
0x149: {  	v23 =	vld [tilespmem:s28+$0x80]  }
0x14a: {  	v24 =	vld [tilespmem:s28+$0x90]  }
0x14b: {  	v25 =	vld [tilespmem:s28+$0xF0]  }
0x14c: {  	v26 =	vld [tilespmem:s28+$0xB0];
	v27 =	vbroadcast v0, $0x0  }
0x14d: {  	v6 =	vld [tilespmem:s28+$0xD0]  }
0x14e: {  	v7 =	vld [tilespmem:s28+$0xC0];
	v8 =	vbroadcast v0, $0x3;
	v1 =	vmul.f32 v27, v23  }
0x14f: {  	v9 =	vld [tilespmem:s28+$0xA0];
	v10 =	vbroadcast v0, $0x1;
	v2 =	vmul.f32 v24, v27  }
0x150: {  	v28 =	vld [tilespmem:s28+$0xE0];
	v0 =	vbroadcast v0, $0x2;
	v29 =	vmul.f32 v25, v8;
	[tilespmem:s28+$0x80] =	vst v1  }
0x151: {  	v30 =	vmul.f32 v26, v10;
	[tilespmem:s28+$0x90] =	vst v2  }
0x152: {  	v31 =	vmul.f32 v6, v0;
	[tilespmem:s28+$0xF0] =	vst v29  }
0x153: {  	v0 =	vmul.f32 v7, v0;
	[tilespmem:s28+$0xB0] =	vst v30  }
0x154: {  	v32 =	vmul.f32 v9, v10;
	[tilespmem:s28+$0xD0] =	vst v31  }
0x155: {  	v33 =	vmul.f32 v28, v8;
	[tilespmem:s28+$0xC0] =	vst v0  }
0x156: {  	[tilespmem:s28+$0xA0] =	vst v32  }
0x157: {  	[tilespmem:s28+$0xE0] =	vst v33  }
0x158: {  	v1 =	vld [tilespmem:s30+$0x20];
	_ =	sdelay $0x1  }
0x159: {  	v34 =	vld [tilespmem:s28+$0x100]  }
0x15a: {  	v36 =	vld [tilespmem:s28+$0x120]  }
0x15b: {  	v35 =	vld [tilespmem:s28+$0x150]  }
0x15c: {  	v38 =	vld [tilespmem:s28+$0x140];
	v39 =	vbroadcast v1, $0x0  }
0x15d: {  	v40 =	vld [tilespmem:s28+$0x160];
	v41 =	vbroadcast v1, $0x1  }
0x15e: {  	v37 =	vld [tilespmem:s28+$0x130];
	v43 =	vbroadcast v1, $0x2;
	v0 =	vmul.f32 v39, v34  }
0x15f: {  	v42 =	vld [tilespmem:s28+$0x170];
	v3 =	vmul.f32 v36, v41  }
0x160: {  	v11 =	vld [tilespmem:s28+$0x110];
	v1 =	vbroadcast v1, $0x3;
	v2 =	vmul.f32 v35, v43;
	[tilespmem:s28+$0x100] =	vst v0  }
0x161: {  	v44 =	vmul.f32 v38, v43;
	[tilespmem:s28+$0x120] =	vst v3  }
0x162: {  	v45 =	vmul.f32 v40, v1;
	[tilespmem:s28+$0x150] =	vst v2  }
0x163: {  	v46 =	vmul.f32 v37, v41;
	[tilespmem:s28+$0x140] =	vst v44  }
0x164: {  	v47 =	vmul.f32 v42, v1;
	[tilespmem:s28+$0x160] =	vst v45  }
0x165: {  	v48 =	vmul.f32 v11, v39;
	[tilespmem:s28+$0x130] =	vst v46  }
0x166: {  	[tilespmem:s28+$0x170] =	vst v47  }
0x167: {  	[tilespmem:s28+$0x110] =	vst v48  }
0x168: {  	v0 =	vld [tilespmem:s30+$0x30];
	_ =	sdelay $0x1  }
0x169: {  	v49 =	vld [tilespmem:s28+$0x180]  }
0x16a: {  	v50 =	vld [tilespmem:s28+$0x190]  }
0x16b: {  	v51 =	vld [tilespmem:s28+$0x1A0]  }
0x16c: {  	v52 =	vld [tilespmem:s28+$0x1D0];
	v53 =	vbroadcast v0, $0x0  }
0x16d: {  	v54 =	vld [tilespmem:s28+$0x1C0]  }
0x16e: {  	v55 =	vld [tilespmem:s28+$0x1E0];
	v56 =	vbroadcast v0, $0x1;
	v2 =	vmul.f32 v53, v49  }
0x16f: {  	v57 =	vld [tilespmem:s28+$0x1B0];
	v58 =	vbroadcast v0, $0x2;
	v1 =	vmul.f32 v50, v53  }
0x170: {  	v59 =	vld [tilespmem:s28+$0x1F0];
	v3 =	vmul.f32 v51, v56;
	[tilespmem:s28+$0x180] =	vst v2  }
0x171: {  	v0 =	vbroadcast v0, $0x3;
	v60 =	vmul.f32 v52, v58;
	[tilespmem:s28+$0x190] =	vst v1  }
0x172: {  	v61 =	vmul.f32 v54, v58;
	[tilespmem:s28+$0x1A0] =	vst v3  }
0x173: {  	v62 =	vmul.f32 v55, v0;
	[tilespmem:s28+$0x1D0] =	vst v60  }
0x174: {  	v63 =	vmul.f32 v57, v56;
	[tilespmem:s28+$0x1C0] =	vst v61  }
0x175: {  	v0 =	vmul.f32 v59, v0;
	[tilespmem:s28+$0x1E0] =	vst v62  }
0x176: {  	[tilespmem:s28+$0x1B0] =	vst v63  }
0x177: {  	[tilespmem:s28+$0x1F0] =	vst v0  }
0x178: {  	[spmem:s3] =	stream.indirect.scatter.add.f32 [tilespmem:s16], [sflag:$0x6], $0x80, s10, s15, $0xb8;
	[tilespmem:$0x1D200] =	vst v63  }
0x179: {  	_ =	swait.ge [sflag:s21], $0x4000  }
0x17a: {  	[sflag:s21] =	ssyncset.done $0x0  }
0x17b: {  	[sflag:s21] =	ssyncadd.s32 $0xFFFFC000  }
.LBB2_5:
0x17c: {  	s0 =	sadd.s32 s17, s26  }
0x17d: {  	p1 =	sgt.u32 s0, $0x9C3  }
0x17e: {  	s13 =	sshll.u32 @!p1 s0, $0x4  }
0x17f: {  	s28 =	simm.s32 @!p1 $0x0;
	s29 =	simm.s32 @!p1 $0x14100;
	s26 =	sadd.s32 @!p1 s9, s13  }
0x180: {  	[tilespmem:s29], [sflag:$0x6] =	stream.linear.gather @!p1 [hbm4b:s26+s28], $0x80, $0x38;
	[tilespmem:$0x1D200] =	vst v63  }
0x181: {  	s26 =	simm.s32 @!p1 $0x6  }
0x182: {  	_ =	swait.ge @!p1 [sflag:s26], $0x80  }
0x183: {  	[sflag:s26] =	ssyncset.done @!p1 $0x0  }
0x184: {  	s30 =	simm.s32 @!p1 $0x14000;
	s13 =	sadd.s32 @!p1 s2, s13;
	[sflag:s26] =	ssyncadd.s32 @!p1 $0xFFFFFF80  }
0x185: {  	[tilespmem:s30], [sflag:$0x6] =	stream.linear.gather @!p1 [hbm4b:s13+s28], $0x80, $0x38;
	[tilespmem:$0x1D200] =	vst v63  }
0x186: {  	_ =	swait.ge @!p1 [sflag:s26], $0x80  }
.Ltmp4:
0x187: {  	s0 =	sshll.u32 @!p1 s0, $0x8;
	[sflag:s26] =	ssyncset.done @!p1 $0x0;
	(pc) =	sbr.rel @p0 .LBB2_9-.Ltmp4, $4  }
0x188: {  	s0 =	sadd.s32 @!p1 s11, s0;
	s13 =	simm.s32 @!p1 $0x1C200;
	[sflag:s26] =	ssyncadd.s32 @!p1 $0xFFFFFF80  }
0x189: {  	[tilespmem:s13], [sflag:$0x3] =	stream.linear.gather @!p1 [hbm4b:s0+s28], $0x800, $0x38;
	[tilespmem:$0x1D200] =	vst v63  }
0x18a: {  	s0 =	simm.s32 @!p1 $0x80;
	s13 =	simm.s32 @!p1 $0x14200  }
0x18b: {  	[tilespmem:s13], [sflag:$0x1] =	stream.indirect.gather @!p1 [hbm4b:s12+s0], $0x80, s29, s0, $0xb8;
	[tilespmem:$0x1D200] =	vst v63  }
0x18c: {  	_ =	swait.ge [sflag:s22], $0x800  }
0x18d: {  	[sflag:s22] =	ssyncset.done $0x0  }
0x18e: {  	[sflag:s22] =	ssyncadd.s32 $0xFFFFF800  }
0x18f: {  	_ =	swait.ge [sflag:s23], $0x4000  }
0x190: {  	[sflag:s23] =	ssyncset.done $0x0  }
0x191: {  	s28 =	simm.s32 $0x1CA40;
	[sflag:s23] =	ssyncadd.s32 $0xFFFFC000  }
0x192: {  	v0 =	vld [tilespmem:s28+$0xFFFFFFC0]  }
0x193: {  	s26 =	simm.s32 $0x18400  }
0x194: {  	v1 =	vld [tilespmem:s26+$0xFFFFFE00]  }
0x195: {  	v2 =	vld [tilespmem:s26+$0xFFFFFE60]  }
0x196: {  	v3 =	vld [tilespmem:s26+$0xFFFFFE20]  }
0x197: {  	v4 =	vld [tilespmem:s26+$0xFFFFFE70];
	v5 =	vbroadcast v0, $0x0  }
0x198: {  	v6 =	vld [tilespmem:s26+$0xFFFFFE10];
	v7 =	vbroadcast v0, $0x3  }
0x199: {  	v8 =	vld [tilespmem:s26+$0xFFFFFE50];
	v9 =	vbroadcast v0, $0x1;
	v1 =	vmul.f32 v5, v1  }
0x19a: {  	v11 =	vld [tilespmem:s26+$0xFFFFFE40];
	v2 =	vmul.f32 v2, v7  }
0x19b: {  	v10 =	vld [tilespmem:s26+$0xFFFFFE30];
	v3 =	vmul.f32 v3, v9;
	[tilespmem:s26+$0xFFFFFE00] =	vst v1  }
0x19c: {  	v0 =	vbroadcast v0, $0x2;
	v1 =	vmul.f32 v4, v7;
	[tilespmem:s26+$0xFFFFFE60] =	vst v2  }
0x19d: {  	v2 =	vmul.f32 v6, v5;
	[tilespmem:s26+$0xFFFFFE20] =	vst v3  }
0x19e: {  	v3 =	vmul.f32 v8, v0;
	[tilespmem:s26+$0xFFFFFE70] =	vst v1  }
0x19f: {  	v0 =	vmul.f32 v11, v0;
	[tilespmem:s26+$0xFFFFFE10] =	vst v2  }
0x1a0: {  	v1 =	vmul.f32 v10, v9;
	[tilespmem:s26+$0xFFFFFE50] =	vst v3  }
0x1a1: {  	[tilespmem:s26+$0xFFFFFE40] =	vst v0  }
0x1a2: {  	[tilespmem:s26+$0xFFFFFE30] =	vst v1  }
0x1a3: {  	v0 =	vld [tilespmem:s28+$0xFFFFFFD0];
	_ =	sdelay $0x1  }
0x1a4: {  	v1 =	vld [tilespmem:s26+$0xFFFFFE80]  }
0x1a5: {  	v2 =	vld [tilespmem:s26+$0xFFFFFE90]  }
0x1a6: {  	v3 =	vld [tilespmem:s26+$0xFFFFFEA0]  }
0x1a7: {  	v4 =	vld [tilespmem:s26+$0xFFFFFEF0];
	v5 =	vbroadcast v0, $0x0  }
0x1a8: {  	v6 =	vld [tilespmem:s26+$0xFFFFFED0]  }
0x1a9: {  	v7 =	vld [tilespmem:s26+$0xFFFFFEB0];
	v49 =	vbroadcast v0, $0x1;
	v1 =	vmul.f32 v5, v1  }
0x1aa: {  	v50 =	vld [tilespmem:s26+$0xFFFFFEC0];
	v51 =	vbroadcast v0, $0x3;
	v2 =	vmul.f32 v2, v5  }
0x1ab: {  	v0 =	vbroadcast v0, $0x2;
	v5 =	vld [tilespmem:s26+$0xFFFFFEE0];
	v3 =	vmul.f32 v3, v49;
	[tilespmem:s26+$0xFFFFFE80] =	vst v1  }
0x1ac: {  	v1 =	vmul.f32 v4, v51;
	[tilespmem:s26+$0xFFFFFE90] =	vst v2  }
0x1ad: {  	v2 =	vmul.f32 v6, v0;
	[tilespmem:s26+$0xFFFFFEA0] =	vst v3  }
0x1ae: {  	v3 =	vmul.f32 v7, v49;
	[tilespmem:s26+$0xFFFFFEF0] =	vst v1  }
0x1af: {  	v0 =	vmul.f32 v50, v0;
	[tilespmem:s26+$0xFFFFFED0] =	vst v2  }
0x1b0: {  	[tilespmem:s26+$0xFFFFFEB0] =	vst v3;
	v1 =	vmul.f32 v5, v51  }
0x1b1: {  	[tilespmem:s26+$0xFFFFFEC0] =	vst v0  }
0x1b2: {  	[tilespmem:s26+$0xFFFFFEE0] =	vst v1  }
0x1b3: {  	v0 =	vld [tilespmem:s28+$0xFFFFFFE0];
	_ =	sdelay $0x1  }
0x1b4: {  	v1 =	vld [tilespmem:s26+$0xFFFFFF20]  }
0x1b5: {  	v3 =	vld [tilespmem:s26+$0xFFFFFF40]  }
0x1b6: {  	v4 =	vld [tilespmem:s26+$0xFFFFFF50]  }
0x1b7: {  	v2 =	vld [tilespmem:s26+$0xFFFFFF10];
	v6 =	vbroadcast v0, $0x1  }
0x1b8: {  	v5 =	vld [tilespmem:s26+$0xFFFFFF30];
	v7 =	vbroadcast v0, $0x2  }
0x1b9: {  	v52 =	vld [tilespmem:s26+$0xFFFFFF70];
	v1 =	vmul.f32 v1, v6  }
0x1ba: {  	v54 =	vld [tilespmem:s26+$0xFFFFFF60];
	v55 =	vbroadcast v0, $0x0;
	v3 =	vmul.f32 v3, v7  }
0x1bb: {  	v53 =	vld [tilespmem:s26+$0xFFFFFF00];
	v4 =	vmul.f32 v4, v7;
	[tilespmem:s26+$0xFFFFFF20] =	vst v1  }
0x1bc: {  	v0 =	vbroadcast v0, $0x3;
	v2 =	vmul.f32 v2, v55;
	[tilespmem:s26+$0xFFFFFF40] =	vst v3  }
0x1bd: {  	v1 =	vmul.f32 v5, v6;
	[tilespmem:s26+$0xFFFFFF50] =	vst v4  }
0x1be: {  	v3 =	vmul.f32 v52, v0;
	[tilespmem:s26+$0xFFFFFF10] =	vst v2  }
0x1bf: {  	v0 =	vmul.f32 v54, v0;
	[tilespmem:s26+$0xFFFFFF30] =	vst v1  }
0x1c0: {  	v1 =	vmul.f32 v55, v53;
	[tilespmem:s26+$0xFFFFFF70] =	vst v3  }
0x1c1: {  	[tilespmem:s26+$0xFFFFFF60] =	vst v0  }
0x1c2: {  	[tilespmem:s26+$0xFFFFFF00] =	vst v1  }
0x1c3: {  	v0 =	vld [tilespmem:s28+$0xFFFFFFF0];
	_ =	sdelay $0x1  }
0x1c4: {  	v2 =	vld [tilespmem:s26+$0xFFFFFF80]  }
0x1c5: {  	v3 =	vld [tilespmem:s26+$0xFFFFFFE0]  }
0x1c6: {  	v4 =	vld [tilespmem:s26+$0xFFFFFFB0]  }
0x1c7: {  	v1 =	vld [tilespmem:s26+$0xFFFFFFF0];
	v6 =	vbroadcast v0, $0x0  }
0x1c8: {  	v5 =	vld [tilespmem:s26+$0xFFFFFFC0];
	v56 =	vbroadcast v0, $0x3  }
0x1c9: {  	v57 =	vld [tilespmem:s26+$0xFFFFFFD0];
	v58 =	vbroadcast v0, $0x1;
	v2 =	vmul.f32 v6, v2  }
0x1ca: {  	v59 =	vld [tilespmem:s26+$0xFFFFFF90];
	v3 =	vmul.f32 v3, v56  }
0x1cb: {  	v7 =	vld [tilespmem:s26+$0xFFFFFFA0];
	v0 =	vbroadcast v0, $0x2;
	v4 =	vmul.f32 v4, v58;
	[tilespmem:s26+$0xFFFFFF80] =	vst v2  }
0x1cc: {  	v1 =	vmul.f32 v1, v56;
	[tilespmem:s26+$0xFFFFFFE0] =	vst v3  }
0x1cd: {  	v2 =	vmul.f32 v5, v0;
	[tilespmem:s26+$0xFFFFFFB0] =	vst v4  }
0x1ce: {  	v0 =	vmul.f32 v57, v0;
	[tilespmem:s26+$0xFFFFFFF0] =	vst v1  }
0x1cf: {  	v1 =	vmul.f32 v59, v6;
	[tilespmem:s26+$0xFFFFFFC0] =	vst v2  }
0x1d0: {  	v60 =	vld [tilespmem:s26+$0x0];
	v2 =	vmul.f32 v7, v58;
	[tilespmem:s26+$0xFFFFFFD0] =	vst v0  }
0x1d1: {  	v3 =	vld [tilespmem:s26+$0x30];
	[tilespmem:s26+$0xFFFFFF90] =	vst v1  }
0x1d2: {  	v4 =	vld [tilespmem:s26+$0x60];
	[tilespmem:s26+$0xFFFFFFA0] =	vst v2  }
0x1d3: {  	v1 =	vld [tilespmem:s28+$0x0]  }
0x1d4: {  	v6 =	vld [tilespmem:s26+$0x50]  }
0x1d5: {  	v2 =	vld [tilespmem:s26+$0x20]  }
0x1d6: {  	v0 =	vld [tilespmem:s26+$0x40]  }
0x1d7: {  	v7 =	vld [tilespmem:s26+$0x70]  }
0x1d8: {  	v5 =	vld [tilespmem:s26+$0x10];
	v61 =	vbroadcast v1, $0x0;
	v62 =	vbroadcast v1, $0x1  }
0x1d9: {  	v63 =	vbroadcast v1, $0x2;
	v1 =	vbroadcast v1, $0x3  }
0x1da: {  	v2 =	vmul.f32 v2, v62;
	v10 =	vmul.f32 v3, v62  }
0x1db: {  	v12 =	vmul.f32 v0, v63;
	v3 =	vmul.f32 v6, v63  }
0x1dc: {  	v4 =	vmul.f32 v4, v1;
	v0 =	vmul.f32 v7, v1;
	[tilespmem:s26+$0x30] =	vst v10  }
0x1dd: {  	s30 =	simm.s32 $0x0;
	s0 =	simm.s32 $0x18400;
	s29 =	simm.s32 $0x1CA40;
	v1 =	vmul.f32 v61, v60;
	v5 =	vmul.f32 v5, v61;
	[tilespmem:s26+$0x40] =	vst v12  }
.LBB2_7:
0x1de: {  	s30 =	sadd.s32 $0x8, s30;
	[tilespmem:s26+$0x20] =	vst v2;
	s0 =	sadd.s32 $0x400, s0;
	s28 =	sadd.s32 $0x80, s28  }
0x1df: {  	p0 =	slt.u32 s30, $0x78;
	[tilespmem:s26+$0x50] =	vst v3  }
0x1e0: {  	[tilespmem:s26+$0x60] =	vst v4  }
0x1e1: {  	[tilespmem:s26+$0x10] =	vst v5;
	v2 =	vld [tilespmem:s26+$0xB0]  }
0x1e2: {  	[tilespmem:s26+$0x70] =	vst v0;
	v0 =	vld [tilespmem:s26+$0xF0]  }
0x1e3: {  	[tilespmem:s26+$0x0] =	vst v1;
	v1 =	vld [tilespmem:s26+$0x80]  }
0x1e4: {  	v3 =	vld [tilespmem:s29+$0x10]  }
0x1e5: {  	v4 =	vld [tilespmem:s26+$0x90]  }
0x1e6: {  	v5 =	vld [tilespmem:s26+$0xD0]  }
0x1e7: {  	v6 =	vld [tilespmem:s26+$0xC0]  }
0x1e8: {  	v7 =	vld [tilespmem:s26+$0xE0]  }
0x1e9: {  	v8 =	vbroadcast v3, $0x0;
	v9 =	vld [tilespmem:s26+$0xA0];
	v10 =	vbroadcast v3, $0x1  }
0x1ea: {  	v11 =	vbroadcast v3, $0x2;
	v3 =	vbroadcast v3, $0x3  }
0x1eb: {  	v1 =	vmul.f32 v8, v1;
	v4 =	vmul.f32 v4, v8  }
0x1ec: {  	v5 =	vmul.f32 v5, v11;
	v6 =	vmul.f32 v6, v11  }
0x1ed: {  	v0 =	vmul.f32 v0, v3;
	[tilespmem:s26+$0x80] =	vst v1;
	v1 =	vmul.f32 v7, v3  }
0x1ee: {  	v2 =	vmul.f32 v2, v10;
	[tilespmem:s26+$0x90] =	vst v4;
	v3 =	vmul.f32 v9, v10  }
0x1ef: {  	[tilespmem:s26+$0xF0] =	vst v0  }
0x1f0: {  	[tilespmem:s26+$0xB0] =	vst v2  }
0x1f1: {  	[tilespmem:s26+$0xD0] =	vst v5  }
0x1f2: {  	[tilespmem:s26+$0xC0] =	vst v6;
	v0 =	vld [tilespmem:s26+$0x100]  }
0x1f3: {  	[tilespmem:s26+$0xA0] =	vst v3;
	v2 =	vld [tilespmem:s26+$0x150]  }
0x1f4: {  	[tilespmem:s26+$0xE0] =	vst v1;
	v1 =	vld [tilespmem:s26+$0x120]  }
0x1f5: {  	v3 =	vld [tilespmem:s29+$0x20]  }
0x1f6: {  	v4 =	vld [tilespmem:s26+$0x130]  }
0x1f7: {  	v5 =	vld [tilespmem:s26+$0x160]  }
0x1f8: {  	v6 =	vld [tilespmem:s26+$0x140]  }
0x1f9: {  	v7 =	vld [tilespmem:s26+$0x170]  }
0x1fa: {  	v8 =	vbroadcast v3, $0x0;
	v9 =	vld [tilespmem:s26+$0x110];
	v10 =	vbroadcast v3, $0x1  }
0x1fb: {  	v11 =	vbroadcast v3, $0x2;
	v3 =	vbroadcast v3, $0x3  }
0x1fc: {  	v0 =	vmul.f32 v8, v0;
	v1 =	vmul.f32 v1, v10  }
0x1fd: {  	v2 =	vmul.f32 v2, v11;
	v6 =	vmul.f32 v6, v11  }
0x1fe: {  	[tilespmem:s26+$0x100] =	vst v0;
	v0 =	vmul.f32 v5, v3;
	v3 =	vmul.f32 v7, v3  }
0x1ff: {  	v5 =	vmul.f32 v9, v8;
	[tilespmem:s26+$0x120] =	vst v1;
	v1 =	vmul.f32 v4, v10  }
0x200: {  	[tilespmem:s26+$0x150] =	vst v2  }
0x201: {  	[tilespmem:s26+$0x140] =	vst v6  }
0x202: {  	[tilespmem:s26+$0x160] =	vst v0  }
0x203: {  	[tilespmem:s26+$0x130] =	vst v1;
	v0 =	vld [tilespmem:s26+$0x180]  }
0x204: {  	[tilespmem:s26+$0x170] =	vst v3;
	v1 =	vld [tilespmem:s26+$0x1D0]  }
0x205: {  	[tilespmem:s26+$0x110] =	vst v5;
	v2 =	vld [tilespmem:s26+$0x1B0]  }
0x206: {  	v3 =	vld [tilespmem:s29+$0x30];
	s29 =	smov.u32 s28  }
0x207: {  	v4 =	vld [tilespmem:s26+$0x1C0]  }
0x208: {  	v5 =	vld [tilespmem:s26+$0x190]  }
0x209: {  	v6 =	vld [tilespmem:s26+$0x1A0]  }
0x20a: {  	v7 =	vld [tilespmem:s26+$0x1E0]  }
0x20b: {  	v8 =	vbroadcast v3, $0x0;
	v9 =	vbroadcast v3, $0x1;
	v10 =	vld [tilespmem:s26+$0x1F0]  }
0x20c: {  	v11 =	vbroadcast v3, $0x2;
	v3 =	vbroadcast v3, $0x3  }
0x20d: {  	v0 =	vmul.f32 v8, v0;
	v5 =	vmul.f32 v5, v8  }
0x20e: {  	v4 =	vmul.f32 v4, v11;
	v6 =	vmul.f32 v6, v9  }
0x20f: {  	[tilespmem:s26+$0x180] =	vst v0;
	v0 =	vmul.f32 v1, v11;
	v1 =	vmul.f32 v7, v3  }
0x210: {  	v2 =	vmul.f32 v2, v9;
	[tilespmem:s26+$0x190] =	vst v5;
	v3 =	vmul.f32 v10, v3  }
0x211: {  	[tilespmem:s26+$0x1A0] =	vst v6  }
0x212: {  	[tilespmem:s26+$0x1D0] =	vst v0  }
0x213: {  	[tilespmem:s26+$0x1C0] =	vst v4  }
0x214: {  	v0 =	vld [tilespmem:s0+$0xFFFFFE30];
	[tilespmem:s26+$0x1E0] =	vst v1  }
0x215: {  	v1 =	vld [tilespmem:s0+$0xFFFFFE50];
	[tilespmem:s26+$0x1B0] =	vst v2  }
0x216: {  	v2 =	vld [tilespmem:s0+$0xFFFFFE70];
	[tilespmem:s26+$0x1F0] =	vst v3;
	s26 =	smov.u32 s0  }
0x217: {  	v3 =	vld [tilespmem:s28+$0xFFFFFFC0]  }
0x218: {  	v4 =	vld [tilespmem:s0+$0xFFFFFE60]  }
0x219: {  	v5 =	vld [tilespmem:s0+$0xFFFFFE00]  }
0x21a: {  	v6 =	vld [tilespmem:s0+$0xFFFFFE20]  }
0x21b: {  	v7 =	vld [tilespmem:s0+$0xFFFFFE40]  }
0x21c: {  	v8 =	vbroadcast v3, $0x0;
	v9 =	vld [tilespmem:s0+$0xFFFFFE10];
	v10 =	vbroadcast v3, $0x3  }
0x21d: {  	v11 =	vbroadcast v3, $0x1;
	v3 =	vbroadcast v3, $0x2  }
0x21e: {  	v5 =	vmul.f32 v8, v5;
	v4 =	vmul.f32 v4, v10  }
0x21f: {  	v2 =	vmul.f32 v2, v10;
	v6 =	vmul.f32 v6, v11  }
0x220: {  	v1 =	vmul.f32 v1, v3;
	[tilespmem:s0+$0xFFFFFE00] =	vst v5;
	v5 =	vmul.f32 v7, v3  }
0x221: {  	v0 =	vmul.f32 v0, v11;
	v3 =	vmul.f32 v9, v8;
	[tilespmem:s0+$0xFFFFFE60] =	vst v4  }
0x222: {  	[tilespmem:s0+$0xFFFFFE20] =	vst v6  }
0x223: {  	[tilespmem:s0+$0xFFFFFE70] =	vst v2  }
0x224: {  	[tilespmem:s0+$0xFFFFFE10] =	vst v3  }
0x225: {  	[tilespmem:s0+$0xFFFFFE50] =	vst v1;
	v1 =	vld [tilespmem:s0+$0xFFFFFED0]  }
0x226: {  	[tilespmem:s0+$0xFFFFFE30] =	vst v0;
	v0 =	vld [tilespmem:s0+$0xFFFFFEF0]  }
0x227: {  	[tilespmem:s0+$0xFFFFFE40] =	vst v5;
	v2 =	vld [tilespmem:s0+$0xFFFFFEB0]  }
0x228: {  	v3 =	vld [tilespmem:s28+$0xFFFFFFD0]  }
0x229: {  	v4 =	vld [tilespmem:s0+$0xFFFFFE90]  }
0x22a: {  	v5 =	vld [tilespmem:s0+$0xFFFFFE80]  }
0x22b: {  	v6 =	vld [tilespmem:s0+$0xFFFFFEA0]  }
0x22c: {  	v7 =	vld [tilespmem:s0+$0xFFFFFEE0]  }
0x22d: {  	v8 =	vbroadcast v3, $0x0;
	v9 =	vld [tilespmem:s0+$0xFFFFFEC0];
	v10 =	vbroadcast v3, $0x2  }
0x22e: {  	v11 =	vbroadcast v3, $0x1;
	v3 =	vbroadcast v3, $0x3  }
0x22f: {  	v5 =	vmul.f32 v8, v5;
	v4 =	vmul.f32 v4, v8  }
0x230: {  	v2 =	vmul.f32 v2, v11;
	v6 =	vmul.f32 v6, v11  }
0x231: {  	v0 =	vmul.f32 v0, v3;
	[tilespmem:s0+$0xFFFFFE80] =	vst v5;
	v5 =	vmul.f32 v7, v3  }
0x232: {  	v1 =	vmul.f32 v1, v10;
	[tilespmem:s0+$0xFFFFFE90] =	vst v4;
	v3 =	vmul.f32 v9, v10  }
0x233: {  	[tilespmem:s0+$0xFFFFFEA0] =	vst v6  }
0x234: {  	[tilespmem:s0+$0xFFFFFEF0] =	vst v0  }
0x235: {  	[tilespmem:s0+$0xFFFFFED0] =	vst v1  }
0x236: {  	[tilespmem:s0+$0xFFFFFEB0] =	vst v2;
	v0 =	vld [tilespmem:s0+$0xFFFFFF10]  }
0x237: {  	[tilespmem:s0+$0xFFFFFEC0] =	vst v3;
	v1 =	vld [tilespmem:s0+$0xFFFFFF70]  }
0x238: {  	[tilespmem:s0+$0xFFFFFEE0] =	vst v5;
	v2 =	vld [tilespmem:s0+$0xFFFFFF50]  }
0x239: {  	v3 =	vld [tilespmem:s28+$0xFFFFFFE0]  }
0x23a: {  	v4 =	vld [tilespmem:s0+$0xFFFFFF30]  }
0x23b: {  	v5 =	vld [tilespmem:s0+$0xFFFFFF20]  }
0x23c: {  	v6 =	vld [tilespmem:s0+$0xFFFFFF40]  }
0x23d: {  	v7 =	vld [tilespmem:s0+$0xFFFFFF60]  }
0x23e: {  	v8 =	vld [tilespmem:s0+$0xFFFFFF00];
	v9 =	vbroadcast v3, $0x0;
	v10 =	vbroadcast v3, $0x1  }
0x23f: {  	v11 =	vbroadcast v3, $0x2;
	v3 =	vbroadcast v3, $0x3  }
0x240: {  	v5 =	vmul.f32 v5, v10;
	v4 =	vmul.f32 v4, v10  }
0x241: {  	v2 =	vmul.f32 v2, v11;
	v6 =	vmul.f32 v6, v11  }
0x242: {  	v1 =	vmul.f32 v1, v3;
	[tilespmem:s0+$0xFFFFFF20] =	vst v5;
	v5 =	vmul.f32 v7, v3  }
0x243: {  	v0 =	vmul.f32 v0, v9;
	v3 =	vmul.f32 v9, v8;
	[tilespmem:s0+$0xFFFFFF40] =	vst v6  }
0x244: {  	[tilespmem:s0+$0xFFFFFF50] =	vst v2  }
0x245: {  	[tilespmem:s0+$0xFFFFFF30] =	vst v4  }
0x246: {  	[tilespmem:s0+$0xFFFFFF10] =	vst v0  }
0x247: {  	[tilespmem:s0+$0xFFFFFF70] =	vst v1;
	v0 =	vld [tilespmem:s0+$0xFFFFFFF0]  }
0x248: {  	[tilespmem:s0+$0xFFFFFF00] =	vst v3;
	v1 =	vld [tilespmem:s0+$0xFFFFFFC0]  }
0x249: {  	[tilespmem:s0+$0xFFFFFF60] =	vst v5;
	v2 =	vld [tilespmem:s0+$0xFFFFFFB0]  }
0x24a: {  	v3 =	vld [tilespmem:s28+$0xFFFFFFF0]  }
0x24b: {  	v4 =	vld [tilespmem:s0+$0xFFFFFFE0]  }
0x24c: {  	v5 =	vld [tilespmem:s0+$0xFFFFFF80]  }
0x24d: {  	v6 =	vld [tilespmem:s0+$0xFFFFFFA0]  }
0x24e: {  	v7 =	vld [tilespmem:s0+$0xFFFFFF90]  }
0x24f: {  	v8 =	vbroadcast v3, $0x0;
	v9 =	vld [tilespmem:s0+$0xFFFFFFD0];
	v10 =	vbroadcast v3, $0x3  }
0x250: {  	v11 =	vbroadcast v3, $0x1;
	v3 =	vbroadcast v3, $0x2  }
0x251: {  	v5 =	vmul.f32 v8, v5;
	v4 =	vmul.f32 v4, v10  }
0x252: {  	v2 =	vmul.f32 v2, v11;
	v6 =	vmul.f32 v6, v11  }
0x253: {  	v1 =	vmul.f32 v1, v3;
	[tilespmem:s0+$0xFFFFFF80] =	vst v5;
	v5 =	vmul.f32 v7, v8  }
0x254: {  	v0 =	vmul.f32 v0, v10;
	v3 =	vmul.f32 v9, v3;
	[tilespmem:s0+$0xFFFFFFE0] =	vst v4  }
0x255: {  	[tilespmem:s0+$0xFFFFFFB0] =	vst v2  }
0x256: {  	[tilespmem:s0+$0xFFFFFFC0] =	vst v1  }
0x257: {  	[tilespmem:s0+$0xFFFFFFF0] =	vst v0  }
0x258: {  	[tilespmem:s0+$0xFFFFFFD0] =	vst v3;
	v0 =	vld [tilespmem:s0+$0x40]  }
0x259: {  	[tilespmem:s0+$0xFFFFFFA0] =	vst v6;
	v1 =	vld [tilespmem:s0+$0x30]  }
0x25a: {  	[tilespmem:s0+$0xFFFFFF90] =	vst v5;
	v5 =	vld [tilespmem:s0+$0x10]  }
0x25b: {  	v2 =	vld [tilespmem:s28+$0x0]  }
0x25c: {  	v4 =	vld [tilespmem:s0+$0x60]  }
0x25d: {  	v3 =	vld [tilespmem:s0+$0x20]  }
0x25e: {  	v6 =	vld [tilespmem:s0+$0x50]  }
0x25f: {  	v7 =	vld [tilespmem:s0+$0x70]  }
0x260: {  	v8 =	vld [tilespmem:s0+$0x0];
	v9 =	vbroadcast v2, $0x0;
	v10 =	vbroadcast v2, $0x1  }
.Ltmp5:
0x261: {  	v11 =	vbroadcast v2, $0x2;
	v12 =	vbroadcast v2, $0x3;
	(pc) =	sbr.rel @p0 .LBB2_7-.Ltmp5, $4  }
0x262: {  	v2 =	vmul.f32 v3, v10;
	v1 =	vmul.f32 v1, v10  }
0x263: {  	v10 =	vmul.f32 v0, v11;
	v3 =	vmul.f32 v6, v11  }
0x264: {  	v4 =	vmul.f32 v4, v12;
	[tilespmem:s0+$0x30] =	vst v1;
	v0 =	vmul.f32 v7, v12  }
0x265: {  	v5 =	vmul.f32 v5, v9;
	v1 =	vmul.f32 v9, v8;
	[tilespmem:s0+$0x40] =	vst v10  }
.Ltmp6:
0x266: {  	_ = 	snop;
	(pc) =	sbr.rel .LBB2_8-.Ltmp6, $1  }
0x267: {  	_ =	sdelay $0x3  }
.LBB2_10:
0x268: {  	s0 =	rddreg [dreg:$0x4]  }
0x269: {  	[bflag:$0x0] =	sbarrier.arrive $0xFFFF;
	s31 =	simm.s32 $0x5;
	s0 =	sadd.s32 s0, s5  }
0x26a: {  	[hbm:s0], [sflag:s6] =	dma.local [spmem:s7], $0x2800  }
0x26b: {  	_ =	swait.ge [sflag:s31], $0x2800  }
0x26c: {  	[sflag:s31] =	ssyncset.done $0x0  }
0x26d: {  	[sflag:s31] =	ssyncadd.s32 $0xFFFFD800  }
0x26e: {  	_ =	sfence.sel $0x180000  }
0x26f: {  	[bflag:$0x0] =	sbarrier.arrive $0xFFFF  }
0x270: {  	_ =	strace $0x9000004A  }
0x271: {  	[bflag:$0x2] =	sbarrier.arrive $0xFFFF  }
0x272: {  	p0 =	sne.s32 s1, $0x0;
	s0 =	rddreg [dreg:$0x3]  }
0x273: {  	s0 =	sadd.s32 @!p0 $0x100000, s0  }
0x274: {  	[sflag:s0] =	ssyncadd.tile.s32 @!p0 $0x1;
	_ =	shalt  }
.Lfunc_end2:
_tile_overlayer_lowered:
.L_overlay_start_2:
0x275: {  	(tag) =	ssettag $0x2  }
0x276: {  	s0 =	rddreg [dreg:$0x0];
	s2 =	stileid.u32  }
0x277: {  	s1 =	rddreg [dreg:$0x1];
	p0 =	sne.s32 s2, $0x0  }
0x278: {  	s3 =	rddreg [dreg:$0x2];
	[bflag:$0x3] =	sbarrier.arrive $0xFFFF;
	s2 =	simm.s32 @!p0 $0x1C05  }
0x279: {  	[timem:s3], [sflag:s2] =	dma.local @!p0 [hbm:s0], s1  }
0x27a: {  	s0 =	simm.s32 @!p0 $0x5  }
0x27b: {  	_ =	swait.ge @!p0 [sflag:s0], s1  }
0x27c: {  	s1 =	ssub.s32 @!p0 $0x0, s1;
	[sflag:s0] =	ssyncset.done @!p0 $0x0  }
0x27d: {  	[sflag:s0] =	ssyncadd.s32 @!p0 s1  }
0x27e: {  	[bflag:$0x3] =	sbarrier.arrive $0xFFFF  }
0x27f: {  	_ =	shalt  }

// kernel: kernel.7.cloned.1.call-start
scs
__scs_entry_jumppad:
0x0: {  	(pc) =	sbr.rel $0x88, $3  }
0x1: {  	(tag) =	ssettag $0x0;
	lr =	simm.s32 $0x1  }
0x2: {  	[smem:$0x3F9C] =	sst lr;
	_ =	strace $0xD0000000  }
0x3: {  	_ = 	snop  }
0x4: {  	_ = 	snop  }
0x5: {  	_ = 	snop  }
0x6: {  	_ = 	snop  }
0x7: {  	_ = 	snop  }
__scs_overlays_trampoline_lowered:
0x8: {  	[smem:$0x3FAB] =	sst s0  }
0x9: {  	[smem:$0x3FAC] =	sst s1  }
0xa: {  	[smem:$0x3FAD] =	sst s2  }
0xb: {  	[smem:$0x3FAE] =	sst s3  }
0xc: {  	[smem:$0x3FAF] =	sst s4  }
0xd: {  	[smem:$0x3FB0] =	sst s5  }
0xe: {  	[smem:$0x3FB1] =	sst s6  }
0xf: {  	[smem:$0x3FB2] =	sst s7  }
0x10: {  	[smem:$0x3FB3] =	sst s8  }
0x11: {  	[smem:$0x3FB4] =	sst s9;
	s0 =	simm.s32 @!p0 $0x0  }
0x12: {  	s1 =	sld [smem:$0x3F9A];
	s0 =	simm.s32 @p0 $0x1  }
0x13: {  	[smem:$0x3FB5] =	sst s0;
	s0 =	simm.s32 @!p1 $0x0  }
0x14: {  	s2 =	sld [smem:$0x3F99];
	s0 =	simm.s32 @p1 $0x1  }
0x15: {  	[smem:$0x3FB6] =	sst s0;
	s0 =	simm.s32 @!p2 $0x0  }
0x16: {  	s3 =	sld [smem:$0x3FDB];
	s0 =	simm.s32 @p2 $0x1  }
0x17: {  	s4 =	simm.s32 $0x1BF5;
	[smem:$0x3FB8] =	sst s0  }
0x18: {  	s0 =	sld [smem:$0x3F9B];
	_ =	swait.ge [sflag:s4], $0x0  }
0x19: {  	s7 =	sld [smem:$0x3F9C]  }
0x1a: {  	s8 =	sadd.s32 $0xFFFFE003, lr  }
0x1b: {  	s9 =	sadd.s32 $0xFFFFFEF7, lr;
	s5 =	simm.s32 $0xFFFFFFFF;
	p2 =	slt.u32 s8, $0xFFFFF086  }
0x1c: {  	p1 =	slt.u32 s9, $0xF7A;
	s5 =	simm.s32 @!p2 $0x0  }
0x1d: {  	s5 =	simm.s32 @p1 $0x1;
	p0 =	seq.s32 s7, s2  }
0x1e: {  	s7 =	smul.u32 @!p0 $0xF7A, s2;
	p2 =	seq.s32 @!p0 s5, $0x0  }
0x1f: {  	s9 =	smul.u32 $0xF7A, s1;
	s8 =	simm.s32 @!p0 $0x1BF5;
	p2 =	por !p2, p0  }
0x20: {  	[sflag:s8] =	ssyncset.s32 @!p0 $0xFFFFF086;
	s6 =	sadd.s32 @!p0 s3, s7;
	s7 =	simm.s32 @!p0 $0x108  }
0x21: {  	s3 =	sadd.s32 s3, s9;
	s6 =	sadd.s32 @!p0 $0x88, s6;
	s7 =	simm.s32 @p2 $0x1082  }
0x22: {  	[simem:s7], [sflag:s8] =	dma.local @!p0 [hbm:s6], $0xF7A  }
0x23: {  	s9 =	sor.u32 $0xD0000000, s2;
	s6 =	simm.s32 $0x108;
	_ =	swait.ge @!p0 [sflag:s8], $0x0  }
0x24: {  	s3 =	sadd.s32 $0x88, s3;
	s6 =	simm.s32 @!p1 $0x1082;
	[sflag:s4] =	ssyncset.s32 $0xFFFFF086  }
0x25: {  	[simem:s6], [sflag:s4] =	dma.local [hbm:s3], $0xF7A  }
0x26: {  	[smem:$0x3F9C] =	sst s1;
	(tag) =	ssettag s2;
	_ =	strace s9  }
0x27: {  	s1 =	sld [smem:$0x3FAC]  }
0x28: {  	s2 =	sld [smem:$0x3FAD]  }
0x29: {  	s4 =	sld [smem:$0x3FAF]  }
0x2a: {  	p0 =	seq.s32 s5, $0x0;
	s5 =	sld [smem:$0x3FB0]  }
0x2b: {  	s6 =	sld [smem:$0x3FB1]  }
0x2c: {  	s7 =	sld [smem:$0x3FB2]  }
0x2d: {  	s3 =	simm.s32 $0x108;
	s8 =	sld [smem:$0x3FB3]  }
0x2e: {  	s3 =	simm.s32 @!p0 $0x1082;
	s9 =	sld [smem:$0x3FB4]  }
0x2f: {  	lr =	sadd.s32 s0, s3;
	s0 =	sld [smem:$0x3FAB]  }
0x30: {  	s3 =	sld [smem:$0x3FAE]  }
0x31: {  	[smem:$0x3FB7] =	sst s10  }
0x32: {  	s10 =	sld [smem:$0x3FB5];
	_ =	sdelay $0x3  }
0x33: {  	p0 =	seq.s32 s10, $0x1;
	s10 =	sld [smem:$0x3FB7];
	_ =	sdelay $0x3  }
0x34: {  	[smem:$0x3FB7] =	sst s10  }
0x35: {  	s10 =	sld [smem:$0x3FB6];
	_ =	sdelay $0x3  }
0x36: {  	p1 =	seq.s32 s10, $0x1;
	s10 =	sld [smem:$0x3FB7];
	_ =	sdelay $0x3  }
0x37: {  	[smem:$0x3FB7] =	sst s10  }
0x38: {  	s10 =	sld [smem:$0x3FB8]  }
0x39: {  	_ = 	snop;
	(pc) =	sbr.ind lr, $3  }
0x3a: {  	_ = 	snop  }
0x3b: {  	_ = 	snop  }
0x3c: {  	p2 =	seq.s32 s10, $0x1;
	s10 =	sld [smem:$0x3FB7]  }
0x3d: {  	_ =	shalt  }
0x3e: {  	_ =	shalt  }
0x3f: {  	_ =	shalt  }
0x40: {  	_ =	shalt  }
0x41: {  	_ =	shalt  }
0x42: {  	_ =	shalt  }
0x43: {  	_ =	shalt  }
0x44: {  	_ =	shalt  }
0x45: {  	_ =	shalt  }
0x46: {  	_ =	shalt  }
0x47: {  	_ =	shalt  }
0x48: {  	_ =	shalt  }
0x49: {  	_ =	shalt  }
0x4a: {  	_ =	shalt  }
0x4b: {  	_ =	shalt  }
0x4c: {  	_ =	shalt  }
0x4d: {  	_ =	shalt  }
0x4e: {  	_ =	shalt  }
0x4f: {  	_ =	shalt  }
0x50: {  	_ =	shalt  }
0x51: {  	_ =	shalt  }
0x52: {  	_ =	shalt  }
0x53: {  	_ =	shalt  }
0x54: {  	_ =	shalt  }
0x55: {  	_ =	shalt  }
0x56: {  	_ =	shalt  }
0x57: {  	_ =	shalt  }
0x58: {  	_ =	shalt  }
0x59: {  	_ =	shalt  }
0x5a: {  	_ =	shalt  }
0x5b: {  	_ =	shalt  }
0x5c: {  	_ =	shalt  }
0x5d: {  	_ =	shalt  }
0x5e: {  	_ =	shalt  }
0x5f: {  	_ =	shalt  }
0x60: {  	_ =	shalt  }
0x61: {  	_ =	shalt  }
0x62: {  	_ =	shalt  }
0x63: {  	_ =	shalt  }
0x64: {  	_ =	shalt  }
0x65: {  	_ =	shalt  }
0x66: {  	_ =	shalt  }
0x67: {  	_ =	shalt  }
0x68: {  	_ =	shalt  }
0x69: {  	_ =	shalt  }
0x6a: {  	_ =	shalt  }
0x6b: {  	_ =	shalt  }
0x6c: {  	_ =	shalt  }
0x6d: {  	_ =	shalt  }
0x6e: {  	_ =	shalt  }
0x6f: {  	_ =	shalt  }
0x70: {  	_ =	shalt  }
0x71: {  	_ =	shalt  }
0x72: {  	_ =	shalt  }
0x73: {  	_ =	shalt  }
0x74: {  	_ =	shalt  }
0x75: {  	_ =	shalt  }
0x76: {  	_ =	shalt  }
0x77: {  	_ =	shalt  }
0x78: {  	_ =	shalt  }
0x79: {  	_ =	shalt  }
0x7a: {  	_ =	shalt  }
0x7b: {  	_ =	shalt  }
0x7c: {  	_ =	shalt  }
0x7d: {  	_ =	shalt  }
0x7e: {  	_ =	shalt  }
0x7f: {  	_ =	shalt  }
0x80: {  	_ =	shalt  }
0x81: {  	_ =	shalt  }
0x82: {  	_ =	shalt  }
0x83: {  	_ =	shalt  }
0x84: {  	_ =	shalt  }
0x85: {  	_ =	shalt  }
0x86: {  	_ =	shalt  }
0x87: {  	_ =	shalt  }
.Lfunc_end0:
.L_simem_size_0:
called_computation_lowered:
.L_overlay_start_0:
0x88: {  	s2 =	sld [smem:$0x3FD9]  }
0x89: {  	s3 =	sld [smem:$0x3FFE];
	_ =	sdelay $0x1  }
0x8a: {  	s1 =	srdreg.scid  }
0x8b: {  	s0 =	sand.u32 $0x1, s1  }
0x8c: {  	s17 =	sshll.u32 s0, $0xA;
	s2 =	sadd.s32 s3, s2  }
0x8d: {  	s2 =	sadd.s32 s2, s17  }
0x8e: {  	[smem:$0x3FC3] =	sst s2  }
0x8f: {  	_ = 	snop  }
0x90: {  	s2 =	sld [smem:$0x3FD0];
	(tm) =	ssettm $0x1  }
0x91: {  	s18 =	sld [smem:$0x3FFB];
	_ =	sdelay $0x3  }
0x92: {  	_ =	strace s18  }
0x93: {  	s3 =	sld [smem:$0x3FFC];
	_ =	sdelay $0x3  }
0x94: {  	_ =	strace s3  }
0x95: {  	s3 =	sld [smem:$0x3FFD];
	_ =	sdelay $0x3  }
0x96: {  	_ =	strace s3  }
0x97: {  	_ =	strace $0x8FFFFFFF  }
0x98: {  	s19 =	sld [smem:$0x3FDB];
	_ =	sdelay $0x1  }
0x99: {  	s4 =	simm.s32 $_scs_section_size  }
0x9a: {  	s5 =	simm.s32 $_size__tile_overlayer_lowered;
	s6 =	simm.s32 $_tile_overlayer_lowered  }
0x9b: {  	s22 =	simm.s32 $0x1BFF;
	s21 =	sshll.u32 s6, $0x1;
	s3 =	sadd.s32 s4, s19  }
0x9c: {  	s7 =	simm.s32 $0x0;
	s20 =	sshll.u32 s5, $0x1;
	s5 =	sadd.s32 s21, s3  }
0x9d: {  	[timem:s7], [sflag:s22] =	dma.local [hbm:s5], s20  }
0x9e: {  	_ =	swait.ge [sflag:s22], s20  }
0x9f: {  	s4 =	ssub.s32 $0x0, s20;
	[sflag:s22] =	ssyncset.done $0x0  }
0xa0: {  	[sflag:s22] =	ssyncadd.s32 s4;
	_ =	sdelay $0x1  }
0xa1: {  	s23 =	simm.s32 $0x1B8B  }
0xa2: {  	_ =	swait.ge [sflag:s23], $0x1  }
0xa3: {  	[sflag:s23] =	ssyncset.done $0x0  }
0xa4: {  	s25 =	simm.s32 $0x1B8E;
	s24 =	sld [smem:$0x3FFE];
	[sflag:s23] =	ssyncadd.s32 $0xFFFFFFFF  }
0xa5: {  	s26 =	simm.s32 $execute0_lowered;
	[smem:$0x3FD2] =	sst s25  }
0xa6: {  	s5 =	sshll.u32 s26, $0x1;
	_ =	strace $0x80000046;
	[dreg:$0x1] =	wrdreg $0xFFFFFFFF  }
0xa7: {  	s28 =	simm.s32 $_size_execute0_lowered;
	s3 =	sadd.s32 s3, s5;
	[dreg:$0x0] =	wrdreg $0x0  }
0xa8: {  	s5 =	sshll.u32 s28, $0x1;
	[dreg:$0x2] =	wrdreg s3  }
0xa9: {  	[dreg:$0x3] =	wrdreg s5  }
0xaa: {  	[dreg:$0x4] =	wrdreg $0xC0  }
0xab: {  	_ =	task [dreg:s7], $0x5FFFF  }
0xac: {  	[dreg:$0x1] =	wrdreg $0xFFFFFFFF  }
0xad: {  	[dreg:$0x0] =	wrdreg $0x60  }
0xae: {  	[dreg:$0x2] =	wrdreg s24  }
0xaf: {  	[dreg:$0x3] =	wrdreg s2  }
0xb0: {  	[dreg:$0x4] =	wrdreg $0x9  }
0xb1: {  	_ =	task.clear_ibuf [dreg:s7], $0x5FFFF;
	_ =	strace $0x90000046  }
0xb2: {  	s29 =	simm.s32 $0x9;
	_ =	strace $0x80000048  }
0xb3: {  	_ =	swait.ge [sflag:s29], $0x1  }
0xb4: {  	[sflag:s29] =	ssyncadd.s32 $0xFFFFFFFF  }
0xb5: {  	_ =	strace $0x90000048  }
0xb6: {  	_ =	sfence  }
0xb7: {  	s30 =	sld [smem:$0x0];
	_ =	sdelay $0x2  }
0xb8: {  	s31 =	sshll.u32 s1, $0xD;
	s1 =	sshrl.u32 s1, $0x2  }
0xb9: {  	s3 =	sand.u32 $0x4000, s31;
	s1 =	sadd.s32 s1, s30  }
0xba: {  	s0 =	sor.u32 s3, s0;
	s1 =	sshll.u32 s1, $0x11  }
0xbb: {  	s0 =	sor.u32 s1, s0  }
0xbc: {  	s0 =	sadd.s32 $0x8F2B, s0  }
0xbd: {  	[sflag:s0] =	ssyncadd.remote.s32 $0x1  }
0xbe: {  	_ =	sfence.sel $0xFFFF  }
0xbf: {  	[dreg:$0x0] =	wrdreg $0xFFFFFFFF;
	(pc) =	sbr.abs _section_cstart, $3  }
0xc0: {  	[dreg:$0x1] =	wrdreg $0xFFFFFFFF  }
0xc1: {  	_ =	task.clear_ibuf [dreg:s7], $0x2FFFF;
	_ =	strace $0x9FFFFFFF  }
0xc2: {  	(tm) =	ssettm $0x7FFFFFFF  }
0xc3: {  	_ =	shalt  }
tec
execute0_lowered:
.L_overlay_start_1:
0x0: {  	(tag) =	ssettag $0x1  }
0x1: {  	s0 =	rddreg [dreg:$0x0]  }
0x2: {  	s1 =	rddreg [dreg:$0x1];
	s2 =	simm.s32 $0x0  }
0x3: {  	s3 =	srdreg.scid;
	s8 =	stileid.u32;
	s16 =	simm.s32 $0x3  }
0x4: {  	s20 =	simm.s32 $0x1;
	s21 =	simm.s32 $0x14480;
	s22 =	simm.s32 $0x4  }
0x5: {  	s23 =	simm.s32 $0x2;
	s25 =	simm.s32 $0x0;
	[smem:$0x7FF] =	sst s2  }
0x6: {  	s3 =	sand.u32 $0x1, s3;
	s4 =	sadd.s32 $0x1A00, s0;
	s5 =	sadd.s32 $0x33A00, s0  }
0x7: {  	s6 =	sadd.s32 $0x34E00, s0;
	s9 =	sadd.s32 $0x5E200, s0;
	s7 =	sshll.u32 s3, $0x4  }
.Ltmp0:
0x8: {  	s3 =	ssub.s32 $0x2, s3;
	s7 =	sor.u32 s8, s7;
	(pc) =	sbr.rel .LBB2_1-.Ltmp0, $4  }
0x9: {  	_ =	strace $0x80000047;
	s11 =	sshrl.u32 s3, $0x1;
	s10 =	smul.u32 $0x1400, s7  }
0xa: {  	s8 =	sadd.s32 $0x33800, s0;
	s12 =	sshll.u32 s7, $0x4;
	s3 =	ssub.s32 s3, s11  }
0xb: {  	s11 =	sadd.s32 s1, s12;
	s14 =	smax.u32 s3, $0x1;
	s0 =	sadd.s32 s10, s0  }
0xc: {  	v0 =	vimm.f32 $0.0e+00;
	vm0 =	vmmov $0xf;
	s10 =	sadd.s32 s4, s12;
	s12 =	sor.u32 $0x40, s7;
	s13 =	sadd.s32 $0x36200, s0  }
.LBB2_13:
0xd: {  	s25 =	sadd.s32 $0x1, s25  }
0xe: {  	p0 =	sne.s32 s25, s14  }
.Ltmp1:
0xf: {  	s0 =	simm.s32 $0x14C80;
	(pc) =	sbr.rel @!p0 .LBB2_14-.Ltmp1, $4  }
0x10: {  	[hbm4b:s13+s2] =	stream.linear.scatter [tilespmem:s0], [sflag:$0x3], $0xA000, $0x38;
	[tilespmem:$0x1EC80] =	vst v63  }
0x11: {  	_ =	swait.ge [sflag:s16], $0xA000  }
0x12: {  	[sflag:s16] =	ssyncset.done $0x0  }
0x13: {  	[sflag:s16] =	ssyncadd.s32 $0xFFFF6000  }
.LBB2_1:
0x14: {  	s0 =	simm.s32 $0xA400  }
0x15: {  	[tilespmem:s0], [sflag:$0x3] =	stream.linear.gather [hbm4b:s5+s2], $0xA000, $0x38;
	[tilespmem:$0x1EC80] =	vst v63  }
0x16: {  	_ =	swait.ge [sflag:s16], $0xA000  }
0x17: {  	[sflag:s16] =	ssyncset.done $0x0  }
0x18: {  	[sflag:s16] =	ssyncadd.s32 $0xFFFF6000  }
0x19: {  	[tilespmem:s2], [sflag:$0x3] =	stream.linear.gather [hbm4b:s6+s2], $0xA000, $0x38;
	[tilespmem:$0x1EC80] =	vst v63  }
0x1a: {  	_ =	swait.ge [sflag:s16], $0xA000  }
0x1b: {  	[sflag:s16] =	ssyncset.done $0x0  }
0x1c: {  	s31 =	simm.s32 $0x14400;
	[sflag:s16] =	ssyncadd.s32 $0xFFFF6000  }
0x1d: {  	[tilespmem:s31], [sflag:$0x3] =	stream.linear.gather [hbm4b:s8+s2], $0x80, $0x38;
	[tilespmem:$0x1EC80] =	vst v63  }
0x1e: {  	_ =	swait.ge [sflag:s16], $0x80  }
0x1f: {  	[sflag:s16] =	ssyncset.done $0x0  }
0x20: {  	s3 =	simm.s32 $0x0;
	s0 =	simm.s32 $0x40;
	[sflag:s16] =	ssyncadd.s32 $0xFFFFFF80  }
.LBB2_2:
0x21: {  	p0 =	sne.s32 s0, $0x27FC0;
	[tilespmem:s3+$0x14C80] =	vst v0;
	s3 =	smov.u32 s0;
	s0 =	sadd.s32 $0x40, s0  }
.Ltmp2:
0x22: {  	(pc) =	sbr.rel @p0 .LBB2_2-.Ltmp2, $2  }
0x23: {  	_ =	sdelay $0x2  }
0x24: {  	s3 =	sshra.s32 s3, $0x2  }
.Ltmp3:
0x25: {  	(pc) =	sbr.rel .LBB2_4-.Ltmp3, $4  }
0x26: {  	[tilespmem:s3+$0x14C80] =	vst v0;
	s26 =	simm.s32 $0x0;
	s0 =	simm.s32 $0xA200  }
0x27: {  	v1 =	vld [tilespmem:$0x14400];
	[tilespmem:s0], [sflag:$0x1] =	stream.linear.gather [hbm4b:s10+s26], $0x80, $0x38  }
0x28: {  	s31 =	simm.s32 $0xA000  }
0x29: {  	[tilespmem:s31], [sflag:$0x1] =	stream.linear.gather [hbm4b:s11+s26], $0x80, $0x38;
	[tilespmem:$0x1EC80] =	vst v63  }
.LBB2_12:
0x2a: {  	s26 =	sadd.s32 $0x1, s26  }
0x2b: {  	p0 =	sne.s32 s26, $0x28  }
.Ltmp4:
0x2c: {  	_ = 	snop;
	(pc) =	sbr.rel @!p0 .LBB2_13-.Ltmp4, $1  }
0x2d: {  	_ =	sdelay $0x3  }
.LBB2_4:
0x2e: {  	s29 =	sshll.u32 s26, $0x6  }
0x2f: {  	s30 =	sor.u32 s29, s7  }
0x30: {  	s28 =	sor.u32 $0x20, s30  }
0x31: {  	p1 =	sgt.u32 s30, $0x9C3;
	p0 =	sgt.u32 s28, $0x9C3  }
.Ltmp5:
0x32: {  	s0 =	sshll.u32 @!p0 s28, $0x4;
	(pc) =	sbr.rel @p1 .LBB2_8-.Ltmp5, $4  }
0x33: {  	s15 =	simm.s32 @!p0 $0x0;
	s17 =	simm.s32 @!p0 $0xA300;
	s3 =	sadd.s32 @!p0 s4, s0  }
0x34: {  	[tilespmem:s17], [sflag:$0x2] =	stream.linear.gather @!p0 [hbm4b:s3+s15], $0x80, $0x38;
	[tilespmem:$0x1EC80] =	vst v63  }
0x35: {  	s0 =	sadd.s32 @!p0 s1, s0;
	s3 =	simm.s32 @!p0 $0xA100  }
0x36: {  	[tilespmem:s3], [sflag:$0x2] =	stream.linear.gather @!p0 [hbm4b:s0+s15], $0x80, $0x38;
	[tilespmem:$0x1EC80] =	vst v63  }
0x37: {  	_ =	swait.ge [sflag:s20], $0x80  }
0x38: {  	[sflag:s20] =	ssyncset.done $0x0  }
0x39: {  	[sflag:s20] =	ssyncadd.s32 $0xFFFFFF80  }
0x3a: {  	_ =	swait.ge [sflag:s20], $0x80  }
0x3b: {  	[sflag:s20] =	ssyncset.done $0x0  }
0x3c: {  	s31 =	simm.s32 $0xA202;
	[sflag:s20] =	ssyncadd.s32 $0xFFFFFF80  }
0x3d: {  	v2 =	vld [tilespmem:s31+$0xFFFFFFFE]  }
0x3e: {  	s15 =	simm.s32 $0xA002  }
0x3f: {  	v3 =	vld [tilespmem:s15+$0xFFFFFFFE];
	_ =	sdelay $0x2  }
0x40: {  	(v2sf) =	vpush v2, $0x0;
	_ =	sdelay $0x1  }
0x41: {  	(v2sf) =	vpush v3, $0x0;
	_ =	sdelay $0xc  }
0x42: {  	s0 =	spop (v2sf)  }
0x43: {  	s0 =	sshll.u32 s0, $0x4  }
0x44: {  	s3 =	spop (v2sf);
	s0 =	sshra.s32 s0, $0x2  }
0x45: {  	s3 =	sshll.u32 s3, $0x2;
	v2 =	vld [tilespmem:s0+$0xA400]  }
0x46: {  	v3 =	vld [tilespmem:s3+$0x0];
	_ =	sdelay $0x4  }
0x47: {  	v2 =	vadd.f32 v3, v2;
	v3 =	vadd.f32 v3, v1;
	_ =	sdelay $0x1  }
0x48: {  	v4 =	vmul.f32 $2.000000030e-01, v2;
	v5 =	vmul.f32 $2.000000030e-01, v3  }
0x49: {  	vm1 =	vgt.f32 v2, $0.0e+00;
	vm2 =	vgt.f32 v3, $0.0e+00  }
0x4a: {  	v2 =	vsel vm1, v2, v4;
	v3 =	vsel vm2, v3, v5  }
0x4b: {  	v2 =	vsub.f32 v2, v3;
	_ =	sdelay $0x1  }
0x4c: {  	v2 =	vmul.f32 $1.442695020e+00, v2;
	_ =	sdelay $0x1  }
0x4d: {  	(erf) = vpow2.f32 v2;
	_ =	sdelay $0x5  }
0x4e: {  	v2 =	vld [tilespmem:s3+$0x14C80];
	_ =	sdelay $0x2  }
0x4f: {  	v3 =	vpop (erf)  }
0x50: {  	s0 =	simm.s32 $0x0;
	v3 =	vnsel vm0, $0x0, v3  }
0x51: {  	s17 =	sand.u32 $0x780, s0;
	v2 =	vadd.f32 v3, v2  }
0x52: {  	s18 =	sand.u32 $0x40, s0;
	s17 =	sadd.s32 $0x14480, s17  }
0x53: {  	[tilespmem:s3+$0x14C80] =	vst v2;
	s3 =	sor.u32 s18, s17  }
0x54: {  	[tilespmem:s3+$0x0] =	vst v3  }
0x55: {  	v2 =	vld [tilespmem:s31+$0xFFFFFFFF];
	_ =	sdelay $0x1  }
0x56: {  	v3 =	vld [tilespmem:s15+$0xFFFFFFFF];
	_ =	sdelay $0x2  }
0x57: {  	(v2sf) =	vpush v2, $0x0;
	_ =	sdelay $0x1  }
0x58: {  	(v2sf) =	vpush v3, $0x0;
	_ =	sdelay $0xc  }
0x59: {  	s19 =	spop (v2sf)  }
0x5a: {  	s18 =	sshll.u32 s19, $0x4  }
0x5b: {  	s19 =	spop (v2sf);
	s18 =	sshra.s32 s18, $0x2  }
0x5c: {  	s19 =	sshll.u32 s19, $0x2;
	v2 =	vld [tilespmem:s18+$0xA400]  }
0x5d: {  	v3 =	vld [tilespmem:s19+$0x0];
	_ =	sdelay $0x4  }
0x5e: {  	v2 =	vadd.f32 v3, v2;
	v3 =	vadd.f32 v3, v1;
	_ =	sdelay $0x1  }
0x5f: {  	v4 =	vmul.f32 $2.000000030e-01, v2;
	v5 =	vmul.f32 $2.000000030e-01, v3  }
0x60: {  	vm1 =	vgt.f32 v2, $0.0e+00;
	vm2 =	vgt.f32 v3, $0.0e+00  }
0x61: {  	v2 =	vsel vm1, v2, v4;
	v3 =	vsel vm2, v3, v5  }
0x62: {  	v2 =	vsub.f32 v2, v3;
	_ =	sdelay $0x1  }
0x63: {  	v2 =	vmul.f32 $1.442695020e+00, v2;
	_ =	sdelay $0x1  }
0x64: {  	(erf) = vpow2.f32 v2;
	_ =	sdelay $0x5  }
0x65: {  	v2 =	vld [tilespmem:s19+$0x14C80];
	_ =	sdelay $0x2  }
0x66: {  	v3 =	vpop (erf)  }
0x67: {  	v3 =	vnsel vm0, $0x0, v3  }
0x68: {  	s24 =	simm.s32 $0x10;
	v2 =	vadd.f32 v3, v2  }
0x69: {  	s18 =	sand.u32 $0x50, s24  }
0x6a: {  	s18 =	sor.u32 s18, s17;
	[tilespmem:s19+$0x14C80] =	vst v2  }
0x6b: {  	[tilespmem:s18+$0x0] =	vst v3  }
0x6c: {  	v2 =	vld [tilespmem:s31+$0x0];
	_ =	sdelay $0x1  }
0x6d: {  	v3 =	vld [tilespmem:s15+$0x0];
	_ =	sdelay $0x2  }
0x6e: {  	(v2sf) =	vpush v2, $0x0;
	_ =	sdelay $0x1  }
0x6f: {  	(v2sf) =	vpush v3, $0x0;
	_ =	sdelay $0xc  }
0x70: {  	s19 =	spop (v2sf)  }
0x71: {  	s18 =	sshll.u32 s19, $0x4  }
0x72: {  	s24 =	spop (v2sf);
	s18 =	sshra.s32 s18, $0x2  }
0x73: {  	v2 =	vld [tilespmem:s18+$0xA400];
	s18 =	sshll.u32 s24, $0x2  }
0x74: {  	v3 =	vld [tilespmem:s18+$0x0];
	_ =	sdelay $0x4  }
0x75: {  	v2 =	vadd.f32 v3, v2;
	v3 =	vadd.f32 v3, v1;
	_ =	sdelay $0x1  }
0x76: {  	v4 =	vmul.f32 $2.000000030e-01, v2;
	v5 =	vmul.f32 $2.000000030e-01, v3  }
0x77: {  	vm1 =	vgt.f32 v2, $0.0e+00;
	vm2 =	vgt.f32 v3, $0.0e+00  }
0x78: {  	v2 =	vsel vm1, v2, v4;
	v3 =	vsel vm2, v3, v5  }
0x79: {  	v2 =	vsub.f32 v2, v3;
	_ =	sdelay $0x1  }
0x7a: {  	v2 =	vmul.f32 $1.442695020e+00, v2;
	_ =	sdelay $0x1  }
0x7b: {  	(erf) = vpow2.f32 v2;
	_ =	sdelay $0x5  }
0x7c: {  	v2 =	vld [tilespmem:s18+$0x14C80];
	_ =	sdelay $0x2  }
0x7d: {  	v3 =	vpop (erf)  }
0x7e: {  	v3 =	vnsel vm0, $0x0, v3  }
0x7f: {  	s24 =	simm.s32 $0x20;
	v2 =	vadd.f32 v3, v2  }
0x80: {  	s19 =	sand.u32 $0x60, s24  }
0x81: {  	s17 =	sor.u32 s19, s17;
	[tilespmem:s18+$0x14C80] =	vst v2  }
0x82: {  	[tilespmem:s17+$0x0] =	vst v3  }
0x83: {  	v2 =	vld [tilespmem:s31+$0x1];
	_ =	sdelay $0x1  }
0x84: {  	v3 =	vld [tilespmem:s15+$0x1];
	_ =	sdelay $0x2  }
0x85: {  	(v2sf) =	vpush v2, $0x0;
	_ =	sdelay $0x1  }
0x86: {  	(v2sf) =	vpush v3, $0x0;
	_ =	sdelay $0xc  }
0x87: {  	s19 =	spop (v2sf)  }
0x88: {  	s15 =	sshll.u32 s19, $0x4  }
0x89: {  	s24 =	spop (v2sf);
	s15 =	sshra.s32 s15, $0x2  }
0x8a: {  	s18 =	sshll.u32 s24, $0x2;
	v2 =	vld [tilespmem:s15+$0xA400]  }
0x8b: {  	v3 =	vld [tilespmem:s18+$0x0];
	_ =	sdelay $0x4  }
0x8c: {  	v2 =	vadd.f32 v3, v2;
	v3 =	vadd.f32 v3, v1;
	_ =	sdelay $0x1  }
0x8d: {  	v4 =	vmul.f32 $2.000000030e-01, v2;
	v5 =	vmul.f32 $2.000000030e-01, v3  }
0x8e: {  	vm1 =	vgt.f32 v2, $0.0e+00;
	vm2 =	vgt.f32 v3, $0.0e+00  }
0x8f: {  	v2 =	vsel vm1, v2, v4;
	v3 =	vsel vm2, v3, v5  }
0x90: {  	v2 =	vsub.f32 v2, v3;
	_ =	sdelay $0x1  }
0x91: {  	v2 =	vmul.f32 $1.442695020e+00, v2;
	_ =	sdelay $0x1  }
0x92: {  	(erf) = vpow2.f32 v2;
	_ =	sdelay $0x5  }
0x93: {  	v2 =	vld [tilespmem:s18+$0x14C80];
	_ =	sdelay $0x2  }
0x94: {  	s17 =	simm.s32 $0xA006;
	s15 =	simm.s32 $0x0;
	v3 =	vpop (erf)  }
.LBB2_6:
0x95: {  	s15 =	sadd.s32 $0x4, s15;
	v3 =	vnsel vm0, $0x0, v3;
	s0 =	sadd.s32 $0x40, s0;
	s31 =	sadd.s32 $0x4, s31  }
0x96: {  	p1 =	slt.u32 s15, $0x7C;
	v2 =	vadd.f32 v3, v2;
	_ =	sdelay $0x1  }
0x97: {  	[tilespmem:s18+$0x14C80] =	vst v2  }
0x98: {  	[tilespmem:s3+$0x30] =	vst v3  }
0x99: {  	v2 =	vld [tilespmem:s31+$0xFFFFFFFE]  }
0x9a: {  	v3 =	vld [tilespmem:s17+$0xFFFFFFFE];
	_ =	sdelay $0x3  }
0x9b: {  	(v2sf) =	vpush v2, $0x0  }
0x9c: {  	(v2sf) =	vpush v3, $0x0;
	_ =	sdelay $0xd  }
0x9d: {  	s3 =	spop (v2sf)  }
0x9e: {  	s3 =	sshll.u32 s3, $0x4;
	s18 =	spop (v2sf)  }
0x9f: {  	s3 =	sshra.s32 s3, $0x2;
	s19 =	sshll.u32 s18, $0x2  }
0xa0: {  	v2 =	vld [tilespmem:s3+$0xA400]  }
0xa1: {  	v3 =	vld [tilespmem:s19+$0x0];
	_ =	sdelay $0x4  }
0xa2: {  	v2 =	vadd.f32 v3, v2;
	v3 =	vadd.f32 v3, v1;
	_ =	sdelay $0x1  }
0xa3: {  	v4 =	vmul.f32 $2.000000030e-01, v2;
	v5 =	vmul.f32 $2.000000030e-01, v3  }
0xa4: {  	vm1 =	vgt.f32 v2, $0.0e+00;
	vm2 =	vgt.f32 v3, $0.0e+00  }
0xa5: {  	v2 =	vsel vm1, v2, v4;
	v3 =	vsel vm2, v3, v5  }
0xa6: {  	v2 =	vsub.f32 v2, v3;
	_ =	sdelay $0x1  }
0xa7: {  	v2 =	vmul.f32 $1.442695020e+00, v2;
	_ =	sdelay $0x1  }
0xa8: {  	(erf) = vpow2.f32 v2;
	_ =	sdelay $0x5  }
0xa9: {  	v2 =	vld [tilespmem:s19+$0x14C80];
	_ =	sdelay $0x2  }
0xaa: {  	v3 =	vpop (erf)  }
0xab: {  	v3 =	vnsel vm0, $0x0, v3  }
0xac: {  	s3 =	sand.u32 $0x780, s0;
	v2 =	vadd.f32 v3, v2  }
0xad: {  	s24 =	sand.u32 $0x40, s0;
	s18 =	sadd.s32 $0x14480, s3  }
0xae: {  	s3 =	sor.u32 s24, s18;
	[tilespmem:s19+$0x14C80] =	vst v2  }
0xaf: {  	[tilespmem:s3+$0x0] =	vst v3  }
0xb0: {  	v2 =	vld [tilespmem:s31+$0xFFFFFFFF]  }
0xb1: {  	v3 =	vld [tilespmem:s17+$0xFFFFFFFF];
	_ =	sdelay $0x3  }
0xb2: {  	(v2sf) =	vpush v2, $0x0  }
0xb3: {  	(v2sf) =	vpush v3, $0x0;
	_ =	sdelay $0xd  }
0xb4: {  	s19 =	spop (v2sf)  }
0xb5: {  	s19 =	sshll.u32 s19, $0x4;
	s24 =	spop (v2sf)  }
0xb6: {  	s19 =	sshra.s32 s19, $0x2;
	s24 =	sshll.u32 s24, $0x2  }
0xb7: {  	v2 =	vld [tilespmem:s19+$0xA400]  }
0xb8: {  	v3 =	vld [tilespmem:s24+$0x0];
	_ =	sdelay $0x4  }
0xb9: {  	v2 =	vadd.f32 v3, v2;
	v3 =	vadd.f32 v3, v1;
	_ =	sdelay $0x1  }
0xba: {  	v4 =	vmul.f32 $2.000000030e-01, v2;
	v5 =	vmul.f32 $2.000000030e-01, v3  }
0xbb: {  	vm1 =	vgt.f32 v2, $0.0e+00;
	vm2 =	vgt.f32 v3, $0.0e+00  }
0xbc: {  	v2 =	vsel vm1, v2, v4;
	v3 =	vsel vm2, v3, v5  }
0xbd: {  	v2 =	vsub.f32 v2, v3;
	_ =	sdelay $0x1  }
0xbe: {  	v2 =	vmul.f32 $1.442695020e+00, v2;
	_ =	sdelay $0x1  }
0xbf: {  	(erf) = vpow2.f32 v2;
	_ =	sdelay $0x5  }
0xc0: {  	v2 =	vld [tilespmem:s24+$0x14C80];
	_ =	sdelay $0x2  }
0xc1: {  	v3 =	vpop (erf)  }
0xc2: {  	v3 =	vnsel vm0, $0x0, v3  }
0xc3: {  	s19 =	sadd.s32 $0x10, s0;
	v2 =	vadd.f32 v3, v2  }
0xc4: {  	s19 =	sand.u32 $0x50, s19  }
0xc5: {  	s19 =	sor.u32 s19, s18;
	[tilespmem:s24+$0x14C80] =	vst v2  }
0xc6: {  	[tilespmem:s19+$0x0] =	vst v3  }
0xc7: {  	v2 =	vld [tilespmem:s31+$0x0]  }
0xc8: {  	v3 =	vld [tilespmem:s17+$0x0];
	_ =	sdelay $0x3  }
0xc9: {  	(v2sf) =	vpush v2, $0x0  }
0xca: {  	(v2sf) =	vpush v3, $0x0;
	_ =	sdelay $0xd  }
0xcb: {  	s19 =	spop (v2sf)  }
0xcc: {  	s19 =	sshll.u32 s19, $0x4;
	s24 =	spop (v2sf)  }
0xcd: {  	s19 =	sshra.s32 s19, $0x2  }
0xce: {  	v2 =	vld [tilespmem:s19+$0xA400];
	s19 =	sshll.u32 s24, $0x2  }
0xcf: {  	v3 =	vld [tilespmem:s19+$0x0];
	_ =	sdelay $0x4  }
0xd0: {  	v2 =	vadd.f32 v3, v2;
	v3 =	vadd.f32 v3, v1;
	_ =	sdelay $0x1  }
0xd1: {  	v4 =	vmul.f32 $2.000000030e-01, v2;
	v5 =	vmul.f32 $2.000000030e-01, v3  }
0xd2: {  	vm1 =	vgt.f32 v2, $0.0e+00;
	vm2 =	vgt.f32 v3, $0.0e+00  }
0xd3: {  	v2 =	vsel vm1, v2, v4;
	v3 =	vsel vm2, v3, v5  }
0xd4: {  	v2 =	vsub.f32 v2, v3;
	_ =	sdelay $0x1  }
0xd5: {  	v2 =	vmul.f32 $1.442695020e+00, v2;
	_ =	sdelay $0x1  }
0xd6: {  	(erf) = vpow2.f32 v2;
	_ =	sdelay $0x5  }
0xd7: {  	v2 =	vld [tilespmem:s19+$0x14C80];
	_ =	sdelay $0x2  }
0xd8: {  	v3 =	vpop (erf)  }
0xd9: {  	v3 =	vnsel vm0, $0x0, v3  }
0xda: {  	s24 =	sadd.s32 $0x20, s0;
	v2 =	vadd.f32 v3, v2  }
0xdb: {  	s24 =	sand.u32 $0x60, s24  }
0xdc: {  	s18 =	sor.u32 s24, s18;
	[tilespmem:s19+$0x14C80] =	vst v2  }
0xdd: {  	[tilespmem:s18+$0x0] =	vst v3  }
0xde: {  	v2 =	vld [tilespmem:s31+$0x1]  }
0xdf: {  	v3 =	vld [tilespmem:s17+$0x1];
	_ =	sdelay $0x3  }
0xe0: {  	(v2sf) =	vpush v2, $0x0  }
0xe1: {  	(v2sf) =	vpush v3, $0x0;
	_ =	sdelay $0xd  }
0xe2: {  	s18 =	spop (v2sf)  }
0xe3: {  	s18 =	sshll.u32 s18, $0x4;
	s19 =	spop (v2sf)  }
0xe4: {  	s24 =	sshra.s32 s18, $0x2;
	s18 =	sshll.u32 s19, $0x2  }
0xe5: {  	v3 =	vld [tilespmem:s24+$0xA400]  }
0xe6: {  	v4 =	vld [tilespmem:s18+$0x0]  }
0xe7: {  	v2 =	vld [tilespmem:s18+$0x14C80];
	_ =	sdelay $0x3  }
0xe8: {  	v3 =	vadd.f32 v4, v3;
	v4 =	vadd.f32 v4, v1;
	_ =	sdelay $0x1  }
0xe9: {  	vm1 =	vgt.f32 v3, $0.0e+00;
	v5 =	vmul.f32 $2.000000030e-01, v3;
	v6 =	vmul.f32 $2.000000030e-01, v4  }
0xea: {  	vm2 =	vgt.f32 v4, $0.0e+00  }
0xeb: {  	v3 =	vsel vm1, v3, v5;
	v4 =	vsel vm2, v4, v6  }
0xec: {  	v3 =	vsub.f32 v3, v4;
	_ =	sdelay $0x1  }
0xed: {  	v3 =	vmul.f32 $1.442695020e+00, v3;
	_ =	sdelay $0x1  }
0xee: {  	(erf) = vpow2.f32 v3;
	_ =	sdelay $0x4  }
.Ltmp6:
0xef: {  	(pc) =	sbr.rel @p1 .LBB2_6-.Ltmp6, $2  }
0xf0: {  	_ =	sdelay $0x2  }
0xf1: {  	s17 =	sadd.s32 $0x4, s17;
	v3 =	vpop (erf)  }
0xf2: {  	v3 =	vnsel vm0, $0x0, v3  }
0xf3: {  	v2 =	vadd.f32 v3, v2;
	_ =	sdelay $0x1  }
0xf4: {  	s0 =	sshll.u32 s30, $0x8;
	[tilespmem:s18+$0x14C80] =	vst v2  }
0xf5: {  	s0 =	sadd.s32 s9, s0;
	[tilespmem:s3+$0x30] =	vst v3  }
0xf6: {  	[hbm4b:s0+s2] =	stream.linear.scatter [tilespmem:s21], [sflag:$0x4], $0x800, $0x38;
	[tilespmem:$0x1EC80] =	vst v63  }
0xf7: {  	_ =	swait.ge [sflag:s22], $0x800  }
0xf8: {  	[sflag:s22] =	ssyncset.done $0x0  }
0xf9: {  	[sflag:s22] =	ssyncadd.s32 $0xFFFFF800  }
.LBB2_8:
0xfa: {  	s0 =	sadd.s32 s12, s29  }
0xfb: {  	p1 =	sgt.u32 s0, $0x9C3  }
.Ltmp7:
0xfc: {  	s0 =	sshll.u32 @!p1 s0, $0x4;
	(pc) =	sbr.rel @p0 .LBB2_12-.Ltmp7, $4  }
0xfd: {  	s15 =	simm.s32 @!p1 $0x0;
	s17 =	simm.s32 @!p1 $0xA200;
	s3 =	sadd.s32 @!p1 s4, s0  }
0xfe: {  	[tilespmem:s17], [sflag:$0x1] =	stream.linear.gather @!p1 [hbm4b:s3+s15], $0x80, $0x38;
	[tilespmem:$0x1EC80] =	vst v63  }
0xff: {  	s0 =	sadd.s32 @!p1 s1, s0;
	s3 =	simm.s32 @!p1 $0xA000  }
0x100: {  	[tilespmem:s3], [sflag:$0x1] =	stream.linear.gather @!p1 [hbm4b:s0+s15], $0x80, $0x38;
	[tilespmem:$0x1EC80] =	vst v63  }
0x101: {  	_ =	swait.ge [sflag:s23], $0x80  }
0x102: {  	[sflag:s23] =	ssyncset.done $0x0  }
0x103: {  	[sflag:s23] =	ssyncadd.s32 $0xFFFFFF80  }
0x104: {  	_ =	swait.ge [sflag:s23], $0x80  }
0x105: {  	[sflag:s23] =	ssyncset.done $0x0  }
0x106: {  	s29 =	simm.s32 $0xA302;
	[sflag:s23] =	ssyncadd.s32 $0xFFFFFF80  }
0x107: {  	v2 =	vld [tilespmem:s29+$0xFFFFFFFE]  }
0x108: {  	s15 =	simm.s32 $0xA102  }
0x109: {  	v3 =	vld [tilespmem:s15+$0xFFFFFFFE];
	_ =	sdelay $0x2  }
0x10a: {  	(v2sf) =	vpush v2, $0x0;
	_ =	sdelay $0x1  }
0x10b: {  	(v2sf) =	vpush v3, $0x0;
	_ =	sdelay $0xc  }
0x10c: {  	s0 =	spop (v2sf)  }
0x10d: {  	s0 =	sshll.u32 s0, $0x4  }
0x10e: {  	s3 =	spop (v2sf);
	s0 =	sshra.s32 s0, $0x2  }
0x10f: {  	s3 =	sshll.u32 s3, $0x2;
	v2 =	vld [tilespmem:s0+$0xA400]  }
0x110: {  	v3 =	vld [tilespmem:s3+$0x0];
	_ =	sdelay $0x4  }
0x111: {  	v2 =	vadd.f32 v3, v2;
	v3 =	vadd.f32 v3, v1;
	_ =	sdelay $0x1  }
0x112: {  	v4 =	vmul.f32 $2.000000030e-01, v2;
	v5 =	vmul.f32 $2.000000030e-01, v3  }
0x113: {  	vm1 =	vgt.f32 v2, $0.0e+00;
	vm2 =	vgt.f32 v3, $0.0e+00  }
0x114: {  	v2 =	vsel vm1, v2, v4;
	v3 =	vsel vm2, v3, v5  }
0x115: {  	v2 =	vsub.f32 v2, v3;
	_ =	sdelay $0x1  }
0x116: {  	v2 =	vmul.f32 $1.442695020e+00, v2;
	_ =	sdelay $0x1  }
0x117: {  	(erf) = vpow2.f32 v2;
	_ =	sdelay $0x5  }
0x118: {  	v2 =	vld [tilespmem:s3+$0x14C80];
	_ =	sdelay $0x2  }
0x119: {  	v3 =	vpop (erf)  }
0x11a: {  	s0 =	simm.s32 $0x0;
	v3 =	vnsel vm0, $0x0, v3  }
0x11b: {  	s17 =	sand.u32 $0x780, s0;
	v2 =	vadd.f32 v3, v2  }
0x11c: {  	s18 =	sand.u32 $0x40, s0;
	s17 =	sadd.s32 $0x14480, s17  }
0x11d: {  	[tilespmem:s3+$0x14C80] =	vst v2;
	s3 =	sor.u32 s18, s17  }
0x11e: {  	[tilespmem:s3+$0x0] =	vst v3  }
0x11f: {  	v2 =	vld [tilespmem:s29+$0xFFFFFFFF];
	_ =	sdelay $0x1  }
0x120: {  	v3 =	vld [tilespmem:s15+$0xFFFFFFFF];
	_ =	sdelay $0x2  }
0x121: {  	(v2sf) =	vpush v2, $0x0;
	_ =	sdelay $0x1  }
0x122: {  	(v2sf) =	vpush v3, $0x0;
	_ =	sdelay $0xc  }
0x123: {  	s30 =	spop (v2sf)  }
0x124: {  	s18 =	sshll.u32 s30, $0x4  }
0x125: {  	s19 =	spop (v2sf);
	s18 =	sshra.s32 s18, $0x2  }
0x126: {  	s19 =	sshll.u32 s19, $0x2;
	v2 =	vld [tilespmem:s18+$0xA400]  }
0x127: {  	v3 =	vld [tilespmem:s19+$0x0];
	_ =	sdelay $0x4  }
0x128: {  	v2 =	vadd.f32 v3, v2;
	v3 =	vadd.f32 v3, v1;
	_ =	sdelay $0x1  }
0x129: {  	v4 =	vmul.f32 $2.000000030e-01, v2;
	v5 =	vmul.f32 $2.000000030e-01, v3  }
0x12a: {  	vm1 =	vgt.f32 v2, $0.0e+00;
	vm2 =	vgt.f32 v3, $0.0e+00  }
0x12b: {  	v2 =	vsel vm1, v2, v4;
	v3 =	vsel vm2, v3, v5  }
0x12c: {  	v2 =	vsub.f32 v2, v3;
	_ =	sdelay $0x1  }
0x12d: {  	v2 =	vmul.f32 $1.442695020e+00, v2;
	_ =	sdelay $0x1  }
0x12e: {  	(erf) = vpow2.f32 v2;
	_ =	sdelay $0x5  }
0x12f: {  	v2 =	vld [tilespmem:s19+$0x14C80];
	_ =	sdelay $0x2  }
0x130: {  	v3 =	vpop (erf)  }
0x131: {  	v3 =	vnsel vm0, $0x0, v3  }
0x132: {  	s31 =	simm.s32 $0x10;
	v2 =	vadd.f32 v3, v2  }
0x133: {  	s18 =	sand.u32 $0x50, s31  }
0x134: {  	s18 =	sor.u32 s18, s17;
	[tilespmem:s19+$0x14C80] =	vst v2  }
0x135: {  	[tilespmem:s18+$0x0] =	vst v3  }
0x136: {  	v2 =	vld [tilespmem:s29+$0x0];
	_ =	sdelay $0x1  }
0x137: {  	v3 =	vld [tilespmem:s15+$0x0];
	_ =	sdelay $0x2  }
0x138: {  	(v2sf) =	vpush v2, $0x0;
	_ =	sdelay $0x1  }
0x139: {  	(v2sf) =	vpush v3, $0x0;
	_ =	sdelay $0xc  }
0x13a: {  	s24 =	spop (v2sf)  }
0x13b: {  	s18 =	sshll.u32 s24, $0x4  }
0x13c: {  	s30 =	spop (v2sf);
	s18 =	sshra.s32 s18, $0x2  }
0x13d: {  	s31 =	sshll.u32 s30, $0x2;
	v2 =	vld [tilespmem:s18+$0xA400]  }
0x13e: {  	v3 =	vld [tilespmem:s31+$0x0];
	_ =	sdelay $0x4  }
0x13f: {  	v2 =	vadd.f32 v3, v2;
	v3 =	vadd.f32 v3, v1;
	_ =	sdelay $0x1  }
0x140: {  	v4 =	vmul.f32 $2.000000030e-01, v2;
	v5 =	vmul.f32 $2.000000030e-01, v3  }
0x141: {  	vm1 =	vgt.f32 v2, $0.0e+00;
	vm2 =	vgt.f32 v3, $0.0e+00  }
0x142: {  	v2 =	vsel vm1, v2, v4;
	v3 =	vsel vm2, v3, v5  }
0x143: {  	v2 =	vsub.f32 v2, v3;
	_ =	sdelay $0x1  }
0x144: {  	v2 =	vmul.f32 $1.442695020e+00, v2;
	_ =	sdelay $0x1  }
0x145: {  	(erf) = vpow2.f32 v2;
	_ =	sdelay $0x5  }
0x146: {  	v2 =	vld [tilespmem:s31+$0x14C80];
	_ =	sdelay $0x2  }
0x147: {  	v3 =	vpop (erf)  }
0x148: {  	v3 =	vnsel vm0, $0x0, v3  }
0x149: {  	s24 =	simm.s32 $0x20;
	v2 =	vadd.f32 v3, v2  }
0x14a: {  	s19 =	sand.u32 $0x60, s24  }
0x14b: {  	s17 =	sor.u32 s19, s17;
	[tilespmem:s31+$0x14C80] =	vst v2  }
0x14c: {  	[tilespmem:s17+$0x0] =	vst v3  }
0x14d: {  	v2 =	vld [tilespmem:s29+$0x1];
	_ =	sdelay $0x1  }
0x14e: {  	v3 =	vld [tilespmem:s15+$0x1];
	_ =	sdelay $0x2  }
0x14f: {  	(v2sf) =	vpush v2, $0x0;
	_ =	sdelay $0x1  }
0x150: {  	(v2sf) =	vpush v3, $0x0;
	_ =	sdelay $0xc  }
0x151: {  	s30 =	spop (v2sf)  }
0x152: {  	s15 =	sshll.u32 s30, $0x4  }
0x153: {  	s31 =	spop (v2sf);
	s15 =	sshra.s32 s15, $0x2  }
0x154: {  	s18 =	sshll.u32 s31, $0x2;
	v2 =	vld [tilespmem:s15+$0xA400]  }
0x155: {  	v3 =	vld [tilespmem:s18+$0x0];
	_ =	sdelay $0x4  }
0x156: {  	v2 =	vadd.f32 v3, v2;
	v3 =	vadd.f32 v3, v1;
	_ =	sdelay $0x1  }
0x157: {  	v4 =	vmul.f32 $2.000000030e-01, v2;
	v5 =	vmul.f32 $2.000000030e-01, v3  }
0x158: {  	vm1 =	vgt.f32 v2, $0.0e+00;
	vm2 =	vgt.f32 v3, $0.0e+00  }
0x159: {  	v2 =	vsel vm1, v2, v4;
	v3 =	vsel vm2, v3, v5  }
0x15a: {  	v2 =	vsub.f32 v2, v3;
	_ =	sdelay $0x1  }
0x15b: {  	v2 =	vmul.f32 $1.442695020e+00, v2;
	_ =	sdelay $0x1  }
0x15c: {  	(erf) = vpow2.f32 v2;
	_ =	sdelay $0x5  }
0x15d: {  	v2 =	vld [tilespmem:s18+$0x14C80];
	_ =	sdelay $0x2  }
0x15e: {  	s17 =	simm.s32 $0xA106;
	s15 =	simm.s32 $0x0;
	v3 =	vpop (erf)  }
.LBB2_10:
0x15f: {  	s15 =	sadd.s32 $0x4, s15;
	v3 =	vnsel vm0, $0x0, v3;
	s0 =	sadd.s32 $0x40, s0;
	s29 =	sadd.s32 $0x4, s29  }
0x160: {  	p0 =	slt.u32 s15, $0x7C;
	v2 =	vadd.f32 v3, v2;
	_ =	sdelay $0x1  }
0x161: {  	[tilespmem:s18+$0x14C80] =	vst v2  }
0x162: {  	[tilespmem:s3+$0x30] =	vst v3  }
0x163: {  	v2 =	vld [tilespmem:s29+$0xFFFFFFFE]  }
0x164: {  	v3 =	vld [tilespmem:s17+$0xFFFFFFFE];
	_ =	sdelay $0x3  }
0x165: {  	(v2sf) =	vpush v2, $0x0  }
0x166: {  	(v2sf) =	vpush v3, $0x0;
	_ =	sdelay $0xd  }
0x167: {  	s3 =	spop (v2sf)  }
0x168: {  	s3 =	sshll.u32 s3, $0x4;
	s18 =	spop (v2sf)  }
0x169: {  	s3 =	sshra.s32 s3, $0x2;
	s19 =	sshll.u32 s18, $0x2  }
0x16a: {  	v2 =	vld [tilespmem:s3+$0xA400]  }
0x16b: {  	v3 =	vld [tilespmem:s19+$0x0];
	_ =	sdelay $0x4  }
0x16c: {  	v2 =	vadd.f32 v3, v2;
	v3 =	vadd.f32 v3, v1;
	_ =	sdelay $0x1  }
0x16d: {  	v4 =	vmul.f32 $2.000000030e-01, v2;
	v5 =	vmul.f32 $2.000000030e-01, v3  }
0x16e: {  	vm1 =	vgt.f32 v2, $0.0e+00;
	vm2 =	vgt.f32 v3, $0.0e+00  }
0x16f: {  	v2 =	vsel vm1, v2, v4;
	v3 =	vsel vm2, v3, v5  }
0x170: {  	v2 =	vsub.f32 v2, v3;
	_ =	sdelay $0x1  }
0x171: {  	v2 =	vmul.f32 $1.442695020e+00, v2;
	_ =	sdelay $0x1  }
0x172: {  	(erf) = vpow2.f32 v2;
	_ =	sdelay $0x5  }
0x173: {  	v2 =	vld [tilespmem:s19+$0x14C80];
	_ =	sdelay $0x2  }
0x174: {  	v3 =	vpop (erf)  }
0x175: {  	v3 =	vnsel vm0, $0x0, v3  }
0x176: {  	s3 =	sand.u32 $0x780, s0;
	v2 =	vadd.f32 v3, v2  }
0x177: {  	s24 =	sand.u32 $0x40, s0;
	s18 =	sadd.s32 $0x14480, s3  }
0x178: {  	s3 =	sor.u32 s24, s18;
	[tilespmem:s19+$0x14C80] =	vst v2  }
0x179: {  	[tilespmem:s3+$0x0] =	vst v3  }
0x17a: {  	v2 =	vld [tilespmem:s29+$0xFFFFFFFF]  }
0x17b: {  	v3 =	vld [tilespmem:s17+$0xFFFFFFFF];
	_ =	sdelay $0x3  }
0x17c: {  	(v2sf) =	vpush v2, $0x0  }
0x17d: {  	(v2sf) =	vpush v3, $0x0;
	_ =	sdelay $0xd  }
0x17e: {  	s19 =	spop (v2sf)  }
0x17f: {  	s19 =	sshll.u32 s19, $0x4;
	s24 =	spop (v2sf)  }
0x180: {  	s19 =	sshra.s32 s19, $0x2;
	s24 =	sshll.u32 s24, $0x2  }
0x181: {  	v2 =	vld [tilespmem:s19+$0xA400]  }
0x182: {  	v3 =	vld [tilespmem:s24+$0x0];
	_ =	sdelay $0x4  }
0x183: {  	v2 =	vadd.f32 v3, v2;
	v3 =	vadd.f32 v3, v1;
	_ =	sdelay $0x1  }
0x184: {  	v4 =	vmul.f32 $2.000000030e-01, v2;
	v5 =	vmul.f32 $2.000000030e-01, v3  }
0x185: {  	vm1 =	vgt.f32 v2, $0.0e+00;
	vm2 =	vgt.f32 v3, $0.0e+00  }
0x186: {  	v2 =	vsel vm1, v2, v4;
	v3 =	vsel vm2, v3, v5  }
0x187: {  	v2 =	vsub.f32 v2, v3;
	_ =	sdelay $0x1  }
0x188: {  	v2 =	vmul.f32 $1.442695020e+00, v2;
	_ =	sdelay $0x1  }
0x189: {  	(erf) = vpow2.f32 v2;
	_ =	sdelay $0x5  }
0x18a: {  	v2 =	vld [tilespmem:s24+$0x14C80];
	_ =	sdelay $0x2  }
0x18b: {  	v3 =	vpop (erf)  }
0x18c: {  	v3 =	vnsel vm0, $0x0, v3  }
0x18d: {  	s19 =	sadd.s32 $0x10, s0;
	v2 =	vadd.f32 v3, v2  }
0x18e: {  	s19 =	sand.u32 $0x50, s19  }
0x18f: {  	s19 =	sor.u32 s19, s18;
	[tilespmem:s24+$0x14C80] =	vst v2  }
0x190: {  	[tilespmem:s19+$0x0] =	vst v3  }
0x191: {  	v2 =	vld [tilespmem:s29+$0x0]  }
0x192: {  	v3 =	vld [tilespmem:s17+$0x0];
	_ =	sdelay $0x3  }
0x193: {  	(v2sf) =	vpush v2, $0x0  }
0x194: {  	(v2sf) =	vpush v3, $0x0;
	_ =	sdelay $0xd  }
0x195: {  	s19 =	spop (v2sf)  }
0x196: {  	s19 =	sshll.u32 s19, $0x4;
	s24 =	spop (v2sf)  }
0x197: {  	s19 =	sshra.s32 s19, $0x2  }
0x198: {  	v2 =	vld [tilespmem:s19+$0xA400];
	s19 =	sshll.u32 s24, $0x2  }
0x199: {  	v3 =	vld [tilespmem:s19+$0x0];
	_ =	sdelay $0x4  }
0x19a: {  	v2 =	vadd.f32 v3, v2;
	v3 =	vadd.f32 v3, v1;
	_ =	sdelay $0x1  }
0x19b: {  	v4 =	vmul.f32 $2.000000030e-01, v2;
	v5 =	vmul.f32 $2.000000030e-01, v3  }
0x19c: {  	vm1 =	vgt.f32 v2, $0.0e+00;
	vm2 =	vgt.f32 v3, $0.0e+00  }
0x19d: {  	v2 =	vsel vm1, v2, v4;
	v3 =	vsel vm2, v3, v5  }
0x19e: {  	v2 =	vsub.f32 v2, v3;
	_ =	sdelay $0x1  }
0x19f: {  	v2 =	vmul.f32 $1.442695020e+00, v2;
	_ =	sdelay $0x1  }
0x1a0: {  	(erf) = vpow2.f32 v2;
	_ =	sdelay $0x5  }
0x1a1: {  	v2 =	vld [tilespmem:s19+$0x14C80];
	_ =	sdelay $0x2  }
0x1a2: {  	v3 =	vpop (erf)  }
0x1a3: {  	v3 =	vnsel vm0, $0x0, v3  }
0x1a4: {  	s24 =	sadd.s32 $0x20, s0;
	v2 =	vadd.f32 v3, v2  }
0x1a5: {  	s24 =	sand.u32 $0x60, s24  }
0x1a6: {  	s18 =	sor.u32 s24, s18;
	[tilespmem:s19+$0x14C80] =	vst v2  }
0x1a7: {  	[tilespmem:s18+$0x0] =	vst v3  }
0x1a8: {  	v2 =	vld [tilespmem:s29+$0x1]  }
0x1a9: {  	v3 =	vld [tilespmem:s17+$0x1];
	_ =	sdelay $0x3  }
0x1aa: {  	(v2sf) =	vpush v2, $0x0  }
0x1ab: {  	(v2sf) =	vpush v3, $0x0;
	_ =	sdelay $0xd  }
0x1ac: {  	s18 =	spop (v2sf)  }
0x1ad: {  	s18 =	sshll.u32 s18, $0x4;
	s19 =	spop (v2sf)  }
0x1ae: {  	s24 =	sshra.s32 s18, $0x2;
	s18 =	sshll.u32 s19, $0x2  }
0x1af: {  	v3 =	vld [tilespmem:s24+$0xA400]  }
0x1b0: {  	v4 =	vld [tilespmem:s18+$0x0]  }
0x1b1: {  	v2 =	vld [tilespmem:s18+$0x14C80];
	_ =	sdelay $0x3  }
0x1b2: {  	v3 =	vadd.f32 v4, v3;
	v4 =	vadd.f32 v4, v1;
	_ =	sdelay $0x1  }
0x1b3: {  	vm1 =	vgt.f32 v3, $0.0e+00;
	v5 =	vmul.f32 $2.000000030e-01, v3;
	v6 =	vmul.f32 $2.000000030e-01, v4  }
0x1b4: {  	vm2 =	vgt.f32 v4, $0.0e+00  }
0x1b5: {  	v3 =	vsel vm1, v3, v5;
	v4 =	vsel vm2, v4, v6  }
0x1b6: {  	v3 =	vsub.f32 v3, v4;
	_ =	sdelay $0x1  }
0x1b7: {  	v3 =	vmul.f32 $1.442695020e+00, v3;
	_ =	sdelay $0x1  }
0x1b8: {  	(erf) = vpow2.f32 v3;
	_ =	sdelay $0x4  }
.Ltmp8:
0x1b9: {  	(pc) =	sbr.rel @p0 .LBB2_10-.Ltmp8, $2  }
0x1ba: {  	_ =	sdelay $0x2  }
0x1bb: {  	s17 =	sadd.s32 $0x4, s17;
	v3 =	vpop (erf)  }
0x1bc: {  	v3 =	vnsel vm0, $0x0, v3  }
0x1bd: {  	v2 =	vadd.f32 v3, v2;
	_ =	sdelay $0x1  }
0x1be: {  	s0 =	sshll.u32 s28, $0x8;
	[tilespmem:s18+$0x14C80] =	vst v2  }
.Ltmp9:
0x1bf: {  	s0 =	sadd.s32 s9, s0;
	[tilespmem:s3+$0x30] =	vst v3;
	(pc) =	sbr.rel .LBB2_12-.Ltmp9, $4  }
0x1c0: {  	[hbm4b:s0+s2] =	stream.linear.scatter [tilespmem:s21], [sflag:$0x3], $0x800, $0x38;
	[tilespmem:$0x1EC80] =	vst v63  }
0x1c1: {  	_ =	swait.ge [sflag:s16], $0x800  }
0x1c2: {  	[sflag:s16] =	ssyncset.done $0x0  }
0x1c3: {  	[sflag:s16] =	ssyncadd.s32 $0xFFFFF800  }
.LBB2_14:
0x1c4: {  	_ =	sfence.sel $0x180000  }
0x1c5: {  	[bflag:$0x0] =	sbarrier.arrive $0xFFFF  }
0x1c6: {  	_ =	strace $0x90000047  }
0x1c7: {  	s0 =	stileid.u32;
	[bflag:$0x2] =	sbarrier.arrive $0xFFFF  }
0x1c8: {  	p0 =	sne.s32 s0, $0x0;
	s0 =	rddreg [dreg:$0x2]  }
0x1c9: {  	s0 =	sadd.s32 @!p0 $0x100000, s0  }
0x1ca: {  	[sflag:s0] =	ssyncadd.tile.s32 @!p0 $0x1;
	_ =	shalt  }
.Lfunc_end2:
_tile_overlayer_lowered:
.L_overlay_start_2:
0x1cb: {  	(tag) =	ssettag $0x2  }
0x1cc: {  	s0 =	rddreg [dreg:$0x0];
	s2 =	stileid.u32  }
0x1cd: {  	s1 =	rddreg [dreg:$0x1];
	p0 =	sne.s32 s2, $0x0  }
0x1ce: {  	s3 =	rddreg [dreg:$0x2];
	[bflag:$0x3] =	sbarrier.arrive $0xFFFF;
	s2 =	simm.s32 @!p0 $0x1C03  }
0x1cf: {  	[timem:s3], [sflag:s2] =	dma.local @!p0 [hbm:s0], s1  }
0x1d0: {  	s0 =	simm.s32 @!p0 $0x3  }
0x1d1: {  	_ =	swait.ge @!p0 [sflag:s0], s1  }
0x1d2: {  	s1 =	ssub.s32 @!p0 $0x0, s1;
	[sflag:s0] =	ssyncset.done @!p0 $0x0  }
0x1d3: {  	[sflag:s0] =	ssyncadd.s32 @!p0 s1  }
0x1d4: {  	[bflag:$0x3] =	sbarrier.arrive $0xFFFF  }
0x1d5: {  	_ =	shalt  }

</sc_bundles>
